<compile_context>
chip_gen: v7x
topology: tpu7x:2x2x1
jax: 0.10.2.dev20260603
libtpu: 0.0.44.dev20260713+nightly
codegen_flags: <defaults>
</compile_context>

<pallas_src>
import jax
import jax.numpy as jnp
from jax import lax
from jax.experimental import pallas as pl
from jax.experimental.pallas import tpu as pltpu
from jax.experimental.pallas import tpu_sc as plsc

N_ATOMS = 100000
N_EDGES = 6400000
C = 8
CP = 16
NC = 2
NS = 16
NW = NC * NS
EB = 400
NB = 504
EPT = NB * EB
E_PAD = EPT * NW
N_PAD = 100096
RPT = N_PAD // NS
NSETS = 4


def _sc_body(charges, ai, aj, recip, out,
             ed0, ed1, ed2, ed3, dd0, dd1, dd2, dd3, r0, r1, r2, r3, acc,
             e0, e1, e2, e3, g0, g1, g2, g3, s0, s1, s2, s3):
    ed = (ed0, ed1, ed2, ed3)
    dd = (dd0, dd1, dd2, dd3)
    rows = (r0, r1, r2, r3)
    esem = (e0, e1, e2, e3)
    gsem = (g0, g1, g2, g3)
    ssem = (s0, s1, s2, s3)

    cid = lax.axis_index("c")
    sid = lax.axis_index("s")

    def zrow(r, _):
        r0[r, :] = jnp.zeros((16,), jnp.float32)
        return 0
    lax.fori_loop(0, EB, zrow, 0)
    row0 = sid * RPT
    for z in range(15):
        pltpu.sync_copy(r0, acc.at[pl.ds(row0 + z * EB, EB)])
    pltpu.sync_copy(r0.at[pl.ds(0, 256)], acc.at[pl.ds(row0 + 6000, 256)])
    plsc.subcore_barrier()

    tile_base = (cid * NS + sid) * EPT

    for d in range(2):
        gr = 1 - d
        sr = d

        def stage(b, p):
            base = tile_base + b * EB
            pltpu.async_copy(ai.at[pl.ds(base, EB)], ed[p].at[0], esem[p])
            pltpu.async_copy(aj.at[pl.ds(base, EB)], ed[p].at[1], esem[p])
            pltpu.async_copy(recip.at[pl.ds(base, EB)], dd[p], esem[p])

        def wait_stage(b, p):
            base = tile_base + b * EB
            pltpu.make_async_copy(
                ai.at[pl.ds(base, EB)], ed[p].at[0], esem[p]).wait()
            pltpu.make_async_copy(
                aj.at[pl.ds(base, EB)], ed[p].at[1], esem[p]).wait()
            pltpu.make_async_copy(
                recip.at[pl.ds(base, EB)], dd[p], esem[p]).wait()

        def gather(p):
            pltpu.async_copy(charges.at[ed[p].at[gr]], rows[p], gsem[p])

        def wait_gather(p):
            pltpu.make_async_copy(
                charges.at[ed[p].at[gr]], rows[p], gsem[p]).wait()

        def scatter(p):
            pltpu.async_copy(rows[p], acc.at[ed[p].at[sr]], ssem[p], add=True)

        def wait_scatter(p):
            pltpu.make_async_copy(
                rows[p], acc.at[ed[p].at[sr]], ssem[p]).wait()

        def compute(p):
            rbuf = rows[p]
            ddp = dd[p]

            def scale(k, _):
                dvec = ddp[pl.ds(k * 16, 16)]
                for ei in range(16):
                    e = k * 16 + ei
                    sv = lax.gather(
                        dvec, jnp.full((16, 1), ei, jnp.int32),
                        lax.GatherDimensionNumbers(offset_dims=(),
                                                   collapsed_slice_dims=(0,),
                                                   start_index_map=(0,)),
                        (1,), mode=lax.GatherScatterMode.PROMISE_IN_BOUNDS)
                    rbuf[e, :] = rbuf[e, :] * sv
                return 0
            lax.fori_loop(0, EB // 16, scale, 0)

        stage(0, 0)
        wait_stage(0, 0)
        gather(0)
        stage(1, 1)

        def g_body(g, _):
            for u in range(NSETS):
                b = 4 * g + u
                if u < 2:
                    @pl.when(g > 0)
                    def _():
                        wait_scatter((u + 2) % NSETS)
                else:
                    wait_scatter((u + 2) % NSETS)
                if u < 2:
                    stage(b + 2, (u + 2) % NSETS)
                else:
                    @pl.when(g < NB // 4 - 1)
                    def _():
                        stage(b + 2, (u + 2) % NSETS)
                if u < 3:
                    wait_stage(b + 1, (u + 1) % NSETS)
                    gather((u + 1) % NSETS)
                else:
                    @pl.when(g < NB // 4 - 1)
                    def _():
                        wait_stage(b + 1, 0)
                        gather(0)
                wait_gather(u)
                compute(u)
                scatter(u)
            return 0

        lax.fori_loop(0, NB // 4, g_body, 0)
        wait_scatter(2)
        wait_scatter(3)

    plsc.subcore_barrier()
    out_base = cid * N_PAD + row0
    pltpu.sync_copy(acc.at[pl.ds(row0, RPT)], out.at[pl.ds(out_base, RPT)])


def _recip(d_ref, o_ref):
    o_ref[...] = 1.0 / d_ref[...]


def _combine(a_ref, b_ref, o_ref):
    o_ref[...] = (a_ref[:, :C] + b_ref[:, :C]) * 0.5


@jax.jit
def _impl(charges, neighbor_indices, neighbor_distances):
    ni = neighbor_indices.astype(jnp.int32)
    npad = E_PAD - N_EDGES
    spread = jnp.arange(npad, dtype=jnp.int32)
    ai = jnp.concatenate([ni[:, 0], N_ATOMS + spread % 96])
    aj = jnp.concatenate([ni[:, 1], N_ATOMS + (spread + 37) % 96])
    dist = jnp.concatenate([neighbor_distances,
                            jnp.ones((npad,), jnp.float32)])
    recip = pl.pallas_call(
        _recip,
        grid=(10,),
        in_specs=[pl.BlockSpec((5040, 128), lambda i: (i, 0))],
        out_specs=pl.BlockSpec((5040, 128), lambda i: (i, 0)),
        out_shape=jax.ShapeDtypeStruct((50400, 128), jnp.float32),
    )(dist.reshape(50400, 128)).reshape(E_PAD)
    charges_p = jnp.pad(charges, ((0, N_PAD - N_ATOMS), (0, CP - C)))

    mesh = plsc.VectorSubcoreMesh(core_axis_name="c", subcore_axis_name="s")
    sck = pl.kernel(
        _sc_body,
        out_type=jax.ShapeDtypeStruct((NC * N_PAD, CP), jnp.float32),
        mesh=mesh,
        scratch_types=(
            [pltpu.VMEM((2, EB), jnp.int32)] * NSETS
            + [pltpu.VMEM((EB,), jnp.float32)] * NSETS
            + [pltpu.VMEM((EB, CP), jnp.float32)] * NSETS
            + [pltpu.VMEM_SHARED((N_PAD, CP), jnp.float32)]
            + [pltpu.SemaphoreType.DMA] * 12
        ),
        compiler_params=pltpu.CompilerParams(use_tc_tiling_on_sc=False),
    )
    part = sck(charges_p, ai, aj, recip)

    pot = pl.pallas_call(
        _combine,
        grid=(100,),
        in_specs=[pl.BlockSpec((1000, CP), lambda i: (i, 0)),
                  pl.BlockSpec((1000, CP), lambda i: (i, 0))],
        out_specs=pl.BlockSpec((1000, C), lambda i: (i, 0)),
        out_shape=jax.ShapeDtypeStruct((N_ATOMS, C), jnp.float32),
    )(part[:N_PAD], part[N_PAD:])
    return pot


def kernel(charges, cell, positions, neighbor_indices, neighbor_distances):
    return _impl(charges, neighbor_indices, neighbor_distances)

# --- scband reference (transcript-rebuilt; emitter-appended) ---
"""Pipeline reference for scband-calculator-3607772529445 (READ-ONLY COPY).

The authoritative reference and input builder live on the scoring server;
editing this copy changes nothing except your own understanding.
"""

import jax, jax.numpy as jnp
import numpy as np

N_ATOMS = 100000
N_EDGES = 6400000
N_CHANNELS = 8


def setup_inputs(seed: int = 0) -> dict:
    key = jax.random.key(seed)
    k1, k2, k3, k4, k5 = jax.random.split(key, 5)
    charges = jax.random.normal(k1, (N_ATOMS, N_CHANNELS), dtype=jnp.float32)
    cell = jax.random.normal(k2, (3, 3), dtype=jnp.float32)
    positions = jax.random.normal(k3, (N_ATOMS, 3), dtype=jnp.float32)
    neighbor_indices = jax.random.randint(k4, (N_EDGES, 2), 0, N_ATOMS, dtype=jnp.int64)
    # distances kept strictly positive and away from zero so 1/r is well-behaved
    neighbor_distances = jax.random.uniform(k5, (N_EDGES,), dtype=jnp.float32, minval=0.5, maxval=4.5)
    return {
        "charges": charges,
        "cell": cell,
        "positions": positions,
        "neighbor_indices": neighbor_indices,
        "neighbor_distances": neighbor_distances,
    }


def _potential_from_dist(dist):
    # CoulombPotential.from_dist: bare 1/r potential
    return 1.0 / dist


def reference(charges, cell, positions, neighbor_indices, neighbor_distances):
    # Faithful translation of Calculator._compute_direct (the computable real-space
    # summation path; base-class _compute_kspace is NotImplementedError, see notes).
    potentials_bare = _potential_from_dist(neighbor_distances)
    atom_is = neighbor_indices[:, 0]
    atom_js = neighbor_indices[:, 1]
    contributions_is = charges[atom_js] * potentials_bare[:, None]
    potential = jnp.zeros_like(charges).at[atom_is].add(contributions_is)
    # half neighbor list (full_neighbor_list=False): add symmetric contribution
    contributions_js = charges[atom_is] * potentials_bare[:, None]
    potential = potential.at[atom_js].add(contributions_js)
    return potential / 2.0

if __name__ == "__main__":
    import jax
    _d = setup_inputs()
    print(jax.jit(kernel)(*tuple(_d.values())))

</pallas_src>

<mosaic_0001>
#map = affine_map<(d0, d1) -> (0, 0)>
#map1 = affine_map<(d0, d1) -> (0)>
module attributes {stable_mosaic.version = 14 : i64} {
  func.func @_sc_body(%arg0: i32, %arg1: i32, %arg2: memref<100096x16xf32, #tpu.memory_space<hbm>>, %arg3: memref<6451200xi32, #tpu.memory_space<hbm>>, %arg4: memref<6451200xi32, #tpu.memory_space<hbm>>, %arg5: memref<6451200xf32, #tpu.memory_space<hbm>>, %arg6: memref<200192x16xf32, #tpu.memory_space<hbm>>, %arg7: memref<2x400xi32, #tpu.memory_space<vmem>>, %arg8: memref<2x400xi32, #tpu.memory_space<vmem>>, %arg9: memref<2x400xi32, #tpu.memory_space<vmem>>, %arg10: memref<2x400xi32, #tpu.memory_space<vmem>>, %arg11: memref<400xf32, #tpu.memory_space<vmem>>, %arg12: memref<400xf32, #tpu.memory_space<vmem>>, %arg13: memref<400xf32, #tpu.memory_space<vmem>>, %arg14: memref<400xf32, #tpu.memory_space<vmem>>, %arg15: memref<400x16xf32, #tpu.memory_space<vmem>>, %arg16: memref<400x16xf32, #tpu.memory_space<vmem>>, %arg17: memref<400x16xf32, #tpu.memory_space<vmem>>, %arg18: memref<400x16xf32, #tpu.memory_space<vmem>>, %arg19: memref<100096x16xf32, #tpu.memory_space<vmem_shared>>, %arg20: memref<!tpu.dma_semaphore, #tpu.memory_space<semaphore_mem>>, %arg21: memref<!tpu.dma_semaphore, #tpu.memory_space<semaphore_mem>>, %arg22: memref<!tpu.dma_semaphore, #tpu.memory_space<semaphore_mem>>, %arg23: memref<!tpu.dma_semaphore, #tpu.memory_space<semaphore_mem>>, %arg24: memref<!tpu.dma_semaphore, #tpu.memory_space<semaphore_mem>>, %arg25: memref<!tpu.dma_semaphore, #tpu.memory_space<semaphore_mem>>, %arg26: memref<!tpu.dma_semaphore, #tpu.memory_space<semaphore_mem>>, %arg27: memref<!tpu.dma_semaphore, #tpu.memory_space<semaphore_mem>>, %arg28: memref<!tpu.dma_semaphore, #tpu.memory_space<semaphore_mem>>, %arg29: memref<!tpu.dma_semaphore, #tpu.memory_space<semaphore_mem>>, %arg30: memref<!tpu.dma_semaphore, #tpu.memory_space<semaphore_mem>>, %arg31: memref<!tpu.dma_semaphore, #tpu.memory_space<semaphore_mem>>) attributes {dimension_semantics = [#tpu.dimension_semantics<core_parallel>, #tpu.dimension_semantics<subcore_parallel>], iteration_bounds = array<i64: 2, 16>, scalar_prefetch = 0 : i64, scratch_operands = 25 : i64, tpu.core_type = #tpu.core_type<sc_vector_subcore>, window_params = [{transform_indices = #map}, {transform_indices = #map1}, {transform_indices = #map1}, {transform_indices = #map1}, {transform_indices = #map}]} {
    %scan3A = arith.constant 0 : i32
    %scan3A_0 = arith.constant 0 : i32
    %scan3A_1 = arith.constant 400 : i32
    %scan3A_2 = arith.addi %scan3A_0, %scan3A_1 : i32
    %scan3A_3 = arith.constant 1 : i32
    %scan3A_4 = scf.for %scan3A_233 = %scan3A_0 to %scan3A_2 step %scan3A_3 iter_args(%scan3A_234 = %scan3A) -> (i32)  : i32 {
      %broadcast_in_dim3A = arith.constant 0.000000e+00 : f32
      %broadcast_in_dim3A_235 = vector.broadcast %broadcast_in_dim3A : f32 to vector<16xf32>
      %swap3A = arith.index_cast %scan3A_233 : i32 to index
      %swap3A_236 = arith.constant 0 : index
      %swap3A_237 = tpu.vector_load %arg15[%swap3A, %swap3A_236] {strides = array<i32>} : memref<400x16xf32, #tpu.memory_space<vmem>>, vector<1x16xf32>,
      %swap3A_238 = vector.shape_cast %swap3A_237 : vector<1x16xf32> to vector<16xf32>
      %swap3A_239 = vector.shape_cast %broadcast_in_dim3A_235 : vector<16xf32> to vector<1x16xf32>
      tpu.vector_store %arg15[%swap3A, %swap3A_236], %swap3A_239 {strides = array<i32>} : memref<400x16xf32, #tpu.memory_space<vmem>>, vector<1x16xf32>,
      %scan3A_240 = arith.constant 0 : i32
      scf.yield %scan3A_240 : i32
    }
    %scan3A_5 = arith.constant 400 : i32
    %mul3A = arith.constant 6256 : i32
    %mul3A_6 = arith.muli %arg1, %mul3A : i32
    %add3A = arith.constant 0 : i32
    %add3A_7 = arith.addi %mul3A_6, %add3A : i32
    "tpu.region"() ({
      %run_scoped3A = tpu.sem_alloc : memref<!tpu.dma_semaphore, #tpu.memory_space<semaphore_mem>>
      %dma_start3A_233 = arith.constant 0 : i32
      %dma_start3A_234 = tpu.memref_slice %arg19[%add3A_7, %dma_start3A_233] : memref<100096x16xf32, #tpu.memory_space<vmem_shared>> -> memref<400x16xf32, #tpu.memory_space<vmem_shared>>
      %dma_start3A_235 = arith.constant 0 : i32
      %dma_start3A_236 = tpu.memref_slice %arg19[%add3A_7, %dma_start3A_235] : memref<100096x16xf32, #tpu.memory_space<vmem_shared>> -> memref<400x16xf32, #tpu.memory_space<vmem_shared>>
      tpu.enqueue_dma source(%arg15 : memref<400x16xf32, #tpu.memory_space<vmem>>) target(%dma_start3A_236 : memref<400x16xf32, #tpu.memory_space<vmem_shared>>) target_semaphore(%run_scoped3A : memref<!tpu.dma_semaphore, #tpu.memory_space<semaphore_mem>>)
      %dma_wait3A_237 = arith.constant 0 : i32
      %dma_wait3A_238 = tpu.memref_slice %arg19[%add3A_7, %dma_wait3A_237] : memref<100096x16xf32, #tpu.memory_space<vmem_shared>> -> memref<400x16xf32, #tpu.memory_space<vmem_shared>>
      %dma_wait3A_239 = arith.constant 0 : i32
      %dma_wait3A_240 = tpu.memref_slice %arg19[%add3A_7, %dma_wait3A_239] : memref<100096x16xf32, #tpu.memory_space<vmem_shared>> -> memref<400x16xf32, #tpu.memory_space<vmem_shared>>
      tpu.wait_dma2 semaphore(%run_scoped3A : memref<!tpu.dma_semaphore, #tpu.memory_space<semaphore_mem>>) src(%arg15 : memref<400x16xf32, #tpu.memory_space<vmem>>) dst(%dma_wait3A_240 : memref<400x16xf32, #tpu.memory_space<vmem_shared>>)
      tpu.yield
    }) : () -> ()
    %add3A_8 = arith.constant 400 : i32
    %add3A_9 = arith.addi %mul3A_6, %add3A_8 : i32
    "tpu.region"() ({
      %run_scoped3A = tpu.sem_alloc : memref<!tpu.dma_semaphore, #tpu.memory_space<semaphore_mem>>
      %dma_start3A_233 = arith.constant 0 : i32
      %dma_start3A_234 = tpu.memref_slice %arg19[%add3A_9, %dma_start3A_233] : memref<100096x16xf32, #tpu.memory_space<vmem_shared>> -> memref<400x16xf32, #tpu.memory_space<vmem_shared>>
      %dma_start3A_235 = arith.constant 0 : i32
      %dma_start3A_236 = tpu.memref_slice %arg19[%add3A_9, %dma_start3A_235] : memref<100096x16xf32, #tpu.memory_space<vmem_shared>> -> memref<400x16xf32, #tpu.memory_space<vmem_shared>>
      tpu.enqueue_dma source(%arg15 : memref<400x16xf32, #tpu.memory_space<vmem>>) target(%dma_start3A_236 : memref<400x16xf32, #tpu.memory_space<vmem_shared>>) target_semaphore(%run_scoped3A : memref<!tpu.dma_semaphore, #tpu.memory_space<semaphore_mem>>)
      %dma_wait3A_237 = arith.constant 0 : i32
      %dma_wait3A_238 = tpu.memref_slice %arg19[%add3A_9, %dma_wait3A_237] : memref<100096x16xf32, #tpu.memory_space<vmem_shared>> -> memref<400x16xf32, #tpu.memory_space<vmem_shared>>
      %dma_wait3A_239 = arith.constant 0 : i32
      %dma_wait3A_240 = tpu.memref_slice %arg19[%add3A_9, %dma_wait3A_239] : memref<100096x16xf32, #tpu.memory_space<vmem_shared>> -> memref<400x16xf32, #tpu.memory_space<vmem_shared>>
      tpu.wait_dma2 semaphore(%run_scoped3A : memref<!tpu.dma_semaphore, #tpu.memory_space<semaphore_mem>>) src(%arg15 : memref<400x16xf32, #tpu.memory_space<vmem>>) dst(%dma_wait3A_240 : memref<400x16xf32, #tpu.memory_space<vmem_shared>>)
      tpu.yield
    }) : () -> ()
    %add3A_10 = arith.constant 800 : i32
    %add3A_11 = arith.addi %mul3A_6, %add3A_10 : i32
    "tpu.region"() ({
      %run_scoped3A = tpu.sem_alloc : memref<!tpu.dma_semaphore, #tpu.memory_space<semaphore_mem>>
      %dma_start3A_233 = arith.constant 0 : i32
      %dma_start3A_234 = tpu.memref_slice %arg19[%add3A_11, %dma_start3A_233] : memref<100096x16xf32, #tpu.memory_space<vmem_shared>> -> memref<400x16xf32, #tpu.memory_space<vmem_shared>>
      %dma_start3A_235 = arith.constant 0 : i32
      %dma_start3A_236 = tpu.memref_slice %arg19[%add3A_11, %dma_start3A_235] : memref<100096x16xf32, #tpu.memory_space<vmem_shared>> -> memref<400x16xf32, #tpu.memory_space<vmem_shared>>
      tpu.enqueue_dma source(%arg15 : memref<400x16xf32, #tpu.memory_space<vmem>>) target(%dma_start3A_236 : memref<400x16xf32, #tpu.memory_space<vmem_shared>>) target_semaphore(%run_scoped3A : memref<!tpu.dma_semaphore, #tpu.memory_space<semaphore_mem>>)
      %dma_wait3A_237 = arith.constant 0 : i32
      %dma_wait3A_238 = tpu.memref_slice %arg19[%add3A_11, %dma_wait3A_237] : memref<100096x16xf32, #tpu.memory_space<vmem_shared>> -> memref<400x16xf32, #tpu.memory_space<vmem_shared>>
      %dma_wait3A_239 = arith.constant 0 : i32
      %dma_wait3A_240 = tpu.memref_slice %arg19[%add3A_11, %dma_wait3A_239] : memref<100096x16xf32, #tpu.memory_space<vmem_shared>> -> memref<400x16xf32, #tpu.memory_space<vmem_shared>>
      tpu.wait_dma2 semaphore(%run_scoped3A : memref<!tpu.dma_semaphore, #tpu.memory_space<semaphore_mem>>) src(%arg15 : memref<400x16xf32, #tpu.memory_space<vmem>>) dst(%dma_wait3A_240 : memref<400x16xf32, #tpu.memory_space<vmem_shared>>)
      tpu.yield
    }) : () -> ()
    %add3A_12 = arith.constant 1200 : i32
    %add3A_13 = arith.addi %mul3A_6, %add3A_12 : i32
    "tpu.region"() ({
      %run_scoped3A = tpu.sem_alloc : memref<!tpu.dma_semaphore, #tpu.memory_space<semaphore_mem>>
      %dma_start3A_233 = arith.constant 0 : i32
      %dma_start3A_234 = tpu.memref_slice %arg19[%add3A_13, %dma_start3A_233] : memref<100096x16xf32, #tpu.memory_space<vmem_shared>> -> memref<400x16xf32, #tpu.memory_space<vmem_shared>>
      %dma_start3A_235 = arith.constant 0 : i32
      %dma_start3A_236 = tpu.memref_slice %arg19[%add3A_13, %dma_start3A_235] : memref<100096x16xf32, #tpu.memory_space<vmem_shared>> -> memref<400x16xf32, #tpu.memory_space<vmem_shared>>
      tpu.enqueue_dma source(%arg15 : memref<400x16xf32, #tpu.memory_space<vmem>>) target(%dma_start3A_236 : memref<400x16xf32, #tpu.memory_space<vmem_shared>>) target_semaphore(%run_scoped3A : memref<!tpu.dma_semaphore, #tpu.memory_space<semaphore_mem>>)
      %dma_wait3A_237 = arith.constant 0 : i32
      %dma_wait3A_238 = tpu.memref_slice %arg19[%add3A_13, %dma_wait3A_237] : memref<100096x16xf32, #tpu.memory_space<vmem_shared>> -> memref<400x16xf32, #tpu.memory_space<vmem_shared>>
      %dma_wait3A_239 = arith.constant 0 : i32
      %dma_wait3A_240 = tpu.memref_slice %arg19[%add3A_13, %dma_wait3A_239] : memref<100096x16xf32, #tpu.memory_space<vmem_shared>> -> memref<400x16xf32, #tpu.memory_space<vmem_shared>>
      tpu.wait_dma2 semaphore(%run_scoped3A : memref<!tpu.dma_semaphore, #tpu.memory_space<semaphore_mem>>) src(%arg15 : memref<400x16xf32, #tpu.memory_space<vmem>>) dst(%dma_wait3A_240 : memref<400x16xf32, #tpu.memory_space<vmem_shared>>)
      tpu.yield
    }) : () -> ()
    %add3A_14 = arith.constant 1600 : i32
    %add3A_15 = arith.addi %mul3A_6, %add3A_14 : i32
    "tpu.region"() ({
      %run_scoped3A = tpu.sem_alloc : memref<!tpu.dma_semaphore, #tpu.memory_space<semaphore_mem>>
      %dma_start3A_233 = arith.constant 0 : i32
      %dma_start3A_234 = tpu.memref_slice %arg19[%add3A_15, %dma_start3A_233] : memref<100096x16xf32, #tpu.memory_space<vmem_shared>> -> memref<400x16xf32, #tpu.memory_space<vmem_shared>>
      %dma_start3A_235 = arith.constant 0 : i32
      %dma_start3A_236 = tpu.memref_slice %arg19[%add3A_15, %dma_start3A_235] : memref<100096x16xf32, #tpu.memory_space<vmem_shared>> -> memref<400x16xf32, #tpu.memory_space<vmem_shared>>
      tpu.enqueue_dma source(%arg15 : memref<400x16xf32, #tpu.memory_space<vmem>>) target(%dma_start3A_236 : memref<400x16xf32, #tpu.memory_space<vmem_shared>>) target_semaphore(%run_scoped3A : memref<!tpu.dma_semaphore, #tpu.memory_space<semaphore_mem>>)
      %dma_wait3A_237 = arith.constant 0 : i32
      %dma_wait3A_238 = tpu.memref_slice %arg19[%add3A_15, %dma_wait3A_237] : memref<100096x16xf32, #tpu.memory_space<vmem_shared>> -> memref<400x16xf32, #tpu.memory_space<vmem_shared>>
      %dma_wait3A_239 = arith.constant 0 : i32
      %dma_wait3A_240 = tpu.memref_slice %arg19[%add3A_15, %dma_wait3A_239] : memref<100096x16xf32, #tpu.memory_space<vmem_shared>> -> memref<400x16xf32, #tpu.memory_space<vmem_shared>>
      tpu.wait_dma2 semaphore(%run_scoped3A : memref<!tpu.dma_semaphore, #tpu.memory_space<semaphore_mem>>) src(%arg15 : memref<400x16xf32, #tpu.memory_space<vmem>>) dst(%dma_wait3A_240 : memref<400x16xf32, #tpu.memory_space<vmem_shared>>)
      tpu.yield
    }) : () -> ()
    %add3A_16 = arith.constant 2000 : i32
    %add3A_17 = arith.addi %mul3A_6, %add3A_16 : i32
    "tpu.region"() ({
      %run_scoped3A = tpu.sem_alloc : memref<!tpu.dma_semaphore, #tpu.memory_space<semaphore_mem>>
      %dma_start3A_233 = arith.constant 0 : i32
      %dma_start3A_234 = tpu.memref_slice %arg19[%add3A_17, %dma_start3A_233] : memref<100096x16xf32, #tpu.memory_space<vmem_shared>> -> memref<400x16xf32, #tpu.memory_space<vmem_shared>>
      %dma_start3A_235 = arith.constant 0 : i32
      %dma_start3A_236 = tpu.memref_slice %arg19[%add3A_17, %dma_start3A_235] : memref<100096x16xf32, #tpu.memory_space<vmem_shared>> -> memref<400x16xf32, #tpu.memory_space<vmem_shared>>
      tpu.enqueue_dma source(%arg15 : memref<400x16xf32, #tpu.memory_space<vmem>>) target(%dma_start3A_236 : memref<400x16xf32, #tpu.memory_space<vmem_shared>>) target_semaphore(%run_scoped3A : memref<!tpu.dma_semaphore, #tpu.memory_space<semaphore_mem>>)
      %dma_wait3A_237 = arith.constant 0 : i32
      %dma_wait3A_238 = tpu.memref_slice %arg19[%add3A_17, %dma_wait3A_237] : memref<100096x16xf32, #tpu.memory_space<vmem_shared>> -> memref<400x16xf32, #tpu.memory_space<vmem_shared>>
      %dma_wait3A_239 = arith.constant 0 : i32
      %dma_wait3A_240 = tpu.memref_slice %arg19[%add3A_17, %dma_wait3A_239] : memref<100096x16xf32, #tpu.memory_space<vmem_shared>> -> memref<400x16xf32, #tpu.memory_space<vmem_shared>>
      tpu.wait_dma2 semaphore(%run_scoped3A : memref<!tpu.dma_semaphore, #tpu.memory_space<semaphore_mem>>) src(%arg15 : memref<400x16xf32, #tpu.memory_space<vmem>>) dst(%dma_wait3A_240 : memref<400x16xf32, #tpu.memory_space<vmem_shared>>)
      tpu.yield
    }) : () -> ()
    %add3A_18 = arith.constant 2400 : i32
    %add3A_19 = arith.addi %mul3A_6, %add3A_18 : i32
    "tpu.region"() ({
      %run_scoped3A = tpu.sem_alloc : memref<!tpu.dma_semaphore, #tpu.memory_space<semaphore_mem>>
      %dma_start3A_233 = arith.constant 0 : i32
      %dma_start3A_234 = tpu.memref_slice %arg19[%add3A_19, %dma_start3A_233] : memref<100096x16xf32, #tpu.memory_space<vmem_shared>> -> memref<400x16xf32, #tpu.memory_space<vmem_shared>>
      %dma_start3A_235 = arith.constant 0 : i32
      %dma_start3A_236 = tpu.memref_slice %arg19[%add3A_19, %dma_start3A_235] : memref<100096x16xf32, #tpu.memory_space<vmem_shared>> -> memref<400x16xf32, #tpu.memory_space<vmem_shared>>
      tpu.enqueue_dma source(%arg15 : memref<400x16xf32, #tpu.memory_space<vmem>>) target(%dma_start3A_236 : memref<400x16xf32, #tpu.memory_space<vmem_shared>>) target_semaphore(%run_scoped3A : memref<!tpu.dma_semaphore, #tpu.memory_space<semaphore_mem>>)
      %dma_wait3A_237 = arith.constant 0 : i32
      %dma_wait3A_238 = tpu.memref_slice %arg19[%add3A_19, %dma_wait3A_237] : memref<100096x16xf32, #tpu.memory_space<vmem_shared>> -> memref<400x16xf32, #tpu.memory_space<vmem_shared>>
      %dma_wait3A_239 = arith.constant 0 : i32
      %dma_wait3A_240 = tpu.memref_slice %arg19[%add3A_19, %dma_wait3A_239] : memref<100096x16xf32, #tpu.memory_space<vmem_shared>> -> memref<400x16xf32, #tpu.memory_space<vmem_shared>>
      tpu.wait_dma2 semaphore(%run_scoped3A : memref<!tpu.dma_semaphore, #tpu.memory_space<semaphore_mem>>) src(%arg15 : memref<400x16xf32, #tpu.memory_space<vmem>>) dst(%dma_wait3A_240 : memref<400x16xf32, #tpu.memory_space<vmem_shared>>)
      tpu.yield
    }) : () -> ()
    %add3A_20 = arith.constant 2800 : i32
    %add3A_21 = arith.addi %mul3A_6, %add3A_20 : i32
    "tpu.region"() ({
      %run_scoped3A = tpu.sem_alloc : memref<!tpu.dma_semaphore, #tpu.memory_space<semaphore_mem>>
      %dma_start3A_233 = arith.constant 0 : i32
      %dma_start3A_234 = tpu.memref_slice %arg19[%add3A_21, %dma_start3A_233] : memref<100096x16xf32, #tpu.memory_space<vmem_shared>> -> memref<400x16xf32, #tpu.memory_space<vmem_shared>>
      %dma_start3A_235 = arith.constant 0 : i32
      %dma_start3A_236 = tpu.memref_slice %arg19[%add3A_21, %dma_start3A_235] : memref<100096x16xf32, #tpu.memory_space<vmem_shared>> -> memref<400x16xf32, #tpu.memory_space<vmem_shared>>
      tpu.enqueue_dma source(%arg15 : memref<400x16xf32, #tpu.memory_space<vmem>>) target(%dma_start3A_236 : memref<400x16xf32, #tpu.memory_space<vmem_shared>>) target_semaphore(%run_scoped3A : memref<!tpu.dma_semaphore, #tpu.memory_space<semaphore_mem>>)
      %dma_wait3A_237 = arith.constant 0 : i32
      %dma_wait3A_238 = tpu.memref_slice %arg19[%add3A_21, %dma_wait3A_237] : memref<100096x16xf32, #tpu.memory_space<vmem_shared>> -> memref<400x16xf32, #tpu.memory_space<vmem_shared>>
      %dma_wait3A_239 = arith.constant 0 : i32
      %dma_wait3A_240 = tpu.memref_slice %arg19[%add3A_21, %dma_wait3A_239] : memref<100096x16xf32, #tpu.memory_space<vmem_shared>> -> memref<400x16xf32, #tpu.memory_space<vmem_shared>>
      tpu.wait_dma2 semaphore(%run_scoped3A : memref<!tpu.dma_semaphore, #tpu.memory_space<semaphore_mem>>) src(%arg15 : memref<400x16xf32, #tpu.memory_space<vmem>>) dst(%dma_wait3A_240 : memref<400x16xf32, #tpu.memory_space<vmem_shared>>)
      tpu.yield
    }) : () -> ()
    %add3A_22 = arith.constant 3200 : i32
    %add3A_23 = arith.addi %mul3A_6, %add3A_22 : i32
    "tpu.region"() ({
      %run_scoped3A = tpu.sem_alloc : memref<!tpu.dma_semaphore, #tpu.memory_space<semaphore_mem>>
      %dma_start3A_233 = arith.constant 0 : i32
      %dma_start3A_234 = tpu.memref_slice %arg19[%add3A_23, %dma_start3A_233] : memref<100096x16xf32, #tpu.memory_space<vmem_shared>> -> memref<400x16xf32, #tpu.memory_space<vmem_shared>>
      %dma_start3A_235 = arith.constant 0 : i32
      %dma_start3A_236 = tpu.memref_slice %arg19[%add3A_23, %dma_start3A_235] : memref<100096x16xf32, #tpu.memory_space<vmem_shared>> -> memref<400x16xf32, #tpu.memory_space<vmem_shared>>
      tpu.enqueue_dma source(%arg15 : memref<400x16xf32, #tpu.memory_space<vmem>>) target(%dma_start3A_236 : memref<400x16xf32, #tpu.memory_space<vmem_shared>>) target_semaphore(%run_scoped3A : memref<!tpu.dma_semaphore, #tpu.memory_space<semaphore_mem>>)
      %dma_wait3A_237 = arith.constant 0 : i32
      %dma_wait3A_238 = tpu.memref_slice %arg19[%add3A_23, %dma_wait3A_237] : memref<100096x16xf32, #tpu.memory_space<vmem_shared>> -> memref<400x16xf32, #tpu.memory_space<vmem_shared>>
      %dma_wait3A_239 = arith.constant 0 : i32
      %dma_wait3A_240 = tpu.memref_slice %arg19[%add3A_23, %dma_wait3A_239] : memref<100096x16xf32, #tpu.memory_space<vmem_shared>> -> memref<400x16xf32, #tpu.memory_space<vmem_shared>>
      tpu.wait_dma2 semaphore(%run_scoped3A : memref<!tpu.dma_semaphore, #tpu.memory_space<semaphore_mem>>) src(%arg15 : memref<400x16xf32, #tpu.memory_space<vmem>>) dst(%dma_wait3A_240 : memref<400x16xf32, #tpu.memory_space<vmem_shared>>)
      tpu.yield
    }) : () -> ()
    %add3A_24 = arith.constant 3600 : i32
    %add3A_25 = arith.addi %mul3A_6, %add3A_24 : i32
    "tpu.region"() ({
      %run_scoped3A = tpu.sem_alloc : memref<!tpu.dma_semaphore, #tpu.memory_space<semaphore_mem>>
      %dma_start3A_233 = arith.constant 0 : i32
      %dma_start3A_234 = tpu.memref_slice %arg19[%add3A_25, %dma_start3A_233] : memref<100096x16xf32, #tpu.memory_space<vmem_shared>> -> memref<400x16xf32, #tpu.memory_space<vmem_shared>>
      %dma_start3A_235 = arith.constant 0 : i32
      %dma_start3A_236 = tpu.memref_slice %arg19[%add3A_25, %dma_start3A_235] : memref<100096x16xf32, #tpu.memory_space<vmem_shared>> -> memref<400x16xf32, #tpu.memory_space<vmem_shared>>
      tpu.enqueue_dma source(%arg15 : memref<400x16xf32, #tpu.memory_space<vmem>>) target(%dma_start3A_236 : memref<400x16xf32, #tpu.memory_space<vmem_shared>>) target_semaphore(%run_scoped3A : memref<!tpu.dma_semaphore, #tpu.memory_space<semaphore_mem>>)
      %dma_wait3A_237 = arith.constant 0 : i32
      %dma_wait3A_238 = tpu.memref_slice %arg19[%add3A_25, %dma_wait3A_237] : memref<100096x16xf32, #tpu.memory_space<vmem_shared>> -> memref<400x16xf32, #tpu.memory_space<vmem_shared>>
      %dma_wait3A_239 = arith.constant 0 : i32
      %dma_wait3A_240 = tpu.memref_slice %arg19[%add3A_25, %dma_wait3A_239] : memref<100096x16xf32, #tpu.memory_space<vmem_shared>> -> memref<400x16xf32, #tpu.memory_space<vmem_shared>>
      tpu.wait_dma2 semaphore(%run_scoped3A : memref<!tpu.dma_semaphore, #tpu.memory_space<semaphore_mem>>) src(%arg15 : memref<400x16xf32, #tpu.memory_space<vmem>>) dst(%dma_wait3A_240 : memref<400x16xf32, #tpu.memory_space<vmem_shared>>)
      tpu.yield
    }) : () -> ()
    %add3A_26 = arith.constant 4000 : i32
    %add3A_27 = arith.addi %mul3A_6, %add3A_26 : i32
    "tpu.region"() ({
      %run_scoped3A = tpu.sem_alloc : memref<!tpu.dma_semaphore, #tpu.memory_space<semaphore_mem>>
      %dma_start3A_233 = arith.constant 0 : i32
      %dma_start3A_234 = tpu.memref_slice %arg19[%add3A_27, %dma_start3A_233] : memref<100096x16xf32, #tpu.memory_space<vmem_shared>> -> memref<400x16xf32, #tpu.memory_space<vmem_shared>>
      %dma_start3A_235 = arith.constant 0 : i32
      %dma_start3A_236 = tpu.memref_slice %arg19[%add3A_27, %dma_start3A_235] : memref<100096x16xf32, #tpu.memory_space<vmem_shared>> -> memref<400x16xf32, #tpu.memory_space<vmem_shared>>
      tpu.enqueue_dma source(%arg15 : memref<400x16xf32, #tpu.memory_space<vmem>>) target(%dma_start3A_236 : memref<400x16xf32, #tpu.memory_space<vmem_shared>>) target_semaphore(%run_scoped3A : memref<!tpu.dma_semaphore, #tpu.memory_space<semaphore_mem>>)
      %dma_wait3A_237 = arith.constant 0 : i32
      %dma_wait3A_238 = tpu.memref_slice %arg19[%add3A_27, %dma_wait3A_237] : memref<100096x16xf32, #tpu.memory_space<vmem_shared>> -> memref<400x16xf32, #tpu.memory_space<vmem_shared>>
      %dma_wait3A_239 = arith.constant 0 : i32
      %dma_wait3A_240 = tpu.memref_slice %arg19[%add3A_27, %dma_wait3A_239] : memref<100096x16xf32, #tpu.memory_space<vmem_shared>> -> memref<400x16xf32, #tpu.memory_space<vmem_shared>>
      tpu.wait_dma2 semaphore(%run_scoped3A : memref<!tpu.dma_semaphore, #tpu.memory_space<semaphore_mem>>) src(%arg15 : memref<400x16xf32, #tpu.memory_space<vmem>>) dst(%dma_wait3A_240 : memref<400x16xf32, #tpu.memory_space<vmem_shared>>)
      tpu.yield
    }) : () -> ()
    %add3A_28 = arith.constant 4400 : i32
    %add3A_29 = arith.addi %mul3A_6, %add3A_28 : i32
    "tpu.region"() ({
      %run_scoped3A = tpu.sem_alloc : memref<!tpu.dma_semaphore, #tpu.memory_space<semaphore_mem>>
      %dma_start3A_233 = arith.constant 0 : i32
      %dma_start3A_234 = tpu.memref_slice %arg19[%add3A_29, %dma_start3A_233] : memref<100096x16xf32, #tpu.memory_space<vmem_shared>> -> memref<400x16xf32, #tpu.memory_space<vmem_shared>>
      %dma_start3A_235 = arith.constant 0 : i32
      %dma_start3A_236 = tpu.memref_slice %arg19[%add3A_29, %dma_start3A_235] : memref<100096x16xf32, #tpu.memory_space<vmem_shared>> -> memref<400x16xf32, #tpu.memory_space<vmem_shared>>
      tpu.enqueue_dma source(%arg15 : memref<400x16xf32, #tpu.memory_space<vmem>>) target(%dma_start3A_236 : memref<400x16xf32, #tpu.memory_space<vmem_shared>>) target_semaphore(%run_scoped3A : memref<!tpu.dma_semaphore, #tpu.memory_space<semaphore_mem>>)
      %dma_wait3A_237 = arith.constant 0 : i32
      %dma_wait3A_238 = tpu.memref_slice %arg19[%add3A_29, %dma_wait3A_237] : memref<100096x16xf32, #tpu.memory_space<vmem_shared>> -> memref<400x16xf32, #tpu.memory_space<vmem_shared>>
      %dma_wait3A_239 = arith.constant 0 : i32
      %dma_wait3A_240 = tpu.memref_slice %arg19[%add3A_29, %dma_wait3A_239] : memref<100096x16xf32, #tpu.memory_space<vmem_shared>> -> memref<400x16xf32, #tpu.memory_space<vmem_shared>>
      tpu.wait_dma2 semaphore(%run_scoped3A : memref<!tpu.dma_semaphore, #tpu.memory_space<semaphore_mem>>) src(%arg15 : memref<400x16xf32, #tpu.memory_space<vmem>>) dst(%dma_wait3A_240 : memref<400x16xf32, #tpu.memory_space<vmem_shared>>)
      tpu.yield
    }) : () -> ()
    %add3A_30 = arith.constant 4800 : i32
    %add3A_31 = arith.addi %mul3A_6, %add3A_30 : i32
    "tpu.region"() ({
      %run_scoped3A = tpu.sem_alloc : memref<!tpu.dma_semaphore, #tpu.memory_space<semaphore_mem>>
      %dma_start3A_233 = arith.constant 0 : i32
      %dma_start3A_234 = tpu.memref_slice %arg19[%add3A_31, %dma_start3A_233] : memref<100096x16xf32, #tpu.memory_space<vmem_shared>> -> memref<400x16xf32, #tpu.memory_space<vmem_shared>>
      %dma_start3A_235 = arith.constant 0 : i32
      %dma_start3A_236 = tpu.memref_slice %arg19[%add3A_31, %dma_start3A_235] : memref<100096x16xf32, #tpu.memory_space<vmem_shared>> -> memref<400x16xf32, #tpu.memory_space<vmem_shared>>
      tpu.enqueue_dma source(%arg15 : memref<400x16xf32, #tpu.memory_space<vmem>>) target(%dma_start3A_236 : memref<400x16xf32, #tpu.memory_space<vmem_shared>>) target_semaphore(%run_scoped3A : memref<!tpu.dma_semaphore, #tpu.memory_space<semaphore_mem>>)
      %dma_wait3A_237 = arith.constant 0 : i32
      %dma_wait3A_238 = tpu.memref_slice %arg19[%add3A_31, %dma_wait3A_237] : memref<100096x16xf32, #tpu.memory_space<vmem_shared>> -> memref<400x16xf32, #tpu.memory_space<vmem_shared>>
      %dma_wait3A_239 = arith.constant 0 : i32
      %dma_wait3A_240 = tpu.memref_slice %arg19[%add3A_31, %dma_wait3A_239] : memref<100096x16xf32, #tpu.memory_space<vmem_shared>> -> memref<400x16xf32, #tpu.memory_space<vmem_shared>>
      tpu.wait_dma2 semaphore(%run_scoped3A : memref<!tpu.dma_semaphore, #tpu.memory_space<semaphore_mem>>) src(%arg15 : memref<400x16xf32, #tpu.memory_space<vmem>>) dst(%dma_wait3A_240 : memref<400x16xf32, #tpu.memory_space<vmem_shared>>)
      tpu.yield
    }) : () -> ()
    %add3A_32 = arith.constant 5200 : i32
    %add3A_33 = arith.addi %mul3A_6, %add3A_32 : i32
    "tpu.region"() ({
      %run_scoped3A = tpu.sem_alloc : memref<!tpu.dma_semaphore, #tpu.memory_space<semaphore_mem>>
      %dma_start3A_233 = arith.constant 0 : i32
      %dma_start3A_234 = tpu.memref_slice %arg19[%add3A_33, %dma_start3A_233] : memref<100096x16xf32, #tpu.memory_space<vmem_shared>> -> memref<400x16xf32, #tpu.memory_space<vmem_shared>>
      %dma_start3A_235 = arith.constant 0 : i32
      %dma_start3A_236 = tpu.memref_slice %arg19[%add3A_33, %dma_start3A_235] : memref<100096x16xf32, #tpu.memory_space<vmem_shared>> -> memref<400x16xf32, #tpu.memory_space<vmem_shared>>
      tpu.enqueue_dma source(%arg15 : memref<400x16xf32, #tpu.memory_space<vmem>>) target(%dma_start3A_236 : memref<400x16xf32, #tpu.memory_space<vmem_shared>>) target_semaphore(%run_scoped3A : memref<!tpu.dma_semaphore, #tpu.memory_space<semaphore_mem>>)
      %dma_wait3A_237 = arith.constant 0 : i32
      %dma_wait3A_238 = tpu.memref_slice %arg19[%add3A_33, %dma_wait3A_237] : memref<100096x16xf32, #tpu.memory_space<vmem_shared>> -> memref<400x16xf32, #tpu.memory_space<vmem_shared>>
      %dma_wait3A_239 = arith.constant 0 : i32
      %dma_wait3A_240 = tpu.memref_slice %arg19[%add3A_33, %dma_wait3A_239] : memref<100096x16xf32, #tpu.memory_space<vmem_shared>> -> memref<400x16xf32, #tpu.memory_space<vmem_shared>>
      tpu.wait_dma2 semaphore(%run_scoped3A : memref<!tpu.dma_semaphore, #tpu.memory_space<semaphore_mem>>) src(%arg15 : memref<400x16xf32, #tpu.memory_space<vmem>>) dst(%dma_wait3A_240 : memref<400x16xf32, #tpu.memory_space<vmem_shared>>)
      tpu.yield
    }) : () -> ()
    %add3A_34 = arith.constant 5600 : i32
    %add3A_35 = arith.addi %mul3A_6, %add3A_34 : i32
    "tpu.region"() ({
      %run_scoped3A = tpu.sem_alloc : memref<!tpu.dma_semaphore, #tpu.memory_space<semaphore_mem>>
      %dma_start3A_233 = arith.constant 0 : i32
      %dma_start3A_234 = tpu.memref_slice %arg19[%add3A_35, %dma_start3A_233] : memref<100096x16xf32, #tpu.memory_space<vmem_shared>> -> memref<400x16xf32, #tpu.memory_space<vmem_shared>>
      %dma_start3A_235 = arith.constant 0 : i32
      %dma_start3A_236 = tpu.memref_slice %arg19[%add3A_35, %dma_start3A_235] : memref<100096x16xf32, #tpu.memory_space<vmem_shared>> -> memref<400x16xf32, #tpu.memory_space<vmem_shared>>
      tpu.enqueue_dma source(%arg15 : memref<400x16xf32, #tpu.memory_space<vmem>>) target(%dma_start3A_236 : memref<400x16xf32, #tpu.memory_space<vmem_shared>>) target_semaphore(%run_scoped3A : memref<!tpu.dma_semaphore, #tpu.memory_space<semaphore_mem>>)
      %dma_wait3A_237 = arith.constant 0 : i32
      %dma_wait3A_238 = tpu.memref_slice %arg19[%add3A_35, %dma_wait3A_237] : memref<100096x16xf32, #tpu.memory_space<vmem_shared>> -> memref<400x16xf32, #tpu.memory_space<vmem_shared>>
      %dma_wait3A_239 = arith.constant 0 : i32
      %dma_wait3A_240 = tpu.memref_slice %arg19[%add3A_35, %dma_wait3A_239] : memref<100096x16xf32, #tpu.memory_space<vmem_shared>> -> memref<400x16xf32, #tpu.memory_space<vmem_shared>>
      tpu.wait_dma2 semaphore(%run_scoped3A : memref<!tpu.dma_semaphore, #tpu.memory_space<semaphore_mem>>) src(%arg15 : memref<400x16xf32, #tpu.memory_space<vmem>>) dst(%dma_wait3A_240 : memref<400x16xf32, #tpu.memory_space<vmem_shared>>)
      tpu.yield
    }) : () -> ()
    %add3A_36 = arith.constant 6000 : i32
    %add3A_37 = arith.addi %mul3A_6, %add3A_36 : i32
    "tpu.region"() ({
      %run_scoped3A = tpu.sem_alloc : memref<!tpu.dma_semaphore, #tpu.memory_space<semaphore_mem>>
      %dma_start3A_233 = arith.constant 0 : i32
      %dma_start3A_234 = arith.constant 0 : i32
      %dma_start3A_235 = tpu.memref_slice %arg15[%dma_start3A_233, %dma_start3A_234] : memref<400x16xf32, #tpu.memory_space<vmem>> -> memref<256x16xf32, #tpu.memory_space<vmem>>
      %dma_start3A_236 = arith.constant 0 : i32
      %dma_start3A_237 = tpu.memref_slice %arg19[%add3A_37, %dma_start3A_236] : memref<100096x16xf32, #tpu.memory_space<vmem_shared>> -> memref<256x16xf32, #tpu.memory_space<vmem_shared>>
      %dma_start3A_238 = arith.constant 0 : i32
      %dma_start3A_239 = tpu.memref_slice %arg19[%add3A_37, %dma_start3A_238] : memref<100096x16xf32, #tpu.memory_space<vmem_shared>> -> memref<256x16xf32, #tpu.memory_space<vmem_shared>>
      %dma_start3A_240 = arith.constant 0 : i32
      %dma_start3A_241 = arith.constant 0 : i32
      %dma_start3A_242 = tpu.memref_slice %arg15[%dma_start3A_240, %dma_start3A_241] : memref<400x16xf32, #tpu.memory_space<vmem>> -> memref<256x16xf32, #tpu.memory_space<vmem>>
      tpu.enqueue_dma source(%dma_start3A_242 : memref<256x16xf32, #tpu.memory_space<vmem>>) target(%dma_start3A_239 : memref<256x16xf32, #tpu.memory_space<vmem_shared>>) target_semaphore(%run_scoped3A : memref<!tpu.dma_semaphore, #tpu.memory_space<semaphore_mem>>)
      %dma_wait3A_243 = arith.constant 0 : i32
      %dma_wait3A_244 = arith.constant 0 : i32
      %dma_wait3A_245 = tpu.memref_slice %arg15[%dma_wait3A_243, %dma_wait3A_244] : memref<400x16xf32, #tpu.memory_space<vmem>> -> memref<256x16xf32, #tpu.memory_space<vmem>>
      %dma_wait3A_246 = arith.constant 0 : i32
      %dma_wait3A_247 = tpu.memref_slice %arg19[%add3A_37, %dma_wait3A_246] : memref<100096x16xf32, #tpu.memory_space<vmem_shared>> -> memref<256x16xf32, #tpu.memory_space<vmem_shared>>
      %dma_wait3A_248 = arith.constant 0 : i32
      %dma_wait3A_249 = tpu.memref_slice %arg19[%add3A_37, %dma_wait3A_248] : memref<100096x16xf32, #tpu.memory_space<vmem_shared>> -> memref<256x16xf32, #tpu.memory_space<vmem_shared>>
      %dma_wait3A_250 = arith.constant 0 : i32
      %dma_wait3A_251 = arith.constant 0 : i32
      %dma_wait3A_252 = tpu.memref_slice %arg15[%dma_wait3A_250, %dma_wait3A_251] : memref<400x16xf32, #tpu.memory_space<vmem>> -> memref<256x16xf32, #tpu.memory_space<vmem>>
      tpu.wait_dma2 semaphore(%run_scoped3A : memref<!tpu.dma_semaphore, #tpu.memory_space<semaphore_mem>>) src(%dma_wait3A_252 : memref<256x16xf32, #tpu.memory_space<vmem>>) dst(%dma_wait3A_249 : memref<256x16xf32, #tpu.memory_space<vmem_shared>>)
      tpu.yield
    }) : () -> ()
    %barrier3A = arith.constant 0 : index
    tpu.barrier barrier_id(%barrier3A)
    %mul3A_38 = arith.constant 16 : i32
    %mul3A_39 = arith.muli %arg0, %mul3A_38 : i32
    %add3A_40 = arith.addi %mul3A_39, %arg1 : i32
    %mul3A_41 = arith.constant 201600 : i32
    %mul3A_42 = arith.muli %add3A_40, %mul3A_41 : i32
    %add3A_43 = arith.constant 0 : i32
    %add3A_44 = arith.addi %mul3A_42, %add3A_43 : i32
    %dma_start3A = arith.constant 0 : i32
    %dma_start3A_45 = arith.constant 0 : i32
    %dma_start3A_46 = tpu.memref_slice %arg7[%dma_start3A, %dma_start3A_45] : memref<2x400xi32, #tpu.memory_space<vmem>> -> memref<1x400xi32, #tpu.memory_space<vmem>>
    %dma_start3A_47 = tpu.memref_squeeze %dma_start3A_46 : memref<1x400xi32, #tpu.memory_space<vmem>> -> memref<400xi32, #tpu.memory_space<vmem>>
    %dma_start3A_48 = tpu.memref_slice %arg3[%add3A_44] : memref<6451200xi32, #tpu.memory_space<hbm>> -> memref<400xi32, #tpu.memory_space<hbm>>
    %dma_start3A_49 = arith.constant 0 : i32
    %dma_start3A_50 = tpu.memref_slice %arg7[%dma_start3A, %dma_start3A_49] : memref<2x400xi32, #tpu.memory_space<vmem>> -> memref<1x400xi32, #tpu.memory_space<vmem>>
    %dma_start3A_51 = tpu.memref_squeeze %dma_start3A_50 : memref<1x400xi32, #tpu.memory_space<vmem>> -> memref<400xi32, #tpu.memory_space<vmem>>
    %dma_start3A_52 = tpu.memref_slice %arg3[%add3A_44] : memref<6451200xi32, #tpu.memory_space<hbm>> -> memref<400xi32, #tpu.memory_space<hbm>>
    tpu.enqueue_dma source(%dma_start3A_52 : memref<400xi32, #tpu.memory_space<hbm>>) target(%dma_start3A_51 : memref<400xi32, #tpu.memory_space<vmem>>) target_semaphore(%arg20 : memref<!tpu.dma_semaphore, #tpu.memory_space<semaphore_mem>>)
    %dma_start3A_53 = arith.constant 1 : i32
    %dma_start3A_54 = arith.constant 0 : i32
    %dma_start3A_55 = tpu.memref_slice %arg7[%dma_start3A_53, %dma_start3A_54] : memref<2x400xi32, #tpu.memory_space<vmem>> -> memref<1x400xi32, #tpu.memory_space<vmem>>
    %dma_start3A_56 = tpu.memref_squeeze %dma_start3A_55 : memref<1x400xi32, #tpu.memory_space<vmem>> -> memref<400xi32, #tpu.memory_space<vmem>>
    %dma_start3A_57 = tpu.memref_slice %arg4[%add3A_44] : memref<6451200xi32, #tpu.memory_space<hbm>> -> memref<400xi32, #tpu.memory_space<hbm>>
    %dma_start3A_58 = arith.constant 0 : i32
    %dma_start3A_59 = tpu.memref_slice %arg7[%dma_start3A_53, %dma_start3A_58] : memref<2x400xi32, #tpu.memory_space<vmem>> -> memref<1x400xi32, #tpu.memory_space<vmem>>
    %dma_start3A_60 = tpu.memref_squeeze %dma_start3A_59 : memref<1x400xi32, #tpu.memory_space<vmem>> -> memref<400xi32, #tpu.memory_space<vmem>>
    %dma_start3A_61 = tpu.memref_slice %arg4[%add3A_44] : memref<6451200xi32, #tpu.memory_space<hbm>> -> memref<400xi32, #tpu.memory_space<hbm>>
    tpu.enqueue_dma source(%dma_start3A_61 : memref<400xi32, #tpu.memory_space<hbm>>) target(%dma_start3A_60 : memref<400xi32, #tpu.memory_space<vmem>>) target_semaphore(%arg20 : memref<!tpu.dma_semaphore, #tpu.memory_space<semaphore_mem>>)
    %dma_start3A_62 = tpu.memref_slice %arg5[%add3A_44] : memref<6451200xf32, #tpu.memory_space<hbm>> -> memref<400xf32, #tpu.memory_space<hbm>>
    %dma_start3A_63 = tpu.memref_slice %arg5[%add3A_44] : memref<6451200xf32, #tpu.memory_space<hbm>> -> memref<400xf32, #tpu.memory_space<hbm>>
    tpu.enqueue_dma source(%dma_start3A_63 : memref<400xf32, #tpu.memory_space<hbm>>) target(%arg11 : memref<400xf32, #tpu.memory_space<vmem>>) target_semaphore(%arg20 : memref<!tpu.dma_semaphore, #tpu.memory_space<semaphore_mem>>)
    %add3A_64 = arith.constant 0 : i32
    %add3A_65 = arith.addi %mul3A_42, %add3A_64 : i32
    %dma_wait3A = arith.constant 0 : i32
    %dma_wait3A_66 = arith.constant 0 : i32
    %dma_wait3A_67 = tpu.memref_slice %arg7[%dma_wait3A, %dma_wait3A_66] : memref<2x400xi32, #tpu.memory_space<vmem>> -> memref<1x400xi32, #tpu.memory_space<vmem>>
    %dma_wait3A_68 = tpu.memref_squeeze %dma_wait3A_67 : memref<1x400xi32, #tpu.memory_space<vmem>> -> memref<400xi32, #tpu.memory_space<vmem>>
    %dma_wait3A_69 = tpu.memref_slice %arg3[%add3A_65] : memref<6451200xi32, #tpu.memory_space<hbm>> -> memref<400xi32, #tpu.memory_space<hbm>>
    %dma_wait3A_70 = arith.constant 0 : i32
    %dma_wait3A_71 = tpu.memref_slice %arg7[%dma_wait3A, %dma_wait3A_70] : memref<2x400xi32, #tpu.memory_space<vmem>> -> memref<1x400xi32, #tpu.memory_space<vmem>>
    %dma_wait3A_72 = tpu.memref_squeeze %dma_wait3A_71 : memref<1x400xi32, #tpu.memory_space<vmem>> -> memref<400xi32, #tpu.memory_space<vmem>>
    %dma_wait3A_73 = tpu.memref_slice %arg3[%add3A_65] : memref<6451200xi32, #tpu.memory_space<hbm>> -> memref<400xi32, #tpu.memory_space<hbm>>
    tpu.wait_dma2 semaphore(%arg20 : memref<!tpu.dma_semaphore, #tpu.memory_space<semaphore_mem>>) src(%dma_wait3A_73 : memref<400xi32, #tpu.memory_space<hbm>>) dst(%dma_wait3A_72 : memref<400xi32, #tpu.memory_space<vmem>>)
    %dma_wait3A_74 = arith.constant 1 : i32
    %dma_wait3A_75 = arith.constant 0 : i32
    %dma_wait3A_76 = tpu.memref_slice %arg7[%dma_wait3A_74, %dma_wait3A_75] : memref<2x400xi32, #tpu.memory_space<vmem>> -> memref<1x400xi32, #tpu.memory_space<vmem>>
    %dma_wait3A_77 = tpu.memref_squeeze %dma_wait3A_76 : memref<1x400xi32, #tpu.memory_space<vmem>> -> memref<400xi32, #tpu.memory_space<vmem>>
    %dma_wait3A_78 = tpu.memref_slice %arg4[%add3A_65] : memref<6451200xi32, #tpu.memory_space<hbm>> -> memref<400xi32, #tpu.memory_space<hbm>>
    %dma_wait3A_79 = arith.constant 0 : i32
    %dma_wait3A_80 = tpu.memref_slice %arg7[%dma_wait3A_74, %dma_wait3A_79] : memref<2x400xi32, #tpu.memory_space<vmem>> -> memref<1x400xi32, #tpu.memory_space<vmem>>
    %dma_wait3A_81 = tpu.memref_squeeze %dma_wait3A_80 : memref<1x400xi32, #tpu.memory_space<vmem>> -> memref<400xi32, #tpu.memory_space<vmem>>
    %dma_wait3A_82 = tpu.memref_slice %arg4[%add3A_65] : memref<6451200xi32, #tpu.memory_space<hbm>> -> memref<400xi32, #tpu.memory_space<hbm>>
    tpu.wait_dma2 semaphore(%arg20 : memref<!tpu.dma_semaphore, #tpu.memory_space<semaphore_mem>>) src(%dma_wait3A_82 : memref<400xi32, #tpu.memory_space<hbm>>) dst(%dma_wait3A_81 : memref<400xi32, #tpu.memory_space<vmem>>)
    %dma_wait3A_83 = tpu.memref_slice %arg5[%add3A_65] : memref<6451200xf32, #tpu.memory_space<hbm>> -> memref<400xf32, #tpu.memory_space<hbm>>
    %dma_wait3A_84 = tpu.memref_slice %arg5[%add3A_65] : memref<6451200xf32, #tpu.memory_space<hbm>> -> memref<400xf32, #tpu.memory_space<hbm>>
    tpu.wait_dma2 semaphore(%arg20 : memref<!tpu.dma_semaphore, #tpu.memory_space<semaphore_mem>>) src(%dma_wait3A_84 : memref<400xf32, #tpu.memory_space<hbm>>) dst(%arg11 : memref<400xf32, #tpu.memory_space<vmem>>)
    %dma_start3A_85 = arith.constant 1 : i32
    %dma_start3A_86 = arith.constant 0 : i32
    %dma_start3A_87 = tpu.memref_slice %arg7[%dma_start3A_85, %dma_start3A_86] : memref<2x400xi32, #tpu.memory_space<vmem>> -> memref<1x400xi32, #tpu.memory_space<vmem>>
    %dma_start3A_88 = tpu.memref_squeeze %dma_start3A_87 : memref<1x400xi32, #tpu.memory_space<vmem>> -> memref<400xi32, #tpu.memory_space<vmem>>
    %dma_start3A_89 = arith.constant 0 : i32
    %dma_start3A_90 = arith.constant 0 : i32
    %dma_start3A_91 = tpu.memref_slice %arg2[%dma_start3A_89, %dma_start3A_90] : memref<100096x16xf32, #tpu.memory_space<hbm>> -> memref<100096x16xf32, #tpu.memory_space<hbm>>
    tpu.enqueue_indirect_dma source(%dma_start3A_91 : memref<100096x16xf32, #tpu.memory_space<hbm>>) target(%arg15 : memref<400x16xf32, #tpu.memory_space<vmem>>) offsets(%dma_start3A_88 : memref<400xi32, #tpu.memory_space<vmem>>) semaphore(%arg24 : memref<!tpu.dma_semaphore, #tpu.memory_space<semaphore_mem>>)
    %add3A_92 = arith.constant 400 : i32
    %add3A_93 = arith.addi %mul3A_42, %add3A_92 : i32
    %dma_start3A_94 = arith.constant 0 : i32
    %dma_start3A_95 = arith.constant 0 : i32
    %dma_start3A_96 = tpu.memref_slice %arg8[%dma_start3A_94, %dma_start3A_95] : memref<2x400xi32, #tpu.memory_space<vmem>> -> memref<1x400xi32, #tpu.memory_space<vmem>>
    %dma_start3A_97 = tpu.memref_squeeze %dma_start3A_96 : memref<1x400xi32, #tpu.memory_space<vmem>> -> memref<400xi32, #tpu.memory_space<vmem>>
    %dma_start3A_98 = tpu.memref_slice %arg3[%add3A_93] : memref<6451200xi32, #tpu.memory_space<hbm>> -> memref<400xi32, #tpu.memory_space<hbm>>
    %dma_start3A_99 = arith.constant 0 : i32
    %dma_start3A_100 = tpu.memref_slice %arg8[%dma_start3A_94, %dma_start3A_99] : memref<2x400xi32, #tpu.memory_space<vmem>> -> memref<1x400xi32, #tpu.memory_space<vmem>>
    %dma_start3A_101 = tpu.memref_squeeze %dma_start3A_100 : memref<1x400xi32, #tpu.memory_space<vmem>> -> memref<400xi32, #tpu.memory_space<vmem>>
    %dma_start3A_102 = tpu.memref_slice %arg3[%add3A_93] : memref<6451200xi32, #tpu.memory_space<hbm>> -> memref<400xi32, #tpu.memory_space<hbm>>
    tpu.enqueue_dma source(%dma_start3A_102 : memref<400xi32, #tpu.memory_space<hbm>>) target(%dma_start3A_101 : memref<400xi32, #tpu.memory_space<vmem>>) target_semaphore(%arg21 : memref<!tpu.dma_semaphore, #tpu.memory_space<semaphore_mem>>)
    %dma_start3A_103 = arith.constant 1 : i32
    %dma_start3A_104 = arith.constant 0 : i32
    %dma_start3A_105 = tpu.memref_slice %arg8[%dma_start3A_103, %dma_start3A_104] : memref<2x400xi32, #tpu.memory_space<vmem>> -> memref<1x400xi32, #tpu.memory_space<vmem>>
    %dma_start3A_106 = tpu.memref_squeeze %dma_start3A_105 : memref<1x400xi32, #tpu.memory_space<vmem>> -> memref<400xi32, #tpu.memory_space<vmem>>
    %dma_start3A_107 = tpu.memref_slice %arg4[%add3A_93] : memref<6451200xi32, #tpu.memory_space<hbm>> -> memref<400xi32, #tpu.memory_space<hbm>>
    %dma_start3A_108 = arith.constant 0 : i32
    %dma_start3A_109 = tpu.memref_slice %arg8[%dma_start3A_103, %dma_start3A_108] : memref<2x400xi32, #tpu.memory_space<vmem>> -> memref<1x400xi32, #tpu.memory_space<vmem>>
    %dma_start3A_110 = tpu.memref_squeeze %dma_start3A_109 : memref<1x400xi32, #tpu.memory_space<vmem>> -> memref<400xi32, #tpu.memory_space<vmem>>
    %dma_start3A_111 = tpu.memref_slice %arg4[%add3A_93] : memref<6451200xi32, #tpu.memory_space<hbm>> -> memref<400xi32, #tpu.memory_space<hbm>>
    tpu.enqueue_dma source(%dma_start3A_111 : memref<400xi32, #tpu.memory_space<hbm>>) target(%dma_start3A_110 : memref<400xi32, #tpu.memory_space<vmem>>) target_semaphore(%arg21 : memref<!tpu.dma_semaphore, #tpu.memory_space<semaphore_mem>>)
    %dma_start3A_112 = tpu.memref_slice %arg5[%add3A_93] : memref<6451200xf32, #tpu.memory_space<hbm>> -> memref<400xf32, #tpu.memory_space<hbm>>
    %dma_start3A_113 = tpu.memref_slice %arg5[%add3A_93] : memref<6451200xf32, #tpu.memory_space<hbm>> -> memref<400xf32, #tpu.memory_space<hbm>>
    tpu.enqueue_dma source(%dma_start3A_113 : memref<400xf32, #tpu.memory_space<hbm>>) target(%arg12 : memref<400xf32, #tpu.memory_space<vmem>>) target_semaphore(%arg21 : memref<!tpu.dma_semaphore, #tpu.memory_space<semaphore_mem>>)
    %scan3A_114 = arith.constant 0 : i32
    %scan3A_115 = arith.constant 0 : i32
    %scan3A_116 = arith.constant 126 : i32
    %scan3A_117 = arith.addi %scan3A_115, %scan3A_116 : i32
    %scan3A_118 = arith.constant 1 : i32
    %scan3A_119 = scf.for %scan3A_233 = %scan3A_115 to %scan3A_117 step %scan3A_118 iter_args(%scan3A_234 = %scan3A_114) -> (i32)  : i32 {
      %mul3A_235 = arith.constant 4 : i32
      %mul3A_236 = arith.muli %mul3A_235, %scan3A_233 : i32
      %add3A_237 = arith.constant 0 : i32
      %add3A_238 = arith.addi %mul3A_236, %add3A_237 : i32
      %gt3A = arith.constant 0 : i32
      %gt3A_239 = arith.cmpi sgt, %scan3A_233, %gt3A : i32
      %convert_element_type3A = arith.extui %gt3A_239 : i1 to i32
      %cond3A = arith.constant 0 : i32
      %cond3A_240 = arith.cmpi ne, %convert_element_type3A, %cond3A : i32
      scf.if %cond3A_240 {
        %dma_wait3A_517 = arith.constant 0 : i32
        %dma_wait3A_518 = arith.constant 0 : i32
        %dma_wait3A_519 = tpu.memref_slice %arg9[%dma_wait3A_517, %dma_wait3A_518] : memref<2x400xi32, #tpu.memory_space<vmem>> -> memref<1x400xi32, #tpu.memory_space<vmem>>
        %dma_wait3A_520 = tpu.memref_squeeze %dma_wait3A_519 : memref<1x400xi32, #tpu.memory_space<vmem>> -> memref<400xi32, #tpu.memory_space<vmem>>
        %dma_wait3A_521 = arith.constant 0 : i32
        %dma_wait3A_522 = arith.constant 0 : i32
        %dma_wait3A_523 = tpu.memref_slice %arg19[%dma_wait3A_521, %dma_wait3A_522] : memref<100096x16xf32, #tpu.memory_space<vmem_shared>> -> memref<100096x16xf32, #tpu.memory_space<vmem_shared>>
        tpu.wait_indirect_dma semaphore(%arg30 : memref<!tpu.dma_semaphore, #tpu.memory_space<semaphore_mem>>) src(%arg17 : memref<400x16xf32, #tpu.memory_space<vmem>>) dst(%dma_wait3A_523 : memref<100096x16xf32, #tpu.memory_space<vmem_shared>>)
      } else {
      }
      %add3A_241 = arith.constant 2 : i32
      %add3A_242 = arith.addi %add3A_238, %add3A_241 : i32
      %mul3A_243 = arith.constant 400 : i32
      %mul3A_244 = arith.muli %add3A_242, %mul3A_243 : i32
      %add3A_245 = arith.addi %mul3A_42, %mul3A_244 : i32
      %dma_start3A_246 = arith.constant 0 : i32
      %dma_start3A_247 = arith.constant 0 : i32
      %dma_start3A_248 = tpu.memref_slice %arg9[%dma_start3A_246, %dma_start3A_247] : memref<2x400xi32, #tpu.memory_space<vmem>> -> memref<1x400xi32, #tpu.memory_space<vmem>>
      %dma_start3A_249 = tpu.memref_squeeze %dma_start3A_248 : memref<1x400xi32, #tpu.memory_space<vmem>> -> memref<400xi32, #tpu.memory_space<vmem>>
      %dma_start3A_250 = tpu.memref_slice %arg3[%add3A_245] : memref<6451200xi32, #tpu.memory_space<hbm>> -> memref<400xi32, #tpu.memory_space<hbm>>
      %dma_start3A_251 = arith.constant 0 : i32
      %dma_start3A_252 = tpu.memref_slice %arg9[%dma_start3A_246, %dma_start3A_251] : memref<2x400xi32, #tpu.memory_space<vmem>> -> memref<1x400xi32, #tpu.memory_space<vmem>>
      %dma_start3A_253 = tpu.memref_squeeze %dma_start3A_252 : memref<1x400xi32, #tpu.memory_space<vmem>> -> memref<400xi32, #tpu.memory_space<vmem>>
      %dma_start3A_254 = tpu.memref_slice %arg3[%add3A_245] : memref<6451200xi32, #tpu.memory_space<hbm>> -> memref<400xi32, #tpu.memory_space<hbm>>
      tpu.enqueue_dma source(%dma_start3A_254 : memref<400xi32, #tpu.memory_space<hbm>>) target(%dma_start3A_253 : memref<400xi32, #tpu.memory_space<vmem>>) target_semaphore(%arg22 : memref<!tpu.dma_semaphore, #tpu.memory_space<semaphore_mem>>)
      %dma_start3A_255 = arith.constant 1 : i32
      %dma_start3A_256 = arith.constant 0 : i32
      %dma_start3A_257 = tpu.memref_slice %arg9[%dma_start3A_255, %dma_start3A_256] : memref<2x400xi32, #tpu.memory_space<vmem>> -> memref<1x400xi32, #tpu.memory_space<vmem>>
      %dma_start3A_258 = tpu.memref_squeeze %dma_start3A_257 : memref<1x400xi32, #tpu.memory_space<vmem>> -> memref<400xi32, #tpu.memory_space<vmem>>
      %dma_start3A_259 = tpu.memref_slice %arg4[%add3A_245] : memref<6451200xi32, #tpu.memory_space<hbm>> -> memref<400xi32, #tpu.memory_space<hbm>>
      %dma_start3A_260 = arith.constant 0 : i32
      %dma_start3A_261 = tpu.memref_slice %arg9[%dma_start3A_255, %dma_start3A_260] : memref<2x400xi32, #tpu.memory_space<vmem>> -> memref<1x400xi32, #tpu.memory_space<vmem>>
      %dma_start3A_262 = tpu.memref_squeeze %dma_start3A_261 : memref<1x400xi32, #tpu.memory_space<vmem>> -> memref<400xi32, #tpu.memory_space<vmem>>
      %dma_start3A_263 = tpu.memref_slice %arg4[%add3A_245] : memref<6451200xi32, #tpu.memory_space<hbm>> -> memref<400xi32, #tpu.memory_space<hbm>>
      tpu.enqueue_dma source(%dma_start3A_263 : memref<400xi32, #tpu.memory_space<hbm>>) target(%dma_start3A_262 : memref<400xi32, #tpu.memory_space<vmem>>) target_semaphore(%arg22 : memref<!tpu.dma_semaphore, #tpu.memory_space<semaphore_mem>>)
      %dma_start3A_264 = tpu.memref_slice %arg5[%add3A_245] : memref<6451200xf32, #tpu.memory_space<hbm>> -> memref<400xf32, #tpu.memory_space<hbm>>
      %dma_start3A_265 = tpu.memref_slice %arg5[%add3A_245] : memref<6451200xf32, #tpu.memory_space<hbm>> -> memref<400xf32, #tpu.memory_space<hbm>>
      tpu.enqueue_dma source(%dma_start3A_265 : memref<400xf32, #tpu.memory_space<hbm>>) target(%arg13 : memref<400xf32, #tpu.memory_space<vmem>>) target_semaphore(%arg22 : memref<!tpu.dma_semaphore, #tpu.memory_space<semaphore_mem>>)
      %add3A_266 = arith.constant 1 : i32
      %add3A_267 = arith.addi %add3A_238, %add3A_266 : i32
      %mul3A_268 = arith.constant 400 : i32
      %mul3A_269 = arith.muli %add3A_267, %mul3A_268 : i32
      %add3A_270 = arith.addi %mul3A_42, %mul3A_269 : i32
      %dma_wait3A_271 = arith.constant 0 : i32
      %dma_wait3A_272 = arith.constant 0 : i32
      %dma_wait3A_273 = tpu.memref_slice %arg8[%dma_wait3A_271, %dma_wait3A_272] : memref<2x400xi32, #tpu.memory_space<vmem>> -> memref<1x400xi32, #tpu.memory_space<vmem>>
      %dma_wait3A_274 = tpu.memref_squeeze %dma_wait3A_273 : memref<1x400xi32, #tpu.memory_space<vmem>> -> memref<400xi32, #tpu.memory_space<vmem>>
      %dma_wait3A_275 = tpu.memref_slice %arg3[%add3A_270] : memref<6451200xi32, #tpu.memory_space<hbm>> -> memref<400xi32, #tpu.memory_space<hbm>>
      %dma_wait3A_276 = arith.constant 0 : i32
      %dma_wait3A_277 = tpu.memref_slice %arg8[%dma_wait3A_271, %dma_wait3A_276] : memref<2x400xi32, #tpu.memory_space<vmem>> -> memref<1x400xi32, #tpu.memory_space<vmem>>
      %dma_wait3A_278 = tpu.memref_squeeze %dma_wait3A_277 : memref<1x400xi32, #tpu.memory_space<vmem>> -> memref<400xi32, #tpu.memory_space<vmem>>
      %dma_wait3A_279 = tpu.memref_slice %arg3[%add3A_270] : memref<6451200xi32, #tpu.memory_space<hbm>> -> memref<400xi32, #tpu.memory_space<hbm>>
      tpu.wait_dma2 semaphore(%arg21 : memref<!tpu.dma_semaphore, #tpu.memory_space<semaphore_mem>>) src(%dma_wait3A_279 : memref<400xi32, #tpu.memory_space<hbm>>) dst(%dma_wait3A_278 : memref<400xi32, #tpu.memory_space<vmem>>)
      %dma_wait3A_280 = arith.constant 1 : i32
      %dma_wait3A_281 = arith.constant 0 : i32
      %dma_wait3A_282 = tpu.memref_slice %arg8[%dma_wait3A_280, %dma_wait3A_281] : memref<2x400xi32, #tpu.memory_space<vmem>> -> memref<1x400xi32, #tpu.memory_space<vmem>>
      %dma_wait3A_283 = tpu.memref_squeeze %dma_wait3A_282 : memref<1x400xi32, #tpu.memory_space<vmem>> -> memref<400xi32, #tpu.memory_space<vmem>>
      %dma_wait3A_284 = tpu.memref_slice %arg4[%add3A_270] : memref<6451200xi32, #tpu.memory_space<hbm>> -> memref<400xi32, #tpu.memory_space<hbm>>
      %dma_wait3A_285 = arith.constant 0 : i32
      %dma_wait3A_286 = tpu.memref_slice %arg8[%dma_wait3A_280, %dma_wait3A_285] : memref<2x400xi32, #tpu.memory_space<vmem>> -> memref<1x400xi32, #tpu.memory_space<vmem>>
      %dma_wait3A_287 = tpu.memref_squeeze %dma_wait3A_286 : memref<1x400xi32, #tpu.memory_space<vmem>> -> memref<400xi32, #tpu.memory_space<vmem>>
      %dma_wait3A_288 = tpu.memref_slice %arg4[%add3A_270] : memref<6451200xi32, #tpu.memory_space<hbm>> -> memref<400xi32, #tpu.memory_space<hbm>>
      tpu.wait_dma2 semaphore(%arg21 : memref<!tpu.dma_semaphore, #tpu.memory_space<semaphore_mem>>) src(%dma_wait3A_288 : memref<400xi32, #tpu.memory_space<hbm>>) dst(%dma_wait3A_287 : memref<400xi32, #tpu.memory_space<vmem>>)
      %dma_wait3A_289 = tpu.memref_slice %arg5[%add3A_270] : memref<6451200xf32, #tpu.memory_space<hbm>> -> memref<400xf32, #tpu.memory_space<hbm>>
      %dma_wait3A_290 = tpu.memref_slice %arg5[%add3A_270] : memref<6451200xf32, #tpu.memory_space<hbm>> -> memref<400xf32, #tpu.memory_space<hbm>>
      tpu.wait_dma2 semaphore(%arg21 : memref<!tpu.dma_semaphore, #tpu.memory_space<semaphore_mem>>) src(%dma_wait3A_290 : memref<400xf32, #tpu.memory_space<hbm>>) dst(%arg12 : memref<400xf32, #tpu.memory_space<vmem>>)
      %dma_start3A_291 = arith.constant 1 : i32
      %dma_start3A_292 = arith.constant 0 : i32
      %dma_start3A_293 = tpu.memref_slice %arg8[%dma_start3A_291, %dma_start3A_292] : memref<2x400xi32, #tpu.memory_space<vmem>> -> memref<1x400xi32, #tpu.memory_space<vmem>>
      %dma_start3A_294 = tpu.memref_squeeze %dma_start3A_293 : memref<1x400xi32, #tpu.memory_space<vmem>> -> memref<400xi32, #tpu.memory_space<vmem>>
      %dma_start3A_295 = arith.constant 0 : i32
      %dma_start3A_296 = arith.constant 0 : i32
      %dma_start3A_297 = tpu.memref_slice %arg2[%dma_start3A_295, %dma_start3A_296] : memref<100096x16xf32, #tpu.memory_space<hbm>> -> memref<100096x16xf32, #tpu.memory_space<hbm>>
      tpu.enqueue_indirect_dma source(%dma_start3A_297 : memref<100096x16xf32, #tpu.memory_space<hbm>>) target(%arg16 : memref<400x16xf32, #tpu.memory_space<vmem>>) offsets(%dma_start3A_294 : memref<400xi32, #tpu.memory_space<vmem>>) semaphore(%arg25 : memref<!tpu.dma_semaphore, #tpu.memory_space<semaphore_mem>>)
      %dma_wait3A_298 = arith.constant 1 : i32
      %dma_wait3A_299 = arith.constant 0 : i32
      %dma_wait3A_300 = tpu.memref_slice %arg7[%dma_wait3A_298, %dma_wait3A_299] : memref<2x400xi32, #tpu.memory_space<vmem>> -> memref<1x400xi32, #tpu.memory_space<vmem>>
      %dma_wait3A_301 = tpu.memref_squeeze %dma_wait3A_300 : memref<1x400xi32, #tpu.memory_space<vmem>> -> memref<400xi32, #tpu.memory_space<vmem>>
      %dma_wait3A_302 = arith.constant 0 : i32
      %dma_wait3A_303 = arith.constant 0 : i32
      %dma_wait3A_304 = tpu.memref_slice %arg2[%dma_wait3A_302, %dma_wait3A_303] : memref<100096x16xf32, #tpu.memory_space<hbm>> -> memref<100096x16xf32, #tpu.memory_space<hbm>>
      tpu.wait_indirect_dma semaphore(%arg24 : memref<!tpu.dma_semaphore, #tpu.memory_space<semaphore_mem>>) src(%dma_wait3A_304 : memref<100096x16xf32, #tpu.memory_space<hbm>>) dst(%arg15 : memref<400x16xf32, #tpu.memory_space<vmem>>)
      %scan3A_305 = arith.constant 0 : i32
      %scan3A_306 = arith.constant 0 : i32
      %scan3A_307 = arith.constant 25 : i32
      %scan3A_308 = arith.addi %scan3A_306, %scan3A_307 : i32
      %scan3A_309 = arith.constant 1 : i32
      %scan3A_310 = scf.for %scan3A_517 = %scan3A_306 to %scan3A_308 step %scan3A_309 iter_args(%scan3A_518 = %scan3A_305) -> (i32)  : i32 {
        %mul3A_519 = arith.constant 16 : i32
        %mul3A_520 = arith.muli %scan3A_517, %mul3A_519 : i32
        %get3A = arith.index_cast %mul3A_520 : i32 to index
        %get3A_521 = tpu.vector_load %arg11[%get3A] {strides = array<i32>} : memref<400xf32, #tpu.memory_space<vmem>>, vector<16xf32>,
        %get3A_522 = vector.shape_cast %get3A_521 : vector<16xf32> to vector<16xf32>
        %mul3A_523 = arith.constant 16 : i32
        %mul3A_524 = arith.muli %scan3A_517, %mul3A_523 : i32
        %add3A_525 = arith.constant 0 : i32
        %add3A_526 = arith.addi %mul3A_524, %add3A_525 : i32
        %broadcast_in_dim3A = arith.constant 0 : i32
        %broadcast_in_dim3A_527 = vector.broadcast %broadcast_in_dim3A : i32 to vector<16x1xi32>
        %gather3A = vector.shape_cast %broadcast_in_dim3A_527 : vector<16x1xi32> to vector<16xi32>
        %gather3A_528 = tpu.dynamic_gather %get3A_522[%gather3A] in [0] : vector<16xf32>, vector<16xi32> -> vector<16xf32>
        %get3A_529 = arith.index_cast %add3A_526 : i32 to index
        %get3A_530 = arith.constant 0 : index
        %get3A_531 = tpu.vector_load %arg15[%get3A_529, %get3A_530] {strides = array<i32>} : memref<400x16xf32, #tpu.memory_space<vmem>>, vector<1x16xf32>,
        %get3A_532 = vector.shape_cast %get3A_531 : vector<1x16xf32> to vector<16xf32>
        %mul3A_533 = arith.mulf %get3A_532, %gather3A_528 : vector<16xf32>
        %swap3A = arith.index_cast %add3A_526 : i32 to index
        %swap3A_534 = arith.constant 0 : index
        %swap3A_535 = tpu.vector_load %arg15[%swap3A, %swap3A_534] {strides = array<i32>} : memref<400x16xf32, #tpu.memory_space<vmem>>, vector<1x16xf32>,
        %swap3A_536 = vector.shape_cast %swap3A_535 : vector<1x16xf32> to vector<16xf32>
        %swap3A_537 = vector.shape_cast %mul3A_533 : vector<16xf32> to vector<1x16xf32>
        tpu.vector_store %arg15[%swap3A, %swap3A_534], %swap3A_537 {strides = array<i32>} : memref<400x16xf32, #tpu.memory_space<vmem>>, vector<1x16xf32>,
        %mul3A_538 = arith.constant 16 : i32
        %mul3A_539 = arith.muli %scan3A_517, %mul3A_538 : i32
        %add3A_540 = arith.constant 1 : i32
        %add3A_541 = arith.addi %mul3A_539, %add3A_540 : i32
        %broadcast_in_dim3A_542 = arith.constant 1 : i32
        %broadcast_in_dim3A_543 = vector.broadcast %broadcast_in_dim3A_542 : i32 to vector<16x1xi32>
        %gather3A_544 = vector.shape_cast %broadcast_in_dim3A_543 : vector<16x1xi32> to vector<16xi32>
        %gather3A_545 = tpu.dynamic_gather %get3A_522[%gather3A_544] in [0] : vector<16xf32>, vector<16xi32> -> vector<16xf32>
        %get3A_546 = arith.index_cast %add3A_541 : i32 to index
        %get3A_547 = arith.constant 0 : index
        %get3A_548 = tpu.vector_load %arg15[%get3A_546, %get3A_547] {strides = array<i32>} : memref<400x16xf32, #tpu.memory_space<vmem>>, vector<1x16xf32>,
        %get3A_549 = vector.shape_cast %get3A_548 : vector<1x16xf32> to vector<16xf32>
        %mul3A_550 = arith.mulf %get3A_549, %gather3A_545 : vector<16xf32>
        %swap3A_551 = arith.index_cast %add3A_541 : i32 to index
        %swap3A_552 = arith.constant 0 : index
        %swap3A_553 = tpu.vector_load %arg15[%swap3A_551, %swap3A_552] {strides = array<i32>} : memref<400x16xf32, #tpu.memory_space<vmem>>, vector<1x16xf32>,
        %swap3A_554 = vector.shape_cast %swap3A_553 : vector<1x16xf32> to vector<16xf32>
        %swap3A_555 = vector.shape_cast %mul3A_550 : vector<16xf32> to vector<1x16xf32>
        tpu.vector_store %arg15[%swap3A_551, %swap3A_552], %swap3A_555 {strides = array<i32>} : memref<400x16xf32, #tpu.memory_space<vmem>>, vector<1x16xf32>,
        %mul3A_556 = arith.constant 16 : i32
        %mul3A_557 = arith.muli %scan3A_517, %mul3A_556 : i32
        %add3A_558 = arith.constant 2 : i32
        %add3A_559 = arith.addi %mul3A_557, %add3A_558 : i32
        %broadcast_in_dim3A_560 = arith.constant 2 : i32
        %broadcast_in_dim3A_561 = vector.broadcast %broadcast_in_dim3A_560 : i32 to vector<16x1xi32>
        %gather3A_562 = vector.shape_cast %broadcast_in_dim3A_561 : vector<16x1xi32> to vector<16xi32>
        %gather3A_563 = tpu.dynamic_gather %get3A_522[%gather3A_562] in [0] : vector<16xf32>, vector<16xi32> -> vector<16xf32>
        %get3A_564 = arith.index_cast %add3A_559 : i32 to index
        %get3A_565 = arith.constant 0 : index
        %get3A_566 = tpu.vector_load %arg15[%get3A_564, %get3A_565] {strides = array<i32>} : memref<400x16xf32, #tpu.memory_space<vmem>>, vector<1x16xf32>,
        %get3A_567 = vector.shape_cast %get3A_566 : vector<1x16xf32> to vector<16xf32>
        %mul3A_568 = arith.mulf %get3A_567, %gather3A_563 : vector<16xf32>
        %swap3A_569 = arith.index_cast %add3A_559 : i32 to index
        %swap3A_570 = arith.constant 0 : index
        %swap3A_571 = tpu.vector_load %arg15[%swap3A_569, %swap3A_570] {strides = array<i32>} : memref<400x16xf32, #tpu.memory_space<vmem>>, vector<1x16xf32>,
        %swap3A_572 = vector.shape_cast %swap3A_571 : vector<1x16xf32> to vector<16xf32>
        %swap3A_573 = vector.shape_cast %mul3A_568 : vector<16xf32> to vector<1x16xf32>
        tpu.vector_store %arg15[%swap3A_569, %swap3A_570], %swap3A_573 {strides = array<i32>} : memref<400x16xf32, #tpu.memory_space<vmem>>, vector<1x16xf32>,
        %mul3A_574 = arith.constant 16 : i32
        %mul3A_575 = arith.muli %scan3A_517, %mul3A_574 : i32
        %add3A_576 = arith.constant 3 : i32
        %add3A_577 = arith.addi %mul3A_575, %add3A_576 : i32
        %broadcast_in_dim3A_578 = arith.constant 3 : i32
        %broadcast_in_dim3A_579 = vector.broadcast %broadcast_in_dim3A_578 : i32 to vector<16x1xi32>
        %gather3A_580 = vector.shape_cast %broadcast_in_dim3A_579 : vector<16x1xi32> to vector<16xi32>
        %gather3A_581 = tpu.dynamic_gather %get3A_522[%gather3A_580] in [0] : vector<16xf32>, vector<16xi32> -> vector<16xf32>
        %get3A_582 = arith.index_cast %add3A_577 : i32 to index
        %get3A_583 = arith.constant 0 : index
        %get3A_584 = tpu.vector_load %arg15[%get3A_582, %get3A_583] {strides = array<i32>} : memref<400x16xf32, #tpu.memory_space<vmem>>, vector<1x16xf32>,
        %get3A_585 = vector.shape_cast %get3A_584 : vector<1x16xf32> to vector<16xf32>
        %mul3A_586 = arith.mulf %get3A_585, %gather3A_581 : vector<16xf32>
        %swap3A_587 = arith.index_cast %add3A_577 : i32 to index
        %swap3A_588 = arith.constant 0 : index
        %swap3A_589 = tpu.vector_load %arg15[%swap3A_587, %swap3A_588] {strides = array<i32>} : memref<400x16xf32, #tpu.memory_space<vmem>>, vector<1x16xf32>,
        %swap3A_590 = vector.shape_cast %swap3A_589 : vector<1x16xf32> to vector<16xf32>
        %swap3A_591 = vector.shape_cast %mul3A_586 : vector<16xf32> to vector<1x16xf32>
        tpu.vector_store %arg15[%swap3A_587, %swap3A_588], %swap3A_591 {strides = array<i32>} : memref<400x16xf32, #tpu.memory_space<vmem>>, vector<1x16xf32>,
        %mul3A_592 = arith.constant 16 : i32
        %mul3A_593 = arith.muli %scan3A_517, %mul3A_592 : i32
        %add3A_594 = arith.constant 4 : i32
        %add3A_595 = arith.addi %mul3A_593, %add3A_594 : i32
        %broadcast_in_dim3A_596 = arith.constant 4 : i32
        %broadcast_in_dim3A_597 = vector.broadcast %broadcast_in_dim3A_596 : i32 to vector<16x1xi32>
        %gather3A_598 = vector.shape_cast %broadcast_in_dim3A_597 : vector<16x1xi32> to vector<16xi32>
        %gather3A_599 = tpu.dynamic_gather %get3A_522[%gather3A_598] in [0] : vector<16xf32>, vector<16xi32> -> vector<16xf32>
        %get3A_600 = arith.index_cast %add3A_595 : i32 to index
        %get3A_601 = arith.constant 0 : index
        %get3A_602 = tpu.vector_load %arg15[%get3A_600, %get3A_601] {strides = array<i32>} : memref<400x16xf32, #tpu.memory_space<vmem>>, vector<1x16xf32>,
        %get3A_603 = vector.shape_cast %get3A_602 : vector<1x16xf32> to vector<16xf32>
        %mul3A_604 = arith.mulf %get3A_603, %gather3A_599 : vector<16xf32>
        %swap3A_605 = arith.index_cast %add3A_595 : i32 to index
        %swap3A_606 = arith.constant 0 : index
        %swap3A_607 = tpu.vector_load %arg15[%swap3A_605, %swap3A_606] {strides = array<i32>} : memref<400x16xf32, #tpu.memory_space<vmem>>, vector<1x16xf32>,
        %swap3A_608 = vector.shape_cast %swap3A_607 : vector<1x16xf32> to vector<16xf32>
        %swap3A_609 = vector.shape_cast %mul3A_604 : vector<16xf32> to vector<1x16xf32>
        tpu.vector_store %arg15[%swap3A_605, %swap3A_606], %swap3A_609 {strides = array<i32>} : memref<400x16xf32, #tpu.memory_space<vmem>>, vector<1x16xf32>,
        %mul3A_610 = arith.constant 16 : i32
        %mul3A_611 = arith.muli %scan3A_517, %mul3A_610 : i32
        %add3A_612 = arith.constant 5 : i32
        %add3A_613 = arith.addi %mul3A_611, %add3A_612 : i32
        %broadcast_in_dim3A_614 = arith.constant 5 : i32
        %broadcast_in_dim3A_615 = vector.broadcast %broadcast_in_dim3A_614 : i32 to vector<16x1xi32>
        %gather3A_616 = vector.shape_cast %broadcast_in_dim3A_615 : vector<16x1xi32> to vector<16xi32>
        %gather3A_617 = tpu.dynamic_gather %get3A_522[%gather3A_616] in [0] : vector<16xf32>, vector<16xi32> -> vector<16xf32>
        %get3A_618 = arith.index_cast %add3A_613 : i32 to index
        %get3A_619 = arith.constant 0 : index
        %get3A_620 = tpu.vector_load %arg15[%get3A_618, %get3A_619] {strides = array<i32>} : memref<400x16xf32, #tpu.memory_space<vmem>>, vector<1x16xf32>,
        %get3A_621 = vector.shape_cast %get3A_620 : vector<1x16xf32> to vector<16xf32>
        %mul3A_622 = arith.mulf %get3A_621, %gather3A_617 : vector<16xf32>
        %swap3A_623 = arith.index_cast %add3A_613 : i32 to index
        %swap3A_624 = arith.constant 0 : index
        %swap3A_625 = tpu.vector_load %arg15[%swap3A_623, %swap3A_624] {strides = array<i32>} : memref<400x16xf32, #tpu.memory_space<vmem>>, vector<1x16xf32>,
        %swap3A_626 = vector.shape_cast %swap3A_625 : vector<1x16xf32> to vector<16xf32>
        %swap3A_627 = vector.shape_cast %mul3A_622 : vector<16xf32> to vector<1x16xf32>
        tpu.vector_store %arg15[%swap3A_623, %swap3A_624], %swap3A_627 {strides = array<i32>} : memref<400x16xf32, #tpu.memory_space<vmem>>, vector<1x16xf32>,
        %mul3A_628 = arith.constant 16 : i32
        %mul3A_629 = arith.muli %scan3A_517, %mul3A_628 : i32
        %add3A_630 = arith.constant 6 : i32
        %add3A_631 = arith.addi %mul3A_629, %add3A_630 : i32
        %broadcast_in_dim3A_632 = arith.constant 6 : i32
        %broadcast_in_dim3A_633 = vector.broadcast %broadcast_in_dim3A_632 : i32 to vector<16x1xi32>
        %gather3A_634 = vector.shape_cast %broadcast_in_dim3A_633 : vector<16x1xi32> to vector<16xi32>
        %gather3A_635 = tpu.dynamic_gather %get3A_522[%gather3A_634] in [0] : vector<16xf32>, vector<16xi32> -> vector<16xf32>
        %get3A_636 = arith.index_cast %add3A_631 : i32 to index
        %get3A_637 = arith.constant 0 : index
        %get3A_638 = tpu.vector_load %arg15[%get3A_636, %get3A_637] {strides = array<i32>} : memref<400x16xf32, #tpu.memory_space<vmem>>, vector<1x16xf32>,
        %get3A_639 = vector.shape_cast %get3A_638 : vector<1x16xf32> to vector<16xf32>
        %mul3A_640 = arith.mulf %get3A_639, %gather3A_635 : vector<16xf32>
        %swap3A_641 = arith.index_cast %add3A_631 : i32 to index
        %swap3A_642 = arith.constant 0 : index
        %swap3A_643 = tpu.vector_load %arg15[%swap3A_641, %swap3A_642] {strides = array<i32>} : memref<400x16xf32, #tpu.memory_space<vmem>>, vector<1x16xf32>,
        %swap3A_644 = vector.shape_cast %swap3A_643 : vector<1x16xf32> to vector<16xf32>
        %swap3A_645 = vector.shape_cast %mul3A_640 : vector<16xf32> to vector<1x16xf32>
        tpu.vector_store %arg15[%swap3A_641, %swap3A_642], %swap3A_645 {strides = array<i32>} : memref<400x16xf32, #tpu.memory_space<vmem>>, vector<1x16xf32>,
        %mul3A_646 = arith.constant 16 : i32
        %mul3A_647 = arith.muli %scan3A_517, %mul3A_646 : i32
        %add3A_648 = arith.constant 7 : i32
        %add3A_649 = arith.addi %mul3A_647, %add3A_648 : i32
        %broadcast_in_dim3A_650 = arith.constant 7 : i32
        %broadcast_in_dim3A_651 = vector.broadcast %broadcast_in_dim3A_650 : i32 to vector<16x1xi32>
        %gather3A_652 = vector.shape_cast %broadcast_in_dim3A_651 : vector<16x1xi32> to vector<16xi32>
        %gather3A_653 = tpu.dynamic_gather %get3A_522[%gather3A_652] in [0] : vector<16xf32>, vector<16xi32> -> vector<16xf32>
        %get3A_654 = arith.index_cast %add3A_649 : i32 to index
        %get3A_655 = arith.constant 0 : index
        %get3A_656 = tpu.vector_load %arg15[%get3A_654, %get3A_655] {strides = array<i32>} : memref<400x16xf32, #tpu.memory_space<vmem>>, vector<1x16xf32>,
        %get3A_657 = vector.shape_cast %get3A_656 : vector<1x16xf32> to vector<16xf32>
        %mul3A_658 = arith.mulf %get3A_657, %gather3A_653 : vector<16xf32>
        %swap3A_659 = arith.index_cast %add3A_649 : i32 to index
        %swap3A_660 = arith.constant 0 : index
        %swap3A_661 = tpu.vector_load %arg15[%swap3A_659, %swap3A_660] {strides = array<i32>} : memref<400x16xf32, #tpu.memory_space<vmem>>, vector<1x16xf32>,
        %swap3A_662 = vector.shape_cast %swap3A_661 : vector<1x16xf32> to vector<16xf32>
        %swap3A_663 = vector.shape_cast %mul3A_658 : vector<16xf32> to vector<1x16xf32>
        tpu.vector_store %arg15[%swap3A_659, %swap3A_660], %swap3A_663 {strides = array<i32>} : memref<400x16xf32, #tpu.memory_space<vmem>>, vector<1x16xf32>,
        %mul3A_664 = arith.constant 16 : i32
        %mul3A_665 = arith.muli %scan3A_517, %mul3A_664 : i32
        %add3A_666 = arith.constant 8 : i32
        %add3A_667 = arith.addi %mul3A_665, %add3A_666 : i32
        %broadcast_in_dim3A_668 = arith.constant 8 : i32
        %broadcast_in_dim3A_669 = vector.broadcast %broadcast_in_dim3A_668 : i32 to vector<16x1xi32>
        %gather3A_670 = vector.shape_cast %broadcast_in_dim3A_669 : vector<16x1xi32> to vector<16xi32>
        %gather3A_671 = tpu.dynamic_gather %get3A_522[%gather3A_670] in [0] : vector<16xf32>, vector<16xi32> -> vector<16xf32>
        %get3A_672 = arith.index_cast %add3A_667 : i32 to index
        %get3A_673 = arith.constant 0 : index
        %get3A_674 = tpu.vector_load %arg15[%get3A_672, %get3A_673] {strides = array<i32>} : memref<400x16xf32, #tpu.memory_space<vmem>>, vector<1x16xf32>,
        %get3A_675 = vector.shape_cast %get3A_674 : vector<1x16xf32> to vector<16xf32>
        %mul3A_676 = arith.mulf %get3A_675, %gather3A_671 : vector<16xf32>
        %swap3A_677 = arith.index_cast %add3A_667 : i32 to index
        %swap3A_678 = arith.constant 0 : index
        %swap3A_679 = tpu.vector_load %arg15[%swap3A_677, %swap3A_678] {strides = array<i32>} : memref<400x16xf32, #tpu.memory_space<vmem>>, vector<1x16xf32>,
        %swap3A_680 = vector.shape_cast %swap3A_679 : vector<1x16xf32> to vector<16xf32>
        %swap3A_681 = vector.shape_cast %mul3A_676 : vector<16xf32> to vector<1x16xf32>
        tpu.vector_store %arg15[%swap3A_677, %swap3A_678], %swap3A_681 {strides = array<i32>} : memref<400x16xf32, #tpu.memory_space<vmem>>, vector<1x16xf32>,
        %mul3A_682 = arith.constant 16 : i32
        %mul3A_683 = arith.muli %scan3A_517, %mul3A_682 : i32
        %add3A_684 = arith.constant 9 : i32
        %add3A_685 = arith.addi %mul3A_683, %add3A_684 : i32
        %broadcast_in_dim3A_686 = arith.constant 9 : i32
        %broadcast_in_dim3A_687 = vector.broadcast %broadcast_in_dim3A_686 : i32 to vector<16x1xi32>
        %gather3A_688 = vector.shape_cast %broadcast_in_dim3A_687 : vector<16x1xi32> to vector<16xi32>
        %gather3A_689 = tpu.dynamic_gather %get3A_522[%gather3A_688] in [0] : vector<16xf32>, vector<16xi32> -> vector<16xf32>
        %get3A_690 = arith.index_cast %add3A_685 : i32 to index
        %get3A_691 = arith.constant 0 : index
        %get3A_692 = tpu.vector_load %arg15[%get3A_690, %get3A_691] {strides = array<i32>} : memref<400x16xf32, #tpu.memory_space<vmem>>, vector<1x16xf32>,
        %get3A_693 = vector.shape_cast %get3A_692 : vector<1x16xf32> to vector<16xf32>
        %mul3A_694 = arith.mulf %get3A_693, %gather3A_689 : vector<16xf32>
        %swap3A_695 = arith.index_cast %add3A_685 : i32 to index
        %swap3A_696 = arith.constant 0 : index
        %swap3A_697 = tpu.vector_load %arg15[%swap3A_695, %swap3A_696] {strides = array<i32>} : memref<400x16xf32, #tpu.memory_space<vmem>>, vector<1x16xf32>,
        %swap3A_698 = vector.shape_cast %swap3A_697 : vector<1x16xf32> to vector<16xf32>
        %swap3A_699 = vector.shape_cast %mul3A_694 : vector<16xf32> to vector<1x16xf32>
        tpu.vector_store %arg15[%swap3A_695, %swap3A_696], %swap3A_699 {strides = array<i32>} : memref<400x16xf32, #tpu.memory_space<vmem>>, vector<1x16xf32>,
        %mul3A_700 = arith.constant 16 : i32
        %mul3A_701 = arith.muli %scan3A_517, %mul3A_700 : i32
        %add3A_702 = arith.constant 10 : i32
        %add3A_703 = arith.addi %mul3A_701, %add3A_702 : i32
        %broadcast_in_dim3A_704 = arith.constant 10 : i32
        %broadcast_in_dim3A_705 = vector.broadcast %broadcast_in_dim3A_704 : i32 to vector<16x1xi32>
        %gather3A_706 = vector.shape_cast %broadcast_in_dim3A_705 : vector<16x1xi32> to vector<16xi32>
        %gather3A_707 = tpu.dynamic_gather %get3A_522[%gather3A_706] in [0] : vector<16xf32>, vector<16xi32> -> vector<16xf32>
        %get3A_708 = arith.index_cast %add3A_703 : i32 to index
        %get3A_709 = arith.constant 0 : index
        %get3A_710 = tpu.vector_load %arg15[%get3A_708, %get3A_709] {strides = array<i32>} : memref<400x16xf32, #tpu.memory_space<vmem>>, vector<1x16xf32>,
        %get3A_711 = vector.shape_cast %get3A_710 : vector<1x16xf32> to vector<16xf32>
        %mul3A_712 = arith.mulf %get3A_711, %gather3A_707 : vector<16xf32>
        %swap3A_713 = arith.index_cast %add3A_703 : i32 to index
        %swap3A_714 = arith.constant 0 : index
        %swap3A_715 = tpu.vector_load %arg15[%swap3A_713, %swap3A_714] {strides = array<i32>} : memref<400x16xf32, #tpu.memory_space<vmem>>, vector<1x16xf32>,
        %swap3A_716 = vector.shape_cast %swap3A_715 : vector<1x16xf32> to vector<16xf32>
        %swap3A_717 = vector.shape_cast %mul3A_712 : vector<16xf32> to vector<1x16xf32>
        tpu.vector_store %arg15[%swap3A_713, %swap3A_714], %swap3A_717 {strides = array<i32>} : memref<400x16xf32, #tpu.memory_space<vmem>>, vector<1x16xf32>,
        %mul3A_718 = arith.constant 16 : i32
        %mul3A_719 = arith.muli %scan3A_517, %mul3A_718 : i32
        %add3A_720 = arith.constant 11 : i32
        %add3A_721 = arith.addi %mul3A_719, %add3A_720 : i32
        %broadcast_in_dim3A_722 = arith.constant 11 : i32
        %broadcast_in_dim3A_723 = vector.broadcast %broadcast_in_dim3A_722 : i32 to vector<16x1xi32>
        %gather3A_724 = vector.shape_cast %broadcast_in_dim3A_723 : vector<16x1xi32> to vector<16xi32>
        %gather3A_725 = tpu.dynamic_gather %get3A_522[%gather3A_724] in [0] : vector<16xf32>, vector<16xi32> -> vector<16xf32>
        %get3A_726 = arith.index_cast %add3A_721 : i32 to index
        %get3A_727 = arith.constant 0 : index
        %get3A_728 = tpu.vector_load %arg15[%get3A_726, %get3A_727] {strides = array<i32>} : memref<400x16xf32, #tpu.memory_space<vmem>>, vector<1x16xf32>,
        %get3A_729 = vector.shape_cast %get3A_728 : vector<1x16xf32> to vector<16xf32>
        %mul3A_730 = arith.mulf %get3A_729, %gather3A_725 : vector<16xf32>
        %swap3A_731 = arith.index_cast %add3A_721 : i32 to index
        %swap3A_732 = arith.constant 0 : index
        %swap3A_733 = tpu.vector_load %arg15[%swap3A_731, %swap3A_732] {strides = array<i32>} : memref<400x16xf32, #tpu.memory_space<vmem>>, vector<1x16xf32>,
        %swap3A_734 = vector.shape_cast %swap3A_733 : vector<1x16xf32> to vector<16xf32>
        %swap3A_735 = vector.shape_cast %mul3A_730 : vector<16xf32> to vector<1x16xf32>
        tpu.vector_store %arg15[%swap3A_731, %swap3A_732], %swap3A_735 {strides = array<i32>} : memref<400x16xf32, #tpu.memory_space<vmem>>, vector<1x16xf32>,
        %mul3A_736 = arith.constant 16 : i32
        %mul3A_737 = arith.muli %scan3A_517, %mul3A_736 : i32
        %add3A_738 = arith.constant 12 : i32
        %add3A_739 = arith.addi %mul3A_737, %add3A_738 : i32
        %broadcast_in_dim3A_740 = arith.constant 12 : i32
        %broadcast_in_dim3A_741 = vector.broadcast %broadcast_in_dim3A_740 : i32 to vector<16x1xi32>
        %gather3A_742 = vector.shape_cast %broadcast_in_dim3A_741 : vector<16x1xi32> to vector<16xi32>
        %gather3A_743 = tpu.dynamic_gather %get3A_522[%gather3A_742] in [0] : vector<16xf32>, vector<16xi32> -> vector<16xf32>
        %get3A_744 = arith.index_cast %add3A_739 : i32 to index
        %get3A_745 = arith.constant 0 : index
        %get3A_746 = tpu.vector_load %arg15[%get3A_744, %get3A_745] {strides = array<i32>} : memref<400x16xf32, #tpu.memory_space<vmem>>, vector<1x16xf32>,
        %get3A_747 = vector.shape_cast %get3A_746 : vector<1x16xf32> to vector<16xf32>
        %mul3A_748 = arith.mulf %get3A_747, %gather3A_743 : vector<16xf32>
        %swap3A_749 = arith.index_cast %add3A_739 : i32 to index
        %swap3A_750 = arith.constant 0 : index
        %swap3A_751 = tpu.vector_load %arg15[%swap3A_749, %swap3A_750] {strides = array<i32>} : memref<400x16xf32, #tpu.memory_space<vmem>>, vector<1x16xf32>,
        %swap3A_752 = vector.shape_cast %swap3A_751 : vector<1x16xf32> to vector<16xf32>
        %swap3A_753 = vector.shape_cast %mul3A_748 : vector<16xf32> to vector<1x16xf32>
        tpu.vector_store %arg15[%swap3A_749, %swap3A_750], %swap3A_753 {strides = array<i32>} : memref<400x16xf32, #tpu.memory_space<vmem>>, vector<1x16xf32>,
        %mul3A_754 = arith.constant 16 : i32
        %mul3A_755 = arith.muli %scan3A_517, %mul3A_754 : i32
        %add3A_756 = arith.constant 13 : i32
        %add3A_757 = arith.addi %mul3A_755, %add3A_756 : i32
        %broadcast_in_dim3A_758 = arith.constant 13 : i32
        %broadcast_in_dim3A_759 = vector.broadcast %broadcast_in_dim3A_758 : i32 to vector<16x1xi32>
        %gather3A_760 = vector.shape_cast %broadcast_in_dim3A_759 : vector<16x1xi32> to vector<16xi32>
        %gather3A_761 = tpu.dynamic_gather %get3A_522[%gather3A_760] in [0] : vector<16xf32>, vector<16xi32> -> vector<16xf32>
        %get3A_762 = arith.index_cast %add3A_757 : i32 to index
        %get3A_763 = arith.constant 0 : index
        %get3A_764 = tpu.vector_load %arg15[%get3A_762, %get3A_763] {strides = array<i32>} : memref<400x16xf32, #tpu.memory_space<vmem>>, vector<1x16xf32>,
        %get3A_765 = vector.shape_cast %get3A_764 : vector<1x16xf32> to vector<16xf32>
        %mul3A_766 = arith.mulf %get3A_765, %gather3A_761 : vector<16xf32>
        %swap3A_767 = arith.index_cast %add3A_757 : i32 to index
        %swap3A_768 = arith.constant 0 : index
        %swap3A_769 = tpu.vector_load %arg15[%swap3A_767, %swap3A_768] {strides = array<i32>} : memref<400x16xf32, #tpu.memory_space<vmem>>, vector<1x16xf32>,
        %swap3A_770 = vector.shape_cast %swap3A_769 : vector<1x16xf32> to vector<16xf32>
        %swap3A_771 = vector.shape_cast %mul3A_766 : vector<16xf32> to vector<1x16xf32>
        tpu.vector_store %arg15[%swap3A_767, %swap3A_768], %swap3A_771 {strides = array<i32>} : memref<400x16xf32, #tpu.memory_space<vmem>>, vector<1x16xf32>,
        %mul3A_772 = arith.constant 16 : i32
        %mul3A_773 = arith.muli %scan3A_517, %mul3A_772 : i32
        %add3A_774 = arith.constant 14 : i32
        %add3A_775 = arith.addi %mul3A_773, %add3A_774 : i32
        %broadcast_in_dim3A_776 = arith.constant 14 : i32
        %broadcast_in_dim3A_777 = vector.broadcast %broadcast_in_dim3A_776 : i32 to vector<16x1xi32>
        %gather3A_778 = vector.shape_cast %broadcast_in_dim3A_777 : vector<16x1xi32> to vector<16xi32>
        %gather3A_779 = tpu.dynamic_gather %get3A_522[%gather3A_778] in [0] : vector<16xf32>, vector<16xi32> -> vector<16xf32>
        %get3A_780 = arith.index_cast %add3A_775 : i32 to index
        %get3A_781 = arith.constant 0 : index
        %get3A_782 = tpu.vector_load %arg15[%get3A_780, %get3A_781] {strides = array<i32>} : memref<400x16xf32, #tpu.memory_space<vmem>>, vector<1x16xf32>,
        %get3A_783 = vector.shape_cast %get3A_782 : vector<1x16xf32> to vector<16xf32>
        %mul3A_784 = arith.mulf %get3A_783, %gather3A_779 : vector<16xf32>
        %swap3A_785 = arith.index_cast %add3A_775 : i32 to index
        %swap3A_786 = arith.constant 0 : index
        %swap3A_787 = tpu.vector_load %arg15[%swap3A_785, %swap3A_786] {strides = array<i32>} : memref<400x16xf32, #tpu.memory_space<vmem>>, vector<1x16xf32>,
        %swap3A_788 = vector.shape_cast %swap3A_787 : vector<1x16xf32> to vector<16xf32>
        %swap3A_789 = vector.shape_cast %mul3A_784 : vector<16xf32> to vector<1x16xf32>
        tpu.vector_store %arg15[%swap3A_785, %swap3A_786], %swap3A_789 {strides = array<i32>} : memref<400x16xf32, #tpu.memory_space<vmem>>, vector<1x16xf32>,
        %mul3A_790 = arith.constant 16 : i32
        %mul3A_791 = arith.muli %scan3A_517, %mul3A_790 : i32
        %add3A_792 = arith.constant 15 : i32
        %add3A_793 = arith.addi %mul3A_791, %add3A_792 : i32
        %broadcast_in_dim3A_794 = arith.constant 15 : i32
        %broadcast_in_dim3A_795 = vector.broadcast %broadcast_in_dim3A_794 : i32 to vector<16x1xi32>
        %gather3A_796 = vector.shape_cast %broadcast_in_dim3A_795 : vector<16x1xi32> to vector<16xi32>
        %gather3A_797 = tpu.dynamic_gather %get3A_522[%gather3A_796] in [0] : vector<16xf32>, vector<16xi32> -> vector<16xf32>
        %get3A_798 = arith.index_cast %add3A_793 : i32 to index
        %get3A_799 = arith.constant 0 : index
        %get3A_800 = tpu.vector_load %arg15[%get3A_798, %get3A_799] {strides = array<i32>} : memref<400x16xf32, #tpu.memory_space<vmem>>, vector<1x16xf32>,
        %get3A_801 = vector.shape_cast %get3A_800 : vector<1x16xf32> to vector<16xf32>
        %mul3A_802 = arith.mulf %get3A_801, %gather3A_797 : vector<16xf32>
        %swap3A_803 = arith.index_cast %add3A_793 : i32 to index
        %swap3A_804 = arith.constant 0 : index
        %swap3A_805 = tpu.vector_load %arg15[%swap3A_803, %swap3A_804] {strides = array<i32>} : memref<400x16xf32, #tpu.memory_space<vmem>>, vector<1x16xf32>,
        %swap3A_806 = vector.shape_cast %swap3A_805 : vector<1x16xf32> to vector<16xf32>
        %swap3A_807 = vector.shape_cast %mul3A_802 : vector<16xf32> to vector<1x16xf32>
        tpu.vector_store %arg15[%swap3A_803, %swap3A_804], %swap3A_807 {strides = array<i32>} : memref<400x16xf32, #tpu.memory_space<vmem>>, vector<1x16xf32>,
        %scan3A_808 = arith.constant 0 : i32
        scf.yield %scan3A_808 : i32
      }
      %scan3A_311 = arith.constant 25 : i32
      %dma_start3A_312 = arith.constant 0 : i32
      %dma_start3A_313 = arith.constant 0 : i32
      %dma_start3A_314 = tpu.memref_slice %arg7[%dma_start3A_312, %dma_start3A_313] : memref<2x400xi32, #tpu.memory_space<vmem>> -> memref<1x400xi32, #tpu.memory_space<vmem>>
      %dma_start3A_315 = tpu.memref_squeeze %dma_start3A_314 : memref<1x400xi32, #tpu.memory_space<vmem>> -> memref<400xi32, #tpu.memory_space<vmem>>
      %dma_start3A_316 = arith.constant 0 : i32
      %dma_start3A_317 = arith.constant 0 : i32
      %dma_start3A_318 = tpu.memref_slice %arg19[%dma_start3A_316, %dma_start3A_317] : memref<100096x16xf32, #tpu.memory_space<vmem_shared>> -> memref<100096x16xf32, #tpu.memory_space<vmem_shared>>
      tpu.enqueue_indirect_dma source(%arg15 : memref<400x16xf32, #tpu.memory_space<vmem>>) target(%dma_start3A_318 : memref<100096x16xf32, #tpu.memory_space<vmem_shared>>) offsets(%dma_start3A_315 : memref<400xi32, #tpu.memory_space<vmem>>) semaphore(%arg28 : memref<!tpu.dma_semaphore, #tpu.memory_space<semaphore_mem>>) {add = true}
      %mul3A_319 = arith.constant 4 : i32
      %mul3A_320 = arith.muli %mul3A_319, %scan3A_233 : i32
      %add3A_321 = arith.constant 1 : i32
      %add3A_322 = arith.addi %mul3A_320, %add3A_321 : i32
      %gt3A_323 = arith.constant 0 : i32
      %gt3A_324 = arith.cmpi sgt, %scan3A_233, %gt3A_323 : i32
      %convert_element_type3A_325 = arith.extui %gt3A_324 : i1 to i32
      %cond3A_326 = arith.constant 0 : i32
      %cond3A_327 = arith.cmpi ne, %convert_element_type3A_325, %cond3A_326 : i32
      scf.if %cond3A_327 {
        %dma_wait3A_517 = arith.constant 0 : i32
        %dma_wait3A_518 = arith.constant 0 : i32
        %dma_wait3A_519 = tpu.memref_slice %arg10[%dma_wait3A_517, %dma_wait3A_518] : memref<2x400xi32, #tpu.memory_space<vmem>> -> memref<1x400xi32, #tpu.memory_space<vmem>>
        %dma_wait3A_520 = tpu.memref_squeeze %dma_wait3A_519 : memref<1x400xi32, #tpu.memory_space<vmem>> -> memref<400xi32, #tpu.memory_space<vmem>>
        %dma_wait3A_521 = arith.constant 0 : i32
        %dma_wait3A_522 = arith.constant 0 : i32
        %dma_wait3A_523 = tpu.memref_slice %arg19[%dma_wait3A_521, %dma_wait3A_522] : memref<100096x16xf32, #tpu.memory_space<vmem_shared>> -> memref<100096x16xf32, #tpu.memory_space<vmem_shared>>
        tpu.wait_indirect_dma semaphore(%arg31 : memref<!tpu.dma_semaphore, #tpu.memory_space<semaphore_mem>>) src(%arg18 : memref<400x16xf32, #tpu.memory_space<vmem>>) dst(%dma_wait3A_523 : memref<100096x16xf32, #tpu.memory_space<vmem_shared>>)
      } else {
      }
      %add3A_328 = arith.constant 2 : i32
      %add3A_329 = arith.addi %add3A_322, %add3A_328 : i32
      %mul3A_330 = arith.constant 400 : i32
      %mul3A_331 = arith.muli %add3A_329, %mul3A_330 : i32
      %add3A_332 = arith.addi %mul3A_42, %mul3A_331 : i32
      %dma_start3A_333 = arith.constant 0 : i32
      %dma_start3A_334 = arith.constant 0 : i32
      %dma_start3A_335 = tpu.memref_slice %arg10[%dma_start3A_333, %dma_start3A_334] : memref<2x400xi32, #tpu.memory_space<vmem>> -> memref<1x400xi32, #tpu.memory_space<vmem>>
      %dma_start3A_336 = tpu.memref_squeeze %dma_start3A_335 : memref<1x400xi32, #tpu.memory_space<vmem>> -> memref<400xi32, #tpu.memory_space<vmem>>
      %dma_start3A_337 = tpu.memref_slice %arg3[%add3A_332] : memref<6451200xi32, #tpu.memory_space<hbm>> -> memref<400xi32, #tpu.memory_space<hbm>>
      %dma_start3A_338 = arith.constant 0 : i32
      %dma_start3A_339 = tpu.memref_slice %arg10[%dma_start3A_333, %dma_start3A_338] : memref<2x400xi32, #tpu.memory_space<vmem>> -> memref<1x400xi32, #tpu.memory_space<vmem>>
      %dma_start3A_340 = tpu.memref_squeeze %dma_start3A_339 : memref<1x400xi32, #tpu.memory_space<vmem>> -> memref<400xi32, #tpu.memory_space<vmem>>
      %dma_start3A_341 = tpu.memref_slice %arg3[%add3A_332] : memref<6451200xi32, #tpu.memory_space<hbm>> -> memref<400xi32, #tpu.memory_space<hbm>>
      tpu.enqueue_dma source(%dma_start3A_341 : memref<400xi32, #tpu.memory_space<hbm>>) target(%dma_start3A_340 : memref<400xi32, #tpu.memory_space<vmem>>) target_semaphore(%arg23 : memref<!tpu.dma_semaphore, #tpu.memory_space<semaphore_mem>>)
      %dma_start3A_342 = arith.constant 1 : i32
      %dma_start3A_343 = arith.constant 0 : i32
      %dma_start3A_344 = tpu.memref_slice %arg10[%dma_start3A_342, %dma_start3A_343] : memref<2x400xi32, #tpu.memory_space<vmem>> -> memref<1x400xi32, #tpu.memory_space<vmem>>
      %dma_start3A_345 = tpu.memref_squeeze %dma_start3A_344 : memref<1x400xi32, #tpu.memory_space<vmem>> -> memref<400xi32, #tpu.memory_space<vmem>>
      %dma_start3A_346 = tpu.memref_slice %arg4[%add3A_332] : memref<6451200xi32, #tpu.memory_space<hbm>> -> memref<400xi32, #tpu.memory_space<hbm>>
      %dma_start3A_347 = arith.constant 0 : i32
      %dma_start3A_348 = tpu.memref_slice %arg10[%dma_start3A_342, %dma_start3A_347] : memref<2x400xi32, #tpu.memory_space<vmem>> -> memref<1x400xi32, #tpu.memory_space<vmem>>
      %dma_start3A_349 = tpu.memref_squeeze %dma_start3A_348 : memref<1x400xi32, #tpu.memory_space<vmem>> -> memref<400xi32, #tpu.memory_space<vmem>>
      %dma_start3A_350 = tpu.memref_slice %arg4[%add3A_332] : memref<6451200xi32, #tpu.memory_space<hbm>> -> memref<400xi32, #tpu.memory_space<hbm>>
      tpu.enqueue_dma source(%dma_start3A_350 : memref<400xi32, #tpu.memory_space<hbm>>) target(%dma_start3A_349 : memref<400xi32, #tpu.memory_space<vmem>>) target_semaphore(%arg23 : memref<!tpu.dma_semaphore, #tpu.memory_space<semaphore_mem>>)
      %dma_start3A_351 = tpu.memref_slice %arg5[%add3A_332] : memref<6451200xf32, #tpu.memory_space<hbm>> -> memref<400xf32, #tpu.memory_space<hbm>>
      %dma_start3A_352 = tpu.memref_slice %arg5[%add3A_332] : memref<6451200xf32, #tpu.memory_space<hbm>> -> memref<400xf32, #tpu.memory_space<hbm>>
      tpu.enqueue_dma source(%dma_start3A_352 : memref<400xf32, #tpu.memory_space<hbm>>) target(%arg14 : memref<400xf32, #tpu.memory_space<vmem>>) target_semaphore(%arg23 : memref<!tpu.dma_semaphore, #tpu.memory_space<semaphore_mem>>)
      %add3A_353 = arith.constant 1 : i32
      %add3A_354 = arith.addi %add3A_322, %add3A_353 : i32
      %mul3A_355 = arith.constant 400 : i32
      %mul3A_356 = arith.muli %add3A_354, %mul3A_355 : i32
      %add3A_357 = arith.addi %mul3A_42, %mul3A_356 : i32
      %dma_wait3A_358 = arith.constant 0 : i32
      %dma_wait3A_359 = arith.constant 0 : i32
      %dma_wait3A_360 = tpu.memref_slice %arg9[%dma_wait3A_358, %dma_wait3A_359] : memref<2x400xi32, #tpu.memory_space<vmem>> -> memref<1x400xi32, #tpu.memory_space<vmem>>
      %dma_wait3A_361 = tpu.memref_squeeze %dma_wait3A_360 : memref<1x400xi32, #tpu.memory_space<vmem>> -> memref<400xi32, #tpu.memory_space<vmem>>
      %dma_wait3A_362 = tpu.memref_slice %arg3[%add3A_357] : memref<6451200xi32, #tpu.memory_space<hbm>> -> memref<400xi32, #tpu.memory_space<hbm>>
      %dma_wait3A_363 = arith.constant 0 : i32
      %dma_wait3A_364 = tpu.memref_slice %arg9[%dma_wait3A_358, %dma_wait3A_363] : memref<2x400xi32, #tpu.memory_space<vmem>> -> memref<1x400xi32, #tpu.memory_space<vmem>>
      %dma_wait3A_365 = tpu.memref_squeeze %dma_wait3A_364 : memref<1x400xi32, #tpu.memory_space<vmem>> -> memref<400xi32, #tpu.memory_space<vmem>>
      %dma_wait3A_366 = tpu.memref_slice %arg3[%add3A_357] : memref<6451200xi32, #tpu.memory_space<hbm>> -> memref<400xi32, #tpu.memory_space<hbm>>
      tpu.wait_dma2 semaphore(%arg22 : memref<!tpu.dma_semaphore, #tpu.memory_space<semaphore_mem>>) src(%dma_wait3A_366 : memref<400xi32, #tpu.memory_space<hbm>>) dst(%dma_wait3A_365 : memref<400xi32, #tpu.memory_space<vmem>>)
      %dma_wait3A_367 = arith.constant 1 : i32
      %dma_wait3A_368 = arith.constant 0 : i32
      %dma_wait3A_369 = tpu.memref_slice %arg9[%dma_wait3A_367, %dma_wait3A_368] : memref<2x400xi32, #tpu.memory_space<vmem>> -> memref<1x400xi32, #tpu.memory_space<vmem>>
      %dma_wait3A_370 = tpu.memref_squeeze %dma_wait3A_369 : memref<1x400xi32, #tpu.memory_space<vmem>> -> memref<400xi32, #tpu.memory_space<vmem>>
      %dma_wait3A_371 = tpu.memref_slice %arg4[%add3A_357] : memref<6451200xi32, #tpu.memory_space<hbm>> -> memref<400xi32, #tpu.memory_space<hbm>>
      %dma_wait3A_372 = arith.constant 0 : i32
      %dma_wait3A_373 = tpu.memref_slice %arg9[%dma_wait3A_367, %dma_wait3A_372] : memref<2x400xi32, #tpu.memory_space<vmem>> -> memref<1x400xi32, #tpu.memory_space<vmem>>
      %dma_wait3A_374 = tpu.memref_squeeze %dma_wait3A_373 : memref<1x400xi32, #tpu.memory_space<vmem>> -> memref<400xi32, #tpu.memory_space<vmem>>
      %dma_wait3A_375 = tpu.memref_slice %arg4[%add3A_357] : memref<6451200xi32, #tpu.memory_space<hbm>> -> memref<400xi32, #tpu.memory_space<hbm>>
      tpu.wait_dma2 semaphore(%arg22 : memref<!tpu.dma_semaphore, #tpu.memory_space<semaphore_mem>>) src(%dma_wait3A_375 : memref<400xi32, #tpu.memory_space<hbm>>) dst(%dma_wait3A_374 : memref<400xi32, #tpu.memory_space<vmem>>)
      %dma_wait3A_376 = tpu.memref_slice %arg5[%add3A_357] : memref<6451200xf32, #tpu.memory_space<hbm>> -> memref<400xf32, #tpu.memory_space<hbm>>
      %dma_wait3A_377 = tpu.memref_slice %arg5[%add3A_357] : memref<6451200xf32, #tpu.memory_space<hbm>> -> memref<400xf32, #tpu.memory_space<hbm>>
      tpu.wait_dma2 semaphore(%arg22 : memref<!tpu.dma_semaphore, #tpu.memory_space<semaphore_mem>>) src(%dma_wait3A_377 : memref<400xf32, #tpu.memory_space<hbm>>) dst(%arg13 : memref<400xf32, #tpu.memory_space<vmem>>)
      %dma_start3A_378 = arith.constant 1 : i32
      %dma_start3A_379 = arith.constant 0 : i32
      %dma_start3A_380 = tpu.memref_slice %arg9[%dma_start3A_378, %dma_start3A_379] : memref<2x400xi32, #tpu.memory_space<vmem>> -> memref<1x400xi32, #tpu.memory_space<vmem>>
      %dma_start3A_381 = tpu.memref_squeeze %dma_start3A_380 : memref<1x400xi32, #tpu.memory_space<vmem>> -> memref<400xi32, #tpu.memory_space<vmem>>
      %dma_start3A_382 = arith.constant 0 : i32
      %dma_start3A_383 = arith.constant 0 : i32
      %dma_start3A_384 = tpu.memref_slice %arg2[%dma_start3A_382, %dma_start3A_383] : memref<100096x16xf32, #tpu.memory_space<hbm>> -> memref<100096x16xf32, #tpu.memory_space<hbm>>
      tpu.enqueue_indirect_dma source(%dma_start3A_384 : memref<100096x16xf32, #tpu.memory_space<hbm>>) target(%arg17 : memref<400x16xf32, #tpu.memory_space<vmem>>) offsets(%dma_start3A_381 : memref<400xi32, #tpu.memory_space<vmem>>) semaphore(%arg26 : memref<!tpu.dma_semaphore, #tpu.memory_space<semaphore_mem>>)
      %dma_wait3A_385 = arith.constant 1 : i32
      %dma_wait3A_386 = arith.constant 0 : i32
      %dma_wait3A_387 = tpu.memref_slice %arg8[%dma_wait3A_385, %dma_wait3A_386] : memref<2x400xi32, #tpu.memory_space<vmem>> -> memref<1x400xi32, #tpu.memory_space<vmem>>
      %dma_wait3A_388 = tpu.memref_squeeze %dma_wait3A_387 : memref<1x400xi32, #tpu.memory_space<vmem>> -> memref<400xi32, #tpu.memory_space<vmem>>
      %dma_wait3A_389 = arith.constant 0 : i32
      %dma_wait3A_390 = arith.constant 0 : i32
      %dma_wait3A_391 = tpu.memref_slice %arg2[%dma_wait3A_389, %dma_wait3A_390] : memref<100096x16xf32, #tpu.memory_space<hbm>> -> memref<100096x16xf32, #tpu.memory_space<hbm>>
      tpu.wait_indirect_dma semaphore(%arg25 : memref<!tpu.dma_semaphore, #tpu.memory_space<semaphore_mem>>) src(%dma_wait3A_391 : memref<100096x16xf32, #tpu.memory_space<hbm>>) dst(%arg16 : memref<400x16xf32, #tpu.memory_space<vmem>>)
      %scan3A_392 = arith.constant 0 : i32
      %scan3A_393 = arith.constant 0 : i32
      %scan3A_394 = arith.constant 25 : i32
      %scan3A_395 = arith.addi %scan3A_393, %scan3A_394 : i32
      %scan3A_396 = arith.constant 1 : i32
      %scan3A_397 = scf.for %scan3A_517 = %scan3A_393 to %scan3A_395 step %scan3A_396 iter_args(%scan3A_518 = %scan3A_392) -> (i32)  : i32 {
        %mul3A_519 = arith.constant 16 : i32
        %mul3A_520 = arith.muli %scan3A_517, %mul3A_519 : i32
        %get3A = arith.index_cast %mul3A_520 : i32 to index
        %get3A_521 = tpu.vector_load %arg12[%get3A] {strides = array<i32>} : memref<400xf32, #tpu.memory_space<vmem>>, vector<16xf32>,
        %get3A_522 = vector.shape_cast %get3A_521 : vector<16xf32> to vector<16xf32>
        %mul3A_523 = arith.constant 16 : i32
        %mul3A_524 = arith.muli %scan3A_517, %mul3A_523 : i32
        %add3A_525 = arith.constant 0 : i32
        %add3A_526 = arith.addi %mul3A_524, %add3A_525 : i32
        %broadcast_in_dim3A = arith.constant 0 : i32
        %broadcast_in_dim3A_527 = vector.broadcast %broadcast_in_dim3A : i32 to vector<16x1xi32>
        %gather3A = vector.shape_cast %broadcast_in_dim3A_527 : vector<16x1xi32> to vector<16xi32>
        %gather3A_528 = tpu.dynamic_gather %get3A_522[%gather3A] in [0] : vector<16xf32>, vector<16xi32> -> vector<16xf32>
        %get3A_529 = arith.index_cast %add3A_526 : i32 to index
        %get3A_530 = arith.constant 0 : index
        %get3A_531 = tpu.vector_load %arg16[%get3A_529, %get3A_530] {strides = array<i32>} : memref<400x16xf32, #tpu.memory_space<vmem>>, vector<1x16xf32>,
        %get3A_532 = vector.shape_cast %get3A_531 : vector<1x16xf32> to vector<16xf32>
        %mul3A_533 = arith.mulf %get3A_532, %gather3A_528 : vector<16xf32>
        %swap3A = arith.index_cast %add3A_526 : i32 to index
        %swap3A_534 = arith.constant 0 : index
        %swap3A_535 = tpu.vector_load %arg16[%swap3A, %swap3A_534] {strides = array<i32>} : memref<400x16xf32, #tpu.memory_space<vmem>>, vector<1x16xf32>,
        %swap3A_536 = vector.shape_cast %swap3A_535 : vector<1x16xf32> to vector<16xf32>
        %swap3A_537 = vector.shape_cast %mul3A_533 : vector<16xf32> to vector<1x16xf32>
        tpu.vector_store %arg16[%swap3A, %swap3A_534], %swap3A_537 {strides = array<i32>} : memref<400x16xf32, #tpu.memory_space<vmem>>, vector<1x16xf32>,
        %mul3A_538 = arith.constant 16 : i32
        %mul3A_539 = arith.muli %scan3A_517, %mul3A_538 : i32
        %add3A_540 = arith.constant 1 : i32
        %add3A_541 = arith.addi %mul3A_539, %add3A_540 : i32
        %broadcast_in_dim3A_542 = arith.constant 1 : i32
        %broadcast_in_dim3A_543 = vector.broadcast %broadcast_in_dim3A_542 : i32 to vector<16x1xi32>
        %gather3A_544 = vector.shape_cast %broadcast_in_dim3A_543 : vector<16x1xi32> to vector<16xi32>
        %gather3A_545 = tpu.dynamic_gather %get3A_522[%gather3A_544] in [0] : vector<16xf32>, vector<16xi32> -> vector<16xf32>
        %get3A_546 = arith.index_cast %add3A_541 : i32 to index
        %get3A_547 = arith.constant 0 : index
        %get3A_548 = tpu.vector_load %arg16[%get3A_546, %get3A_547] {strides = array<i32>} : memref<400x16xf32, #tpu.memory_space<vmem>>, vector<1x16xf32>,
        %get3A_549 = vector.shape_cast %get3A_548 : vector<1x16xf32> to vector<16xf32>
        %mul3A_550 = arith.mulf %get3A_549, %gather3A_545 : vector<16xf32>
        %swap3A_551 = arith.index_cast %add3A_541 : i32 to index
        %swap3A_552 = arith.constant 0 : index
        %swap3A_553 = tpu.vector_load %arg16[%swap3A_551, %swap3A_552] {strides = array<i32>} : memref<400x16xf32, #tpu.memory_space<vmem>>, vector<1x16xf32>,
        %swap3A_554 = vector.shape_cast %swap3A_553 : vector<1x16xf32> to vector<16xf32>
        %swap3A_555 = vector.shape_cast %mul3A_550 : vector<16xf32> to vector<1x16xf32>
        tpu.vector_store %arg16[%swap3A_551, %swap3A_552], %swap3A_555 {strides = array<i32>} : memref<400x16xf32, #tpu.memory_space<vmem>>, vector<1x16xf32>,
        %mul3A_556 = arith.constant 16 : i32
        %mul3A_557 = arith.muli %scan3A_517, %mul3A_556 : i32
        %add3A_558 = arith.constant 2 : i32
        %add3A_559 = arith.addi %mul3A_557, %add3A_558 : i32
        %broadcast_in_dim3A_560 = arith.constant 2 : i32
        %broadcast_in_dim3A_561 = vector.broadcast %broadcast_in_dim3A_560 : i32 to vector<16x1xi32>
        %gather3A_562 = vector.shape_cast %broadcast_in_dim3A_561 : vector<16x1xi32> to vector<16xi32>
        %gather3A_563 = tpu.dynamic_gather %get3A_522[%gather3A_562] in [0] : vector<16xf32>, vector<16xi32> -> vector<16xf32>
        %get3A_564 = arith.index_cast %add3A_559 : i32 to index
        %get3A_565 = arith.constant 0 : index
        %get3A_566 = tpu.vector_load %arg16[%get3A_564, %get3A_565] {strides = array<i32>} : memref<400x16xf32, #tpu.memory_space<vmem>>, vector<1x16xf32>,
        %get3A_567 = vector.shape_cast %get3A_566 : vector<1x16xf32> to vector<16xf32>
        %mul3A_568 = arith.mulf %get3A_567, %gather3A_563 : vector<16xf32>
        %swap3A_569 = arith.index_cast %add3A_559 : i32 to index
        %swap3A_570 = arith.constant 0 : index
        %swap3A_571 = tpu.vector_load %arg16[%swap3A_569, %swap3A_570] {strides = array<i32>} : memref<400x16xf32, #tpu.memory_space<vmem>>, vector<1x16xf32>,
        %swap3A_572 = vector.shape_cast %swap3A_571 : vector<1x16xf32> to vector<16xf32>
        %swap3A_573 = vector.shape_cast %mul3A_568 : vector<16xf32> to vector<1x16xf32>
        tpu.vector_store %arg16[%swap3A_569, %swap3A_570], %swap3A_573 {strides = array<i32>} : memref<400x16xf32, #tpu.memory_space<vmem>>, vector<1x16xf32>,
        %mul3A_574 = arith.constant 16 : i32
        %mul3A_575 = arith.muli %scan3A_517, %mul3A_574 : i32
        %add3A_576 = arith.constant 3 : i32
        %add3A_577 = arith.addi %mul3A_575, %add3A_576 : i32
        %broadcast_in_dim3A_578 = arith.constant 3 : i32
        %broadcast_in_dim3A_579 = vector.broadcast %broadcast_in_dim3A_578 : i32 to vector<16x1xi32>
        %gather3A_580 = vector.shape_cast %broadcast_in_dim3A_579 : vector<16x1xi32> to vector<16xi32>
        %gather3A_581 = tpu.dynamic_gather %get3A_522[%gather3A_580] in [0] : vector<16xf32>, vector<16xi32> -> vector<16xf32>
        %get3A_582 = arith.index_cast %add3A_577 : i32 to index
        %get3A_583 = arith.constant 0 : index
        %get3A_584 = tpu.vector_load %arg16[%get3A_582, %get3A_583] {strides = array<i32>} : memref<400x16xf32, #tpu.memory_space<vmem>>, vector<1x16xf32>,
        %get3A_585 = vector.shape_cast %get3A_584 : vector<1x16xf32> to vector<16xf32>
        %mul3A_586 = arith.mulf %get3A_585, %gather3A_581 : vector<16xf32>
        %swap3A_587 = arith.index_cast %add3A_577 : i32 to index
        %swap3A_588 = arith.constant 0 : index
        %swap3A_589 = tpu.vector_load %arg16[%swap3A_587, %swap3A_588] {strides = array<i32>} : memref<400x16xf32, #tpu.memory_space<vmem>>, vector<1x16xf32>,
        %swap3A_590 = vector.shape_cast %swap3A_589 : vector<1x16xf32> to vector<16xf32>
        %swap3A_591 = vector.shape_cast %mul3A_586 : vector<16xf32> to vector<1x16xf32>
        tpu.vector_store %arg16[%swap3A_587, %swap3A_588], %swap3A_591 {strides = array<i32>} : memref<400x16xf32, #tpu.memory_space<vmem>>, vector<1x16xf32>,
        %mul3A_592 = arith.constant 16 : i32
        %mul3A_593 = arith.muli %scan3A_517, %mul3A_592 : i32
        %add3A_594 = arith.constant 4 : i32
        %add3A_595 = arith.addi %mul3A_593, %add3A_594 : i32
        %broadcast_in_dim3A_596 = arith.constant 4 : i32
        %broadcast_in_dim3A_597 = vector.broadcast %broadcast_in_dim3A_596 : i32 to vector<16x1xi32>
        %gather3A_598 = vector.shape_cast %broadcast_in_dim3A_597 : vector<16x1xi32> to vector<16xi32>
        %gather3A_599 = tpu.dynamic_gather %get3A_522[%gather3A_598] in [0] : vector<16xf32>, vector<16xi32> -> vector<16xf32>
        %get3A_600 = arith.index_cast %add3A_595 : i32 to index
        %get3A_601 = arith.constant 0 : index
        %get3A_602 = tpu.vector_load %arg16[%get3A_600, %get3A_601] {strides = array<i32>} : memref<400x16xf32, #tpu.memory_space<vmem>>, vector<1x16xf32>,
        %get3A_603 = vector.shape_cast %get3A_602 : vector<1x16xf32> to vector<16xf32>
        %mul3A_604 = arith.mulf %get3A_603, %gather3A_599 : vector<16xf32>
        %swap3A_605 = arith.index_cast %add3A_595 : i32 to index
        %swap3A_606 = arith.constant 0 : index
        %swap3A_607 = tpu.vector_load %arg16[%swap3A_605, %swap3A_606] {strides = array<i32>} : memref<400x16xf32, #tpu.memory_space<vmem>>, vector<1x16xf32>,
        %swap3A_608 = vector.shape_cast %swap3A_607 : vector<1x16xf32> to vector<16xf32>
        %swap3A_609 = vector.shape_cast %mul3A_604 : vector<16xf32> to vector<1x16xf32>
        tpu.vector_store %arg16[%swap3A_605, %swap3A_606], %swap3A_609 {strides = array<i32>} : memref<400x16xf32, #tpu.memory_space<vmem>>, vector<1x16xf32>,
        %mul3A_610 = arith.constant 16 : i32
        %mul3A_611 = arith.muli %scan3A_517, %mul3A_610 : i32
        %add3A_612 = arith.constant 5 : i32
        %add3A_613 = arith.addi %mul3A_611, %add3A_612 : i32
        %broadcast_in_dim3A_614 = arith.constant 5 : i32
        %broadcast_in_dim3A_615 = vector.broadcast %broadcast_in_dim3A_614 : i32 to vector<16x1xi32>
        %gather3A_616 = vector.shape_cast %broadcast_in_dim3A_615 : vector<16x1xi32> to vector<16xi32>
        %gather3A_617 = tpu.dynamic_gather %get3A_522[%gather3A_616] in [0] : vector<16xf32>, vector<16xi32> -> vector<16xf32>
        %get3A_618 = arith.index_cast %add3A_613 : i32 to index
        %get3A_619 = arith.constant 0 : index
        %get3A_620 = tpu.vector_load %arg16[%get3A_618, %get3A_619] {strides = array<i32>} : memref<400x16xf32, #tpu.memory_space<vmem>>, vector<1x16xf32>,
        %get3A_621 = vector.shape_cast %get3A_620 : vector<1x16xf32> to vector<16xf32>
        %mul3A_622 = arith.mulf %get3A_621, %gather3A_617 : vector<16xf32>
        %swap3A_623 = arith.index_cast %add3A_613 : i32 to index
        %swap3A_624 = arith.constant 0 : index
        %swap3A_625 = tpu.vector_load %arg16[%swap3A_623, %swap3A_624] {strides = array<i32>} : memref<400x16xf32, #tpu.memory_space<vmem>>, vector<1x16xf32>,
        %swap3A_626 = vector.shape_cast %swap3A_625 : vector<1x16xf32> to vector<16xf32>
        %swap3A_627 = vector.shape_cast %mul3A_622 : vector<16xf32> to vector<1x16xf32>
        tpu.vector_store %arg16[%swap3A_623, %swap3A_624], %swap3A_627 {strides = array<i32>} : memref<400x16xf32, #tpu.memory_space<vmem>>, vector<1x16xf32>,
        %mul3A_628 = arith.constant 16 : i32
        %mul3A_629 = arith.muli %scan3A_517, %mul3A_628 : i32
        %add3A_630 = arith.constant 6 : i32
        %add3A_631 = arith.addi %mul3A_629, %add3A_630 : i32
        %broadcast_in_dim3A_632 = arith.constant 6 : i32
        %broadcast_in_dim3A_633 = vector.broadcast %broadcast_in_dim3A_632 : i32 to vector<16x1xi32>
        %gather3A_634 = vector.shape_cast %broadcast_in_dim3A_633 : vector<16x1xi32> to vector<16xi32>
        %gather3A_635 = tpu.dynamic_gather %get3A_522[%gather3A_634] in [0] : vector<16xf32>, vector<16xi32> -> vector<16xf32>
        %get3A_636 = arith.index_cast %add3A_631 : i32 to index
        %get3A_637 = arith.constant 0 : index
        %get3A_638 = tpu.vector_load %arg16[%get3A_636, %get3A_637] {strides = array<i32>} : memref<400x16xf32, #tpu.memory_space<vmem>>, vector<1x16xf32>,
        %get3A_639 = vector.shape_cast %get3A_638 : vector<1x16xf32> to vector<16xf32>
        %mul3A_640 = arith.mulf %get3A_639, %gather3A_635 : vector<16xf32>
        %swap3A_641 = arith.index_cast %add3A_631 : i32 to index
        %swap3A_642 = arith.constant 0 : index
        %swap3A_643 = tpu.vector_load %arg16[%swap3A_641, %swap3A_642] {strides = array<i32>} : memref<400x16xf32, #tpu.memory_space<vmem>>, vector<1x16xf32>,
        %swap3A_644 = vector.shape_cast %swap3A_643 : vector<1x16xf32> to vector<16xf32>
        %swap3A_645 = vector.shape_cast %mul3A_640 : vector<16xf32> to vector<1x16xf32>
        tpu.vector_store %arg16[%swap3A_641, %swap3A_642], %swap3A_645 {strides = array<i32>} : memref<400x16xf32, #tpu.memory_space<vmem>>, vector<1x16xf32>,
        %mul3A_646 = arith.constant 16 : i32
        %mul3A_647 = arith.muli %scan3A_517, %mul3A_646 : i32
        %add3A_648 = arith.constant 7 : i32
        %add3A_649 = arith.addi %mul3A_647, %add3A_648 : i32
        %broadcast_in_dim3A_650 = arith.constant 7 : i32
        %broadcast_in_dim3A_651 = vector.broadcast %broadcast_in_dim3A_650 : i32 to vector<16x1xi32>
        %gather3A_652 = vector.shape_cast %broadcast_in_dim3A_651 : vector<16x1xi32> to vector<16xi32>
        %gather3A_653 = tpu.dynamic_gather %get3A_522[%gather3A_652] in [0] : vector<16xf32>, vector<16xi32> -> vector<16xf32>
        %get3A_654 = arith.index_cast %add3A_649 : i32 to index
        %get3A_655 = arith.constant 0 : index
        %get3A_656 = tpu.vector_load %arg16[%get3A_654, %get3A_655] {strides = array<i32>} : memref<400x16xf32, #tpu.memory_space<vmem>>, vector<1x16xf32>,
        %get3A_657 = vector.shape_cast %get3A_656 : vector<1x16xf32> to vector<16xf32>
        %mul3A_658 = arith.mulf %get3A_657, %gather3A_653 : vector<16xf32>
        %swap3A_659 = arith.index_cast %add3A_649 : i32 to index
        %swap3A_660 = arith.constant 0 : index
        %swap3A_661 = tpu.vector_load %arg16[%swap3A_659, %swap3A_660] {strides = array<i32>} : memref<400x16xf32, #tpu.memory_space<vmem>>, vector<1x16xf32>,
        %swap3A_662 = vector.shape_cast %swap3A_661 : vector<1x16xf32> to vector<16xf32>
        %swap3A_663 = vector.shape_cast %mul3A_658 : vector<16xf32> to vector<1x16xf32>
        tpu.vector_store %arg16[%swap3A_659, %swap3A_660], %swap3A_663 {strides = array<i32>} : memref<400x16xf32, #tpu.memory_space<vmem>>, vector<1x16xf32>,
        %mul3A_664 = arith.constant 16 : i32
        %mul3A_665 = arith.muli %scan3A_517, %mul3A_664 : i32
        %add3A_666 = arith.constant 8 : i32
        %add3A_667 = arith.addi %mul3A_665, %add3A_666 : i32
        %broadcast_in_dim3A_668 = arith.constant 8 : i32
        %broadcast_in_dim3A_669 = vector.broadcast %broadcast_in_dim3A_668 : i32 to vector<16x1xi32>
        %gather3A_670 = vector.shape_cast %broadcast_in_dim3A_669 : vector<16x1xi32> to vector<16xi32>
        %gather3A_671 = tpu.dynamic_gather %get3A_522[%gather3A_670] in [0] : vector<16xf32>, vector<16xi32> -> vector<16xf32>
        %get3A_672 = arith.index_cast %add3A_667 : i32 to index
        %get3A_673 = arith.constant 0 : index
        %get3A_674 = tpu.vector_load %arg16[%get3A_672, %get3A_673] {strides = array<i32>} : memref<400x16xf32, #tpu.memory_space<vmem>>, vector<1x16xf32>,
        %get3A_675 = vector.shape_cast %get3A_674 : vector<1x16xf32> to vector<16xf32>
        %mul3A_676 = arith.mulf %get3A_675, %gather3A_671 : vector<16xf32>
        %swap3A_677 = arith.index_cast %add3A_667 : i32 to index
        %swap3A_678 = arith.constant 0 : index
        %swap3A_679 = tpu.vector_load %arg16[%swap3A_677, %swap3A_678] {strides = array<i32>} : memref<400x16xf32, #tpu.memory_space<vmem>>, vector<1x16xf32>,
        %swap3A_680 = vector.shape_cast %swap3A_679 : vector<1x16xf32> to vector<16xf32>
        %swap3A_681 = vector.shape_cast %mul3A_676 : vector<16xf32> to vector<1x16xf32>
        tpu.vector_store %arg16[%swap3A_677, %swap3A_678], %swap3A_681 {strides = array<i32>} : memref<400x16xf32, #tpu.memory_space<vmem>>, vector<1x16xf32>,
        %mul3A_682 = arith.constant 16 : i32
        %mul3A_683 = arith.muli %scan3A_517, %mul3A_682 : i32
        %add3A_684 = arith.constant 9 : i32
        %add3A_685 = arith.addi %mul3A_683, %add3A_684 : i32
        %broadcast_in_dim3A_686 = arith.constant 9 : i32
        %broadcast_in_dim3A_687 = vector.broadcast %broadcast_in_dim3A_686 : i32 to vector<16x1xi32>
        %gather3A_688 = vector.shape_cast %broadcast_in_dim3A_687 : vector<16x1xi32> to vector<16xi32>
        %gather3A_689 = tpu.dynamic_gather %get3A_522[%gather3A_688] in [0] : vector<16xf32>, vector<16xi32> -> vector<16xf32>
        %get3A_690 = arith.index_cast %add3A_685 : i32 to index
        %get3A_691 = arith.constant 0 : index
        %get3A_692 = tpu.vector_load %arg16[%get3A_690, %get3A_691] {strides = array<i32>} : memref<400x16xf32, #tpu.memory_space<vmem>>, vector<1x16xf32>,
        %get3A_693 = vector.shape_cast %get3A_692 : vector<1x16xf32> to vector<16xf32>
        %mul3A_694 = arith.mulf %get3A_693, %gather3A_689 : vector<16xf32>
        %swap3A_695 = arith.index_cast %add3A_685 : i32 to index
        %swap3A_696 = arith.constant 0 : index
        %swap3A_697 = tpu.vector_load %arg16[%swap3A_695, %swap3A_696] {strides = array<i32>} : memref<400x16xf32, #tpu.memory_space<vmem>>, vector<1x16xf32>,
        %swap3A_698 = vector.shape_cast %swap3A_697 : vector<1x16xf32> to vector<16xf32>
        %swap3A_699 = vector.shape_cast %mul3A_694 : vector<16xf32> to vector<1x16xf32>
        tpu.vector_store %arg16[%swap3A_695, %swap3A_696], %swap3A_699 {strides = array<i32>} : memref<400x16xf32, #tpu.memory_space<vmem>>, vector<1x16xf32>,
        %mul3A_700 = arith.constant 16 : i32
        %mul3A_701 = arith.muli %scan3A_517, %mul3A_700 : i32
        %add3A_702 = arith.constant 10 : i32
        %add3A_703 = arith.addi %mul3A_701, %add3A_702 : i32
        %broadcast_in_dim3A_704 = arith.constant 10 : i32
        %broadcast_in_dim3A_705 = vector.broadcast %broadcast_in_dim3A_704 : i32 to vector<16x1xi32>
        %gather3A_706 = vector.shape_cast %broadcast_in_dim3A_705 : vector<16x1xi32> to vector<16xi32>
        %gather3A_707 = tpu.dynamic_gather %get3A_522[%gather3A_706] in [0] : vector<16xf32>, vector<16xi32> -> vector<16xf32>
        %get3A_708 = arith.index_cast %add3A_703 : i32 to index
        %get3A_709 = arith.constant 0 : index
        %get3A_710 = tpu.vector_load %arg16[%get3A_708, %get3A_709] {strides = array<i32>} : memref<400x16xf32, #tpu.memory_space<vmem>>, vector<1x16xf32>,
        %get3A_711 = vector.shape_cast %get3A_710 : vector<1x16xf32> to vector<16xf32>
        %mul3A_712 = arith.mulf %get3A_711, %gather3A_707 : vector<16xf32>
        %swap3A_713 = arith.index_cast %add3A_703 : i32 to index
        %swap3A_714 = arith.constant 0 : index
        %swap3A_715 = tpu.vector_load %arg16[%swap3A_713, %swap3A_714] {strides = array<i32>} : memref<400x16xf32, #tpu.memory_space<vmem>>, vector<1x16xf32>,
        %swap3A_716 = vector.shape_cast %swap3A_715 : vector<1x16xf32> to vector<16xf32>
        %swap3A_717 = vector.shape_cast %mul3A_712 : vector<16xf32> to vector<1x16xf32>
        tpu.vector_store %arg16[%swap3A_713, %swap3A_714], %swap3A_717 {strides = array<i32>} : memref<400x16xf32, #tpu.memory_space<vmem>>, vector<1x16xf32>,
        %mul3A_718 = arith.constant 16 : i32
        %mul3A_719 = arith.muli %scan3A_517, %mul3A_718 : i32
        %add3A_720 = arith.constant 11 : i32
        %add3A_721 = arith.addi %mul3A_719, %add3A_720 : i32
        %broadcast_in_dim3A_722 = arith.constant 11 : i32
        %broadcast_in_dim3A_723 = vector.broadcast %broadcast_in_dim3A_722 : i32 to vector<16x1xi32>
        %gather3A_724 = vector.shape_cast %broadcast_in_dim3A_723 : vector<16x1xi32> to vector<16xi32>
        %gather3A_725 = tpu.dynamic_gather %get3A_522[%gather3A_724] in [0] : vector<16xf32>, vector<16xi32> -> vector<16xf32>
        %get3A_726 = arith.index_cast %add3A_721 : i32 to index
        %get3A_727 = arith.constant 0 : index
        %get3A_728 = tpu.vector_load %arg16[%get3A_726, %get3A_727] {strides = array<i32>} : memref<400x16xf32, #tpu.memory_space<vmem>>, vector<1x16xf32>,
        %get3A_729 = vector.shape_cast %get3A_728 : vector<1x16xf32> to vector<16xf32>
        %mul3A_730 = arith.mulf %get3A_729, %gather3A_725 : vector<16xf32>
        %swap3A_731 = arith.index_cast %add3A_721 : i32 to index
        %swap3A_732 = arith.constant 0 : index
        %swap3A_733 = tpu.vector_load %arg16[%swap3A_731, %swap3A_732] {strides = array<i32>} : memref<400x16xf32, #tpu.memory_space<vmem>>, vector<1x16xf32>,
        %swap3A_734 = vector.shape_cast %swap3A_733 : vector<1x16xf32> to vector<16xf32>
        %swap3A_735 = vector.shape_cast %mul3A_730 : vector<16xf32> to vector<1x16xf32>
        tpu.vector_store %arg16[%swap3A_731, %swap3A_732], %swap3A_735 {strides = array<i32>} : memref<400x16xf32, #tpu.memory_space<vmem>>, vector<1x16xf32>,
        %mul3A_736 = arith.constant 16 : i32
        %mul3A_737 = arith.muli %scan3A_517, %mul3A_736 : i32
        %add3A_738 = arith.constant 12 : i32
        %add3A_739 = arith.addi %mul3A_737, %add3A_738 : i32
        %broadcast_in_dim3A_740 = arith.constant 12 : i32
        %broadcast_in_dim3A_741 = vector.broadcast %broadcast_in_dim3A_740 : i32 to vector<16x1xi32>
        %gather3A_742 = vector.shape_cast %broadcast_in_dim3A_741 : vector<16x1xi32> to vector<16xi32>
        %gather3A_743 = tpu.dynamic_gather %get3A_522[%gather3A_742] in [0] : vector<16xf32>, vector<16xi32> -> vector<16xf32>
        %get3A_744 = arith.index_cast %add3A_739 : i32 to index
        %get3A_745 = arith.constant 0 : index
        %get3A_746 = tpu.vector_load %arg16[%get3A_744, %get3A_745] {strides = array<i32>} : memref<400x16xf32, #tpu.memory_space<vmem>>, vector<1x16xf32>,
        %get3A_747 = vector.shape_cast %get3A_746 : vector<1x16xf32> to vector<16xf32>
        %mul3A_748 = arith.mulf %get3A_747, %gather3A_743 : vector<16xf32>
        %swap3A_749 = arith.index_cast %add3A_739 : i32 to index
        %swap3A_750 = arith.constant 0 : index
        %swap3A_751 = tpu.vector_load %arg16[%swap3A_749, %swap3A_750] {strides = array<i32>} : memref<400x16xf32, #tpu.memory_space<vmem>>, vector<1x16xf32>,
        %swap3A_752 = vector.shape_cast %swap3A_751 : vector<1x16xf32> to vector<16xf32>
        %swap3A_753 = vector.shape_cast %mul3A_748 : vector<16xf32> to vector<1x16xf32>
        tpu.vector_store %arg16[%swap3A_749, %swap3A_750], %swap3A_753 {strides = array<i32>} : memref<400x16xf32, #tpu.memory_space<vmem>>, vector<1x16xf32>,
        %mul3A_754 = arith.constant 16 : i32
        %mul3A_755 = arith.muli %scan3A_517, %mul3A_754 : i32
        %add3A_756 = arith.constant 13 : i32
        %add3A_757 = arith.addi %mul3A_755, %add3A_756 : i32
        %broadcast_in_dim3A_758 = arith.constant 13 : i32
        %broadcast_in_dim3A_759 = vector.broadcast %broadcast_in_dim3A_758 : i32 to vector<16x1xi32>
        %gather3A_760 = vector.shape_cast %broadcast_in_dim3A_759 : vector<16x1xi32> to vector<16xi32>
        %gather3A_761 = tpu.dynamic_gather %get3A_522[%gather3A_760] in [0] : vector<16xf32>, vector<16xi32> -> vector<16xf32>
        %get3A_762 = arith.index_cast %add3A_757 : i32 to index
        %get3A_763 = arith.constant 0 : index
        %get3A_764 = tpu.vector_load %arg16[%get3A_762, %get3A_763] {strides = array<i32>} : memref<400x16xf32, #tpu.memory_space<vmem>>, vector<1x16xf32>,
        %get3A_765 = vector.shape_cast %get3A_764 : vector<1x16xf32> to vector<16xf32>
        %mul3A_766 = arith.mulf %get3A_765, %gather3A_761 : vector<16xf32>
        %swap3A_767 = arith.index_cast %add3A_757 : i32 to index
        %swap3A_768 = arith.constant 0 : index
        %swap3A_769 = tpu.vector_load %arg16[%swap3A_767, %swap3A_768] {strides = array<i32>} : memref<400x16xf32, #tpu.memory_space<vmem>>, vector<1x16xf32>,
        %swap3A_770 = vector.shape_cast %swap3A_769 : vector<1x16xf32> to vector<16xf32>
        %swap3A_771 = vector.shape_cast %mul3A_766 : vector<16xf32> to vector<1x16xf32>
        tpu.vector_store %arg16[%swap3A_767, %swap3A_768], %swap3A_771 {strides = array<i32>} : memref<400x16xf32, #tpu.memory_space<vmem>>, vector<1x16xf32>,
        %mul3A_772 = arith.constant 16 : i32
        %mul3A_773 = arith.muli %scan3A_517, %mul3A_772 : i32
        %add3A_774 = arith.constant 14 : i32
        %add3A_775 = arith.addi %mul3A_773, %add3A_774 : i32
        %broadcast_in_dim3A_776 = arith.constant 14 : i32
        %broadcast_in_dim3A_777 = vector.broadcast %broadcast_in_dim3A_776 : i32 to vector<16x1xi32>
        %gather3A_778 = vector.shape_cast %broadcast_in_dim3A_777 : vector<16x1xi32> to vector<16xi32>
        %gather3A_779 = tpu.dynamic_gather %get3A_522[%gather3A_778] in [0] : vector<16xf32>, vector<16xi32> -> vector<16xf32>
        %get3A_780 = arith.index_cast %add3A_775 : i32 to index
        %get3A_781 = arith.constant 0 : index
        %get3A_782 = tpu.vector_load %arg16[%get3A_780, %get3A_781] {strides = array<i32>} : memref<400x16xf32, #tpu.memory_space<vmem>>, vector<1x16xf32>,
        %get3A_783 = vector.shape_cast %get3A_782 : vector<1x16xf32> to vector<16xf32>
        %mul3A_784 = arith.mulf %get3A_783, %gather3A_779 : vector<16xf32>
        %swap3A_785 = arith.index_cast %add3A_775 : i32 to index
        %swap3A_786 = arith.constant 0 : index
        %swap3A_787 = tpu.vector_load %arg16[%swap3A_785, %swap3A_786] {strides = array<i32>} : memref<400x16xf32, #tpu.memory_space<vmem>>, vector<1x16xf32>,
        %swap3A_788 = vector.shape_cast %swap3A_787 : vector<1x16xf32> to vector<16xf32>
        %swap3A_789 = vector.shape_cast %mul3A_784 : vector<16xf32> to vector<1x16xf32>
        tpu.vector_store %arg16[%swap3A_785, %swap3A_786], %swap3A_789 {strides = array<i32>} : memref<400x16xf32, #tpu.memory_space<vmem>>, vector<1x16xf32>,
        %mul3A_790 = arith.constant 16 : i32
        %mul3A_791 = arith.muli %scan3A_517, %mul3A_790 : i32
        %add3A_792 = arith.constant 15 : i32
        %add3A_793 = arith.addi %mul3A_791, %add3A_792 : i32
        %broadcast_in_dim3A_794 = arith.constant 15 : i32
        %broadcast_in_dim3A_795 = vector.broadcast %broadcast_in_dim3A_794 : i32 to vector<16x1xi32>
        %gather3A_796 = vector.shape_cast %broadcast_in_dim3A_795 : vector<16x1xi32> to vector<16xi32>
        %gather3A_797 = tpu.dynamic_gather %get3A_522[%gather3A_796] in [0] : vector<16xf32>, vector<16xi32> -> vector<16xf32>
        %get3A_798 = arith.index_cast %add3A_793 : i32 to index
        %get3A_799 = arith.constant 0 : index
        %get3A_800 = tpu.vector_load %arg16[%get3A_798, %get3A_799] {strides = array<i32>} : memref<400x16xf32, #tpu.memory_space<vmem>>, vector<1x16xf32>,
        %get3A_801 = vector.shape_cast %get3A_800 : vector<1x16xf32> to vector<16xf32>
        %mul3A_802 = arith.mulf %get3A_801, %gather3A_797 : vector<16xf32>
        %swap3A_803 = arith.index_cast %add3A_793 : i32 to index
        %swap3A_804 = arith.constant 0 : index
        %swap3A_805 = tpu.vector_load %arg16[%swap3A_803, %swap3A_804] {strides = array<i32>} : memref<400x16xf32, #tpu.memory_space<vmem>>, vector<1x16xf32>,
        %swap3A_806 = vector.shape_cast %swap3A_805 : vector<1x16xf32> to vector<16xf32>
        %swap3A_807 = vector.shape_cast %mul3A_802 : vector<16xf32> to vector<1x16xf32>
        tpu.vector_store %arg16[%swap3A_803, %swap3A_804], %swap3A_807 {strides = array<i32>} : memref<400x16xf32, #tpu.memory_space<vmem>>, vector<1x16xf32>,
        %scan3A_808 = arith.constant 0 : i32
        scf.yield %scan3A_808 : i32
      }
      %scan3A_398 = arith.constant 25 : i32
      %dma_start3A_399 = arith.constant 0 : i32
      %dma_start3A_400 = arith.constant 0 : i32
      %dma_start3A_401 = tpu.memref_slice %arg8[%dma_start3A_399, %dma_start3A_400] : memref<2x400xi32, #tpu.memory_space<vmem>> -> memref<1x400xi32, #tpu.memory_space<vmem>>
      %dma_start3A_402 = tpu.memref_squeeze %dma_start3A_401 : memref<1x400xi32, #tpu.memory_space<vmem>> -> memref<400xi32, #tpu.memory_space<vmem>>
      %dma_start3A_403 = arith.constant 0 : i32
      %dma_start3A_404 = arith.constant 0 : i32
      %dma_start3A_405 = tpu.memref_slice %arg19[%dma_start3A_403, %dma_start3A_404] : memref<100096x16xf32, #tpu.memory_space<vmem_shared>> -> memref<100096x16xf32, #tpu.memory_space<vmem_shared>>
      tpu.enqueue_indirect_dma source(%arg16 : memref<400x16xf32, #tpu.memory_space<vmem>>) target(%dma_start3A_405 : memref<100096x16xf32, #tpu.memory_space<vmem_shared>>) offsets(%dma_start3A_402 : memref<400xi32, #tpu.memory_space<vmem>>) semaphore(%arg29 : memref<!tpu.dma_semaphore, #tpu.memory_space<semaphore_mem>>) {add = true}
      %mul3A_406 = arith.constant 4 : i32
      %mul3A_407 = arith.muli %mul3A_406, %scan3A_233 : i32
      %add3A_408 = arith.constant 2 : i32
      %add3A_409 = arith.addi %mul3A_407, %add3A_408 : i32
      %dma_wait3A_410 = arith.constant 0 : i32
      %dma_wait3A_411 = arith.constant 0 : i32
      %dma_wait3A_412 = tpu.memref_slice %arg7[%dma_wait3A_410, %dma_wait3A_411] : memref<2x400xi32, #tpu.memory_space<vmem>> -> memref<1x400xi32, #tpu.memory_space<vmem>>
      %dma_wait3A_413 = tpu.memref_squeeze %dma_wait3A_412 : memref<1x400xi32, #tpu.memory_space<vmem>> -> memref<400xi32, #tpu.memory_space<vmem>>
      %dma_wait3A_414 = arith.constant 0 : i32
      %dma_wait3A_415 = arith.constant 0 : i32
      %dma_wait3A_416 = tpu.memref_slice %arg19[%dma_wait3A_414, %dma_wait3A_415] : memref<100096x16xf32, #tpu.memory_space<vmem_shared>> -> memref<100096x16xf32, #tpu.memory_space<vmem_shared>>
      tpu.wait_indirect_dma semaphore(%arg28 : memref<!tpu.dma_semaphore, #tpu.memory_space<semaphore_mem>>) src(%arg15 : memref<400x16xf32, #tpu.memory_space<vmem>>) dst(%dma_wait3A_416 : memref<100096x16xf32, #tpu.memory_space<vmem_shared>>)
      %lt3A = arith.constant 125 : i32
      %lt3A_417 = arith.cmpi slt, %scan3A_233, %lt3A : i32
      %convert_element_type3A_418 = arith.extui %lt3A_417 : i1 to i32
      %cond3A_419 = arith.constant 0 : i32
      %cond3A_420 = arith.cmpi ne, %convert_element_type3A_418, %cond3A_419 : i32
      scf.if %cond3A_420 {
        %add3A_517 = arith.constant 2 : i32
        %add3A_518 = arith.addi %add3A_409, %add3A_517 : i32
        %mul3A_519 = arith.constant 400 : i32
        %mul3A_520 = arith.muli %add3A_518, %mul3A_519 : i32
        %add3A_521 = arith.addi %mul3A_42, %mul3A_520 : i32
        %dma_start3A_522 = arith.constant 0 : i32
        %dma_start3A_523 = arith.constant 0 : i32
        %dma_start3A_524 = tpu.memref_slice %arg7[%dma_start3A_522, %dma_start3A_523] : memref<2x400xi32, #tpu.memory_space<vmem>> -> memref<1x400xi32, #tpu.memory_space<vmem>>
        %dma_start3A_525 = tpu.memref_squeeze %dma_start3A_524 : memref<1x400xi32, #tpu.memory_space<vmem>> -> memref<400xi32, #tpu.memory_space<vmem>>
        %dma_start3A_526 = tpu.memref_slice %arg3[%add3A_521] : memref<6451200xi32, #tpu.memory_space<hbm>> -> memref<400xi32, #tpu.memory_space<hbm>>
        %dma_start3A_527 = arith.constant 0 : i32
        %dma_start3A_528 = tpu.memref_slice %arg7[%dma_start3A_522, %dma_start3A_527] : memref<2x400xi32, #tpu.memory_space<vmem>> -> memref<1x400xi32, #tpu.memory_space<vmem>>
        %dma_start3A_529 = tpu.memref_squeeze %dma_start3A_528 : memref<1x400xi32, #tpu.memory_space<vmem>> -> memref<400xi32, #tpu.memory_space<vmem>>
        %dma_start3A_530 = tpu.memref_slice %arg3[%add3A_521] : memref<6451200xi32, #tpu.memory_space<hbm>> -> memref<400xi32, #tpu.memory_space<hbm>>
        tpu.enqueue_dma source(%dma_start3A_530 : memref<400xi32, #tpu.memory_space<hbm>>) target(%dma_start3A_529 : memref<400xi32, #tpu.memory_space<vmem>>) target_semaphore(%arg20 : memref<!tpu.dma_semaphore, #tpu.memory_space<semaphore_mem>>)
        %dma_start3A_531 = arith.constant 1 : i32
        %dma_start3A_532 = arith.constant 0 : i32
        %dma_start3A_533 = tpu.memref_slice %arg7[%dma_start3A_531, %dma_start3A_532] : memref<2x400xi32, #tpu.memory_space<vmem>> -> memref<1x400xi32, #tpu.memory_space<vmem>>
        %dma_start3A_534 = tpu.memref_squeeze %dma_start3A_533 : memref<1x400xi32, #tpu.memory_space<vmem>> -> memref<400xi32, #tpu.memory_space<vmem>>
        %dma_start3A_535 = tpu.memref_slice %arg4[%add3A_521] : memref<6451200xi32, #tpu.memory_space<hbm>> -> memref<400xi32, #tpu.memory_space<hbm>>
        %dma_start3A_536 = arith.constant 0 : i32
        %dma_start3A_537 = tpu.memref_slice %arg7[%dma_start3A_531, %dma_start3A_536] : memref<2x400xi32, #tpu.memory_space<vmem>> -> memref<1x400xi32, #tpu.memory_space<vmem>>
        %dma_start3A_538 = tpu.memref_squeeze %dma_start3A_537 : memref<1x400xi32, #tpu.memory_space<vmem>> -> memref<400xi32, #tpu.memory_space<vmem>>
        %dma_start3A_539 = tpu.memref_slice %arg4[%add3A_521] : memref<6451200xi32, #tpu.memory_space<hbm>> -> memref<400xi32, #tpu.memory_space<hbm>>
        tpu.enqueue_dma source(%dma_start3A_539 : memref<400xi32, #tpu.memory_space<hbm>>) target(%dma_start3A_538 : memref<400xi32, #tpu.memory_space<vmem>>) target_semaphore(%arg20 : memref<!tpu.dma_semaphore, #tpu.memory_space<semaphore_mem>>)
        %dma_start3A_540 = tpu.memref_slice %arg5[%add3A_521] : memref<6451200xf32, #tpu.memory_space<hbm>> -> memref<400xf32, #tpu.memory_space<hbm>>
        %dma_start3A_541 = tpu.memref_slice %arg5[%add3A_521] : memref<6451200xf32, #tpu.memory_space<hbm>> -> memref<400xf32, #tpu.memory_space<hbm>>
        tpu.enqueue_dma source(%dma_start3A_541 : memref<400xf32, #tpu.memory_space<hbm>>) target(%arg11 : memref<400xf32, #tpu.memory_space<vmem>>) target_semaphore(%arg20 : memref<!tpu.dma_semaphore, #tpu.memory_space<semaphore_mem>>)
      } else {
      }
      %add3A_421 = arith.constant 1 : i32
      %add3A_422 = arith.addi %add3A_409, %add3A_421 : i32
      %mul3A_423 = arith.constant 400 : i32
      %mul3A_424 = arith.muli %add3A_422, %mul3A_423 : i32
      %add3A_425 = arith.addi %mul3A_42, %mul3A_424 : i32
      %dma_wait3A_426 = arith.constant 0 : i32
      %dma_wait3A_427 = arith.constant 0 : i32
      %dma_wait3A_428 = tpu.memref_slice %arg10[%dma_wait3A_426, %dma_wait3A_427] : memref<2x400xi32, #tpu.memory_space<vmem>> -> memref<1x400xi32, #tpu.memory_space<vmem>>
      %dma_wait3A_429 = tpu.memref_squeeze %dma_wait3A_428 : memref<1x400xi32, #tpu.memory_space<vmem>> -> memref<400xi32, #tpu.memory_space<vmem>>
      %dma_wait3A_430 = tpu.memref_slice %arg3[%add3A_425] : memref<6451200xi32, #tpu.memory_space<hbm>> -> memref<400xi32, #tpu.memory_space<hbm>>
      %dma_wait3A_431 = arith.constant 0 : i32
      %dma_wait3A_432 = tpu.memref_slice %arg10[%dma_wait3A_426, %dma_wait3A_431] : memref<2x400xi32, #tpu.memory_space<vmem>> -> memref<1x400xi32, #tpu.memory_space<vmem>>
      %dma_wait3A_433 = tpu.memref_squeeze %dma_wait3A_432 : memref<1x400xi32, #tpu.memory_space<vmem>> -> memref<400xi32, #tpu.memory_space<vmem>>
      %dma_wait3A_434 = tpu.memref_slice %arg3[%add3A_425] : memref<6451200xi32, #tpu.memory_space<hbm>> -> memref<400xi32, #tpu.memory_space<hbm>>
      tpu.wait_dma2 semaphore(%arg23 : memref<!tpu.dma_semaphore, #tpu.memory_space<semaphore_mem>>) src(%dma_wait3A_434 : memref<400xi32, #tpu.memory_space<hbm>>) dst(%dma_wait3A_433 : memref<400xi32, #tpu.memory_space<vmem>>)
      %dma_wait3A_435 = arith.constant 1 : i32
      %dma_wait3A_436 = arith.constant 0 : i32
      %dma_wait3A_437 = tpu.memref_slice %arg10[%dma_wait3A_435, %dma_wait3A_436] : memref<2x400xi32, #tpu.memory_space<vmem>> -> memref<1x400xi32, #tpu.memory_space<vmem>>
      %dma_wait3A_438 = tpu.memref_squeeze %dma_wait3A_437 : memref<1x400xi32, #tpu.memory_space<vmem>> -> memref<400xi32, #tpu.memory_space<vmem>>
      %dma_wait3A_439 = tpu.memref_slice %arg4[%add3A_425] : memref<6451200xi32, #tpu.memory_space<hbm>> -> memref<400xi32, #tpu.memory_space<hbm>>
      %dma_wait3A_440 = arith.constant 0 : i32
      %dma_wait3A_441 = tpu.memref_slice %arg10[%dma_wait3A_435, %dma_wait3A_440] : memref<2x400xi32, #tpu.memory_space<vmem>> -> memref<1x400xi32, #tpu.memory_space<vmem>>
      %dma_wait3A_442 = tpu.memref_squeeze %dma_wait3A_441 : memref<1x400xi32, #tpu.memory_space<vmem>> -> memref<400xi32, #tpu.memory_space<vmem>>
      %dma_wait3A_443 = tpu.memref_slice %arg4[%add3A_425] : memref<6451200xi32, #tpu.memory_space<hbm>> -> memref<400xi32, #tpu.memory_space<hbm>>
      tpu.wait_dma2 semaphore(%arg23 : memref<!tpu.dma_semaphore, #tpu.memory_space<semaphore_mem>>) src(%dma_wait3A_443 : memref<400xi32, #tpu.memory_space<hbm>>) dst(%dma_wait3A_442 : memref<400xi32, #tpu.memory_space<vmem>>)
      %dma_wait3A_444 = tpu.memref_slice %arg5[%add3A_425] : memref<6451200xf32, #tpu.memory_space<hbm>> -> memref<400xf32, #tpu.memory_space<hbm>>
      %dma_wait3A_445 = tpu.memref_slice %arg5[%add3A_425] : memref<6451200xf32, #tpu.memory_space<hbm>> -> memref<400xf32, #tpu.memory_space<hbm>>
      tpu.wait_dma2 semaphore(%arg23 : memref<!tpu.dma_semaphore, #tpu.memory_space<semaphore_mem>>) src(%dma_wait3A_445 : memref<400xf32, #tpu.memory_space<hbm>>) dst(%arg14 : memref<400xf32, #tpu.memory_space<vmem>>)
      %dma_start3A_446 = arith.constant 1 : i32
      %dma_start3A_447 = arith.constant 0 : i32
      %dma_start3A_448 = tpu.memref_slice %arg10[%dma_start3A_446, %dma_start3A_447] : memref<2x400xi32, #tpu.memory_space<vmem>> -> memref<1x400xi32, #tpu.memory_space<vmem>>
      %dma_start3A_449 = tpu.memref_squeeze %dma_start3A_448 : memref<1x400xi32, #tpu.memory_space<vmem>> -> memref<400xi32, #tpu.memory_space<vmem>>
      %dma_start3A_450 = arith.constant 0 : i32
      %dma_start3A_451 = arith.constant 0 : i32
      %dma_start3A_452 = tpu.memref_slice %arg2[%dma_start3A_450, %dma_start3A_451] : memref<100096x16xf32, #tpu.memory_space<hbm>> -> memref<100096x16xf32, #tpu.memory_space<hbm>>
      tpu.enqueue_indirect_dma source(%dma_start3A_452 : memref<100096x16xf32, #tpu.memory_space<hbm>>) target(%arg18 : memref<400x16xf32, #tpu.memory_space<vmem>>) offsets(%dma_start3A_449 : memref<400xi32, #tpu.memory_space<vmem>>) semaphore(%arg27 : memref<!tpu.dma_semaphore, #tpu.memory_space<semaphore_mem>>)
      %dma_wait3A_453 = arith.constant 1 : i32
      %dma_wait3A_454 = arith.constant 0 : i32
      %dma_wait3A_455 = tpu.memref_slice %arg9[%dma_wait3A_453, %dma_wait3A_454] : memref<2x400xi32, #tpu.memory_space<vmem>> -> memref<1x400xi32, #tpu.memory_space<vmem>>
      %dma_wait3A_456 = tpu.memref_squeeze %dma_wait3A_455 : memref<1x400xi32, #tpu.memory_space<vmem>> -> memref<400xi32, #tpu.memory_space<vmem>>
      %dma_wait3A_457 = arith.constant 0 : i32
      %dma_wait3A_458 = arith.constant 0 : i32
      %dma_wait3A_459 = tpu.memref_slice %arg2[%dma_wait3A_457, %dma_wait3A_458] : memref<100096x16xf32, #tpu.memory_space<hbm>> -> memref<100096x16xf32, #tpu.memory_space<hbm>>
      tpu.wait_indirect_dma semaphore(%arg26 : memref<!tpu.dma_semaphore, #tpu.memory_space<semaphore_mem>>) src(%dma_wait3A_459 : memref<100096x16xf32, #tpu.memory_space<hbm>>) dst(%arg17 : memref<400x16xf32, #tpu.memory_space<vmem>>)
      %scan3A_460 = arith.constant 0 : i32
      %scan3A_461 = arith.constant 0 : i32
      %scan3A_462 = arith.constant 25 : i32
      %scan3A_463 = arith.addi %scan3A_461, %scan3A_462 : i32
      %scan3A_464 = arith.constant 1 : i32
      %scan3A_465 = scf.for %scan3A_517 = %scan3A_461 to %scan3A_463 step %scan3A_464 iter_args(%scan3A_518 = %scan3A_460) -> (i32)  : i32 {
        %mul3A_519 = arith.constant 16 : i32
        %mul3A_520 = arith.muli %scan3A_517, %mul3A_519 : i32
        %get3A = arith.index_cast %mul3A_520 : i32 to index
        %get3A_521 = tpu.vector_load %arg13[%get3A] {strides = array<i32>} : memref<400xf32, #tpu.memory_space<vmem>>, vector<16xf32>,
        %get3A_522 = vector.shape_cast %get3A_521 : vector<16xf32> to vector<16xf32>
        %mul3A_523 = arith.constant 16 : i32
        %mul3A_524 = arith.muli %scan3A_517, %mul3A_523 : i32
        %add3A_525 = arith.constant 0 : i32
        %add3A_526 = arith.addi %mul3A_524, %add3A_525 : i32
        %broadcast_in_dim3A = arith.constant 0 : i32
        %broadcast_in_dim3A_527 = vector.broadcast %broadcast_in_dim3A : i32 to vector<16x1xi32>
        %gather3A = vector.shape_cast %broadcast_in_dim3A_527 : vector<16x1xi32> to vector<16xi32>
        %gather3A_528 = tpu.dynamic_gather %get3A_522[%gather3A] in [0] : vector<16xf32>, vector<16xi32> -> vector<16xf32>
        %get3A_529 = arith.index_cast %add3A_526 : i32 to index
        %get3A_530 = arith.constant 0 : index
        %get3A_531 = tpu.vector_load %arg17[%get3A_529, %get3A_530] {strides = array<i32>} : memref<400x16xf32, #tpu.memory_space<vmem>>, vector<1x16xf32>,
        %get3A_532 = vector.shape_cast %get3A_531 : vector<1x16xf32> to vector<16xf32>
        %mul3A_533 = arith.mulf %get3A_532, %gather3A_528 : vector<16xf32>
        %swap3A = arith.index_cast %add3A_526 : i32 to index
        %swap3A_534 = arith.constant 0 : index
        %swap3A_535 = tpu.vector_load %arg17[%swap3A, %swap3A_534] {strides = array<i32>} : memref<400x16xf32, #tpu.memory_space<vmem>>, vector<1x16xf32>,
        %swap3A_536 = vector.shape_cast %swap3A_535 : vector<1x16xf32> to vector<16xf32>
        %swap3A_537 = vector.shape_cast %mul3A_533 : vector<16xf32> to vector<1x16xf32>
        tpu.vector_store %arg17[%swap3A, %swap3A_534], %swap3A_537 {strides = array<i32>} : memref<400x16xf32, #tpu.memory_space<vmem>>, vector<1x16xf32>,
        %mul3A_538 = arith.constant 16 : i32
        %mul3A_539 = arith.muli %scan3A_517, %mul3A_538 : i32
        %add3A_540 = arith.constant 1 : i32
        %add3A_541 = arith.addi %mul3A_539, %add3A_540 : i32
        %broadcast_in_dim3A_542 = arith.constant 1 : i32
        %broadcast_in_dim3A_543 = vector.broadcast %broadcast_in_dim3A_542 : i32 to vector<16x1xi32>
        %gather3A_544 = vector.shape_cast %broadcast_in_dim3A_543 : vector<16x1xi32> to vector<16xi32>
        %gather3A_545 = tpu.dynamic_gather %get3A_522[%gather3A_544] in [0] : vector<16xf32>, vector<16xi32> -> vector<16xf32>
        %get3A_546 = arith.index_cast %add3A_541 : i32 to index
        %get3A_547 = arith.constant 0 : index
        %get3A_548 = tpu.vector_load %arg17[%get3A_546, %get3A_547] {strides = array<i32>} : memref<400x16xf32, #tpu.memory_space<vmem>>, vector<1x16xf32>,
        %get3A_549 = vector.shape_cast %get3A_548 : vector<1x16xf32> to vector<16xf32>
        %mul3A_550 = arith.mulf %get3A_549, %gather3A_545 : vector<16xf32>
        %swap3A_551 = arith.index_cast %add3A_541 : i32 to index
        %swap3A_552 = arith.constant 0 : index
        %swap3A_553 = tpu.vector_load %arg17[%swap3A_551, %swap3A_552] {strides = array<i32>} : memref<400x16xf32, #tpu.memory_space<vmem>>, vector<1x16xf32>,
        %swap3A_554 = vector.shape_cast %swap3A_553 : vector<1x16xf32> to vector<16xf32>
        %swap3A_555 = vector.shape_cast %mul3A_550 : vector<16xf32> to vector<1x16xf32>
        tpu.vector_store %arg17[%swap3A_551, %swap3A_552], %swap3A_555 {strides = array<i32>} : memref<400x16xf32, #tpu.memory_space<vmem>>, vector<1x16xf32>,
        %mul3A_556 = arith.constant 16 : i32
        %mul3A_557 = arith.muli %scan3A_517, %mul3A_556 : i32
        %add3A_558 = arith.constant 2 : i32
        %add3A_559 = arith.addi %mul3A_557, %add3A_558 : i32
        %broadcast_in_dim3A_560 = arith.constant 2 : i32
        %broadcast_in_dim3A_561 = vector.broadcast %broadcast_in_dim3A_560 : i32 to vector<16x1xi32>
        %gather3A_562 = vector.shape_cast %broadcast_in_dim3A_561 : vector<16x1xi32> to vector<16xi32>
        %gather3A_563 = tpu.dynamic_gather %get3A_522[%gather3A_562] in [0] : vector<16xf32>, vector<16xi32> -> vector<16xf32>
        %get3A_564 = arith.index_cast %add3A_559 : i32 to index
        %get3A_565 = arith.constant 0 : index
        %get3A_566 = tpu.vector_load %arg17[%get3A_564, %get3A_565] {strides = array<i32>} : memref<400x16xf32, #tpu.memory_space<vmem>>, vector<1x16xf32>,
        %get3A_567 = vector.shape_cast %get3A_566 : vector<1x16xf32> to vector<16xf32>
        %mul3A_568 = arith.mulf %get3A_567, %gather3A_563 : vector<16xf32>
        %swap3A_569 = arith.index_cast %add3A_559 : i32 to index
        %swap3A_570 = arith.constant 0 : index
        %swap3A_571 = tpu.vector_load %arg17[%swap3A_569, %swap3A_570] {strides = array<i32>} : memref<400x16xf32, #tpu.memory_space<vmem>>, vector<1x16xf32>,
        %swap3A_572 = vector.shape_cast %swap3A_571 : vector<1x16xf32> to vector<16xf32>
        %swap3A_573 = vector.shape_cast %mul3A_568 : vector<16xf32> to vector<1x16xf32>
        tpu.vector_store %arg17[%swap3A_569, %swap3A_570], %swap3A_573 {strides = array<i32>} : memref<400x16xf32, #tpu.memory_space<vmem>>, vector<1x16xf32>,
        %mul3A_574 = arith.constant 16 : i32
        %mul3A_575 = arith.muli %scan3A_517, %mul3A_574 : i32
        %add3A_576 = arith.constant 3 : i32
        %add3A_577 = arith.addi %mul3A_575, %add3A_576 : i32
        %broadcast_in_dim3A_578 = arith.constant 3 : i32
        %broadcast_in_dim3A_579 = vector.broadcast %broadcast_in_dim3A_578 : i32 to vector<16x1xi32>
        %gather3A_580 = vector.shape_cast %broadcast_in_dim3A_579 : vector<16x1xi32> to vector<16xi32>
        %gather3A_581 = tpu.dynamic_gather %get3A_522[%gather3A_580] in [0] : vector<16xf32>, vector<16xi32> -> vector<16xf32>
        %get3A_582 = arith.index_cast %add3A_577 : i32 to index
        %get3A_583 = arith.constant 0 : index
        %get3A_584 = tpu.vector_load %arg17[%get3A_582, %get3A_583] {strides = array<i32>} : memref<400x16xf32, #tpu.memory_space<vmem>>, vector<1x16xf32>,
        %get3A_585 = vector.shape_cast %get3A_584 : vector<1x16xf32> to vector<16xf32>
        %mul3A_586 = arith.mulf %get3A_585, %gather3A_581 : vector<16xf32>
        %swap3A_587 = arith.index_cast %add3A_577 : i32 to index
        %swap3A_588 = arith.constant 0 : index
        %swap3A_589 = tpu.vector_load %arg17[%swap3A_587, %swap3A_588] {strides = array<i32>} : memref<400x16xf32, #tpu.memory_space<vmem>>, vector<1x16xf32>,
        %swap3A_590 = vector.shape_cast %swap3A_589 : vector<1x16xf32> to vector<16xf32>
        %swap3A_591 = vector.shape_cast %mul3A_586 : vector<16xf32> to vector<1x16xf32>
        tpu.vector_store %arg17[%swap3A_587, %swap3A_588], %swap3A_591 {strides = array<i32>} : memref<400x16xf32, #tpu.memory_space<vmem>>, vector<1x16xf32>,
        %mul3A_592 = arith.constant 16 : i32
        %mul3A_593 = arith.muli %scan3A_517, %mul3A_592 : i32
        %add3A_594 = arith.constant 4 : i32
        %add3A_595 = arith.addi %mul3A_593, %add3A_594 : i32
        %broadcast_in_dim3A_596 = arith.constant 4 : i32
        %broadcast_in_dim3A_597 = vector.broadcast %broadcast_in_dim3A_596 : i32 to vector<16x1xi32>
        %gather3A_598 = vector.shape_cast %broadcast_in_dim3A_597 : vector<16x1xi32> to vector<16xi32>
        %gather3A_599 = tpu.dynamic_gather %get3A_522[%gather3A_598] in [0] : vector<16xf32>, vector<16xi32> -> vector<16xf32>
        %get3A_600 = arith.index_cast %add3A_595 : i32 to index
        %get3A_601 = arith.constant 0 : index
        %get3A_602 = tpu.vector_load %arg17[%get3A_600, %get3A_601] {strides = array<i32>} : memref<400x16xf32, #tpu.memory_space<vmem>>, vector<1x16xf32>,
        %get3A_603 = vector.shape_cast %get3A_602 : vector<1x16xf32> to vector<16xf32>
        %mul3A_604 = arith.mulf %get3A_603, %gather3A_599 : vector<16xf32>
        %swap3A_605 = arith.index_cast %add3A_595 : i32 to index
        %swap3A_606 = arith.constant 0 : index
        %swap3A_607 = tpu.vector_load %arg17[%swap3A_605, %swap3A_606] {strides = array<i32>} : memref<400x16xf32, #tpu.memory_space<vmem>>, vector<1x16xf32>,
        %swap3A_608 = vector.shape_cast %swap3A_607 : vector<1x16xf32> to vector<16xf32>
        %swap3A_609 = vector.shape_cast %mul3A_604 : vector<16xf32> to vector<1x16xf32>
        tpu.vector_store %arg17[%swap3A_605, %swap3A_606], %swap3A_609 {strides = array<i32>} : memref<400x16xf32, #tpu.memory_space<vmem>>, vector<1x16xf32>,
        %mul3A_610 = arith.constant 16 : i32
        %mul3A_611 = arith.muli %scan3A_517, %mul3A_610 : i32
        %add3A_612 = arith.constant 5 : i32
        %add3A_613 = arith.addi %mul3A_611, %add3A_612 : i32
        %broadcast_in_dim3A_614 = arith.constant 5 : i32
        %broadcast_in_dim3A_615 = vector.broadcast %broadcast_in_dim3A_614 : i32 to vector<16x1xi32>
        %gather3A_616 = vector.shape_cast %broadcast_in_dim3A_615 : vector<16x1xi32> to vector<16xi32>
        %gather3A_617 = tpu.dynamic_gather %get3A_522[%gather3A_616] in [0] : vector<16xf32>, vector<16xi32> -> vector<16xf32>
        %get3A_618 = arith.index_cast %add3A_613 : i32 to index
        %get3A_619 = arith.constant 0 : index
        %get3A_620 = tpu.vector_load %arg17[%get3A_618, %get3A_619] {strides = array<i32>} : memref<400x16xf32, #tpu.memory_space<vmem>>, vector<1x16xf32>,
        %get3A_621 = vector.shape_cast %get3A_620 : vector<1x16xf32> to vector<16xf32>
        %mul3A_622 = arith.mulf %get3A_621, %gather3A_617 : vector<16xf32>
        %swap3A_623 = arith.index_cast %add3A_613 : i32 to index
        %swap3A_624 = arith.constant 0 : index
        %swap3A_625 = tpu.vector_load %arg17[%swap3A_623, %swap3A_624] {strides = array<i32>} : memref<400x16xf32, #tpu.memory_space<vmem>>, vector<1x16xf32>,
        %swap3A_626 = vector.shape_cast %swap3A_625 : vector<1x16xf32> to vector<16xf32>
        %swap3A_627 = vector.shape_cast %mul3A_622 : vector<16xf32> to vector<1x16xf32>
        tpu.vector_store %arg17[%swap3A_623, %swap3A_624], %swap3A_627 {strides = array<i32>} : memref<400x16xf32, #tpu.memory_space<vmem>>, vector<1x16xf32>,
        %mul3A_628 = arith.constant 16 : i32
        %mul3A_629 = arith.muli %scan3A_517, %mul3A_628 : i32
        %add3A_630 = arith.constant 6 : i32
        %add3A_631 = arith.addi %mul3A_629, %add3A_630 : i32
        %broadcast_in_dim3A_632 = arith.constant 6 : i32
        %broadcast_in_dim3A_633 = vector.broadcast %broadcast_in_dim3A_632 : i32 to vector<16x1xi32>
        %gather3A_634 = vector.shape_cast %broadcast_in_dim3A_633 : vector<16x1xi32> to vector<16xi32>
        %gather3A_635 = tpu.dynamic_gather %get3A_522[%gather3A_634] in [0] : vector<16xf32>, vector<16xi32> -> vector<16xf32>
        %get3A_636 = arith.index_cast %add3A_631 : i32 to index
        %get3A_637 = arith.constant 0 : index
        %get3A_638 = tpu.vector_load %arg17[%get3A_636, %get3A_637] {strides = array<i32>} : memref<400x16xf32, #tpu.memory_space<vmem>>, vector<1x16xf32>,
        %get3A_639 = vector.shape_cast %get3A_638 : vector<1x16xf32> to vector<16xf32>
        %mul3A_640 = arith.mulf %get3A_639, %gather3A_635 : vector<16xf32>
        %swap3A_641 = arith.index_cast %add3A_631 : i32 to index
        %swap3A_642 = arith.constant 0 : index
        %swap3A_643 = tpu.vector_load %arg17[%swap3A_641, %swap3A_642] {strides = array<i32>} : memref<400x16xf32, #tpu.memory_space<vmem>>, vector<1x16xf32>,
        %swap3A_644 = vector.shape_cast %swap3A_643 : vector<1x16xf32> to vector<16xf32>
        %swap3A_645 = vector.shape_cast %mul3A_640 : vector<16xf32> to vector<1x16xf32>
        tpu.vector_store %arg17[%swap3A_641, %swap3A_642], %swap3A_645 {strides = array<i32>} : memref<400x16xf32, #tpu.memory_space<vmem>>, vector<1x16xf32>,
        %mul3A_646 = arith.constant 16 : i32
        %mul3A_647 = arith.muli %scan3A_517, %mul3A_646 : i32
        %add3A_648 = arith.constant 7 : i32
        %add3A_649 = arith.addi %mul3A_647, %add3A_648 : i32
        %broadcast_in_dim3A_650 = arith.constant 7 : i32
        %broadcast_in_dim3A_651 = vector.broadcast %broadcast_in_dim3A_650 : i32 to vector<16x1xi32>
        %gather3A_652 = vector.shape_cast %broadcast_in_dim3A_651 : vector<16x1xi32> to vector<16xi32>
        %gather3A_653 = tpu.dynamic_gather %get3A_522[%gather3A_652] in [0] : vector<16xf32>, vector<16xi32> -> vector<16xf32>
        %get3A_654 = arith.index_cast %add3A_649 : i32 to index
        %get3A_655 = arith.constant 0 : index
        %get3A_656 = tpu.vector_load %arg17[%get3A_654, %get3A_655] {strides = array<i32>} : memref<400x16xf32, #tpu.memory_space<vmem>>, vector<1x16xf32>,
        %get3A_657 = vector.shape_cast %get3A_656 : vector<1x16xf32> to vector<16xf32>
        %mul3A_658 = arith.mulf %get3A_657, %gather3A_653 : vector<16xf32>
        %swap3A_659 = arith.index_cast %add3A_649 : i32 to index
        %swap3A_660 = arith.constant 0 : index
        %swap3A_661 = tpu.vector_load %arg17[%swap3A_659, %swap3A_660] {strides = array<i32>} : memref<400x16xf32, #tpu.memory_space<vmem>>, vector<1x16xf32>,
        %swap3A_662 = vector.shape_cast %swap3A_661 : vector<1x16xf32> to vector<16xf32>
        %swap3A_663 = vector.shape_cast %mul3A_658 : vector<16xf32> to vector<1x16xf32>
        tpu.vector_store %arg17[%swap3A_659, %swap3A_660], %swap3A_663 {strides = array<i32>} : memref<400x16xf32, #tpu.memory_space<vmem>>, vector<1x16xf32>,
        %mul3A_664 = arith.constant 16 : i32
        %mul3A_665 = arith.muli %scan3A_517, %mul3A_664 : i32
        %add3A_666 = arith.constant 8 : i32
        %add3A_667 = arith.addi %mul3A_665, %add3A_666 : i32
        %broadcast_in_dim3A_668 = arith.constant 8 : i32
        %broadcast_in_dim3A_669 = vector.broadcast %broadcast_in_dim3A_668 : i32 to vector<16x1xi32>
        %gather3A_670 = vector.shape_cast %broadcast_in_dim3A_669 : vector<16x1xi32> to vector<16xi32>
        %gather3A_671 = tpu.dynamic_gather %get3A_522[%gather3A_670] in [0] : vector<16xf32>, vector<16xi32> -> vector<16xf32>
        %get3A_672 = arith.index_cast %add3A_667 : i32 to index
        %get3A_673 = arith.constant 0 : index
        %get3A_674 = tpu.vector_load %arg17[%get3A_672, %get3A_673] {strides = array<i32>} : memref<400x16xf32, #tpu.memory_space<vmem>>, vector<1x16xf32>,
        %get3A_675 = vector.shape_cast %get3A_674 : vector<1x16xf32> to vector<16xf32>
        %mul3A_676 = arith.mulf %get3A_675, %gather3A_671 : vector<16xf32>
        %swap3A_677 = arith.index_cast %add3A_667 : i32 to index
        %swap3A_678 = arith.constant 0 : index
        %swap3A_679 = tpu.vector_load %arg17[%swap3A_677, %swap3A_678] {strides = array<i32>} : memref<400x16xf32, #tpu.memory_space<vmem>>, vector<1x16xf32>,
        %swap3A_680 = vector.shape_cast %swap3A_679 : vector<1x16xf32> to vector<16xf32>
        %swap3A_681 = vector.shape_cast %mul3A_676 : vector<16xf32> to vector<1x16xf32>
        tpu.vector_store %arg17[%swap3A_677, %swap3A_678], %swap3A_681 {strides = array<i32>} : memref<400x16xf32, #tpu.memory_space<vmem>>, vector<1x16xf32>,
        %mul3A_682 = arith.constant 16 : i32
        %mul3A_683 = arith.muli %scan3A_517, %mul3A_682 : i32
        %add3A_684 = arith.constant 9 : i32
        %add3A_685 = arith.addi %mul3A_683, %add3A_684 : i32
        %broadcast_in_dim3A_686 = arith.constant 9 : i32
        %broadcast_in_dim3A_687 = vector.broadcast %broadcast_in_dim3A_686 : i32 to vector<16x1xi32>
        %gather3A_688 = vector.shape_cast %broadcast_in_dim3A_687 : vector<16x1xi32> to vector<16xi32>
        %gather3A_689 = tpu.dynamic_gather %get3A_522[%gather3A_688] in [0] : vector<16xf32>, vector<16xi32> -> vector<16xf32>
        %get3A_690 = arith.index_cast %add3A_685 : i32 to index
        %get3A_691 = arith.constant 0 : index
        %get3A_692 = tpu.vector_load %arg17[%get3A_690, %get3A_691] {strides = array<i32>} : memref<400x16xf32, #tpu.memory_space<vmem>>, vector<1x16xf32>,
        %get3A_693 = vector.shape_cast %get3A_692 : vector<1x16xf32> to vector<16xf32>
        %mul3A_694 = arith.mulf %get3A_693, %gather3A_689 : vector<16xf32>
        %swap3A_695 = arith.index_cast %add3A_685 : i32 to index
        %swap3A_696 = arith.constant 0 : index
        %swap3A_697 = tpu.vector_load %arg17[%swap3A_695, %swap3A_696] {strides = array<i32>} : memref<400x16xf32, #tpu.memory_space<vmem>>, vector<1x16xf32>,
        %swap3A_698 = vector.shape_cast %swap3A_697 : vector<1x16xf32> to vector<16xf32>
        %swap3A_699 = vector.shape_cast %mul3A_694 : vector<16xf32> to vector<1x16xf32>
        tpu.vector_store %arg17[%swap3A_695, %swap3A_696], %swap3A_699 {strides = array<i32>} : memref<400x16xf32, #tpu.memory_space<vmem>>, vector<1x16xf32>,
        %mul3A_700 = arith.constant 16 : i32
        %mul3A_701 = arith.muli %scan3A_517, %mul3A_700 : i32
        %add3A_702 = arith.constant 10 : i32
        %add3A_703 = arith.addi %mul3A_701, %add3A_702 : i32
        %broadcast_in_dim3A_704 = arith.constant 10 : i32
        %broadcast_in_dim3A_705 = vector.broadcast %broadcast_in_dim3A_704 : i32 to vector<16x1xi32>
        %gather3A_706 = vector.shape_cast %broadcast_in_dim3A_705 : vector<16x1xi32> to vector<16xi32>
        %gather3A_707 = tpu.dynamic_gather %get3A_522[%gather3A_706] in [0] : vector<16xf32>, vector<16xi32> -> vector<16xf32>
        %get3A_708 = arith.index_cast %add3A_703 : i32 to index
        %get3A_709 = arith.constant 0 : index
        %get3A_710 = tpu.vector_load %arg17[%get3A_708, %get3A_709] {strides = array<i32>} : memref<400x16xf32, #tpu.memory_space<vmem>>, vector<1x16xf32>,
        %get3A_711 = vector.shape_cast %get3A_710 : vector<1x16xf32> to vector<16xf32>
        %mul3A_712 = arith.mulf %get3A_711, %gather3A_707 : vector<16xf32>
        %swap3A_713 = arith.index_cast %add3A_703 : i32 to index
        %swap3A_714 = arith.constant 0 : index
        %swap3A_715 = tpu.vector_load %arg17[%swap3A_713, %swap3A_714] {strides = array<i32>} : memref<400x16xf32, #tpu.memory_space<vmem>>, vector<1x16xf32>,
        %swap3A_716 = vector.shape_cast %swap3A_715 : vector<1x16xf32> to vector<16xf32>
        %swap3A_717 = vector.shape_cast %mul3A_712 : vector<16xf32> to vector<1x16xf32>
        tpu.vector_store %arg17[%swap3A_713, %swap3A_714], %swap3A_717 {strides = array<i32>} : memref<400x16xf32, #tpu.memory_space<vmem>>, vector<1x16xf32>,
        %mul3A_718 = arith.constant 16 : i32
        %mul3A_719 = arith.muli %scan3A_517, %mul3A_718 : i32
        %add3A_720 = arith.constant 11 : i32
        %add3A_721 = arith.addi %mul3A_719, %add3A_720 : i32
        %broadcast_in_dim3A_722 = arith.constant 11 : i32
        %broadcast_in_dim3A_723 = vector.broadcast %broadcast_in_dim3A_722 : i32 to vector<16x1xi32>
        %gather3A_724 = vector.shape_cast %broadcast_in_dim3A_723 : vector<16x1xi32> to vector<16xi32>
        %gather3A_725 = tpu.dynamic_gather %get3A_522[%gather3A_724] in [0] : vector<16xf32>, vector<16xi32> -> vector<16xf32>
        %get3A_726 = arith.index_cast %add3A_721 : i32 to index
        %get3A_727 = arith.constant 0 : index
        %get3A_728 = tpu.vector_load %arg17[%get3A_726, %get3A_727] {strides = array<i32>} : memref<400x16xf32, #tpu.memory_space<vmem>>, vector<1x16xf32>,
        %get3A_729 = vector.shape_cast %get3A_728 : vector<1x16xf32> to vector<16xf32>
        %mul3A_730 = arith.mulf %get3A_729, %gather3A_725 : vector<16xf32>
        %swap3A_731 = arith.index_cast %add3A_721 : i32 to index
        %swap3A_732 = arith.constant 0 : index
        %swap3A_733 = tpu.vector_load %arg17[%swap3A_731, %swap3A_732] {strides = array<i32>} : memref<400x16xf32, #tpu.memory_space<vmem>>, vector<1x16xf32>,
        %swap3A_734 = vector.shape_cast %swap3A_733 : vector<1x16xf32> to vector<16xf32>
        %swap3A_735 = vector.shape_cast %mul3A_730 : vector<16xf32> to vector<1x16xf32>
        tpu.vector_store %arg17[%swap3A_731, %swap3A_732], %swap3A_735 {strides = array<i32>} : memref<400x16xf32, #tpu.memory_space<vmem>>, vector<1x16xf32>,
        %mul3A_736 = arith.constant 16 : i32
        %mul3A_737 = arith.muli %scan3A_517, %mul3A_736 : i32
        %add3A_738 = arith.constant 12 : i32
        %add3A_739 = arith.addi %mul3A_737, %add3A_738 : i32
        %broadcast_in_dim3A_740 = arith.constant 12 : i32
        %broadcast_in_dim3A_741 = vector.broadcast %broadcast_in_dim3A_740 : i32 to vector<16x1xi32>
        %gather3A_742 = vector.shape_cast %broadcast_in_dim3A_741 : vector<16x1xi32> to vector<16xi32>
        %gather3A_743 = tpu.dynamic_gather %get3A_522[%gather3A_742] in [0] : vector<16xf32>, vector<16xi32> -> vector<16xf32>
        %get3A_744 = arith.index_cast %add3A_739 : i32 to index
        %get3A_745 = arith.constant 0 : index
        %get3A_746 = tpu.vector_load %arg17[%get3A_744, %get3A_745] {strides = array<i32>} : memref<400x16xf32, #tpu.memory_space<vmem>>, vector<1x16xf32>,
        %get3A_747 = vector.shape_cast %get3A_746 : vector<1x16xf32> to vector<16xf32>
        %mul3A_748 = arith.mulf %get3A_747, %gather3A_743 : vector<16xf32>
        %swap3A_749 = arith.index_cast %add3A_739 : i32 to index
        %swap3A_750 = arith.constant 0 : index
        %swap3A_751 = tpu.vector_load %arg17[%swap3A_749, %swap3A_750] {strides = array<i32>} : memref<400x16xf32, #tpu.memory_space<vmem>>, vector<1x16xf32>,
        %swap3A_752 = vector.shape_cast %swap3A_751 : vector<1x16xf32> to vector<16xf32>
        %swap3A_753 = vector.shape_cast %mul3A_748 : vector<16xf32> to vector<1x16xf32>
        tpu.vector_store %arg17[%swap3A_749, %swap3A_750], %swap3A_753 {strides = array<i32>} : memref<400x16xf32, #tpu.memory_space<vmem>>, vector<1x16xf32>,
        %mul3A_754 = arith.constant 16 : i32
        %mul3A_755 = arith.muli %scan3A_517, %mul3A_754 : i32
        %add3A_756 = arith.constant 13 : i32
        %add3A_757 = arith.addi %mul3A_755, %add3A_756 : i32
        %broadcast_in_dim3A_758 = arith.constant 13 : i32
        %broadcast_in_dim3A_759 = vector.broadcast %broadcast_in_dim3A_758 : i32 to vector<16x1xi32>
        %gather3A_760 = vector.shape_cast %broadcast_in_dim3A_759 : vector<16x1xi32> to vector<16xi32>
        %gather3A_761 = tpu.dynamic_gather %get3A_522[%gather3A_760] in [0] : vector<16xf32>, vector<16xi32> -> vector<16xf32>
        %get3A_762 = arith.index_cast %add3A_757 : i32 to index
        %get3A_763 = arith.constant 0 : index
        %get3A_764 = tpu.vector_load %arg17[%get3A_762, %get3A_763] {strides = array<i32>} : memref<400x16xf32, #tpu.memory_space<vmem>>, vector<1x16xf32>,
        %get3A_765 = vector.shape_cast %get3A_764 : vector<1x16xf32> to vector<16xf32>
        %mul3A_766 = arith.mulf %get3A_765, %gather3A_761 : vector<16xf32>
        %swap3A_767 = arith.index_cast %add3A_757 : i32 to index
        %swap3A_768 = arith.constant 0 : index
        %swap3A_769 = tpu.vector_load %arg17[%swap3A_767, %swap3A_768] {strides = array<i32>} : memref<400x16xf32, #tpu.memory_space<vmem>>, vector<1x16xf32>,
        %swap3A_770 = vector.shape_cast %swap3A_769 : vector<1x16xf32> to vector<16xf32>
        %swap3A_771 = vector.shape_cast %mul3A_766 : vector<16xf32> to vector<1x16xf32>
        tpu.vector_store %arg17[%swap3A_767, %swap3A_768], %swap3A_771 {strides = array<i32>} : memref<400x16xf32, #tpu.memory_space<vmem>>, vector<1x16xf32>,
        %mul3A_772 = arith.constant 16 : i32
        %mul3A_773 = arith.muli %scan3A_517, %mul3A_772 : i32
        %add3A_774 = arith.constant 14 : i32
        %add3A_775 = arith.addi %mul3A_773, %add3A_774 : i32
        %broadcast_in_dim3A_776 = arith.constant 14 : i32
        %broadcast_in_dim3A_777 = vector.broadcast %broadcast_in_dim3A_776 : i32 to vector<16x1xi32>
        %gather3A_778 = vector.shape_cast %broadcast_in_dim3A_777 : vector<16x1xi32> to vector<16xi32>
        %gather3A_779 = tpu.dynamic_gather %get3A_522[%gather3A_778] in [0] : vector<16xf32>, vector<16xi32> -> vector<16xf32>
        %get3A_780 = arith.index_cast %add3A_775 : i32 to index
        %get3A_781 = arith.constant 0 : index
        %get3A_782 = tpu.vector_load %arg17[%get3A_780, %get3A_781] {strides = array<i32>} : memref<400x16xf32, #tpu.memory_space<vmem>>, vector<1x16xf32>,
        %get3A_783 = vector.shape_cast %get3A_782 : vector<1x16xf32> to vector<16xf32>
        %mul3A_784 = arith.mulf %get3A_783, %gather3A_779 : vector<16xf32>
        %swap3A_785 = arith.index_cast %add3A_775 : i32 to index
        %swap3A_786 = arith.constant 0 : index
        %swap3A_787 = tpu.vector_load %arg17[%swap3A_785, %swap3A_786] {strides = array<i32>} : memref<400x16xf32, #tpu.memory_space<vmem>>, vector<1x16xf32>,
        %swap3A_788 = vector.shape_cast %swap3A_787 : vector<1x16xf32> to vector<16xf32>
        %swap3A_789 = vector.shape_cast %mul3A_784 : vector<16xf32> to vector<1x16xf32>
        tpu.vector_store %arg17[%swap3A_785, %swap3A_786], %swap3A_789 {strides = array<i32>} : memref<400x16xf32, #tpu.memory_space<vmem>>, vector<1x16xf32>,
        %mul3A_790 = arith.constant 16 : i32
        %mul3A_791 = arith.muli %scan3A_517, %mul3A_790 : i32
        %add3A_792 = arith.constant 15 : i32
        %add3A_793 = arith.addi %mul3A_791, %add3A_792 : i32
        %broadcast_in_dim3A_794 = arith.constant 15 : i32
        %broadcast_in_dim3A_795 = vector.broadcast %broadcast_in_dim3A_794 : i32 to vector<16x1xi32>
        %gather3A_796 = vector.shape_cast %broadcast_in_dim3A_795 : vector<16x1xi32> to vector<16xi32>
        %gather3A_797 = tpu.dynamic_gather %get3A_522[%gather3A_796] in [0] : vector<16xf32>, vector<16xi32> -> vector<16xf32>
        %get3A_798 = arith.index_cast %add3A_793 : i32 to index
        %get3A_799 = arith.constant 0 : index
        %get3A_800 = tpu.vector_load %arg17[%get3A_798, %get3A_799] {strides = array<i32>} : memref<400x16xf32, #tpu.memory_space<vmem>>, vector<1x16xf32>,
        %get3A_801 = vector.shape_cast %get3A_800 : vector<1x16xf32> to vector<16xf32>
        %mul3A_802 = arith.mulf %get3A_801, %gather3A_797 : vector<16xf32>
        %swap3A_803 = arith.index_cast %add3A_793 : i32 to index
        %swap3A_804 = arith.constant 0 : index
        %swap3A_805 = tpu.vector_load %arg17[%swap3A_803, %swap3A_804] {strides = array<i32>} : memref<400x16xf32, #tpu.memory_space<vmem>>, vector<1x16xf32>,
        %swap3A_806 = vector.shape_cast %swap3A_805 : vector<1x16xf32> to vector<16xf32>
        %swap3A_807 = vector.shape_cast %mul3A_802 : vector<16xf32> to vector<1x16xf32>
        tpu.vector_store %arg17[%swap3A_803, %swap3A_804], %swap3A_807 {strides = array<i32>} : memref<400x16xf32, #tpu.memory_space<vmem>>, vector<1x16xf32>,
        %scan3A_808 = arith.constant 0 : i32
        scf.yield %scan3A_808 : i32
      }
      %scan3A_466 = arith.constant 25 : i32
      %dma_start3A_467 = arith.constant 0 : i32
      %dma_start3A_468 = arith.constant 0 : i32
      %dma_start3A_469 = tpu.memref_slice %arg9[%dma_start3A_467, %dma_start3A_468] : memref<2x400xi32, #tpu.memory_space<vmem>> -> memref<1x400xi32, #tpu.memory_space<vmem>>
      %dma_start3A_470 = tpu.memref_squeeze %dma_start3A_469 : memref<1x400xi32, #tpu.memory_space<vmem>> -> memref<400xi32, #tpu.memory_space<vmem>>
      %dma_start3A_471 = arith.constant 0 : i32
      %dma_start3A_472 = arith.constant 0 : i32
      %dma_start3A_473 = tpu.memref_slice %arg19[%dma_start3A_471, %dma_start3A_472] : memref<100096x16xf32, #tpu.memory_space<vmem_shared>> -> memref<100096x16xf32, #tpu.memory_space<vmem_shared>>
      tpu.enqueue_indirect_dma source(%arg17 : memref<400x16xf32, #tpu.memory_space<vmem>>) target(%dma_start3A_473 : memref<100096x16xf32, #tpu.memory_space<vmem_shared>>) offsets(%dma_start3A_470 : memref<400xi32, #tpu.memory_space<vmem>>) semaphore(%arg30 : memref<!tpu.dma_semaphore, #tpu.memory_space<semaphore_mem>>) {add = true}
      %mul3A_474 = arith.constant 4 : i32
      %mul3A_475 = arith.muli %mul3A_474, %scan3A_233 : i32
      %add3A_476 = arith.constant 3 : i32
      %add3A_477 = arith.addi %mul3A_475, %add3A_476 : i32
      %dma_wait3A_478 = arith.constant 0 : i32
      %dma_wait3A_479 = arith.constant 0 : i32
      %dma_wait3A_480 = tpu.memref_slice %arg8[%dma_wait3A_478, %dma_wait3A_479] : memref<2x400xi32, #tpu.memory_space<vmem>> -> memref<1x400xi32, #tpu.memory_space<vmem>>
      %dma_wait3A_481 = tpu.memref_squeeze %dma_wait3A_480 : memref<1x400xi32, #tpu.memory_space<vmem>> -> memref<400xi32, #tpu.memory_space<vmem>>
      %dma_wait3A_482 = arith.constant 0 : i32
      %dma_wait3A_483 = arith.constant 0 : i32
      %dma_wait3A_484 = tpu.memref_slice %arg19[%dma_wait3A_482, %dma_wait3A_483] : memref<100096x16xf32, #tpu.memory_space<vmem_shared>> -> memref<100096x16xf32, #tpu.memory_space<vmem_shared>>
      tpu.wait_indirect_dma semaphore(%arg29 : memref<!tpu.dma_semaphore, #tpu.memory_space<semaphore_mem>>) src(%arg16 : memref<400x16xf32, #tpu.memory_space<vmem>>) dst(%dma_wait3A_484 : memref<100096x16xf32, #tpu.memory_space<vmem_shared>>)
      %lt3A_485 = arith.constant 125 : i32
      %lt3A_486 = arith.cmpi slt, %scan3A_233, %lt3A_485 : i32
      %convert_element_type3A_487 = arith.extui %lt3A_486 : i1 to i32
      %cond3A_488 = arith.constant 0 : i32
      %cond3A_489 = arith.cmpi ne, %convert_element_type3A_487, %cond3A_488 : i32
      scf.if %cond3A_489 {
        %add3A_517 = arith.constant 2 : i32
        %add3A_518 = arith.addi %add3A_477, %add3A_517 : i32
        %mul3A_519 = arith.constant 400 : i32
        %mul3A_520 = arith.muli %add3A_518, %mul3A_519 : i32
        %add3A_521 = arith.addi %mul3A_42, %mul3A_520 : i32
        %dma_start3A_522 = arith.constant 0 : i32
        %dma_start3A_523 = arith.constant 0 : i32
        %dma_start3A_524 = tpu.memref_slice %arg8[%dma_start3A_522, %dma_start3A_523] : memref<2x400xi32, #tpu.memory_space<vmem>> -> memref<1x400xi32, #tpu.memory_space<vmem>>
        %dma_start3A_525 = tpu.memref_squeeze %dma_start3A_524 : memref<1x400xi32, #tpu.memory_space<vmem>> -> memref<400xi32, #tpu.memory_space<vmem>>
        %dma_start3A_526 = tpu.memref_slice %arg3[%add3A_521] : memref<6451200xi32, #tpu.memory_space<hbm>> -> memref<400xi32, #tpu.memory_space<hbm>>
        %dma_start3A_527 = arith.constant 0 : i32
        %dma_start3A_528 = tpu.memref_slice %arg8[%dma_start3A_522, %dma_start3A_527] : memref<2x400xi32, #tpu.memory_space<vmem>> -> memref<1x400xi32, #tpu.memory_space<vmem>>
        %dma_start3A_529 = tpu.memref_squeeze %dma_start3A_528 : memref<1x400xi32, #tpu.memory_space<vmem>> -> memref<400xi32, #tpu.memory_space<vmem>>
        %dma_start3A_530 = tpu.memref_slice %arg3[%add3A_521] : memref<6451200xi32, #tpu.memory_space<hbm>> -> memref<400xi32, #tpu.memory_space<hbm>>
        tpu.enqueue_dma source(%dma_start3A_530 : memref<400xi32, #tpu.memory_space<hbm>>) target(%dma_start3A_529 : memref<400xi32, #tpu.memory_space<vmem>>) target_semaphore(%arg21 : memref<!tpu.dma_semaphore, #tpu.memory_space<semaphore_mem>>)
        %dma_start3A_531 = arith.constant 1 : i32
        %dma_start3A_532 = arith.constant 0 : i32
        %dma_start3A_533 = tpu.memref_slice %arg8[%dma_start3A_531, %dma_start3A_532] : memref<2x400xi32, #tpu.memory_space<vmem>> -> memref<1x400xi32, #tpu.memory_space<vmem>>
        %dma_start3A_534 = tpu.memref_squeeze %dma_start3A_533 : memref<1x400xi32, #tpu.memory_space<vmem>> -> memref<400xi32, #tpu.memory_space<vmem>>
        %dma_start3A_535 = tpu.memref_slice %arg4[%add3A_521] : memref<6451200xi32, #tpu.memory_space<hbm>> -> memref<400xi32, #tpu.memory_space<hbm>>
        %dma_start3A_536 = arith.constant 0 : i32
        %dma_start3A_537 = tpu.memref_slice %arg8[%dma_start3A_531, %dma_start3A_536] : memref<2x400xi32, #tpu.memory_space<vmem>> -> memref<1x400xi32, #tpu.memory_space<vmem>>
        %dma_start3A_538 = tpu.memref_squeeze %dma_start3A_537 : memref<1x400xi32, #tpu.memory_space<vmem>> -> memref<400xi32, #tpu.memory_space<vmem>>
        %dma_start3A_539 = tpu.memref_slice %arg4[%add3A_521] : memref<6451200xi32, #tpu.memory_space<hbm>> -> memref<400xi32, #tpu.memory_space<hbm>>
        tpu.enqueue_dma source(%dma_start3A_539 : memref<400xi32, #tpu.memory_space<hbm>>) target(%dma_start3A_538 : memref<400xi32, #tpu.memory_space<vmem>>) target_semaphore(%arg21 : memref<!tpu.dma_semaphore, #tpu.memory_space<semaphore_mem>>)
        %dma_start3A_540 = tpu.memref_slice %arg5[%add3A_521] : memref<6451200xf32, #tpu.memory_space<hbm>> -> memref<400xf32, #tpu.memory_space<hbm>>
        %dma_start3A_541 = tpu.memref_slice %arg5[%add3A_521] : memref<6451200xf32, #tpu.memory_space<hbm>> -> memref<400xf32, #tpu.memory_space<hbm>>
        tpu.enqueue_dma source(%dma_start3A_541 : memref<400xf32, #tpu.memory_space<hbm>>) target(%arg12 : memref<400xf32, #tpu.memory_space<vmem>>) target_semaphore(%arg21 : memref<!tpu.dma_semaphore, #tpu.memory_space<semaphore_mem>>)
      } else {
      }
      %lt3A_490 = arith.constant 125 : i32
      %lt3A_491 = arith.cmpi slt, %scan3A_233, %lt3A_490 : i32
      %convert_element_type3A_492 = arith.extui %lt3A_491 : i1 to i32
      %cond3A_493 = arith.constant 0 : i32
      %cond3A_494 = arith.cmpi ne, %convert_element_type3A_492, %cond3A_493 : i32
      scf.if %cond3A_494 {
        %add3A_517 = arith.constant 1 : i32
        %add3A_518 = arith.addi %add3A_477, %add3A_517 : i32
        %mul3A_519 = arith.constant 400 : i32
        %mul3A_520 = arith.muli %add3A_518, %mul3A_519 : i32
        %add3A_521 = arith.addi %mul3A_42, %mul3A_520 : i32
        %dma_wait3A_522 = arith.constant 0 : i32
        %dma_wait3A_523 = arith.constant 0 : i32
        %dma_wait3A_524 = tpu.memref_slice %arg7[%dma_wait3A_522, %dma_wait3A_523] : memref<2x400xi32, #tpu.memory_space<vmem>> -> memref<1x400xi32, #tpu.memory_space<vmem>>
        %dma_wait3A_525 = tpu.memref_squeeze %dma_wait3A_524 : memref<1x400xi32, #tpu.memory_space<vmem>> -> memref<400xi32, #tpu.memory_space<vmem>>
        %dma_wait3A_526 = tpu.memref_slice %arg3[%add3A_521] : memref<6451200xi32, #tpu.memory_space<hbm>> -> memref<400xi32, #tpu.memory_space<hbm>>
        %dma_wait3A_527 = arith.constant 0 : i32
        %dma_wait3A_528 = tpu.memref_slice %arg7[%dma_wait3A_522, %dma_wait3A_527] : memref<2x400xi32, #tpu.memory_space<vmem>> -> memref<1x400xi32, #tpu.memory_space<vmem>>
        %dma_wait3A_529 = tpu.memref_squeeze %dma_wait3A_528 : memref<1x400xi32, #tpu.memory_space<vmem>> -> memref<400xi32, #tpu.memory_space<vmem>>
        %dma_wait3A_530 = tpu.memref_slice %arg3[%add3A_521] : memref<6451200xi32, #tpu.memory_space<hbm>> -> memref<400xi32, #tpu.memory_space<hbm>>
        tpu.wait_dma2 semaphore(%arg20 : memref<!tpu.dma_semaphore, #tpu.memory_space<semaphore_mem>>) src(%dma_wait3A_530 : memref<400xi32, #tpu.memory_space<hbm>>) dst(%dma_wait3A_529 : memref<400xi32, #tpu.memory_space<vmem>>)
        %dma_wait3A_531 = arith.constant 1 : i32
        %dma_wait3A_532 = arith.constant 0 : i32
        %dma_wait3A_533 = tpu.memref_slice %arg7[%dma_wait3A_531, %dma_wait3A_532] : memref<2x400xi32, #tpu.memory_space<vmem>> -> memref<1x400xi32, #tpu.memory_space<vmem>>
        %dma_wait3A_534 = tpu.memref_squeeze %dma_wait3A_533 : memref<1x400xi32, #tpu.memory_space<vmem>> -> memref<400xi32, #tpu.memory_space<vmem>>
        %dma_wait3A_535 = tpu.memref_slice %arg4[%add3A_521] : memref<6451200xi32, #tpu.memory_space<hbm>> -> memref<400xi32, #tpu.memory_space<hbm>>
        %dma_wait3A_536 = arith.constant 0 : i32
        %dma_wait3A_537 = tpu.memref_slice %arg7[%dma_wait3A_531, %dma_wait3A_536] : memref<2x400xi32, #tpu.memory_space<vmem>> -> memref<1x400xi32, #tpu.memory_space<vmem>>
        %dma_wait3A_538 = tpu.memref_squeeze %dma_wait3A_537 : memref<1x400xi32, #tpu.memory_space<vmem>> -> memref<400xi32, #tpu.memory_space<vmem>>
        %dma_wait3A_539 = tpu.memref_slice %arg4[%add3A_521] : memref<6451200xi32, #tpu.memory_space<hbm>> -> memref<400xi32, #tpu.memory_space<hbm>>
        tpu.wait_dma2 semaphore(%arg20 : memref<!tpu.dma_semaphore, #tpu.memory_space<semaphore_mem>>) src(%dma_wait3A_539 : memref<400xi32, #tpu.memory_space<hbm>>) dst(%dma_wait3A_538 : memref<400xi32, #tpu.memory_space<vmem>>)
        %dma_wait3A_540 = tpu.memref_slice %arg5[%add3A_521] : memref<6451200xf32, #tpu.memory_space<hbm>> -> memref<400xf32, #tpu.memory_space<hbm>>
        %dma_wait3A_541 = tpu.memref_slice %arg5[%add3A_521] : memref<6451200xf32, #tpu.memory_space<hbm>> -> memref<400xf32, #tpu.memory_space<hbm>>
        tpu.wait_dma2 semaphore(%arg20 : memref<!tpu.dma_semaphore, #tpu.memory_space<semaphore_mem>>) src(%dma_wait3A_541 : memref<400xf32, #tpu.memory_space<hbm>>) dst(%arg11 : memref<400xf32, #tpu.memory_space<vmem>>)
        %dma_start3A_542 = arith.constant 1 : i32
        %dma_start3A_543 = arith.constant 0 : i32
        %dma_start3A_544 = tpu.memref_slice %arg7[%dma_start3A_542, %dma_start3A_543] : memref<2x400xi32, #tpu.memory_space<vmem>> -> memref<1x400xi32, #tpu.memory_space<vmem>>
        %dma_start3A_545 = tpu.memref_squeeze %dma_start3A_544 : memref<1x400xi32, #tpu.memory_space<vmem>> -> memref<400xi32, #tpu.memory_space<vmem>>
        %dma_start3A_546 = arith.constant 0 : i32
        %dma_start3A_547 = arith.constant 0 : i32
        %dma_start3A_548 = tpu.memref_slice %arg2[%dma_start3A_546, %dma_start3A_547] : memref<100096x16xf32, #tpu.memory_space<hbm>> -> memref<100096x16xf32, #tpu.memory_space<hbm>>
        tpu.enqueue_indirect_dma source(%dma_start3A_548 : memref<100096x16xf32, #tpu.memory_space<hbm>>) target(%arg15 : memref<400x16xf32, #tpu.memory_space<vmem>>) offsets(%dma_start3A_545 : memref<400xi32, #tpu.memory_space<vmem>>) semaphore(%arg24 : memref<!tpu.dma_semaphore, #tpu.memory_space<semaphore_mem>>)
      } else {
      }
      %dma_wait3A_495 = arith.constant 1 : i32
      %dma_wait3A_496 = arith.constant 0 : i32
      %dma_wait3A_497 = tpu.memref_slice %arg10[%dma_wait3A_495, %dma_wait3A_496] : memref<2x400xi32, #tpu.memory_space<vmem>> -> memref<1x400xi32, #tpu.memory_space<vmem>>
      %dma_wait3A_498 = tpu.memref_squeeze %dma_wait3A_497 : memref<1x400xi32, #tpu.memory_space<vmem>> -> memref<400xi32, #tpu.memory_space<vmem>>
      %dma_wait3A_499 = arith.constant 0 : i32
      %dma_wait3A_500 = arith.constant 0 : i32
      %dma_wait3A_501 = tpu.memref_slice %arg2[%dma_wait3A_499, %dma_wait3A_500] : memref<100096x16xf32, #tpu.memory_space<hbm>> -> memref<100096x16xf32, #tpu.memory_space<hbm>>
      tpu.wait_indirect_dma semaphore(%arg27 : memref<!tpu.dma_semaphore, #tpu.memory_space<semaphore_mem>>) src(%dma_wait3A_501 : memref<100096x16xf32, #tpu.memory_space<hbm>>) dst(%arg18 : memref<400x16xf32, #tpu.memory_space<vmem>>)
      %scan3A_502 = arith.constant 0 : i32
      %scan3A_503 = arith.constant 0 : i32
      %scan3A_504 = arith.constant 25 : i32
      %scan3A_505 = arith.addi %scan3A_503, %scan3A_504 : i32
      %scan3A_506 = arith.constant 1 : i32
      %scan3A_507 = scf.for %scan3A_517 = %scan3A_503 to %scan3A_505 step %scan3A_506 iter_args(%scan3A_518 = %scan3A_502) -> (i32)  : i32 {
        %mul3A_519 = arith.constant 16 : i32
        %mul3A_520 = arith.muli %scan3A_517, %mul3A_519 : i32
        %get3A = arith.index_cast %mul3A_520 : i32 to index
        %get3A_521 = tpu.vector_load %arg14[%get3A] {strides = array<i32>} : memref<400xf32, #tpu.memory_space<vmem>>, vector<16xf32>,
        %get3A_522 = vector.shape_cast %get3A_521 : vector<16xf32> to vector<16xf32>
        %mul3A_523 = arith.constant 16 : i32
        %mul3A_524 = arith.muli %scan3A_517, %mul3A_523 : i32
        %add3A_525 = arith.constant 0 : i32
        %add3A_526 = arith.addi %mul3A_524, %add3A_525 : i32
        %broadcast_in_dim3A = arith.constant 0 : i32
        %broadcast_in_dim3A_527 = vector.broadcast %broadcast_in_dim3A : i32 to vector<16x1xi32>
        %gather3A = vector.shape_cast %broadcast_in_dim3A_527 : vector<16x1xi32> to vector<16xi32>
        %gather3A_528 = tpu.dynamic_gather %get3A_522[%gather3A] in [0] : vector<16xf32>, vector<16xi32> -> vector<16xf32>
        %get3A_529 = arith.index_cast %add3A_526 : i32 to index
        %get3A_530 = arith.constant 0 : index
        %get3A_531 = tpu.vector_load %arg18[%get3A_529, %get3A_530] {strides = array<i32>} : memref<400x16xf32, #tpu.memory_space<vmem>>, vector<1x16xf32>,
        %get3A_532 = vector.shape_cast %get3A_531 : vector<1x16xf32> to vector<16xf32>
        %mul3A_533 = arith.mulf %get3A_532, %gather3A_528 : vector<16xf32>
        %swap3A = arith.index_cast %add3A_526 : i32 to index
        %swap3A_534 = arith.constant 0 : index
        %swap3A_535 = tpu.vector_load %arg18[%swap3A, %swap3A_534] {strides = array<i32>} : memref<400x16xf32, #tpu.memory_space<vmem>>, vector<1x16xf32>,
        %swap3A_536 = vector.shape_cast %swap3A_535 : vector<1x16xf32> to vector<16xf32>
        %swap3A_537 = vector.shape_cast %mul3A_533 : vector<16xf32> to vector<1x16xf32>
        tpu.vector_store %arg18[%swap3A, %swap3A_534], %swap3A_537 {strides = array<i32>} : memref<400x16xf32, #tpu.memory_space<vmem>>, vector<1x16xf32>,
        %mul3A_538 = arith.constant 16 : i32
        %mul3A_539 = arith.muli %scan3A_517, %mul3A_538 : i32
        %add3A_540 = arith.constant 1 : i32
        %add3A_541 = arith.addi %mul3A_539, %add3A_540 : i32
        %broadcast_in_dim3A_542 = arith.constant 1 : i32
        %broadcast_in_dim3A_543 = vector.broadcast %broadcast_in_dim3A_542 : i32 to vector<16x1xi32>
        %gather3A_544 = vector.shape_cast %broadcast_in_dim3A_543 : vector<16x1xi32> to vector<16xi32>
        %gather3A_545 = tpu.dynamic_gather %get3A_522[%gather3A_544] in [0] : vector<16xf32>, vector<16xi32> -> vector<16xf32>
        %get3A_546 = arith.index_cast %add3A_541 : i32 to index
        %get3A_547 = arith.constant 0 : index
        %get3A_548 = tpu.vector_load %arg18[%get3A_546, %get3A_547] {strides = array<i32>} : memref<400x16xf32, #tpu.memory_space<vmem>>, vector<1x16xf32>,
        %get3A_549 = vector.shape_cast %get3A_548 : vector<1x16xf32> to vector<16xf32>
        %mul3A_550 = arith.mulf %get3A_549, %gather3A_545 : vector<16xf32>
        %swap3A_551 = arith.index_cast %add3A_541 : i32 to index
        %swap3A_552 = arith.constant 0 : index
        %swap3A_553 = tpu.vector_load %arg18[%swap3A_551, %swap3A_552] {strides = array<i32>} : memref<400x16xf32, #tpu.memory_space<vmem>>, vector<1x16xf32>,
        %swap3A_554 = vector.shape_cast %swap3A_553 : vector<1x16xf32> to vector<16xf32>
        %swap3A_555 = vector.shape_cast %mul3A_550 : vector<16xf32> to vector<1x16xf32>
        tpu.vector_store %arg18[%swap3A_551, %swap3A_552], %swap3A_555 {strides = array<i32>} : memref<400x16xf32, #tpu.memory_space<vmem>>, vector<1x16xf32>,
        %mul3A_556 = arith.constant 16 : i32
        %mul3A_557 = arith.muli %scan3A_517, %mul3A_556 : i32
        %add3A_558 = arith.constant 2 : i32
        %add3A_559 = arith.addi %mul3A_557, %add3A_558 : i32
        %broadcast_in_dim3A_560 = arith.constant 2 : i32
        %broadcast_in_dim3A_561 = vector.broadcast %broadcast_in_dim3A_560 : i32 to vector<16x1xi32>
        %gather3A_562 = vector.shape_cast %broadcast_in_dim3A_561 : vector<16x1xi32> to vector<16xi32>
        %gather3A_563 = tpu.dynamic_gather %get3A_522[%gather3A_562] in [0] : vector<16xf32>, vector<16xi32> -> vector<16xf32>
        %get3A_564 = arith.index_cast %add3A_559 : i32 to index
        %get3A_565 = arith.constant 0 : index
        %get3A_566 = tpu.vector_load %arg18[%get3A_564, %get3A_565] {strides = array<i32>} : memref<400x16xf32, #tpu.memory_space<vmem>>, vector<1x16xf32>,
        %get3A_567 = vector.shape_cast %get3A_566 : vector<1x16xf32> to vector<16xf32>
        %mul3A_568 = arith.mulf %get3A_567, %gather3A_563 : vector<16xf32>
        %swap3A_569 = arith.index_cast %add3A_559 : i32 to index
        %swap3A_570 = arith.constant 0 : index
        %swap3A_571 = tpu.vector_load %arg18[%swap3A_569, %swap3A_570] {strides = array<i32>} : memref<400x16xf32, #tpu.memory_space<vmem>>, vector<1x16xf32>,
        %swap3A_572 = vector.shape_cast %swap3A_571 : vector<1x16xf32> to vector<16xf32>
        %swap3A_573 = vector.shape_cast %mul3A_568 : vector<16xf32> to vector<1x16xf32>
        tpu.vector_store %arg18[%swap3A_569, %swap3A_570], %swap3A_573 {strides = array<i32>} : memref<400x16xf32, #tpu.memory_space<vmem>>, vector<1x16xf32>,
        %mul3A_574 = arith.constant 16 : i32
        %mul3A_575 = arith.muli %scan3A_517, %mul3A_574 : i32
        %add3A_576 = arith.constant 3 : i32
        %add3A_577 = arith.addi %mul3A_575, %add3A_576 : i32
        %broadcast_in_dim3A_578 = arith.constant 3 : i32
        %broadcast_in_dim3A_579 = vector.broadcast %broadcast_in_dim3A_578 : i32 to vector<16x1xi32>
        %gather3A_580 = vector.shape_cast %broadcast_in_dim3A_579 : vector<16x1xi32> to vector<16xi32>
        %gather3A_581 = tpu.dynamic_gather %get3A_522[%gather3A_580] in [0] : vector<16xf32>, vector<16xi32> -> vector<16xf32>
        %get3A_582 = arith.index_cast %add3A_577 : i32 to index
        %get3A_583 = arith.constant 0 : index
        %get3A_584 = tpu.vector_load %arg18[%get3A_582, %get3A_583] {strides = array<i32>} : memref<400x16xf32, #tpu.memory_space<vmem>>, vector<1x16xf32>,
        %get3A_585 = vector.shape_cast %get3A_584 : vector<1x16xf32> to vector<16xf32>
        %mul3A_586 = arith.mulf %get3A_585, %gather3A_581 : vector<16xf32>
        %swap3A_587 = arith.index_cast %add3A_577 : i32 to index
        %swap3A_588 = arith.constant 0 : index
        %swap3A_589 = tpu.vector_load %arg18[%swap3A_587, %swap3A_588] {strides = array<i32>} : memref<400x16xf32, #tpu.memory_space<vmem>>, vector<1x16xf32>,
        %swap3A_590 = vector.shape_cast %swap3A_589 : vector<1x16xf32> to vector<16xf32>
        %swap3A_591 = vector.shape_cast %mul3A_586 : vector<16xf32> to vector<1x16xf32>
        tpu.vector_store %arg18[%swap3A_587, %swap3A_588], %swap3A_591 {strides = array<i32>} : memref<400x16xf32, #tpu.memory_space<vmem>>, vector<1x16xf32>,
        %mul3A_592 = arith.constant 16 : i32
        %mul3A_593 = arith.muli %scan3A_517, %mul3A_592 : i32
        %add3A_594 = arith.constant 4 : i32
        %add3A_595 = arith.addi %mul3A_593, %add3A_594 : i32
        %broadcast_in_dim3A_596 = arith.constant 4 : i32
        %broadcast_in_dim3A_597 = vector.broadcast %broadcast_in_dim3A_596 : i32 to vector<16x1xi32>
        %gather3A_598 = vector.shape_cast %broadcast_in_dim3A_597 : vector<16x1xi32> to vector<16xi32>
        %gather3A_599 = tpu.dynamic_gather %get3A_522[%gather3A_598] in [0] : vector<16xf32>, vector<16xi32> -> vector<16xf32>
        %get3A_600 = arith.index_cast %add3A_595 : i32 to index
        %get3A_601 = arith.constant 0 : index
        %get3A_602 = tpu.vector_load %arg18[%get3A_600, %get3A_601] {strides = array<i32>} : memref<400x16xf32, #tpu.memory_space<vmem>>, vector<1x16xf32>,
        %get3A_603 = vector.shape_cast %get3A_602 : vector<1x16xf32> to vector<16xf32>
        %mul3A_604 = arith.mulf %get3A_603, %gather3A_599 : vector<16xf32>
        %swap3A_605 = arith.index_cast %add3A_595 : i32 to index
        %swap3A_606 = arith.constant 0 : index
        %swap3A_607 = tpu.vector_load %arg18[%swap3A_605, %swap3A_606] {strides = array<i32>} : memref<400x16xf32, #tpu.memory_space<vmem>>, vector<1x16xf32>,
        %swap3A_608 = vector.shape_cast %swap3A_607 : vector<1x16xf32> to vector<16xf32>
        %swap3A_609 = vector.shape_cast %mul3A_604 : vector<16xf32> to vector<1x16xf32>
        tpu.vector_store %arg18[%swap3A_605, %swap3A_606], %swap3A_609 {strides = array<i32>} : memref<400x16xf32, #tpu.memory_space<vmem>>, vector<1x16xf32>,
        %mul3A_610 = arith.constant 16 : i32
        %mul3A_611 = arith.muli %scan3A_517, %mul3A_610 : i32
        %add3A_612 = arith.constant 5 : i32
        %add3A_613 = arith.addi %mul3A_611, %add3A_612 : i32
        %broadcast_in_dim3A_614 = arith.constant 5 : i32
        %broadcast_in_dim3A_615 = vector.broadcast %broadcast_in_dim3A_614 : i32 to vector<16x1xi32>
        %gather3A_616 = vector.shape_cast %broadcast_in_dim3A_615 : vector<16x1xi32> to vector<16xi32>
        %gather3A_617 = tpu.dynamic_gather %get3A_522[%gather3A_616] in [0] : vector<16xf32>, vector<16xi32> -> vector<16xf32>
        %get3A_618 = arith.index_cast %add3A_613 : i32 to index
        %get3A_619 = arith.constant 0 : index
        %get3A_620 = tpu.vector_load %arg18[%get3A_618, %get3A_619] {strides = array<i32>} : memref<400x16xf32, #tpu.memory_space<vmem>>, vector<1x16xf32>,
        %get3A_621 = vector.shape_cast %get3A_620 : vector<1x16xf32> to vector<16xf32>
        %mul3A_622 = arith.mulf %get3A_621, %gather3A_617 : vector<16xf32>
        %swap3A_623 = arith.index_cast %add3A_613 : i32 to index
        %swap3A_624 = arith.constant 0 : index
        %swap3A_625 = tpu.vector_load %arg18[%swap3A_623, %swap3A_624] {strides = array<i32>} : memref<400x16xf32, #tpu.memory_space<vmem>>, vector<1x16xf32>,
        %swap3A_626 = vector.shape_cast %swap3A_625 : vector<1x16xf32> to vector<16xf32>
        %swap3A_627 = vector.shape_cast %mul3A_622 : vector<16xf32> to vector<1x16xf32>
        tpu.vector_store %arg18[%swap3A_623, %swap3A_624], %swap3A_627 {strides = array<i32>} : memref<400x16xf32, #tpu.memory_space<vmem>>, vector<1x16xf32>,
        %mul3A_628 = arith.constant 16 : i32
        %mul3A_629 = arith.muli %scan3A_517, %mul3A_628 : i32
        %add3A_630 = arith.constant 6 : i32
        %add3A_631 = arith.addi %mul3A_629, %add3A_630 : i32
        %broadcast_in_dim3A_632 = arith.constant 6 : i32
        %broadcast_in_dim3A_633 = vector.broadcast %broadcast_in_dim3A_632 : i32 to vector<16x1xi32>
        %gather3A_634 = vector.shape_cast %broadcast_in_dim3A_633 : vector<16x1xi32> to vector<16xi32>
        %gather3A_635 = tpu.dynamic_gather %get3A_522[%gather3A_634] in [0] : vector<16xf32>, vector<16xi32> -> vector<16xf32>
        %get3A_636 = arith.index_cast %add3A_631 : i32 to index
        %get3A_637 = arith.constant 0 : index
        %get3A_638 = tpu.vector_load %arg18[%get3A_636, %get3A_637] {strides = array<i32>} : memref<400x16xf32, #tpu.memory_space<vmem>>, vector<1x16xf32>,
        %get3A_639 = vector.shape_cast %get3A_638 : vector<1x16xf32> to vector<16xf32>
        %mul3A_640 = arith.mulf %get3A_639, %gather3A_635 : vector<16xf32>
        %swap3A_641 = arith.index_cast %add3A_631 : i32 to index
        %swap3A_642 = arith.constant 0 : index
        %swap3A_643 = tpu.vector_load %arg18[%swap3A_641, %swap3A_642] {strides = array<i32>} : memref<400x16xf32, #tpu.memory_space<vmem>>, vector<1x16xf32>,
        %swap3A_644 = vector.shape_cast %swap3A_643 : vector<1x16xf32> to vector<16xf32>
        %swap3A_645 = vector.shape_cast %mul3A_640 : vector<16xf32> to vector<1x16xf32>
        tpu.vector_store %arg18[%swap3A_641, %swap3A_642], %swap3A_645 {strides = array<i32>} : memref<400x16xf32, #tpu.memory_space<vmem>>, vector<1x16xf32>,
        %mul3A_646 = arith.constant 16 : i32
        %mul3A_647 = arith.muli %scan3A_517, %mul3A_646 : i32
        %add3A_648 = arith.constant 7 : i32
        %add3A_649 = arith.addi %mul3A_647, %add3A_648 : i32
        %broadcast_in_dim3A_650 = arith.constant 7 : i32
        %broadcast_in_dim3A_651 = vector.broadcast %broadcast_in_dim3A_650 : i32 to vector<16x1xi32>
        %gather3A_652 = vector.shape_cast %broadcast_in_dim3A_651 : vector<16x1xi32> to vector<16xi32>
        %gather3A_653 = tpu.dynamic_gather %get3A_522[%gather3A_652] in [0] : vector<16xf32>, vector<16xi32> -> vector<16xf32>
        %get3A_654 = arith.index_cast %add3A_649 : i32 to index
        %get3A_655 = arith.constant 0 : index
        %get3A_656 = tpu.vector_load %arg18[%get3A_654, %get3A_655] {strides = array<i32>} : memref<400x16xf32, #tpu.memory_space<vmem>>, vector<1x16xf32>,
        %get3A_657 = vector.shape_cast %get3A_656 : vector<1x16xf32> to vector<16xf32>
        %mul3A_658 = arith.mulf %get3A_657, %gather3A_653 : vector<16xf32>
        %swap3A_659 = arith.index_cast %add3A_649 : i32 to index
        %swap3A_660 = arith.constant 0 : index
        %swap3A_661 = tpu.vector_load %arg18[%swap3A_659, %swap3A_660] {strides = array<i32>} : memref<400x16xf32, #tpu.memory_space<vmem>>, vector<1x16xf32>,
        %swap3A_662 = vector.shape_cast %swap3A_661 : vector<1x16xf32> to vector<16xf32>
        %swap3A_663 = vector.shape_cast %mul3A_658 : vector<16xf32> to vector<1x16xf32>
        tpu.vector_store %arg18[%swap3A_659, %swap3A_660], %swap3A_663 {strides = array<i32>} : memref<400x16xf32, #tpu.memory_space<vmem>>, vector<1x16xf32>,
        %mul3A_664 = arith.constant 16 : i32
        %mul3A_665 = arith.muli %scan3A_517, %mul3A_664 : i32
        %add3A_666 = arith.constant 8 : i32
        %add3A_667 = arith.addi %mul3A_665, %add3A_666 : i32
        %broadcast_in_dim3A_668 = arith.constant 8 : i32
        %broadcast_in_dim3A_669 = vector.broadcast %broadcast_in_dim3A_668 : i32 to vector<16x1xi32>
        %gather3A_670 = vector.shape_cast %broadcast_in_dim3A_669 : vector<16x1xi32> to vector<16xi32>
        %gather3A_671 = tpu.dynamic_gather %get3A_522[%gather3A_670] in [0] : vector<16xf32>, vector<16xi32> -> vector<16xf32>
        %get3A_672 = arith.index_cast %add3A_667 : i32 to index
        %get3A_673 = arith.constant 0 : index
        %get3A_674 = tpu.vector_load %arg18[%get3A_672, %get3A_673] {strides = array<i32>} : memref<400x16xf32, #tpu.memory_space<vmem>>, vector<1x16xf32>,
        %get3A_675 = vector.shape_cast %get3A_674 : vector<1x16xf32> to vector<16xf32>
        %mul3A_676 = arith.mulf %get3A_675, %gather3A_671 : vector<16xf32>
        %swap3A_677 = arith.index_cast %add3A_667 : i32 to index
        %swap3A_678 = arith.constant 0 : index
        %swap3A_679 = tpu.vector_load %arg18[%swap3A_677, %swap3A_678] {strides = array<i32>} : memref<400x16xf32, #tpu.memory_space<vmem>>, vector<1x16xf32>,
        %swap3A_680 = vector.shape_cast %swap3A_679 : vector<1x16xf32> to vector<16xf32>
        %swap3A_681 = vector.shape_cast %mul3A_676 : vector<16xf32> to vector<1x16xf32>
        tpu.vector_store %arg18[%swap3A_677, %swap3A_678], %swap3A_681 {strides = array<i32>} : memref<400x16xf32, #tpu.memory_space<vmem>>, vector<1x16xf32>,
        %mul3A_682 = arith.constant 16 : i32
        %mul3A_683 = arith.muli %scan3A_517, %mul3A_682 : i32
        %add3A_684 = arith.constant 9 : i32
        %add3A_685 = arith.addi %mul3A_683, %add3A_684 : i32
        %broadcast_in_dim3A_686 = arith.constant 9 : i32
        %broadcast_in_dim3A_687 = vector.broadcast %broadcast_in_dim3A_686 : i32 to vector<16x1xi32>
        %gather3A_688 = vector.shape_cast %broadcast_in_dim3A_687 : vector<16x1xi32> to vector<16xi32>
        %gather3A_689 = tpu.dynamic_gather %get3A_522[%gather3A_688] in [0] : vector<16xf32>, vector<16xi32> -> vector<16xf32>
        %get3A_690 = arith.index_cast %add3A_685 : i32 to index
        %get3A_691 = arith.constant 0 : index
        %get3A_692 = tpu.vector_load %arg18[%get3A_690, %get3A_691] {strides = array<i32>} : memref<400x16xf32, #tpu.memory_space<vmem>>, vector<1x16xf32>,
        %get3A_693 = vector.shape_cast %get3A_692 : vector<1x16xf32> to vector<16xf32>
        %mul3A_694 = arith.mulf %get3A_693, %gather3A_689 : vector<16xf32>
        %swap3A_695 = arith.index_cast %add3A_685 : i32 to index
        %swap3A_696 = arith.constant 0 : index
        %swap3A_697 = tpu.vector_load %arg18[%swap3A_695, %swap3A_696] {strides = array<i32>} : memref<400x16xf32, #tpu.memory_space<vmem>>, vector<1x16xf32>,
        %swap3A_698 = vector.shape_cast %swap3A_697 : vector<1x16xf32> to vector<16xf32>
        %swap3A_699 = vector.shape_cast %mul3A_694 : vector<16xf32> to vector<1x16xf32>
        tpu.vector_store %arg18[%swap3A_695, %swap3A_696], %swap3A_699 {strides = array<i32>} : memref<400x16xf32, #tpu.memory_space<vmem>>, vector<1x16xf32>,
        %mul3A_700 = arith.constant 16 : i32
        %mul3A_701 = arith.muli %scan3A_517, %mul3A_700 : i32
        %add3A_702 = arith.constant 10 : i32
        %add3A_703 = arith.addi %mul3A_701, %add3A_702 : i32
        %broadcast_in_dim3A_704 = arith.constant 10 : i32
        %broadcast_in_dim3A_705 = vector.broadcast %broadcast_in_dim3A_704 : i32 to vector<16x1xi32>
        %gather3A_706 = vector.shape_cast %broadcast_in_dim3A_705 : vector<16x1xi32> to vector<16xi32>
        %gather3A_707 = tpu.dynamic_gather %get3A_522[%gather3A_706] in [0] : vector<16xf32>, vector<16xi32> -> vector<16xf32>
        %get3A_708 = arith.index_cast %add3A_703 : i32 to index
        %get3A_709 = arith.constant 0 : index
        %get3A_710 = tpu.vector_load %arg18[%get3A_708, %get3A_709] {strides = array<i32>} : memref<400x16xf32, #tpu.memory_space<vmem>>, vector<1x16xf32>,
        %get3A_711 = vector.shape_cast %get3A_710 : vector<1x16xf32> to vector<16xf32>
        %mul3A_712 = arith.mulf %get3A_711, %gather3A_707 : vector<16xf32>
        %swap3A_713 = arith.index_cast %add3A_703 : i32 to index
        %swap3A_714 = arith.constant 0 : index
        %swap3A_715 = tpu.vector_load %arg18[%swap3A_713, %swap3A_714] {strides = array<i32>} : memref<400x16xf32, #tpu.memory_space<vmem>>, vector<1x16xf32>,
        %swap3A_716 = vector.shape_cast %swap3A_715 : vector<1x16xf32> to vector<16xf32>
        %swap3A_717 = vector.shape_cast %mul3A_712 : vector<16xf32> to vector<1x16xf32>
        tpu.vector_store %arg18[%swap3A_713, %swap3A_714], %swap3A_717 {strides = array<i32>} : memref<400x16xf32, #tpu.memory_space<vmem>>, vector<1x16xf32>,
        %mul3A_718 = arith.constant 16 : i32
        %mul3A_719 = arith.muli %scan3A_517, %mul3A_718 : i32
        %add3A_720 = arith.constant 11 : i32
        %add3A_721 = arith.addi %mul3A_719, %add3A_720 : i32
        %broadcast_in_dim3A_722 = arith.constant 11 : i32
        %broadcast_in_dim3A_723 = vector.broadcast %broadcast_in_dim3A_722 : i32 to vector<16x1xi32>
        %gather3A_724 = vector.shape_cast %broadcast_in_dim3A_723 : vector<16x1xi32> to vector<16xi32>
        %gather3A_725 = tpu.dynamic_gather %get3A_522[%gather3A_724] in [0] : vector<16xf32>, vector<16xi32> -> vector<16xf32>
        %get3A_726 = arith.index_cast %add3A_721 : i32 to index
        %get3A_727 = arith.constant 0 : index
        %get3A_728 = tpu.vector_load %arg18[%get3A_726, %get3A_727] {strides = array<i32>} : memref<400x16xf32, #tpu.memory_space<vmem>>, vector<1x16xf32>,
        %get3A_729 = vector.shape_cast %get3A_728 : vector<1x16xf32> to vector<16xf32>
        %mul3A_730 = arith.mulf %get3A_729, %gather3A_725 : vector<16xf32>
        %swap3A_731 = arith.index_cast %add3A_721 : i32 to index
        %swap3A_732 = arith.constant 0 : index
        %swap3A_733 = tpu.vector_load %arg18[%swap3A_731, %swap3A_732] {strides = array<i32>} : memref<400x16xf32, #tpu.memory_space<vmem>>, vector<1x16xf32>,
        %swap3A_734 = vector.shape_cast %swap3A_733 : vector<1x16xf32> to vector<16xf32>
        %swap3A_735 = vector.shape_cast %mul3A_730 : vector<16xf32> to vector<1x16xf32>
        tpu.vector_store %arg18[%swap3A_731, %swap3A_732], %swap3A_735 {strides = array<i32>} : memref<400x16xf32, #tpu.memory_space<vmem>>, vector<1x16xf32>,
        %mul3A_736 = arith.constant 16 : i32
        %mul3A_737 = arith.muli %scan3A_517, %mul3A_736 : i32
        %add3A_738 = arith.constant 12 : i32
        %add3A_739 = arith.addi %mul3A_737, %add3A_738 : i32
        %broadcast_in_dim3A_740 = arith.constant 12 : i32
        %broadcast_in_dim3A_741 = vector.broadcast %broadcast_in_dim3A_740 : i32 to vector<16x1xi32>
        %gather3A_742 = vector.shape_cast %broadcast_in_dim3A_741 : vector<16x1xi32> to vector<16xi32>
        %gather3A_743 = tpu.dynamic_gather %get3A_522[%gather3A_742] in [0] : vector<16xf32>, vector<16xi32> -> vector<16xf32>
        %get3A_744 = arith.index_cast %add3A_739 : i32 to index
        %get3A_745 = arith.constant 0 : index
        %get3A_746 = tpu.vector_load %arg18[%get3A_744, %get3A_745] {strides = array<i32>} : memref<400x16xf32, #tpu.memory_space<vmem>>, vector<1x16xf32>,
        %get3A_747 = vector.shape_cast %get3A_746 : vector<1x16xf32> to vector<16xf32>
        %mul3A_748 = arith.mulf %get3A_747, %gather3A_743 : vector<16xf32>
        %swap3A_749 = arith.index_cast %add3A_739 : i32 to index
        %swap3A_750 = arith.constant 0 : index
        %swap3A_751 = tpu.vector_load %arg18[%swap3A_749, %swap3A_750] {strides = array<i32>} : memref<400x16xf32, #tpu.memory_space<vmem>>, vector<1x16xf32>,
        %swap3A_752 = vector.shape_cast %swap3A_751 : vector<1x16xf32> to vector<16xf32>
        %swap3A_753 = vector.shape_cast %mul3A_748 : vector<16xf32> to vector<1x16xf32>
        tpu.vector_store %arg18[%swap3A_749, %swap3A_750], %swap3A_753 {strides = array<i32>} : memref<400x16xf32, #tpu.memory_space<vmem>>, vector<1x16xf32>,
        %mul3A_754 = arith.constant 16 : i32
        %mul3A_755 = arith.muli %scan3A_517, %mul3A_754 : i32
        %add3A_756 = arith.constant 13 : i32
        %add3A_757 = arith.addi %mul3A_755, %add3A_756 : i32
        %broadcast_in_dim3A_758 = arith.constant 13 : i32
        %broadcast_in_dim3A_759 = vector.broadcast %broadcast_in_dim3A_758 : i32 to vector<16x1xi32>
        %gather3A_760 = vector.shape_cast %broadcast_in_dim3A_759 : vector<16x1xi32> to vector<16xi32>
        %gather3A_761 = tpu.dynamic_gather %get3A_522[%gather3A_760] in [0] : vector<16xf32>, vector<16xi32> -> vector<16xf32>
        %get3A_762 = arith.index_cast %add3A_757 : i32 to index
        %get3A_763 = arith.constant 0 : index
        %get3A_764 = tpu.vector_load %arg18[%get3A_762, %get3A_763] {strides = array<i32>} : memref<400x16xf32, #tpu.memory_space<vmem>>, vector<1x16xf32>,
        %get3A_765 = vector.shape_cast %get3A_764 : vector<1x16xf32> to vector<16xf32>
        %mul3A_766 = arith.mulf %get3A_765, %gather3A_761 : vector<16xf32>
        %swap3A_767 = arith.index_cast %add3A_757 : i32 to index
        %swap3A_768 = arith.constant 0 : index
        %swap3A_769 = tpu.vector_load %arg18[%swap3A_767, %swap3A_768] {strides = array<i32>} : memref<400x16xf32, #tpu.memory_space<vmem>>, vector<1x16xf32>,
        %swap3A_770 = vector.shape_cast %swap3A_769 : vector<1x16xf32> to vector<16xf32>
        %swap3A_771 = vector.shape_cast %mul3A_766 : vector<16xf32> to vector<1x16xf32>
        tpu.vector_store %arg18[%swap3A_767, %swap3A_768], %swap3A_771 {strides = array<i32>} : memref<400x16xf32, #tpu.memory_space<vmem>>, vector<1x16xf32>,
        %mul3A_772 = arith.constant 16 : i32
        %mul3A_773 = arith.muli %scan3A_517, %mul3A_772 : i32
        %add3A_774 = arith.constant 14 : i32
        %add3A_775 = arith.addi %mul3A_773, %add3A_774 : i32
        %broadcast_in_dim3A_776 = arith.constant 14 : i32
        %broadcast_in_dim3A_777 = vector.broadcast %broadcast_in_dim3A_776 : i32 to vector<16x1xi32>
        %gather3A_778 = vector.shape_cast %broadcast_in_dim3A_777 : vector<16x1xi32> to vector<16xi32>
        %gather3A_779 = tpu.dynamic_gather %get3A_522[%gather3A_778] in [0] : vector<16xf32>, vector<16xi32> -> vector<16xf32>
        %get3A_780 = arith.index_cast %add3A_775 : i32 to index
        %get3A_781 = arith.constant 0 : index
        %get3A_782 = tpu.vector_load %arg18[%get3A_780, %get3A_781] {strides = array<i32>} : memref<400x16xf32, #tpu.memory_space<vmem>>, vector<1x16xf32>,
        %get3A_783 = vector.shape_cast %get3A_782 : vector<1x16xf32> to vector<16xf32>
        %mul3A_784 = arith.mulf %get3A_783, %gather3A_779 : vector<16xf32>
        %swap3A_785 = arith.index_cast %add3A_775 : i32 to index
        %swap3A_786 = arith.constant 0 : index
        %swap3A_787 = tpu.vector_load %arg18[%swap3A_785, %swap3A_786] {strides = array<i32>} : memref<400x16xf32, #tpu.memory_space<vmem>>, vector<1x16xf32>,
        %swap3A_788 = vector.shape_cast %swap3A_787 : vector<1x16xf32> to vector<16xf32>
        %swap3A_789 = vector.shape_cast %mul3A_784 : vector<16xf32> to vector<1x16xf32>
        tpu.vector_store %arg18[%swap3A_785, %swap3A_786], %swap3A_789 {strides = array<i32>} : memref<400x16xf32, #tpu.memory_space<vmem>>, vector<1x16xf32>,
        %mul3A_790 = arith.constant 16 : i32
        %mul3A_791 = arith.muli %scan3A_517, %mul3A_790 : i32
        %add3A_792 = arith.constant 15 : i32
        %add3A_793 = arith.addi %mul3A_791, %add3A_792 : i32
        %broadcast_in_dim3A_794 = arith.constant 15 : i32
        %broadcast_in_dim3A_795 = vector.broadcast %broadcast_in_dim3A_794 : i32 to vector<16x1xi32>
        %gather3A_796 = vector.shape_cast %broadcast_in_dim3A_795 : vector<16x1xi32> to vector<16xi32>
        %gather3A_797 = tpu.dynamic_gather %get3A_522[%gather3A_796] in [0] : vector<16xf32>, vector<16xi32> -> vector<16xf32>
        %get3A_798 = arith.index_cast %add3A_793 : i32 to index
        %get3A_799 = arith.constant 0 : index
        %get3A_800 = tpu.vector_load %arg18[%get3A_798, %get3A_799] {strides = array<i32>} : memref<400x16xf32, #tpu.memory_space<vmem>>, vector<1x16xf32>,
        %get3A_801 = vector.shape_cast %get3A_800 : vector<1x16xf32> to vector<16xf32>
        %mul3A_802 = arith.mulf %get3A_801, %gather3A_797 : vector<16xf32>
        %swap3A_803 = arith.index_cast %add3A_793 : i32 to index
        %swap3A_804 = arith.constant 0 : index
        %swap3A_805 = tpu.vector_load %arg18[%swap3A_803, %swap3A_804] {strides = array<i32>} : memref<400x16xf32, #tpu.memory_space<vmem>>, vector<1x16xf32>,
        %swap3A_806 = vector.shape_cast %swap3A_805 : vector<1x16xf32> to vector<16xf32>
        %swap3A_807 = vector.shape_cast %mul3A_802 : vector<16xf32> to vector<1x16xf32>
        tpu.vector_store %arg18[%swap3A_803, %swap3A_804], %swap3A_807 {strides = array<i32>} : memref<400x16xf32, #tpu.memory_space<vmem>>, vector<1x16xf32>,
        %scan3A_808 = arith.constant 0 : i32
        scf.yield %scan3A_808 : i32
      }
      %scan3A_508 = arith.constant 25 : i32
      %dma_start3A_509 = arith.constant 0 : i32
      %dma_start3A_510 = arith.constant 0 : i32
      %dma_start3A_511 = tpu.memref_slice %arg10[%dma_start3A_509, %dma_start3A_510] : memref<2x400xi32, #tpu.memory_space<vmem>> -> memref<1x400xi32, #tpu.memory_space<vmem>>
      %dma_start3A_512 = tpu.memref_squeeze %dma_start3A_511 : memref<1x400xi32, #tpu.memory_space<vmem>> -> memref<400xi32, #tpu.memory_space<vmem>>
      %dma_start3A_513 = arith.constant 0 : i32
      %dma_start3A_514 = arith.constant 0 : i32
      %dma_start3A_515 = tpu.memref_slice %arg19[%dma_start3A_513, %dma_start3A_514] : memref<100096x16xf32, #tpu.memory_space<vmem_shared>> -> memref<100096x16xf32, #tpu.memory_space<vmem_shared>>
      tpu.enqueue_indirect_dma source(%arg18 : memref<400x16xf32, #tpu.memory_space<vmem>>) target(%dma_start3A_515 : memref<100096x16xf32, #tpu.memory_space<vmem_shared>>) offsets(%dma_start3A_512 : memref<400xi32, #tpu.memory_space<vmem>>) semaphore(%arg31 : memref<!tpu.dma_semaphore, #tpu.memory_space<semaphore_mem>>) {add = true}
      %scan3A_516 = arith.constant 0 : i32
      scf.yield %scan3A_516 : i32
    }
    %scan3A_120 = arith.constant 126 : i32
    %dma_wait3A_121 = arith.constant 0 : i32
    %dma_wait3A_122 = arith.constant 0 : i32
    %dma_wait3A_123 = tpu.memref_slice %arg9[%dma_wait3A_121, %dma_wait3A_122] : memref<2x400xi32, #tpu.memory_space<vmem>> -> memref<1x400xi32, #tpu.memory_space<vmem>>
    %dma_wait3A_124 = tpu.memref_squeeze %dma_wait3A_123 : memref<1x400xi32, #tpu.memory_space<vmem>> -> memref<400xi32, #tpu.memory_space<vmem>>
    %dma_wait3A_125 = arith.constant 0 : i32
    %dma_wait3A_126 = arith.constant 0 : i32
    %dma_wait3A_127 = tpu.memref_slice %arg19[%dma_wait3A_125, %dma_wait3A_126] : memref<100096x16xf32, #tpu.memory_space<vmem_shared>> -> memref<100096x16xf32, #tpu.memory_space<vmem_shared>>
    tpu.wait_indirect_dma semaphore(%arg30 : memref<!tpu.dma_semaphore, #tpu.memory_space<semaphore_mem>>) src(%arg17 : memref<400x16xf32, #tpu.memory_space<vmem>>) dst(%dma_wait3A_127 : memref<100096x16xf32, #tpu.memory_space<vmem_shared>>)
    %dma_wait3A_128 = arith.constant 0 : i32
    %dma_wait3A_129 = arith.constant 0 : i32
    %dma_wait3A_130 = tpu.memref_slice %arg10[%dma_wait3A_128, %dma_wait3A_129] : memref<2x400xi32, #tpu.memory_space<vmem>> -> memref<1x400xi32, #tpu.memory_space<vmem>>
    %dma_wait3A_131 = tpu.memref_squeeze %dma_wait3A_130 : memref<1x400xi32, #tpu.memory_space<vmem>> -> memref<400xi32, #tpu.memory_space<vmem>>
    %dma_wait3A_132 = arith.constant 0 : i32
    %dma_wait3A_133 = arith.constant 0 : i32
    %dma_wait3A_134 = tpu.memref_slice %arg19[%dma_wait3A_132, %dma_wait3A_133] : memref<100096x16xf32, #tpu.memory_space<vmem_shared>> -> memref<100096x16xf32, #tpu.memory_space<vmem_shared>>
    tpu.wait_indirect_dma semaphore(%arg31 : memref<!tpu.dma_semaphore, #tpu.memory_space<semaphore_mem>>) src(%arg18 : memref<400x16xf32, #tpu.memory_space<vmem>>) dst(%dma_wait3A_134 : memref<100096x16xf32, #tpu.memory_space<vmem_shared>>)
    %add3A_135 = arith.constant 0 : i32
    %add3A_136 = arith.addi %mul3A_42, %add3A_135 : i32
    %dma_start3A_137 = arith.constant 0 : i32
    %dma_start3A_138 = arith.constant 0 : i32
    %dma_start3A_139 = tpu.memref_slice %arg7[%dma_start3A_137, %dma_start3A_138] : memref<2x400xi32, #tpu.memory_space<vmem>> -> memref<1x400xi32, #tpu.memory_space<vmem>>
    %dma_start3A_140 = tpu.memref_squeeze %dma_start3A_139 : memref<1x400xi32, #tpu.memory_space<vmem>> -> memref<400xi32, #tpu.memory_space<vmem>>
    %dma_start3A_141 = tpu.memref_slice %arg3[%add3A_136] : memref<6451200xi32, #tpu.memory_space<hbm>> -> memref<400xi32, #tpu.memory_space<hbm>>
    %dma_start3A_142 = arith.constant 0 : i32
    %dma_start3A_143 = tpu.memref_slice %arg7[%dma_start3A_137, %dma_start3A_142] : memref<2x400xi32, #tpu.memory_space<vmem>> -> memref<1x400xi32, #tpu.memory_space<vmem>>
    %dma_start3A_144 = tpu.memref_squeeze %dma_start3A_143 : memref<1x400xi32, #tpu.memory_space<vmem>> -> memref<400xi32, #tpu.memory_space<vmem>>
    %dma_start3A_145 = tpu.memref_slice %arg3[%add3A_136] : memref<6451200xi32, #tpu.memory_space<hbm>> -> memref<400xi32, #tpu.memory_space<hbm>>
    tpu.enqueue_dma source(%dma_start3A_145 : memref<400xi32, #tpu.memory_space<hbm>>) target(%dma_start3A_144 : memref<400xi32, #tpu.memory_space<vmem>>) target_semaphore(%arg20 : memref<!tpu.dma_semaphore, #tpu.memory_space<semaphore_mem>>)
    %dma_start3A_146 = arith.constant 1 : i32
    %dma_start3A_147 = arith.constant 0 : i32
    %dma_start3A_148 = tpu.memref_slice %arg7[%dma_start3A_146, %dma_start3A_147] : memref<2x400xi32, #tpu.memory_space<vmem>> -> memref<1x400xi32, #tpu.memory_space<vmem>>
    %dma_start3A_149 = tpu.memref_squeeze %dma_start3A_148 : memref<1x400xi32, #tpu.memory_space<vmem>> -> memref<400xi32, #tpu.memory_space<vmem>>
    %dma_start3A_150 = tpu.memref_slice %arg4[%add3A_136] : memref<6451200xi32, #tpu.memory_space<hbm>> -> memref<400xi32, #tpu.memory_space<hbm>>
    %dma_start3A_151 = arith.constant 0 : i32
    %dma_start3A_152 = tpu.memref_slice %arg7[%dma_start3A_146, %dma_start3A_151] : memref<2x400xi32, #tpu.memory_space<vmem>> -> memref<1x400xi32, #tpu.memory_space<vmem>>
    %dma_start3A_153 = tpu.memref_squeeze %dma_start3A_152 : memref<1x400xi32, #tpu.memory_space<vmem>> -> memref<400xi32, #tpu.memory_space<vmem>>
    %dma_start3A_154 = tpu.memref_slice %arg4[%add3A_136] : memref<6451200xi32, #tpu.memory_space<hbm>> -> memref<400xi32, #tpu.memory_space<hbm>>
    tpu.enqueue_dma source(%dma_start3A_154 : memref<400xi32, #tpu.memory_space<hbm>>) target(%dma_start3A_153 : memref<400xi32, #tpu.memory_space<vmem>>) target_semaphore(%arg20 : memref<!tpu.dma_semaphore, #tpu.memory_space<semaphore_mem>>)
    %dma_start3A_155 = tpu.memref_slice %arg5[%add3A_136] : memref<6451200xf32, #tpu.memory_space<hbm>> -> memref<400xf32, #tpu.memory_space<hbm>>
    %dma_start3A_156 = tpu.memref_slice %arg5[%add3A_136] : memref<6451200xf32, #tpu.memory_space<hbm>> -> memref<400xf32, #tpu.memory_space<hbm>>
    tpu.enqueue_dma source(%dma_start3A_156 : memref<400xf32, #tpu.memory_space<hbm>>) target(%arg11 : memref<400xf32, #tpu.memory_space<vmem>>) target_semaphore(%arg20 : memref<!tpu.dma_semaphore, #tpu.memory_space<semaphore_mem>>)
    %add3A_157 = arith.constant 0 : i32
    %add3A_158 = arith.addi %mul3A_42, %add3A_157 : i32
    %dma_wait3A_159 = arith.constant 0 : i32
    %dma_wait3A_160 = arith.constant 0 : i32
    %dma_wait3A_161 = tpu.memref_slice %arg7[%dma_wait3A_159, %dma_wait3A_160] : memref<2x400xi32, #tpu.memory_space<vmem>> -> memref<1x400xi32, #tpu.memory_space<vmem>>
    %dma_wait3A_162 = tpu.memref_squeeze %dma_wait3A_161 : memref<1x400xi32, #tpu.memory_space<vmem>> -> memref<400xi32, #tpu.memory_space<vmem>>
    %dma_wait3A_163 = tpu.memref_slice %arg3[%add3A_158] : memref<6451200xi32, #tpu.memory_space<hbm>> -> memref<400xi32, #tpu.memory_space<hbm>>
    %dma_wait3A_164 = arith.constant 0 : i32
    %dma_wait3A_165 = tpu.memref_slice %arg7[%dma_wait3A_159, %dma_wait3A_164] : memref<2x400xi32, #tpu.memory_space<vmem>> -> memref<1x400xi32, #tpu.memory_space<vmem>>
    %dma_wait3A_166 = tpu.memref_squeeze %dma_wait3A_165 : memref<1x400xi32, #tpu.memory_space<vmem>> -> memref<400xi32, #tpu.memory_space<vmem>>
    %dma_wait3A_167 = tpu.memref_slice %arg3[%add3A_158] : memref<6451200xi32, #tpu.memory_space<hbm>> -> memref<400xi32, #tpu.memory_space<hbm>>
    tpu.wait_dma2 semaphore(%arg20 : memref<!tpu.dma_semaphore, #tpu.memory_space<semaphore_mem>>) src(%dma_wait3A_167 : memref<400xi32, #tpu.memory_space<hbm>>) dst(%dma_wait3A_166 : memref<400xi32, #tpu.memory_space<vmem>>)
    %dma_wait3A_168 = arith.constant 1 : i32
    %dma_wait3A_169 = arith.constant 0 : i32
    %dma_wait3A_170 = tpu.memref_slice %arg7[%dma_wait3A_168, %dma_wait3A_169] : memref<2x400xi32, #tpu.memory_space<vmem>> -> memref<1x400xi32, #tpu.memory_space<vmem>>
    %dma_wait3A_171 = tpu.memref_squeeze %dma_wait3A_170 : memref<1x400xi32, #tpu.memory_space<vmem>> -> memref<400xi32, #tpu.memory_space<vmem>>
    %dma_wait3A_172 = tpu.memref_slice %arg4[%add3A_158] : memref<6451200xi32, #tpu.memory_space<hbm>> -> memref<400xi32, #tpu.memory_space<hbm>>
    %dma_wait3A_173 = arith.constant 0 : i32
    %dma_wait3A_174 = tpu.memref_slice %arg7[%dma_wait3A_168, %dma_wait3A_173] : memref<2x400xi32, #tpu.memory_space<vmem>> -> memref<1x400xi32, #tpu.memory_space<vmem>>
    %dma_wait3A_175 = tpu.memref_squeeze %dma_wait3A_174 : memref<1x400xi32, #tpu.memory_space<vmem>> -> memref<400xi32, #tpu.memory_space<vmem>>
    %dma_wait3A_176 = tpu.memref_slice %arg4[%add3A_158] : memref<6451200xi32, #tpu.memory_space<hbm>> -> memref<400xi32, #tpu.memory_space<hbm>>
    tpu.wait_dma2 semaphore(%arg20 : memref<!tpu.dma_semaphore, #tpu.memory_space<semaphore_mem>>) src(%dma_wait3A_176 : memref<400xi32, #tpu.memory_space<hbm>>) dst(%dma_wait3A_175 : memref<400xi32, #tpu.memory_space<vmem>>)
    %dma_wait3A_177 = tpu.memref_slice %arg5[%add3A_158] : memref<6451200xf32, #tpu.memory_space<hbm>> -> memref<400xf32, #tpu.memory_space<hbm>>
    %dma_wait3A_178 = tpu.memref_slice %arg5[%add3A_158] : memref<6451200xf32, #tpu.memory_space<hbm>> -> memref<400xf32, #tpu.memory_space<hbm>>
    tpu.wait_dma2 semaphore(%arg20 : memref<!tpu.dma_semaphore, #tpu.memory_space<semaphore_mem>>) src(%dma_wait3A_178 : memref<400xf32, #tpu.memory_space<hbm>>) dst(%arg11 : memref<400xf32, #tpu.memory_space<vmem>>)
    %dma_start3A_179 = arith.constant 0 : i32
    %dma_start3A_180 = arith.constant 0 : i32
    %dma_start3A_181 = tpu.memref_slice %arg7[%dma_start3A_179, %dma_start3A_180] : memref<2x400xi32, #tpu.memory_space<vmem>> -> memref<1x400xi32, #tpu.memory_space<vmem>>
    %dma_start3A_182 = tpu.memref_squeeze %dma_start3A_181 : memref<1x400xi32, #tpu.memory_space<vmem>> -> memref<400xi32, #tpu.memory_space<vmem>>
    %dma_start3A_183 = arith.constant 0 : i32
    %dma_start3A_184 = arith.constant 0 : i32
    %dma_start3A_185 = tpu.memref_slice %arg2[%dma_start3A_183, %dma_start3A_184] : memref<100096x16xf32, #tpu.memory_space<hbm>> -> memref<100096x16xf32, #tpu.memory_space<hbm>>
    tpu.enqueue_indirect_dma source(%dma_start3A_185 : memref<100096x16xf32, #tpu.memory_space<hbm>>) target(%arg15 : memref<400x16xf32, #tpu.memory_space<vmem>>) offsets(%dma_start3A_182 : memref<400xi32, #tpu.memory_space<vmem>>) semaphore(%arg24 : memref<!tpu.dma_semaphore, #tpu.memory_space<semaphore_mem>>)
    %add3A_186 = arith.constant 400 : i32
    %add3A_187 = arith.addi %mul3A_42, %add3A_186 : i32
    %dma_start3A_188 = arith.constant 0 : i32
    %dma_start3A_189 = arith.constant 0 : i32
    %dma_start3A_190 = tpu.memref_slice %arg8[%dma_start3A_188, %dma_start3A_189] : memref<2x400xi32, #tpu.memory_space<vmem>> -> memref<1x400xi32, #tpu.memory_space<vmem>>
    %dma_start3A_191 = tpu.memref_squeeze %dma_start3A_190 : memref<1x400xi32, #tpu.memory_space<vmem>> -> memref<400xi32, #tpu.memory_space<vmem>>
    %dma_start3A_192 = tpu.memref_slice %arg3[%add3A_187] : memref<6451200xi32, #tpu.memory_space<hbm>> -> memref<400xi32, #tpu.memory_space<hbm>>
    %dma_start3A_193 = arith.constant 0 : i32
    %dma_start3A_194 = tpu.memref_slice %arg8[%dma_start3A_188, %dma_start3A_193] : memref<2x400xi32, #tpu.memory_space<vmem>> -> memref<1x400xi32, #tpu.memory_space<vmem>>
    %dma_start3A_195 = tpu.memref_squeeze %dma_start3A_194 : memref<1x400xi32, #tpu.memory_space<vmem>> -> memref<400xi32, #tpu.memory_space<vmem>>
    %dma_start3A_196 = tpu.memref_slice %arg3[%add3A_187] : memref<6451200xi32, #tpu.memory_space<hbm>> -> memref<400xi32, #tpu.memory_space<hbm>>
    tpu.enqueue_dma source(%dma_start3A_196 : memref<400xi32, #tpu.memory_space<hbm>>) target(%dma_start3A_195 : memref<400xi32, #tpu.memory_space<vmem>>) target_semaphore(%arg21 : memref<!tpu.dma_semaphore, #tpu.memory_space<semaphore_mem>>)
    %dma_start3A_197 = arith.constant 1 : i32
    %dma_start3A_198 = arith.constant 0 : i32
    %dma_start3A_199 = tpu.memref_slice %arg8[%dma_start3A_197, %dma_start3A_198] : memref<2x400xi32, #tpu.memory_space<vmem>> -> memref<1x400xi32, #tpu.memory_space<vmem>>
    %dma_start3A_200 = tpu.memref_squeeze %dma_start3A_199 : memref<1x400xi32, #tpu.memory_space<vmem>> -> memref<400xi32, #tpu.memory_space<vmem>>
    %dma_start3A_201 = tpu.memref_slice %arg4[%add3A_187] : memref<6451200xi32, #tpu.memory_space<hbm>> -> memref<400xi32, #tpu.memory_space<hbm>>
    %dma_start3A_202 = arith.constant 0 : i32
    %dma_start3A_203 = tpu.memref_slice %arg8[%dma_start3A_197, %dma_start3A_202] : memref<2x400xi32, #tpu.memory_space<vmem>> -> memref<1x400xi32, #tpu.memory_space<vmem>>
    %dma_start3A_204 = tpu.memref_squeeze %dma_start3A_203 : memref<1x400xi32, #tpu.memory_space<vmem>> -> memref<400xi32, #tpu.memory_space<vmem>>
    %dma_start3A_205 = tpu.memref_slice %arg4[%add3A_187] : memref<6451200xi32, #tpu.memory_space<hbm>> -> memref<400xi32, #tpu.memory_space<hbm>>
    tpu.enqueue_dma source(%dma_start3A_205 : memref<400xi32, #tpu.memory_space<hbm>>) target(%dma_start3A_204 : memref<400xi32, #tpu.memory_space<vmem>>) target_semaphore(%arg21 : memref<!tpu.dma_semaphore, #tpu.memory_space<semaphore_mem>>)
    %dma_start3A_206 = tpu.memref_slice %arg5[%add3A_187] : memref<6451200xf32, #tpu.memory_space<hbm>> -> memref<400xf32, #tpu.memory_space<hbm>>
    %dma_start3A_207 = tpu.memref_slice %arg5[%add3A_187] : memref<6451200xf32, #tpu.memory_space<hbm>> -> memref<400xf32, #tpu.memory_space<hbm>>
    tpu.enqueue_dma source(%dma_start3A_207 : memref<400xf32, #tpu.memory_space<hbm>>) target(%arg12 : memref<400xf32, #tpu.memory_space<vmem>>) target_semaphore(%arg21 : memref<!tpu.dma_semaphore, #tpu.memory_space<semaphore_mem>>)
    %scan3A_208 = arith.constant 0 : i32
    %scan3A_209 = arith.constant 0 : i32
    %scan3A_210 = arith.constant 126 : i32
    %scan3A_211 = arith.addi %scan3A_209, %scan3A_210 : i32
    %scan3A_212 = arith.constant 1 : i32
    %scan3A_213 = scf.for %scan3A_233 = %scan3A_209 to %scan3A_211 step %scan3A_212 iter_args(%scan3A_234 = %scan3A_208) -> (i32)  : i32 {
      %mul3A_235 = arith.constant 4 : i32
      %mul3A_236 = arith.muli %mul3A_235, %scan3A_233 : i32
      %add3A_237 = arith.constant 0 : i32
      %add3A_238 = arith.addi %mul3A_236, %add3A_237 : i32
      %gt3A = arith.constant 0 : i32
      %gt3A_239 = arith.cmpi sgt, %scan3A_233, %gt3A : i32
      %convert_element_type3A = arith.extui %gt3A_239 : i1 to i32
      %cond3A = arith.constant 0 : i32
      %cond3A_240 = arith.cmpi ne, %convert_element_type3A, %cond3A : i32
      scf.if %cond3A_240 {
        %dma_wait3A_517 = arith.constant 1 : i32
        %dma_wait3A_518 = arith.constant 0 : i32
        %dma_wait3A_519 = tpu.memref_slice %arg9[%dma_wait3A_517, %dma_wait3A_518] : memref<2x400xi32, #tpu.memory_space<vmem>> -> memref<1x400xi32, #tpu.memory_space<vmem>>
        %dma_wait3A_520 = tpu.memref_squeeze %dma_wait3A_519 : memref<1x400xi32, #tpu.memory_space<vmem>> -> memref<400xi32, #tpu.memory_space<vmem>>
        %dma_wait3A_521 = arith.constant 0 : i32
        %dma_wait3A_522 = arith.constant 0 : i32
        %dma_wait3A_523 = tpu.memref_slice %arg19[%dma_wait3A_521, %dma_wait3A_522] : memref<100096x16xf32, #tpu.memory_space<vmem_shared>> -> memref<100096x16xf32, #tpu.memory_space<vmem_shared>>
        tpu.wait_indirect_dma semaphore(%arg30 : memref<!tpu.dma_semaphore, #tpu.memory_space<semaphore_mem>>) src(%arg17 : memref<400x16xf32, #tpu.memory_space<vmem>>) dst(%dma_wait3A_523 : memref<100096x16xf32, #tpu.memory_space<vmem_shared>>)
      } else {
      }
      %add3A_241 = arith.constant 2 : i32
      %add3A_242 = arith.addi %add3A_238, %add3A_241 : i32
      %mul3A_243 = arith.constant 400 : i32
      %mul3A_244 = arith.muli %add3A_242, %mul3A_243 : i32
      %add3A_245 = arith.addi %mul3A_42, %mul3A_244 : i32
      %dma_start3A_246 = arith.constant 0 : i32
      %dma_start3A_247 = arith.constant 0 : i32
      %dma_start3A_248 = tpu.memref_slice %arg9[%dma_start3A_246, %dma_start3A_247] : memref<2x400xi32, #tpu.memory_space<vmem>> -> memref<1x400xi32, #tpu.memory_space<vmem>>
      %dma_start3A_249 = tpu.memref_squeeze %dma_start3A_248 : memref<1x400xi32, #tpu.memory_space<vmem>> -> memref<400xi32, #tpu.memory_space<vmem>>
      %dma_start3A_250 = tpu.memref_slice %arg3[%add3A_245] : memref<6451200xi32, #tpu.memory_space<hbm>> -> memref<400xi32, #tpu.memory_space<hbm>>
      %dma_start3A_251 = arith.constant 0 : i32
      %dma_start3A_252 = tpu.memref_slice %arg9[%dma_start3A_246, %dma_start3A_251] : memref<2x400xi32, #tpu.memory_space<vmem>> -> memref<1x400xi32, #tpu.memory_space<vmem>>
      %dma_start3A_253 = tpu.memref_squeeze %dma_start3A_252 : memref<1x400xi32, #tpu.memory_space<vmem>> -> memref<400xi32, #tpu.memory_space<vmem>>
      %dma_start3A_254 = tpu.memref_slice %arg3[%add3A_245] : memref<6451200xi32, #tpu.memory_space<hbm>> -> memref<400xi32, #tpu.memory_space<hbm>>
      tpu.enqueue_dma source(%dma_start3A_254 : memref<400xi32, #tpu.memory_space<hbm>>) target(%dma_start3A_253 : memref<400xi32, #tpu.memory_space<vmem>>) target_semaphore(%arg22 : memref<!tpu.dma_semaphore, #tpu.memory_space<semaphore_mem>>)
      %dma_start3A_255 = arith.constant 1 : i32
      %dma_start3A_256 = arith.constant 0 : i32
      %dma_start3A_257 = tpu.memref_slice %arg9[%dma_start3A_255, %dma_start3A_256] : memref<2x400xi32, #tpu.memory_space<vmem>> -> memref<1x400xi32, #tpu.memory_space<vmem>>
      %dma_start3A_258 = tpu.memref_squeeze %dma_start3A_257 : memref<1x400xi32, #tpu.memory_space<vmem>> -> memref<400xi32, #tpu.memory_space<vmem>>
      %dma_start3A_259 = tpu.memref_slice %arg4[%add3A_245] : memref<6451200xi32, #tpu.memory_space<hbm>> -> memref<400xi32, #tpu.memory_space<hbm>>
      %dma_start3A_260 = arith.constant 0 : i32
      %dma_start3A_261 = tpu.memref_slice %arg9[%dma_start3A_255, %dma_start3A_260] : memref<2x400xi32, #tpu.memory_space<vmem>> -> memref<1x400xi32, #tpu.memory_space<vmem>>
      %dma_start3A_262 = tpu.memref_squeeze %dma_start3A_261 : memref<1x400xi32, #tpu.memory_space<vmem>> -> memref<400xi32, #tpu.memory_space<vmem>>
      %dma_start3A_263 = tpu.memref_slice %arg4[%add3A_245] : memref<6451200xi32, #tpu.memory_space<hbm>> -> memref<400xi32, #tpu.memory_space<hbm>>
      tpu.enqueue_dma source(%dma_start3A_263 : memref<400xi32, #tpu.memory_space<hbm>>) target(%dma_start3A_262 : memref<400xi32, #tpu.memory_space<vmem>>) target_semaphore(%arg22 : memref<!tpu.dma_semaphore, #tpu.memory_space<semaphore_mem>>)
      %dma_start3A_264 = tpu.memref_slice %arg5[%add3A_245] : memref<6451200xf32, #tpu.memory_space<hbm>> -> memref<400xf32, #tpu.memory_space<hbm>>
      %dma_start3A_265 = tpu.memref_slice %arg5[%add3A_245] : memref<6451200xf32, #tpu.memory_space<hbm>> -> memref<400xf32, #tpu.memory_space<hbm>>
      tpu.enqueue_dma source(%dma_start3A_265 : memref<400xf32, #tpu.memory_space<hbm>>) target(%arg13 : memref<400xf32, #tpu.memory_space<vmem>>) target_semaphore(%arg22 : memref<!tpu.dma_semaphore, #tpu.memory_space<semaphore_mem>>)
      %add3A_266 = arith.constant 1 : i32
      %add3A_267 = arith.addi %add3A_238, %add3A_266 : i32
      %mul3A_268 = arith.constant 400 : i32
      %mul3A_269 = arith.muli %add3A_267, %mul3A_268 : i32
      %add3A_270 = arith.addi %mul3A_42, %mul3A_269 : i32
      %dma_wait3A_271 = arith.constant 0 : i32
      %dma_wait3A_272 = arith.constant 0 : i32
      %dma_wait3A_273 = tpu.memref_slice %arg8[%dma_wait3A_271, %dma_wait3A_272] : memref<2x400xi32, #tpu.memory_space<vmem>> -> memref<1x400xi32, #tpu.memory_space<vmem>>
      %dma_wait3A_274 = tpu.memref_squeeze %dma_wait3A_273 : memref<1x400xi32, #tpu.memory_space<vmem>> -> memref<400xi32, #tpu.memory_space<vmem>>
      %dma_wait3A_275 = tpu.memref_slice %arg3[%add3A_270] : memref<6451200xi32, #tpu.memory_space<hbm>> -> memref<400xi32, #tpu.memory_space<hbm>>
      %dma_wait3A_276 = arith.constant 0 : i32
      %dma_wait3A_277 = tpu.memref_slice %arg8[%dma_wait3A_271, %dma_wait3A_276] : memref<2x400xi32, #tpu.memory_space<vmem>> -> memref<1x400xi32, #tpu.memory_space<vmem>>
      %dma_wait3A_278 = tpu.memref_squeeze %dma_wait3A_277 : memref<1x400xi32, #tpu.memory_space<vmem>> -> memref<400xi32, #tpu.memory_space<vmem>>
      %dma_wait3A_279 = tpu.memref_slice %arg3[%add3A_270] : memref<6451200xi32, #tpu.memory_space<hbm>> -> memref<400xi32, #tpu.memory_space<hbm>>
      tpu.wait_dma2 semaphore(%arg21 : memref<!tpu.dma_semaphore, #tpu.memory_space<semaphore_mem>>) src(%dma_wait3A_279 : memref<400xi32, #tpu.memory_space<hbm>>) dst(%dma_wait3A_278 : memref<400xi32, #tpu.memory_space<vmem>>)
      %dma_wait3A_280 = arith.constant 1 : i32
      %dma_wait3A_281 = arith.constant 0 : i32
      %dma_wait3A_282 = tpu.memref_slice %arg8[%dma_wait3A_280, %dma_wait3A_281] : memref<2x400xi32, #tpu.memory_space<vmem>> -> memref<1x400xi32, #tpu.memory_space<vmem>>
      %dma_wait3A_283 = tpu.memref_squeeze %dma_wait3A_282 : memref<1x400xi32, #tpu.memory_space<vmem>> -> memref<400xi32, #tpu.memory_space<vmem>>
      %dma_wait3A_284 = tpu.memref_slice %arg4[%add3A_270] : memref<6451200xi32, #tpu.memory_space<hbm>> -> memref<400xi32, #tpu.memory_space<hbm>>
      %dma_wait3A_285 = arith.constant 0 : i32
      %dma_wait3A_286 = tpu.memref_slice %arg8[%dma_wait3A_280, %dma_wait3A_285] : memref<2x400xi32, #tpu.memory_space<vmem>> -> memref<1x400xi32, #tpu.memory_space<vmem>>
      %dma_wait3A_287 = tpu.memref_squeeze %dma_wait3A_286 : memref<1x400xi32, #tpu.memory_space<vmem>> -> memref<400xi32, #tpu.memory_space<vmem>>
      %dma_wait3A_288 = tpu.memref_slice %arg4[%add3A_270] : memref<6451200xi32, #tpu.memory_space<hbm>> -> memref<400xi32, #tpu.memory_space<hbm>>
      tpu.wait_dma2 semaphore(%arg21 : memref<!tpu.dma_semaphore, #tpu.memory_space<semaphore_mem>>) src(%dma_wait3A_288 : memref<400xi32, #tpu.memory_space<hbm>>) dst(%dma_wait3A_287 : memref<400xi32, #tpu.memory_space<vmem>>)
      %dma_wait3A_289 = tpu.memref_slice %arg5[%add3A_270] : memref<6451200xf32, #tpu.memory_space<hbm>> -> memref<400xf32, #tpu.memory_space<hbm>>
      %dma_wait3A_290 = tpu.memref_slice %arg5[%add3A_270] : memref<6451200xf32, #tpu.memory_space<hbm>> -> memref<400xf32, #tpu.memory_space<hbm>>
      tpu.wait_dma2 semaphore(%arg21 : memref<!tpu.dma_semaphore, #tpu.memory_space<semaphore_mem>>) src(%dma_wait3A_290 : memref<400xf32, #tpu.memory_space<hbm>>) dst(%arg12 : memref<400xf32, #tpu.memory_space<vmem>>)
      %dma_start3A_291 = arith.constant 0 : i32
      %dma_start3A_292 = arith.constant 0 : i32
      %dma_start3A_293 = tpu.memref_slice %arg8[%dma_start3A_291, %dma_start3A_292] : memref<2x400xi32, #tpu.memory_space<vmem>> -> memref<1x400xi32, #tpu.memory_space<vmem>>
      %dma_start3A_294 = tpu.memref_squeeze %dma_start3A_293 : memref<1x400xi32, #tpu.memory_space<vmem>> -> memref<400xi32, #tpu.memory_space<vmem>>
      %dma_start3A_295 = arith.constant 0 : i32
      %dma_start3A_296 = arith.constant 0 : i32
      %dma_start3A_297 = tpu.memref_slice %arg2[%dma_start3A_295, %dma_start3A_296] : memref<100096x16xf32, #tpu.memory_space<hbm>> -> memref<100096x16xf32, #tpu.memory_space<hbm>>
      tpu.enqueue_indirect_dma source(%dma_start3A_297 : memref<100096x16xf32, #tpu.memory_space<hbm>>) target(%arg16 : memref<400x16xf32, #tpu.memory_space<vmem>>) offsets(%dma_start3A_294 : memref<400xi32, #tpu.memory_space<vmem>>) semaphore(%arg25 : memref<!tpu.dma_semaphore, #tpu.memory_space<semaphore_mem>>)
      %dma_wait3A_298 = arith.constant 0 : i32
      %dma_wait3A_299 = arith.constant 0 : i32
      %dma_wait3A_300 = tpu.memref_slice %arg7[%dma_wait3A_298, %dma_wait3A_299] : memref<2x400xi32, #tpu.memory_space<vmem>> -> memref<1x400xi32, #tpu.memory_space<vmem>>
      %dma_wait3A_301 = tpu.memref_squeeze %dma_wait3A_300 : memref<1x400xi32, #tpu.memory_space<vmem>> -> memref<400xi32, #tpu.memory_space<vmem>>
      %dma_wait3A_302 = arith.constant 0 : i32
      %dma_wait3A_303 = arith.constant 0 : i32
      %dma_wait3A_304 = tpu.memref_slice %arg2[%dma_wait3A_302, %dma_wait3A_303] : memref<100096x16xf32, #tpu.memory_space<hbm>> -> memref<100096x16xf32, #tpu.memory_space<hbm>>
      tpu.wait_indirect_dma semaphore(%arg24 : memref<!tpu.dma_semaphore, #tpu.memory_space<semaphore_mem>>) src(%dma_wait3A_304 : memref<100096x16xf32, #tpu.memory_space<hbm>>) dst(%arg15 : memref<400x16xf32, #tpu.memory_space<vmem>>)
      %scan3A_305 = arith.constant 0 : i32
      %scan3A_306 = arith.constant 0 : i32
      %scan3A_307 = arith.constant 25 : i32
      %scan3A_308 = arith.addi %scan3A_306, %scan3A_307 : i32
      %scan3A_309 = arith.constant 1 : i32
      %scan3A_310 = scf.for %scan3A_517 = %scan3A_306 to %scan3A_308 step %scan3A_309 iter_args(%scan3A_518 = %scan3A_305) -> (i32)  : i32 {
        %mul3A_519 = arith.constant 16 : i32
        %mul3A_520 = arith.muli %scan3A_517, %mul3A_519 : i32
        %get3A = arith.index_cast %mul3A_520 : i32 to index
        %get3A_521 = tpu.vector_load %arg11[%get3A] {strides = array<i32>} : memref<400xf32, #tpu.memory_space<vmem>>, vector<16xf32>,
        %get3A_522 = vector.shape_cast %get3A_521 : vector<16xf32> to vector<16xf32>
        %mul3A_523 = arith.constant 16 : i32
        %mul3A_524 = arith.muli %scan3A_517, %mul3A_523 : i32
        %add3A_525 = arith.constant 0 : i32
        %add3A_526 = arith.addi %mul3A_524, %add3A_525 : i32
        %broadcast_in_dim3A = arith.constant 0 : i32
        %broadcast_in_dim3A_527 = vector.broadcast %broadcast_in_dim3A : i32 to vector<16x1xi32>
        %gather3A = vector.shape_cast %broadcast_in_dim3A_527 : vector<16x1xi32> to vector<16xi32>
        %gather3A_528 = tpu.dynamic_gather %get3A_522[%gather3A] in [0] : vector<16xf32>, vector<16xi32> -> vector<16xf32>
        %get3A_529 = arith.index_cast %add3A_526 : i32 to index
        %get3A_530 = arith.constant 0 : index
        %get3A_531 = tpu.vector_load %arg15[%get3A_529, %get3A_530] {strides = array<i32>} : memref<400x16xf32, #tpu.memory_space<vmem>>, vector<1x16xf32>,
        %get3A_532 = vector.shape_cast %get3A_531 : vector<1x16xf32> to vector<16xf32>
        %mul3A_533 = arith.mulf %get3A_532, %gather3A_528 : vector<16xf32>
        %swap3A = arith.index_cast %add3A_526 : i32 to index
        %swap3A_534 = arith.constant 0 : index
        %swap3A_535 = tpu.vector_load %arg15[%swap3A, %swap3A_534] {strides = array<i32>} : memref<400x16xf32, #tpu.memory_space<vmem>>, vector<1x16xf32>,
        %swap3A_536 = vector.shape_cast %swap3A_535 : vector<1x16xf32> to vector<16xf32>
        %swap3A_537 = vector.shape_cast %mul3A_533 : vector<16xf32> to vector<1x16xf32>
        tpu.vector_store %arg15[%swap3A, %swap3A_534], %swap3A_537 {strides = array<i32>} : memref<400x16xf32, #tpu.memory_space<vmem>>, vector<1x16xf32>,
        %mul3A_538 = arith.constant 16 : i32
        %mul3A_539 = arith.muli %scan3A_517, %mul3A_538 : i32
        %add3A_540 = arith.constant 1 : i32
        %add3A_541 = arith.addi %mul3A_539, %add3A_540 : i32
        %broadcast_in_dim3A_542 = arith.constant 1 : i32
        %broadcast_in_dim3A_543 = vector.broadcast %broadcast_in_dim3A_542 : i32 to vector<16x1xi32>
        %gather3A_544 = vector.shape_cast %broadcast_in_dim3A_543 : vector<16x1xi32> to vector<16xi32>
        %gather3A_545 = tpu.dynamic_gather %get3A_522[%gather3A_544] in [0] : vector<16xf32>, vector<16xi32> -> vector<16xf32>
        %get3A_546 = arith.index_cast %add3A_541 : i32 to index
        %get3A_547 = arith.constant 0 : index
        %get3A_548 = tpu.vector_load %arg15[%get3A_546, %get3A_547] {strides = array<i32>} : memref<400x16xf32, #tpu.memory_space<vmem>>, vector<1x16xf32>,
        %get3A_549 = vector.shape_cast %get3A_548 : vector<1x16xf32> to vector<16xf32>
        %mul3A_550 = arith.mulf %get3A_549, %gather3A_545 : vector<16xf32>
        %swap3A_551 = arith.index_cast %add3A_541 : i32 to index
        %swap3A_552 = arith.constant 0 : index
        %swap3A_553 = tpu.vector_load %arg15[%swap3A_551, %swap3A_552] {strides = array<i32>} : memref<400x16xf32, #tpu.memory_space<vmem>>, vector<1x16xf32>,
        %swap3A_554 = vector.shape_cast %swap3A_553 : vector<1x16xf32> to vector<16xf32>
        %swap3A_555 = vector.shape_cast %mul3A_550 : vector<16xf32> to vector<1x16xf32>
        tpu.vector_store %arg15[%swap3A_551, %swap3A_552], %swap3A_555 {strides = array<i32>} : memref<400x16xf32, #tpu.memory_space<vmem>>, vector<1x16xf32>,
        %mul3A_556 = arith.constant 16 : i32
        %mul3A_557 = arith.muli %scan3A_517, %mul3A_556 : i32
        %add3A_558 = arith.constant 2 : i32
        %add3A_559 = arith.addi %mul3A_557, %add3A_558 : i32
        %broadcast_in_dim3A_560 = arith.constant 2 : i32
        %broadcast_in_dim3A_561 = vector.broadcast %broadcast_in_dim3A_560 : i32 to vector<16x1xi32>
        %gather3A_562 = vector.shape_cast %broadcast_in_dim3A_561 : vector<16x1xi32> to vector<16xi32>
        %gather3A_563 = tpu.dynamic_gather %get3A_522[%gather3A_562] in [0] : vector<16xf32>, vector<16xi32> -> vector<16xf32>
        %get3A_564 = arith.index_cast %add3A_559 : i32 to index
        %get3A_565 = arith.constant 0 : index
        %get3A_566 = tpu.vector_load %arg15[%get3A_564, %get3A_565] {strides = array<i32>} : memref<400x16xf32, #tpu.memory_space<vmem>>, vector<1x16xf32>,
        %get3A_567 = vector.shape_cast %get3A_566 : vector<1x16xf32> to vector<16xf32>
        %mul3A_568 = arith.mulf %get3A_567, %gather3A_563 : vector<16xf32>
        %swap3A_569 = arith.index_cast %add3A_559 : i32 to index
        %swap3A_570 = arith.constant 0 : index
        %swap3A_571 = tpu.vector_load %arg15[%swap3A_569, %swap3A_570] {strides = array<i32>} : memref<400x16xf32, #tpu.memory_space<vmem>>, vector<1x16xf32>,
        %swap3A_572 = vector.shape_cast %swap3A_571 : vector<1x16xf32> to vector<16xf32>
        %swap3A_573 = vector.shape_cast %mul3A_568 : vector<16xf32> to vector<1x16xf32>
        tpu.vector_store %arg15[%swap3A_569, %swap3A_570], %swap3A_573 {strides = array<i32>} : memref<400x16xf32, #tpu.memory_space<vmem>>, vector<1x16xf32>,
        %mul3A_574 = arith.constant 16 : i32
        %mul3A_575 = arith.muli %scan3A_517, %mul3A_574 : i32
        %add3A_576 = arith.constant 3 : i32
        %add3A_577 = arith.addi %mul3A_575, %add3A_576 : i32
        %broadcast_in_dim3A_578 = arith.constant 3 : i32
        %broadcast_in_dim3A_579 = vector.broadcast %broadcast_in_dim3A_578 : i32 to vector<16x1xi32>
        %gather3A_580 = vector.shape_cast %broadcast_in_dim3A_579 : vector<16x1xi32> to vector<16xi32>
        %gather3A_581 = tpu.dynamic_gather %get3A_522[%gather3A_580] in [0] : vector<16xf32>, vector<16xi32> -> vector<16xf32>
        %get3A_582 = arith.index_cast %add3A_577 : i32 to index
        %get3A_583 = arith.constant 0 : index
        %get3A_584 = tpu.vector_load %arg15[%get3A_582, %get3A_583] {strides = array<i32>} : memref<400x16xf32, #tpu.memory_space<vmem>>, vector<1x16xf32>,
        %get3A_585 = vector.shape_cast %get3A_584 : vector<1x16xf32> to vector<16xf32>
        %mul3A_586 = arith.mulf %get3A_585, %gather3A_581 : vector<16xf32>
        %swap3A_587 = arith.index_cast %add3A_577 : i32 to index
        %swap3A_588 = arith.constant 0 : index
        %swap3A_589 = tpu.vector_load %arg15[%swap3A_587, %swap3A_588] {strides = array<i32>} : memref<400x16xf32, #tpu.memory_space<vmem>>, vector<1x16xf32>,
        %swap3A_590 = vector.shape_cast %swap3A_589 : vector<1x16xf32> to vector<16xf32>
        %swap3A_591 = vector.shape_cast %mul3A_586 : vector<16xf32> to vector<1x16xf32>
        tpu.vector_store %arg15[%swap3A_587, %swap3A_588], %swap3A_591 {strides = array<i32>} : memref<400x16xf32, #tpu.memory_space<vmem>>, vector<1x16xf32>,
        %mul3A_592 = arith.constant 16 : i32
        %mul3A_593 = arith.muli %scan3A_517, %mul3A_592 : i32
        %add3A_594 = arith.constant 4 : i32
        %add3A_595 = arith.addi %mul3A_593, %add3A_594 : i32
        %broadcast_in_dim3A_596 = arith.constant 4 : i32
        %broadcast_in_dim3A_597 = vector.broadcast %broadcast_in_dim3A_596 : i32 to vector<16x1xi32>
        %gather3A_598 = vector.shape_cast %broadcast_in_dim3A_597 : vector<16x1xi32> to vector<16xi32>
        %gather3A_599 = tpu.dynamic_gather %get3A_522[%gather3A_598] in [0] : vector<16xf32>, vector<16xi32> -> vector<16xf32>
        %get3A_600 = arith.index_cast %add3A_595 : i32 to index
        %get3A_601 = arith.constant 0 : index
        %get3A_602 = tpu.vector_load %arg15[%get3A_600, %get3A_601] {strides = array<i32>} : memref<400x16xf32, #tpu.memory_space<vmem>>, vector<1x16xf32>,
        %get3A_603 = vector.shape_cast %get3A_602 : vector<1x16xf32> to vector<16xf32>
        %mul3A_604 = arith.mulf %get3A_603, %gather3A_599 : vector<16xf32>
        %swap3A_605 = arith.index_cast %add3A_595 : i32 to index
        %swap3A_606 = arith.constant 0 : index
        %swap3A_607 = tpu.vector_load %arg15[%swap3A_605, %swap3A_606] {strides = array<i32>} : memref<400x16xf32, #tpu.memory_space<vmem>>, vector<1x16xf32>,
        %swap3A_608 = vector.shape_cast %swap3A_607 : vector<1x16xf32> to vector<16xf32>
        %swap3A_609 = vector.shape_cast %mul3A_604 : vector<16xf32> to vector<1x16xf32>
        tpu.vector_store %arg15[%swap3A_605, %swap3A_606], %swap3A_609 {strides = array<i32>} : memref<400x16xf32, #tpu.memory_space<vmem>>, vector<1x16xf32>,
        %mul3A_610 = arith.constant 16 : i32
        %mul3A_611 = arith.muli %scan3A_517, %mul3A_610 : i32
        %add3A_612 = arith.constant 5 : i32
        %add3A_613 = arith.addi %mul3A_611, %add3A_612 : i32
        %broadcast_in_dim3A_614 = arith.constant 5 : i32
        %broadcast_in_dim3A_615 = vector.broadcast %broadcast_in_dim3A_614 : i32 to vector<16x1xi32>
        %gather3A_616 = vector.shape_cast %broadcast_in_dim3A_615 : vector<16x1xi32> to vector<16xi32>
        %gather3A_617 = tpu.dynamic_gather %get3A_522[%gather3A_616] in [0] : vector<16xf32>, vector<16xi32> -> vector<16xf32>
        %get3A_618 = arith.index_cast %add3A_613 : i32 to index
        %get3A_619 = arith.constant 0 : index
        %get3A_620 = tpu.vector_load %arg15[%get3A_618, %get3A_619] {strides = array<i32>} : memref<400x16xf32, #tpu.memory_space<vmem>>, vector<1x16xf32>,
        %get3A_621 = vector.shape_cast %get3A_620 : vector<1x16xf32> to vector<16xf32>
        %mul3A_622 = arith.mulf %get3A_621, %gather3A_617 : vector<16xf32>
        %swap3A_623 = arith.index_cast %add3A_613 : i32 to index
        %swap3A_624 = arith.constant 0 : index
        %swap3A_625 = tpu.vector_load %arg15[%swap3A_623, %swap3A_624] {strides = array<i32>} : memref<400x16xf32, #tpu.memory_space<vmem>>, vector<1x16xf32>,
        %swap3A_626 = vector.shape_cast %swap3A_625 : vector<1x16xf32> to vector<16xf32>
        %swap3A_627 = vector.shape_cast %mul3A_622 : vector<16xf32> to vector<1x16xf32>
        tpu.vector_store %arg15[%swap3A_623, %swap3A_624], %swap3A_627 {strides = array<i32>} : memref<400x16xf32, #tpu.memory_space<vmem>>, vector<1x16xf32>,
        %mul3A_628 = arith.constant 16 : i32
        %mul3A_629 = arith.muli %scan3A_517, %mul3A_628 : i32
        %add3A_630 = arith.constant 6 : i32
        %add3A_631 = arith.addi %mul3A_629, %add3A_630 : i32
        %broadcast_in_dim3A_632 = arith.constant 6 : i32
        %broadcast_in_dim3A_633 = vector.broadcast %broadcast_in_dim3A_632 : i32 to vector<16x1xi32>
        %gather3A_634 = vector.shape_cast %broadcast_in_dim3A_633 : vector<16x1xi32> to vector<16xi32>
        %gather3A_635 = tpu.dynamic_gather %get3A_522[%gather3A_634] in [0] : vector<16xf32>, vector<16xi32> -> vector<16xf32>
        %get3A_636 = arith.index_cast %add3A_631 : i32 to index
        %get3A_637 = arith.constant 0 : index
        %get3A_638 = tpu.vector_load %arg15[%get3A_636, %get3A_637] {strides = array<i32>} : memref<400x16xf32, #tpu.memory_space<vmem>>, vector<1x16xf32>,
        %get3A_639 = vector.shape_cast %get3A_638 : vector<1x16xf32> to vector<16xf32>
        %mul3A_640 = arith.mulf %get3A_639, %gather3A_635 : vector<16xf32>
        %swap3A_641 = arith.index_cast %add3A_631 : i32 to index
        %swap3A_642 = arith.constant 0 : index
        %swap3A_643 = tpu.vector_load %arg15[%swap3A_641, %swap3A_642] {strides = array<i32>} : memref<400x16xf32, #tpu.memory_space<vmem>>, vector<1x16xf32>,
        %swap3A_644 = vector.shape_cast %swap3A_643 : vector<1x16xf32> to vector<16xf32>
        %swap3A_645 = vector.shape_cast %mul3A_640 : vector<16xf32> to vector<1x16xf32>
        tpu.vector_store %arg15[%swap3A_641, %swap3A_642], %swap3A_645 {strides = array<i32>} : memref<400x16xf32, #tpu.memory_space<vmem>>, vector<1x16xf32>,
        %mul3A_646 = arith.constant 16 : i32
        %mul3A_647 = arith.muli %scan3A_517, %mul3A_646 : i32
        %add3A_648 = arith.constant 7 : i32
        %add3A_649 = arith.addi %mul3A_647, %add3A_648 : i32
        %broadcast_in_dim3A_650 = arith.constant 7 : i32
        %broadcast_in_dim3A_651 = vector.broadcast %broadcast_in_dim3A_650 : i32 to vector<16x1xi32>
        %gather3A_652 = vector.shape_cast %broadcast_in_dim3A_651 : vector<16x1xi32> to vector<16xi32>
        %gather3A_653 = tpu.dynamic_gather %get3A_522[%gather3A_652] in [0] : vector<16xf32>, vector<16xi32> -> vector<16xf32>
        %get3A_654 = arith.index_cast %add3A_649 : i32 to index
        %get3A_655 = arith.constant 0 : index
        %get3A_656 = tpu.vector_load %arg15[%get3A_654, %get3A_655] {strides = array<i32>} : memref<400x16xf32, #tpu.memory_space<vmem>>, vector<1x16xf32>,
        %get3A_657 = vector.shape_cast %get3A_656 : vector<1x16xf32> to vector<16xf32>
        %mul3A_658 = arith.mulf %get3A_657, %gather3A_653 : vector<16xf32>
        %swap3A_659 = arith.index_cast %add3A_649 : i32 to index
        %swap3A_660 = arith.constant 0 : index
        %swap3A_661 = tpu.vector_load %arg15[%swap3A_659, %swap3A_660] {strides = array<i32>} : memref<400x16xf32, #tpu.memory_space<vmem>>, vector<1x16xf32>,
        %swap3A_662 = vector.shape_cast %swap3A_661 : vector<1x16xf32> to vector<16xf32>
        %swap3A_663 = vector.shape_cast %mul3A_658 : vector<16xf32> to vector<1x16xf32>
        tpu.vector_store %arg15[%swap3A_659, %swap3A_660], %swap3A_663 {strides = array<i32>} : memref<400x16xf32, #tpu.memory_space<vmem>>, vector<1x16xf32>,
        %mul3A_664 = arith.constant 16 : i32
        %mul3A_665 = arith.muli %scan3A_517, %mul3A_664 : i32
        %add3A_666 = arith.constant 8 : i32
        %add3A_667 = arith.addi %mul3A_665, %add3A_666 : i32
        %broadcast_in_dim3A_668 = arith.constant 8 : i32
        %broadcast_in_dim3A_669 = vector.broadcast %broadcast_in_dim3A_668 : i32 to vector<16x1xi32>
        %gather3A_670 = vector.shape_cast %broadcast_in_dim3A_669 : vector<16x1xi32> to vector<16xi32>
        %gather3A_671 = tpu.dynamic_gather %get3A_522[%gather3A_670] in [0] : vector<16xf32>, vector<16xi32> -> vector<16xf32>
        %get3A_672 = arith.index_cast %add3A_667 : i32 to index
        %get3A_673 = arith.constant 0 : index
        %get3A_674 = tpu.vector_load %arg15[%get3A_672, %get3A_673] {strides = array<i32>} : memref<400x16xf32, #tpu.memory_space<vmem>>, vector<1x16xf32>,
        %get3A_675 = vector.shape_cast %get3A_674 : vector<1x16xf32> to vector<16xf32>
        %mul3A_676 = arith.mulf %get3A_675, %gather3A_671 : vector<16xf32>
        %swap3A_677 = arith.index_cast %add3A_667 : i32 to index
        %swap3A_678 = arith.constant 0 : index
        %swap3A_679 = tpu.vector_load %arg15[%swap3A_677, %swap3A_678] {strides = array<i32>} : memref<400x16xf32, #tpu.memory_space<vmem>>, vector<1x16xf32>,
        %swap3A_680 = vector.shape_cast %swap3A_679 : vector<1x16xf32> to vector<16xf32>
        %swap3A_681 = vector.shape_cast %mul3A_676 : vector<16xf32> to vector<1x16xf32>
        tpu.vector_store %arg15[%swap3A_677, %swap3A_678], %swap3A_681 {strides = array<i32>} : memref<400x16xf32, #tpu.memory_space<vmem>>, vector<1x16xf32>,
        %mul3A_682 = arith.constant 16 : i32
        %mul3A_683 = arith.muli %scan3A_517, %mul3A_682 : i32
        %add3A_684 = arith.constant 9 : i32
        %add3A_685 = arith.addi %mul3A_683, %add3A_684 : i32
        %broadcast_in_dim3A_686 = arith.constant 9 : i32
        %broadcast_in_dim3A_687 = vector.broadcast %broadcast_in_dim3A_686 : i32 to vector<16x1xi32>
        %gather3A_688 = vector.shape_cast %broadcast_in_dim3A_687 : vector<16x1xi32> to vector<16xi32>
        %gather3A_689 = tpu.dynamic_gather %get3A_522[%gather3A_688] in [0] : vector<16xf32>, vector<16xi32> -> vector<16xf32>
        %get3A_690 = arith.index_cast %add3A_685 : i32 to index
        %get3A_691 = arith.constant 0 : index
        %get3A_692 = tpu.vector_load %arg15[%get3A_690, %get3A_691] {strides = array<i32>} : memref<400x16xf32, #tpu.memory_space<vmem>>, vector<1x16xf32>,
        %get3A_693 = vector.shape_cast %get3A_692 : vector<1x16xf32> to vector<16xf32>
        %mul3A_694 = arith.mulf %get3A_693, %gather3A_689 : vector<16xf32>
        %swap3A_695 = arith.index_cast %add3A_685 : i32 to index
        %swap3A_696 = arith.constant 0 : index
        %swap3A_697 = tpu.vector_load %arg15[%swap3A_695, %swap3A_696] {strides = array<i32>} : memref<400x16xf32, #tpu.memory_space<vmem>>, vector<1x16xf32>,
        %swap3A_698 = vector.shape_cast %swap3A_697 : vector<1x16xf32> to vector<16xf32>
        %swap3A_699 = vector.shape_cast %mul3A_694 : vector<16xf32> to vector<1x16xf32>
        tpu.vector_store %arg15[%swap3A_695, %swap3A_696], %swap3A_699 {strides = array<i32>} : memref<400x16xf32, #tpu.memory_space<vmem>>, vector<1x16xf32>,
        %mul3A_700 = arith.constant 16 : i32
        %mul3A_701 = arith.muli %scan3A_517, %mul3A_700 : i32
        %add3A_702 = arith.constant 10 : i32
        %add3A_703 = arith.addi %mul3A_701, %add3A_702 : i32
        %broadcast_in_dim3A_704 = arith.constant 10 : i32
        %broadcast_in_dim3A_705 = vector.broadcast %broadcast_in_dim3A_704 : i32 to vector<16x1xi32>
        %gather3A_706 = vector.shape_cast %broadcast_in_dim3A_705 : vector<16x1xi32> to vector<16xi32>
        %gather3A_707 = tpu.dynamic_gather %get3A_522[%gather3A_706] in [0] : vector<16xf32>, vector<16xi32> -> vector<16xf32>
        %get3A_708 = arith.index_cast %add3A_703 : i32 to index
        %get3A_709 = arith.constant 0 : index
        %get3A_710 = tpu.vector_load %arg15[%get3A_708, %get3A_709] {strides = array<i32>} : memref<400x16xf32, #tpu.memory_space<vmem>>, vector<1x16xf32>,
        %get3A_711 = vector.shape_cast %get3A_710 : vector<1x16xf32> to vector<16xf32>
        %mul3A_712 = arith.mulf %get3A_711, %gather3A_707 : vector<16xf32>
        %swap3A_713 = arith.index_cast %add3A_703 : i32 to index
        %swap3A_714 = arith.constant 0 : index
        %swap3A_715 = tpu.vector_load %arg15[%swap3A_713, %swap3A_714] {strides = array<i32>} : memref<400x16xf32, #tpu.memory_space<vmem>>, vector<1x16xf32>,
        %swap3A_716 = vector.shape_cast %swap3A_715 : vector<1x16xf32> to vector<16xf32>
        %swap3A_717 = vector.shape_cast %mul3A_712 : vector<16xf32> to vector<1x16xf32>
        tpu.vector_store %arg15[%swap3A_713, %swap3A_714], %swap3A_717 {strides = array<i32>} : memref<400x16xf32, #tpu.memory_space<vmem>>, vector<1x16xf32>,
        %mul3A_718 = arith.constant 16 : i32
        %mul3A_719 = arith.muli %scan3A_517, %mul3A_718 : i32
        %add3A_720 = arith.constant 11 : i32
        %add3A_721 = arith.addi %mul3A_719, %add3A_720 : i32
        %broadcast_in_dim3A_722 = arith.constant 11 : i32
        %broadcast_in_dim3A_723 = vector.broadcast %broadcast_in_dim3A_722 : i32 to vector<16x1xi32>
        %gather3A_724 = vector.shape_cast %broadcast_in_dim3A_723 : vector<16x1xi32> to vector<16xi32>
        %gather3A_725 = tpu.dynamic_gather %get3A_522[%gather3A_724] in [0] : vector<16xf32>, vector<16xi32> -> vector<16xf32>
        %get3A_726 = arith.index_cast %add3A_721 : i32 to index
        %get3A_727 = arith.constant 0 : index
        %get3A_728 = tpu.vector_load %arg15[%get3A_726, %get3A_727] {strides = array<i32>} : memref<400x16xf32, #tpu.memory_space<vmem>>, vector<1x16xf32>,
        %get3A_729 = vector.shape_cast %get3A_728 : vector<1x16xf32> to vector<16xf32>
        %mul3A_730 = arith.mulf %get3A_729, %gather3A_725 : vector<16xf32>
        %swap3A_731 = arith.index_cast %add3A_721 : i32 to index
        %swap3A_732 = arith.constant 0 : index
        %swap3A_733 = tpu.vector_load %arg15[%swap3A_731, %swap3A_732] {strides = array<i32>} : memref<400x16xf32, #tpu.memory_space<vmem>>, vector<1x16xf32>,
        %swap3A_734 = vector.shape_cast %swap3A_733 : vector<1x16xf32> to vector<16xf32>
        %swap3A_735 = vector.shape_cast %mul3A_730 : vector<16xf32> to vector<1x16xf32>
        tpu.vector_store %arg15[%swap3A_731, %swap3A_732], %swap3A_735 {strides = array<i32>} : memref<400x16xf32, #tpu.memory_space<vmem>>, vector<1x16xf32>,
        %mul3A_736 = arith.constant 16 : i32
        %mul3A_737 = arith.muli %scan3A_517, %mul3A_736 : i32
        %add3A_738 = arith.constant 12 : i32
        %add3A_739 = arith.addi %mul3A_737, %add3A_738 : i32
        %broadcast_in_dim3A_740 = arith.constant 12 : i32
        %broadcast_in_dim3A_741 = vector.broadcast %broadcast_in_dim3A_740 : i32 to vector<16x1xi32>
        %gather3A_742 = vector.shape_cast %broadcast_in_dim3A_741 : vector<16x1xi32> to vector<16xi32>
        %gather3A_743 = tpu.dynamic_gather %get3A_522[%gather3A_742] in [0] : vector<16xf32>, vector<16xi32> -> vector<16xf32>
        %get3A_744 = arith.index_cast %add3A_739 : i32 to index
        %get3A_745 = arith.constant 0 : index
        %get3A_746 = tpu.vector_load %arg15[%get3A_744, %get3A_745] {strides = array<i32>} : memref<400x16xf32, #tpu.memory_space<vmem>>, vector<1x16xf32>,
        %get3A_747 = vector.shape_cast %get3A_746 : vector<1x16xf32> to vector<16xf32>
        %mul3A_748 = arith.mulf %get3A_747, %gather3A_743 : vector<16xf32>
        %swap3A_749 = arith.index_cast %add3A_739 : i32 to index
        %swap3A_750 = arith.constant 0 : index
        %swap3A_751 = tpu.vector_load %arg15[%swap3A_749, %swap3A_750] {strides = array<i32>} : memref<400x16xf32, #tpu.memory_space<vmem>>, vector<1x16xf32>,
        %swap3A_752 = vector.shape_cast %swap3A_751 : vector<1x16xf32> to vector<16xf32>
        %swap3A_753 = vector.shape_cast %mul3A_748 : vector<16xf32> to vector<1x16xf32>
        tpu.vector_store %arg15[%swap3A_749, %swap3A_750], %swap3A_753 {strides = array<i32>} : memref<400x16xf32, #tpu.memory_space<vmem>>, vector<1x16xf32>,
        %mul3A_754 = arith.constant 16 : i32
        %mul3A_755 = arith.muli %scan3A_517, %mul3A_754 : i32
        %add3A_756 = arith.constant 13 : i32
        %add3A_757 = arith.addi %mul3A_755, %add3A_756 : i32
        %broadcast_in_dim3A_758 = arith.constant 13 : i32
        %broadcast_in_dim3A_759 = vector.broadcast %broadcast_in_dim3A_758 : i32 to vector<16x1xi32>
        %gather3A_760 = vector.shape_cast %broadcast_in_dim3A_759 : vector<16x1xi32> to vector<16xi32>
        %gather3A_761 = tpu.dynamic_gather %get3A_522[%gather3A_760] in [0] : vector<16xf32>, vector<16xi32> -> vector<16xf32>
        %get3A_762 = arith.index_cast %add3A_757 : i32 to index
        %get3A_763 = arith.constant 0 : index
        %get3A_764 = tpu.vector_load %arg15[%get3A_762, %get3A_763] {strides = array<i32>} : memref<400x16xf32, #tpu.memory_space<vmem>>, vector<1x16xf32>,
        %get3A_765 = vector.shape_cast %get3A_764 : vector<1x16xf32> to vector<16xf32>
        %mul3A_766 = arith.mulf %get3A_765, %gather3A_761 : vector<16xf32>
        %swap3A_767 = arith.index_cast %add3A_757 : i32 to index
        %swap3A_768 = arith.constant 0 : index
        %swap3A_769 = tpu.vector_load %arg15[%swap3A_767, %swap3A_768] {strides = array<i32>} : memref<400x16xf32, #tpu.memory_space<vmem>>, vector<1x16xf32>,
        %swap3A_770 = vector.shape_cast %swap3A_769 : vector<1x16xf32> to vector<16xf32>
        %swap3A_771 = vector.shape_cast %mul3A_766 : vector<16xf32> to vector<1x16xf32>
        tpu.vector_store %arg15[%swap3A_767, %swap3A_768], %swap3A_771 {strides = array<i32>} : memref<400x16xf32, #tpu.memory_space<vmem>>, vector<1x16xf32>,
        %mul3A_772 = arith.constant 16 : i32
        %mul3A_773 = arith.muli %scan3A_517, %mul3A_772 : i32
        %add3A_774 = arith.constant 14 : i32
        %add3A_775 = arith.addi %mul3A_773, %add3A_774 : i32
        %broadcast_in_dim3A_776 = arith.constant 14 : i32
        %broadcast_in_dim3A_777 = vector.broadcast %broadcast_in_dim3A_776 : i32 to vector<16x1xi32>
        %gather3A_778 = vector.shape_cast %broadcast_in_dim3A_777 : vector<16x1xi32> to vector<16xi32>
        %gather3A_779 = tpu.dynamic_gather %get3A_522[%gather3A_778] in [0] : vector<16xf32>, vector<16xi32> -> vector<16xf32>
        %get3A_780 = arith.index_cast %add3A_775 : i32 to index
        %get3A_781 = arith.constant 0 : index
        %get3A_782 = tpu.vector_load %arg15[%get3A_780, %get3A_781] {strides = array<i32>} : memref<400x16xf32, #tpu.memory_space<vmem>>, vector<1x16xf32>,
        %get3A_783 = vector.shape_cast %get3A_782 : vector<1x16xf32> to vector<16xf32>
        %mul3A_784 = arith.mulf %get3A_783, %gather3A_779 : vector<16xf32>
        %swap3A_785 = arith.index_cast %add3A_775 : i32 to index
        %swap3A_786 = arith.constant 0 : index
        %swap3A_787 = tpu.vector_load %arg15[%swap3A_785, %swap3A_786] {strides = array<i32>} : memref<400x16xf32, #tpu.memory_space<vmem>>, vector<1x16xf32>,
        %swap3A_788 = vector.shape_cast %swap3A_787 : vector<1x16xf32> to vector<16xf32>
        %swap3A_789 = vector.shape_cast %mul3A_784 : vector<16xf32> to vector<1x16xf32>
        tpu.vector_store %arg15[%swap3A_785, %swap3A_786], %swap3A_789 {strides = array<i32>} : memref<400x16xf32, #tpu.memory_space<vmem>>, vector<1x16xf32>,
        %mul3A_790 = arith.constant 16 : i32
        %mul3A_791 = arith.muli %scan3A_517, %mul3A_790 : i32
        %add3A_792 = arith.constant 15 : i32
        %add3A_793 = arith.addi %mul3A_791, %add3A_792 : i32
        %broadcast_in_dim3A_794 = arith.constant 15 : i32
        %broadcast_in_dim3A_795 = vector.broadcast %broadcast_in_dim3A_794 : i32 to vector<16x1xi32>
        %gather3A_796 = vector.shape_cast %broadcast_in_dim3A_795 : vector<16x1xi32> to vector<16xi32>
        %gather3A_797 = tpu.dynamic_gather %get3A_522[%gather3A_796] in [0] : vector<16xf32>, vector<16xi32> -> vector<16xf32>
        %get3A_798 = arith.index_cast %add3A_793 : i32 to index
        %get3A_799 = arith.constant 0 : index
        %get3A_800 = tpu.vector_load %arg15[%get3A_798, %get3A_799] {strides = array<i32>} : memref<400x16xf32, #tpu.memory_space<vmem>>, vector<1x16xf32>,
        %get3A_801 = vector.shape_cast %get3A_800 : vector<1x16xf32> to vector<16xf32>
        %mul3A_802 = arith.mulf %get3A_801, %gather3A_797 : vector<16xf32>
        %swap3A_803 = arith.index_cast %add3A_793 : i32 to index
        %swap3A_804 = arith.constant 0 : index
        %swap3A_805 = tpu.vector_load %arg15[%swap3A_803, %swap3A_804] {strides = array<i32>} : memref<400x16xf32, #tpu.memory_space<vmem>>, vector<1x16xf32>,
        %swap3A_806 = vector.shape_cast %swap3A_805 : vector<1x16xf32> to vector<16xf32>
        %swap3A_807 = vector.shape_cast %mul3A_802 : vector<16xf32> to vector<1x16xf32>
        tpu.vector_store %arg15[%swap3A_803, %swap3A_804], %swap3A_807 {strides = array<i32>} : memref<400x16xf32, #tpu.memory_space<vmem>>, vector<1x16xf32>,
        %scan3A_808 = arith.constant 0 : i32
        scf.yield %scan3A_808 : i32
      }
      %scan3A_311 = arith.constant 25 : i32
      %dma_start3A_312 = arith.constant 1 : i32
      %dma_start3A_313 = arith.constant 0 : i32
      %dma_start3A_314 = tpu.memref_slice %arg7[%dma_start3A_312, %dma_start3A_313] : memref<2x400xi32, #tpu.memory_space<vmem>> -> memref<1x400xi32, #tpu.memory_space<vmem>>
      %dma_start3A_315 = tpu.memref_squeeze %dma_start3A_314 : memref<1x400xi32, #tpu.memory_space<vmem>> -> memref<400xi32, #tpu.memory_space<vmem>>
      %dma_start3A_316 = arith.constant 0 : i32
      %dma_start3A_317 = arith.constant 0 : i32
      %dma_start3A_318 = tpu.memref_slice %arg19[%dma_start3A_316, %dma_start3A_317] : memref<100096x16xf32, #tpu.memory_space<vmem_shared>> -> memref<100096x16xf32, #tpu.memory_space<vmem_shared>>
      tpu.enqueue_indirect_dma source(%arg15 : memref<400x16xf32, #tpu.memory_space<vmem>>) target(%dma_start3A_318 : memref<100096x16xf32, #tpu.memory_space<vmem_shared>>) offsets(%dma_start3A_315 : memref<400xi32, #tpu.memory_space<vmem>>) semaphore(%arg28 : memref<!tpu.dma_semaphore, #tpu.memory_space<semaphore_mem>>) {add = true}
      %mul3A_319 = arith.constant 4 : i32
      %mul3A_320 = arith.muli %mul3A_319, %scan3A_233 : i32
      %add3A_321 = arith.constant 1 : i32
      %add3A_322 = arith.addi %mul3A_320, %add3A_321 : i32
      %gt3A_323 = arith.constant 0 : i32
      %gt3A_324 = arith.cmpi sgt, %scan3A_233, %gt3A_323 : i32
      %convert_element_type3A_325 = arith.extui %gt3A_324 : i1 to i32
      %cond3A_326 = arith.constant 0 : i32
      %cond3A_327 = arith.cmpi ne, %convert_element_type3A_325, %cond3A_326 : i32
      scf.if %cond3A_327 {
        %dma_wait3A_517 = arith.constant 1 : i32
        %dma_wait3A_518 = arith.constant 0 : i32
        %dma_wait3A_519 = tpu.memref_slice %arg10[%dma_wait3A_517, %dma_wait3A_518] : memref<2x400xi32, #tpu.memory_space<vmem>> -> memref<1x400xi32, #tpu.memory_space<vmem>>
        %dma_wait3A_520 = tpu.memref_squeeze %dma_wait3A_519 : memref<1x400xi32, #tpu.memory_space<vmem>> -> memref<400xi32, #tpu.memory_space<vmem>>
        %dma_wait3A_521 = arith.constant 0 : i32
        %dma_wait3A_522 = arith.constant 0 : i32
        %dma_wait3A_523 = tpu.memref_slice %arg19[%dma_wait3A_521, %dma_wait3A_522] : memref<100096x16xf32, #tpu.memory_space<vmem_shared>> -> memref<100096x16xf32, #tpu.memory_space<vmem_shared>>
        tpu.wait_indirect_dma semaphore(%arg31 : memref<!tpu.dma_semaphore, #tpu.memory_space<semaphore_mem>>) src(%arg18 : memref<400x16xf32, #tpu.memory_space<vmem>>) dst(%dma_wait3A_523 : memref<100096x16xf32, #tpu.memory_space<vmem_shared>>)
      } else {
      }
      %add3A_328 = arith.constant 2 : i32
      %add3A_329 = arith.addi %add3A_322, %add3A_328 : i32
      %mul3A_330 = arith.constant 400 : i32
      %mul3A_331 = arith.muli %add3A_329, %mul3A_330 : i32
      %add3A_332 = arith.addi %mul3A_42, %mul3A_331 : i32
      %dma_start3A_333 = arith.constant 0 : i32
      %dma_start3A_334 = arith.constant 0 : i32
      %dma_start3A_335 = tpu.memref_slice %arg10[%dma_start3A_333, %dma_start3A_334] : memref<2x400xi32, #tpu.memory_space<vmem>> -> memref<1x400xi32, #tpu.memory_space<vmem>>
      %dma_start3A_336 = tpu.memref_squeeze %dma_start3A_335 : memref<1x400xi32, #tpu.memory_space<vmem>> -> memref<400xi32, #tpu.memory_space<vmem>>
      %dma_start3A_337 = tpu.memref_slice %arg3[%add3A_332] : memref<6451200xi32, #tpu.memory_space<hbm>> -> memref<400xi32, #tpu.memory_space<hbm>>
      %dma_start3A_338 = arith.constant 0 : i32
      %dma_start3A_339 = tpu.memref_slice %arg10[%dma_start3A_333, %dma_start3A_338] : memref<2x400xi32, #tpu.memory_space<vmem>> -> memref<1x400xi32, #tpu.memory_space<vmem>>
      %dma_start3A_340 = tpu.memref_squeeze %dma_start3A_339 : memref<1x400xi32, #tpu.memory_space<vmem>> -> memref<400xi32, #tpu.memory_space<vmem>>
      %dma_start3A_341 = tpu.memref_slice %arg3[%add3A_332] : memref<6451200xi32, #tpu.memory_space<hbm>> -> memref<400xi32, #tpu.memory_space<hbm>>
      tpu.enqueue_dma source(%dma_start3A_341 : memref<400xi32, #tpu.memory_space<hbm>>) target(%dma_start3A_340 : memref<400xi32, #tpu.memory_space<vmem>>) target_semaphore(%arg23 : memref<!tpu.dma_semaphore, #tpu.memory_space<semaphore_mem>>)
      %dma_start3A_342 = arith.constant 1 : i32
      %dma_start3A_343 = arith.constant 0 : i32
      %dma_start3A_344 = tpu.memref_slice %arg10[%dma_start3A_342, %dma_start3A_343] : memref<2x400xi32, #tpu.memory_space<vmem>> -> memref<1x400xi32, #tpu.memory_space<vmem>>
      %dma_start3A_345 = tpu.memref_squeeze %dma_start3A_344 : memref<1x400xi32, #tpu.memory_space<vmem>> -> memref<400xi32, #tpu.memory_space<vmem>>
      %dma_start3A_346 = tpu.memref_slice %arg4[%add3A_332] : memref<6451200xi32, #tpu.memory_space<hbm>> -> memref<400xi32, #tpu.memory_space<hbm>>
      %dma_start3A_347 = arith.constant 0 : i32
      %dma_start3A_348 = tpu.memref_slice %arg10[%dma_start3A_342, %dma_start3A_347] : memref<2x400xi32, #tpu.memory_space<vmem>> -> memref<1x400xi32, #tpu.memory_space<vmem>>
      %dma_start3A_349 = tpu.memref_squeeze %dma_start3A_348 : memref<1x400xi32, #tpu.memory_space<vmem>> -> memref<400xi32, #tpu.memory_space<vmem>>
      %dma_start3A_350 = tpu.memref_slice %arg4[%add3A_332] : memref<6451200xi32, #tpu.memory_space<hbm>> -> memref<400xi32, #tpu.memory_space<hbm>>
      tpu.enqueue_dma source(%dma_start3A_350 : memref<400xi32, #tpu.memory_space<hbm>>) target(%dma_start3A_349 : memref<400xi32, #tpu.memory_space<vmem>>) target_semaphore(%arg23 : memref<!tpu.dma_semaphore, #tpu.memory_space<semaphore_mem>>)
      %dma_start3A_351 = tpu.memref_slice %arg5[%add3A_332] : memref<6451200xf32, #tpu.memory_space<hbm>> -> memref<400xf32, #tpu.memory_space<hbm>>
      %dma_start3A_352 = tpu.memref_slice %arg5[%add3A_332] : memref<6451200xf32, #tpu.memory_space<hbm>> -> memref<400xf32, #tpu.memory_space<hbm>>
      tpu.enqueue_dma source(%dma_start3A_352 : memref<400xf32, #tpu.memory_space<hbm>>) target(%arg14 : memref<400xf32, #tpu.memory_space<vmem>>) target_semaphore(%arg23 : memref<!tpu.dma_semaphore, #tpu.memory_space<semaphore_mem>>)
      %add3A_353 = arith.constant 1 : i32
      %add3A_354 = arith.addi %add3A_322, %add3A_353 : i32
      %mul3A_355 = arith.constant 400 : i32
      %mul3A_356 = arith.muli %add3A_354, %mul3A_355 : i32
      %add3A_357 = arith.addi %mul3A_42, %mul3A_356 : i32
      %dma_wait3A_358 = arith.constant 0 : i32
      %dma_wait3A_359 = arith.constant 0 : i32
      %dma_wait3A_360 = tpu.memref_slice %arg9[%dma_wait3A_358, %dma_wait3A_359] : memref<2x400xi32, #tpu.memory_space<vmem>> -> memref<1x400xi32, #tpu.memory_space<vmem>>
      %dma_wait3A_361 = tpu.memref_squeeze %dma_wait3A_360 : memref<1x400xi32, #tpu.memory_space<vmem>> -> memref<400xi32, #tpu.memory_space<vmem>>
      %dma_wait3A_362 = tpu.memref_slice %arg3[%add3A_357] : memref<6451200xi32, #tpu.memory_space<hbm>> -> memref<400xi32, #tpu.memory_space<hbm>>
      %dma_wait3A_363 = arith.constant 0 : i32
      %dma_wait3A_364 = tpu.memref_slice %arg9[%dma_wait3A_358, %dma_wait3A_363] : memref<2x400xi32, #tpu.memory_space<vmem>> -> memref<1x400xi32, #tpu.memory_space<vmem>>
      %dma_wait3A_365 = tpu.memref_squeeze %dma_wait3A_364 : memref<1x400xi32, #tpu.memory_space<vmem>> -> memref<400xi32, #tpu.memory_space<vmem>>
      %dma_wait3A_366 = tpu.memref_slice %arg3[%add3A_357] : memref<6451200xi32, #tpu.memory_space<hbm>> -> memref<400xi32, #tpu.memory_space<hbm>>
      tpu.wait_dma2 semaphore(%arg22 : memref<!tpu.dma_semaphore, #tpu.memory_space<semaphore_mem>>) src(%dma_wait3A_366 : memref<400xi32, #tpu.memory_space<hbm>>) dst(%dma_wait3A_365 : memref<400xi32, #tpu.memory_space<vmem>>)
      %dma_wait3A_367 = arith.constant 1 : i32
      %dma_wait3A_368 = arith.constant 0 : i32
      %dma_wait3A_369 = tpu.memref_slice %arg9[%dma_wait3A_367, %dma_wait3A_368] : memref<2x400xi32, #tpu.memory_space<vmem>> -> memref<1x400xi32, #tpu.memory_space<vmem>>
      %dma_wait3A_370 = tpu.memref_squeeze %dma_wait3A_369 : memref<1x400xi32, #tpu.memory_space<vmem>> -> memref<400xi32, #tpu.memory_space<vmem>>
      %dma_wait3A_371 = tpu.memref_slice %arg4[%add3A_357] : memref<6451200xi32, #tpu.memory_space<hbm>> -> memref<400xi32, #tpu.memory_space<hbm>>
      %dma_wait3A_372 = arith.constant 0 : i32
      %dma_wait3A_373 = tpu.memref_slice %arg9[%dma_wait3A_367, %dma_wait3A_372] : memref<2x400xi32, #tpu.memory_space<vmem>> -> memref<1x400xi32, #tpu.memory_space<vmem>>
      %dma_wait3A_374 = tpu.memref_squeeze %dma_wait3A_373 : memref<1x400xi32, #tpu.memory_space<vmem>> -> memref<400xi32, #tpu.memory_space<vmem>>
      %dma_wait3A_375 = tpu.memref_slice %arg4[%add3A_357] : memref<6451200xi32, #tpu.memory_space<hbm>> -> memref<400xi32, #tpu.memory_space<hbm>>
      tpu.wait_dma2 semaphore(%arg22 : memref<!tpu.dma_semaphore, #tpu.memory_space<semaphore_mem>>) src(%dma_wait3A_375 : memref<400xi32, #tpu.memory_space<hbm>>) dst(%dma_wait3A_374 : memref<400xi32, #tpu.memory_space<vmem>>)
      %dma_wait3A_376 = tpu.memref_slice %arg5[%add3A_357] : memref<6451200xf32, #tpu.memory_space<hbm>> -> memref<400xf32, #tpu.memory_space<hbm>>
      %dma_wait3A_377 = tpu.memref_slice %arg5[%add3A_357] : memref<6451200xf32, #tpu.memory_space<hbm>> -> memref<400xf32, #tpu.memory_space<hbm>>
      tpu.wait_dma2 semaphore(%arg22 : memref<!tpu.dma_semaphore, #tpu.memory_space<semaphore_mem>>) src(%dma_wait3A_377 : memref<400xf32, #tpu.memory_space<hbm>>) dst(%arg13 : memref<400xf32, #tpu.memory_space<vmem>>)
      %dma_start3A_378 = arith.constant 0 : i32
      %dma_start3A_379 = arith.constant 0 : i32
      %dma_start3A_380 = tpu.memref_slice %arg9[%dma_start3A_378, %dma_start3A_379] : memref<2x400xi32, #tpu.memory_space<vmem>> -> memref<1x400xi32, #tpu.memory_space<vmem>>
      %dma_start3A_381 = tpu.memref_squeeze %dma_start3A_380 : memref<1x400xi32, #tpu.memory_space<vmem>> -> memref<400xi32, #tpu.memory_space<vmem>>
      %dma_start3A_382 = arith.constant 0 : i32
      %dma_start3A_383 = arith.constant 0 : i32
      %dma_start3A_384 = tpu.memref_slice %arg2[%dma_start3A_382, %dma_start3A_383] : memref<100096x16xf32, #tpu.memory_space<hbm>> -> memref<100096x16xf32, #tpu.memory_space<hbm>>
      tpu.enqueue_indirect_dma source(%dma_start3A_384 : memref<100096x16xf32, #tpu.memory_space<hbm>>) target(%arg17 : memref<400x16xf32, #tpu.memory_space<vmem>>) offsets(%dma_start3A_381 : memref<400xi32, #tpu.memory_space<vmem>>) semaphore(%arg26 : memref<!tpu.dma_semaphore, #tpu.memory_space<semaphore_mem>>)
      %dma_wait3A_385 = arith.constant 0 : i32
      %dma_wait3A_386 = arith.constant 0 : i32
      %dma_wait3A_387 = tpu.memref_slice %arg8[%dma_wait3A_385, %dma_wait3A_386] : memref<2x400xi32, #tpu.memory_space<vmem>> -> memref<1x400xi32, #tpu.memory_space<vmem>>
      %dma_wait3A_388 = tpu.memref_squeeze %dma_wait3A_387 : memref<1x400xi32, #tpu.memory_space<vmem>> -> memref<400xi32, #tpu.memory_space<vmem>>
      %dma_wait3A_389 = arith.constant 0 : i32
      %dma_wait3A_390 = arith.constant 0 : i32
      %dma_wait3A_391 = tpu.memref_slice %arg2[%dma_wait3A_389, %dma_wait3A_390] : memref<100096x16xf32, #tpu.memory_space<hbm>> -> memref<100096x16xf32, #tpu.memory_space<hbm>>
      tpu.wait_indirect_dma semaphore(%arg25 : memref<!tpu.dma_semaphore, #tpu.memory_space<semaphore_mem>>) src(%dma_wait3A_391 : memref<100096x16xf32, #tpu.memory_space<hbm>>) dst(%arg16 : memref<400x16xf32, #tpu.memory_space<vmem>>)
      %scan3A_392 = arith.constant 0 : i32
      %scan3A_393 = arith.constant 0 : i32
      %scan3A_394 = arith.constant 25 : i32
      %scan3A_395 = arith.addi %scan3A_393, %scan3A_394 : i32
      %scan3A_396 = arith.constant 1 : i32
      %scan3A_397 = scf.for %scan3A_517 = %scan3A_393 to %scan3A_395 step %scan3A_396 iter_args(%scan3A_518 = %scan3A_392) -> (i32)  : i32 {
        %mul3A_519 = arith.constant 16 : i32
        %mul3A_520 = arith.muli %scan3A_517, %mul3A_519 : i32
        %get3A = arith.index_cast %mul3A_520 : i32 to index
        %get3A_521 = tpu.vector_load %arg12[%get3A] {strides = array<i32>} : memref<400xf32, #tpu.memory_space<vmem>>, vector<16xf32>,
        %get3A_522 = vector.shape_cast %get3A_521 : vector<16xf32> to vector<16xf32>
        %mul3A_523 = arith.constant 16 : i32
        %mul3A_524 = arith.muli %scan3A_517, %mul3A_523 : i32
        %add3A_525 = arith.constant 0 : i32
        %add3A_526 = arith.addi %mul3A_524, %add3A_525 : i32
        %broadcast_in_dim3A = arith.constant 0 : i32
        %broadcast_in_dim3A_527 = vector.broadcast %broadcast_in_dim3A : i32 to vector<16x1xi32>
        %gather3A = vector.shape_cast %broadcast_in_dim3A_527 : vector<16x1xi32> to vector<16xi32>
        %gather3A_528 = tpu.dynamic_gather %get3A_522[%gather3A] in [0] : vector<16xf32>, vector<16xi32> -> vector<16xf32>
        %get3A_529 = arith.index_cast %add3A_526 : i32 to index
        %get3A_530 = arith.constant 0 : index
        %get3A_531 = tpu.vector_load %arg16[%get3A_529, %get3A_530] {strides = array<i32>} : memref<400x16xf32, #tpu.memory_space<vmem>>, vector<1x16xf32>,
        %get3A_532 = vector.shape_cast %get3A_531 : vector<1x16xf32> to vector<16xf32>
        %mul3A_533 = arith.mulf %get3A_532, %gather3A_528 : vector<16xf32>
        %swap3A = arith.index_cast %add3A_526 : i32 to index
        %swap3A_534 = arith.constant 0 : index
        %swap3A_535 = tpu.vector_load %arg16[%swap3A, %swap3A_534] {strides = array<i32>} : memref<400x16xf32, #tpu.memory_space<vmem>>, vector<1x16xf32>,
        %swap3A_536 = vector.shape_cast %swap3A_535 : vector<1x16xf32> to vector<16xf32>
        %swap3A_537 = vector.shape_cast %mul3A_533 : vector<16xf32> to vector<1x16xf32>
        tpu.vector_store %arg16[%swap3A, %swap3A_534], %swap3A_537 {strides = array<i32>} : memref<400x16xf32, #tpu.memory_space<vmem>>, vector<1x16xf32>,
        %mul3A_538 = arith.constant 16 : i32
        %mul3A_539 = arith.muli %scan3A_517, %mul3A_538 : i32
        %add3A_540 = arith.constant 1 : i32
        %add3A_541 = arith.addi %mul3A_539, %add3A_540 : i32
        %broadcast_in_dim3A_542 = arith.constant 1 : i32
        %broadcast_in_dim3A_543 = vector.broadcast %broadcast_in_dim3A_542 : i32 to vector<16x1xi32>
        %gather3A_544 = vector.shape_cast %broadcast_in_dim3A_543 : vector<16x1xi32> to vector<16xi32>
        %gather3A_545 = tpu.dynamic_gather %get3A_522[%gather3A_544] in [0] : vector<16xf32>, vector<16xi32> -> vector<16xf32>
        %get3A_546 = arith.index_cast %add3A_541 : i32 to index
        %get3A_547 = arith.constant 0 : index
        %get3A_548 = tpu.vector_load %arg16[%get3A_546, %get3A_547] {strides = array<i32>} : memref<400x16xf32, #tpu.memory_space<vmem>>, vector<1x16xf32>,
        %get3A_549 = vector.shape_cast %get3A_548 : vector<1x16xf32> to vector<16xf32>
        %mul3A_550 = arith.mulf %get3A_549, %gather3A_545 : vector<16xf32>
        %swap3A_551 = arith.index_cast %add3A_541 : i32 to index
        %swap3A_552 = arith.constant 0 : index
        %swap3A_553 = tpu.vector_load %arg16[%swap3A_551, %swap3A_552] {strides = array<i32>} : memref<400x16xf32, #tpu.memory_space<vmem>>, vector<1x16xf32>,
        %swap3A_554 = vector.shape_cast %swap3A_553 : vector<1x16xf32> to vector<16xf32>
        %swap3A_555 = vector.shape_cast %mul3A_550 : vector<16xf32> to vector<1x16xf32>
        tpu.vector_store %arg16[%swap3A_551, %swap3A_552], %swap3A_555 {strides = array<i32>} : memref<400x16xf32, #tpu.memory_space<vmem>>, vector<1x16xf32>,
        %mul3A_556 = arith.constant 16 : i32
        %mul3A_557 = arith.muli %scan3A_517, %mul3A_556 : i32
        %add3A_558 = arith.constant 2 : i32
        %add3A_559 = arith.addi %mul3A_557, %add3A_558 : i32
        %broadcast_in_dim3A_560 = arith.constant 2 : i32
        %broadcast_in_dim3A_561 = vector.broadcast %broadcast_in_dim3A_560 : i32 to vector<16x1xi32>
        %gather3A_562 = vector.shape_cast %broadcast_in_dim3A_561 : vector<16x1xi32> to vector<16xi32>
        %gather3A_563 = tpu.dynamic_gather %get3A_522[%gather3A_562] in [0] : vector<16xf32>, vector<16xi32> -> vector<16xf32>
        %get3A_564 = arith.index_cast %add3A_559 : i32 to index
        %get3A_565 = arith.constant 0 : index
        %get3A_566 = tpu.vector_load %arg16[%get3A_564, %get3A_565] {strides = array<i32>} : memref<400x16xf32, #tpu.memory_space<vmem>>, vector<1x16xf32>,
        %get3A_567 = vector.shape_cast %get3A_566 : vector<1x16xf32> to vector<16xf32>
        %mul3A_568 = arith.mulf %get3A_567, %gather3A_563 : vector<16xf32>
        %swap3A_569 = arith.index_cast %add3A_559 : i32 to index
        %swap3A_570 = arith.constant 0 : index
        %swap3A_571 = tpu.vector_load %arg16[%swap3A_569, %swap3A_570] {strides = array<i32>} : memref<400x16xf32, #tpu.memory_space<vmem>>, vector<1x16xf32>,
        %swap3A_572 = vector.shape_cast %swap3A_571 : vector<1x16xf32> to vector<16xf32>
        %swap3A_573 = vector.shape_cast %mul3A_568 : vector<16xf32> to vector<1x16xf32>
        tpu.vector_store %arg16[%swap3A_569, %swap3A_570], %swap3A_573 {strides = array<i32>} : memref<400x16xf32, #tpu.memory_space<vmem>>, vector<1x16xf32>,
        %mul3A_574 = arith.constant 16 : i32
        %mul3A_575 = arith.muli %scan3A_517, %mul3A_574 : i32
        %add3A_576 = arith.constant 3 : i32
        %add3A_577 = arith.addi %mul3A_575, %add3A_576 : i32
        %broadcast_in_dim3A_578 = arith.constant 3 : i32
        %broadcast_in_dim3A_579 = vector.broadcast %broadcast_in_dim3A_578 : i32 to vector<16x1xi32>
        %gather3A_580 = vector.shape_cast %broadcast_in_dim3A_579 : vector<16x1xi32> to vector<16xi32>
        %gather3A_581 = tpu.dynamic_gather %get3A_522[%gather3A_580] in [0] : vector<16xf32>, vector<16xi32> -> vector<16xf32>
        %get3A_582 = arith.index_cast %add3A_577 : i32 to index
        %get3A_583 = arith.constant 0 : index
        %get3A_584 = tpu.vector_load %arg16[%get3A_582, %get3A_583] {strides = array<i32>} : memref<400x16xf32, #tpu.memory_space<vmem>>, vector<1x16xf32>,
        %get3A_585 = vector.shape_cast %get3A_584 : vector<1x16xf32> to vector<16xf32>
        %mul3A_586 = arith.mulf %get3A_585, %gather3A_581 : vector<16xf32>
        %swap3A_587 = arith.index_cast %add3A_577 : i32 to index
        %swap3A_588 = arith.constant 0 : index
        %swap3A_589 = tpu.vector_load %arg16[%swap3A_587, %swap3A_588] {strides = array<i32>} : memref<400x16xf32, #tpu.memory_space<vmem>>, vector<1x16xf32>,
        %swap3A_590 = vector.shape_cast %swap3A_589 : vector<1x16xf32> to vector<16xf32>
        %swap3A_591 = vector.shape_cast %mul3A_586 : vector<16xf32> to vector<1x16xf32>
        tpu.vector_store %arg16[%swap3A_587, %swap3A_588], %swap3A_591 {strides = array<i32>} : memref<400x16xf32, #tpu.memory_space<vmem>>, vector<1x16xf32>,
        %mul3A_592 = arith.constant 16 : i32
        %mul3A_593 = arith.muli %scan3A_517, %mul3A_592 : i32
        %add3A_594 = arith.constant 4 : i32
        %add3A_595 = arith.addi %mul3A_593, %add3A_594 : i32
        %broadcast_in_dim3A_596 = arith.constant 4 : i32
        %broadcast_in_dim3A_597 = vector.broadcast %broadcast_in_dim3A_596 : i32 to vector<16x1xi32>
        %gather3A_598 = vector.shape_cast %broadcast_in_dim3A_597 : vector<16x1xi32> to vector<16xi32>
        %gather3A_599 = tpu.dynamic_gather %get3A_522[%gather3A_598] in [0] : vector<16xf32>, vector<16xi32> -> vector<16xf32>
        %get3A_600 = arith.index_cast %add3A_595 : i32 to index
        %get3A_601 = arith.constant 0 : index
        %get3A_602 = tpu.vector_load %arg16[%get3A_600, %get3A_601] {strides = array<i32>} : memref<400x16xf32, #tpu.memory_space<vmem>>, vector<1x16xf32>,
        %get3A_603 = vector.shape_cast %get3A_602 : vector<1x16xf32> to vector<16xf32>
        %mul3A_604 = arith.mulf %get3A_603, %gather3A_599 : vector<16xf32>
        %swap3A_605 = arith.index_cast %add3A_595 : i32 to index
        %swap3A_606 = arith.constant 0 : index
        %swap3A_607 = tpu.vector_load %arg16[%swap3A_605, %swap3A_606] {strides = array<i32>} : memref<400x16xf32, #tpu.memory_space<vmem>>, vector<1x16xf32>,
        %swap3A_608 = vector.shape_cast %swap3A_607 : vector<1x16xf32> to vector<16xf32>
        %swap3A_609 = vector.shape_cast %mul3A_604 : vector<16xf32> to vector<1x16xf32>
        tpu.vector_store %arg16[%swap3A_605, %swap3A_606], %swap3A_609 {strides = array<i32>} : memref<400x16xf32, #tpu.memory_space<vmem>>, vector<1x16xf32>,
        %mul3A_610 = arith.constant 16 : i32
        %mul3A_611 = arith.muli %scan3A_517, %mul3A_610 : i32
        %add3A_612 = arith.constant 5 : i32
        %add3A_613 = arith.addi %mul3A_611, %add3A_612 : i32
        %broadcast_in_dim3A_614 = arith.constant 5 : i32
        %broadcast_in_dim3A_615 = vector.broadcast %broadcast_in_dim3A_614 : i32 to vector<16x1xi32>
        %gather3A_616 = vector.shape_cast %broadcast_in_dim3A_615 : vector<16x1xi32> to vector<16xi32>
        %gather3A_617 = tpu.dynamic_gather %get3A_522[%gather3A_616] in [0] : vector<16xf32>, vector<16xi32> -> vector<16xf32>
        %get3A_618 = arith.index_cast %add3A_613 : i32 to index
        %get3A_619 = arith.constant 0 : index
        %get3A_620 = tpu.vector_load %arg16[%get3A_618, %get3A_619] {strides = array<i32>} : memref<400x16xf32, #tpu.memory_space<vmem>>, vector<1x16xf32>,
        %get3A_621 = vector.shape_cast %get3A_620 : vector<1x16xf32> to vector<16xf32>
        %mul3A_622 = arith.mulf %get3A_621, %gather3A_617 : vector<16xf32>
        %swap3A_623 = arith.index_cast %add3A_613 : i32 to index
        %swap3A_624 = arith.constant 0 : index
        %swap3A_625 = tpu.vector_load %arg16[%swap3A_623, %swap3A_624] {strides = array<i32>} : memref<400x16xf32, #tpu.memory_space<vmem>>, vector<1x16xf32>,
        %swap3A_626 = vector.shape_cast %swap3A_625 : vector<1x16xf32> to vector<16xf32>
        %swap3A_627 = vector.shape_cast %mul3A_622 : vector<16xf32> to vector<1x16xf32>
        tpu.vector_store %arg16[%swap3A_623, %swap3A_624], %swap3A_627 {strides = array<i32>} : memref<400x16xf32, #tpu.memory_space<vmem>>, vector<1x16xf32>,
        %mul3A_628 = arith.constant 16 : i32
        %mul3A_629 = arith.muli %scan3A_517, %mul3A_628 : i32
        %add3A_630 = arith.constant 6 : i32
        %add3A_631 = arith.addi %mul3A_629, %add3A_630 : i32
        %broadcast_in_dim3A_632 = arith.constant 6 : i32
        %broadcast_in_dim3A_633 = vector.broadcast %broadcast_in_dim3A_632 : i32 to vector<16x1xi32>
        %gather3A_634 = vector.shape_cast %broadcast_in_dim3A_633 : vector<16x1xi32> to vector<16xi32>
        %gather3A_635 = tpu.dynamic_gather %get3A_522[%gather3A_634] in [0] : vector<16xf32>, vector<16xi32> -> vector<16xf32>
        %get3A_636 = arith.index_cast %add3A_631 : i32 to index
        %get3A_637 = arith.constant 0 : index
        %get3A_638 = tpu.vector_load %arg16[%get3A_636, %get3A_637] {strides = array<i32>} : memref<400x16xf32, #tpu.memory_space<vmem>>, vector<1x16xf32>,
        %get3A_639 = vector.shape_cast %get3A_638 : vector<1x16xf32> to vector<16xf32>
        %mul3A_640 = arith.mulf %get3A_639, %gather3A_635 : vector<16xf32>
        %swap3A_641 = arith.index_cast %add3A_631 : i32 to index
        %swap3A_642 = arith.constant 0 : index
        %swap3A_643 = tpu.vector_load %arg16[%swap3A_641, %swap3A_642] {strides = array<i32>} : memref<400x16xf32, #tpu.memory_space<vmem>>, vector<1x16xf32>,
        %swap3A_644 = vector.shape_cast %swap3A_643 : vector<1x16xf32> to vector<16xf32>
        %swap3A_645 = vector.shape_cast %mul3A_640 : vector<16xf32> to vector<1x16xf32>
        tpu.vector_store %arg16[%swap3A_641, %swap3A_642], %swap3A_645 {strides = array<i32>} : memref<400x16xf32, #tpu.memory_space<vmem>>, vector<1x16xf32>,
        %mul3A_646 = arith.constant 16 : i32
        %mul3A_647 = arith.muli %scan3A_517, %mul3A_646 : i32
        %add3A_648 = arith.constant 7 : i32
        %add3A_649 = arith.addi %mul3A_647, %add3A_648 : i32
        %broadcast_in_dim3A_650 = arith.constant 7 : i32
        %broadcast_in_dim3A_651 = vector.broadcast %broadcast_in_dim3A_650 : i32 to vector<16x1xi32>
        %gather3A_652 = vector.shape_cast %broadcast_in_dim3A_651 : vector<16x1xi32> to vector<16xi32>
        %gather3A_653 = tpu.dynamic_gather %get3A_522[%gather3A_652] in [0] : vector<16xf32>, vector<16xi32> -> vector<16xf32>
        %get3A_654 = arith.index_cast %add3A_649 : i32 to index
        %get3A_655 = arith.constant 0 : index
        %get3A_656 = tpu.vector_load %arg16[%get3A_654, %get3A_655] {strides = array<i32>} : memref<400x16xf32, #tpu.memory_space<vmem>>, vector<1x16xf32>,
        %get3A_657 = vector.shape_cast %get3A_656 : vector<1x16xf32> to vector<16xf32>
        %mul3A_658 = arith.mulf %get3A_657, %gather3A_653 : vector<16xf32>
        %swap3A_659 = arith.index_cast %add3A_649 : i32 to index
        %swap3A_660 = arith.constant 0 : index
        %swap3A_661 = tpu.vector_load %arg16[%swap3A_659, %swap3A_660] {strides = array<i32>} : memref<400x16xf32, #tpu.memory_space<vmem>>, vector<1x16xf32>,
        %swap3A_662 = vector.shape_cast %swap3A_661 : vector<1x16xf32> to vector<16xf32>
        %swap3A_663 = vector.shape_cast %mul3A_658 : vector<16xf32> to vector<1x16xf32>
        tpu.vector_store %arg16[%swap3A_659, %swap3A_660], %swap3A_663 {strides = array<i32>} : memref<400x16xf32, #tpu.memory_space<vmem>>, vector<1x16xf32>,
        %mul3A_664 = arith.constant 16 : i32
        %mul3A_665 = arith.muli %scan3A_517, %mul3A_664 : i32
        %add3A_666 = arith.constant 8 : i32
        %add3A_667 = arith.addi %mul3A_665, %add3A_666 : i32
        %broadcast_in_dim3A_668 = arith.constant 8 : i32
        %broadcast_in_dim3A_669 = vector.broadcast %broadcast_in_dim3A_668 : i32 to vector<16x1xi32>
        %gather3A_670 = vector.shape_cast %broadcast_in_dim3A_669 : vector<16x1xi32> to vector<16xi32>
        %gather3A_671 = tpu.dynamic_gather %get3A_522[%gather3A_670] in [0] : vector<16xf32>, vector<16xi32> -> vector<16xf32>
        %get3A_672 = arith.index_cast %add3A_667 : i32 to index
        %get3A_673 = arith.constant 0 : index
        %get3A_674 = tpu.vector_load %arg16[%get3A_672, %get3A_673] {strides = array<i32>} : memref<400x16xf32, #tpu.memory_space<vmem>>, vector<1x16xf32>,
        %get3A_675 = vector.shape_cast %get3A_674 : vector<1x16xf32> to vector<16xf32>
        %mul3A_676 = arith.mulf %get3A_675, %gather3A_671 : vector<16xf32>
        %swap3A_677 = arith.index_cast %add3A_667 : i32 to index
        %swap3A_678 = arith.constant 0 : index
        %swap3A_679 = tpu.vector_load %arg16[%swap3A_677, %swap3A_678] {strides = array<i32>} : memref<400x16xf32, #tpu.memory_space<vmem>>, vector<1x16xf32>,
        %swap3A_680 = vector.shape_cast %swap3A_679 : vector<1x16xf32> to vector<16xf32>
        %swap3A_681 = vector.shape_cast %mul3A_676 : vector<16xf32> to vector<1x16xf32>
        tpu.vector_store %arg16[%swap3A_677, %swap3A_678], %swap3A_681 {strides = array<i32>} : memref<400x16xf32, #tpu.memory_space<vmem>>, vector<1x16xf32>,
        %mul3A_682 = arith.constant 16 : i32
        %mul3A_683 = arith.muli %scan3A_517, %mul3A_682 : i32
        %add3A_684 = arith.constant 9 : i32
        %add3A_685 = arith.addi %mul3A_683, %add3A_684 : i32
        %broadcast_in_dim3A_686 = arith.constant 9 : i32
        %broadcast_in_dim3A_687 = vector.broadcast %broadcast_in_dim3A_686 : i32 to vector<16x1xi32>
        %gather3A_688 = vector.shape_cast %broadcast_in_dim3A_687 : vector<16x1xi32> to vector<16xi32>
        %gather3A_689 = tpu.dynamic_gather %get3A_522[%gather3A_688] in [0] : vector<16xf32>, vector<16xi32> -> vector<16xf32>
        %get3A_690 = arith.index_cast %add3A_685 : i32 to index
        %get3A_691 = arith.constant 0 : index
        %get3A_692 = tpu.vector_load %arg16[%get3A_690, %get3A_691] {strides = array<i32>} : memref<400x16xf32, #tpu.memory_space<vmem>>, vector<1x16xf32>,
        %get3A_693 = vector.shape_cast %get3A_692 : vector<1x16xf32> to vector<16xf32>
        %mul3A_694 = arith.mulf %get3A_693, %gather3A_689 : vector<16xf32>
        %swap3A_695 = arith.index_cast %add3A_685 : i32 to index
        %swap3A_696 = arith.constant 0 : index
        %swap3A_697 = tpu.vector_load %arg16[%swap3A_695, %swap3A_696] {strides = array<i32>} : memref<400x16xf32, #tpu.memory_space<vmem>>, vector<1x16xf32>,
        %swap3A_698 = vector.shape_cast %swap3A_697 : vector<1x16xf32> to vector<16xf32>
        %swap3A_699 = vector.shape_cast %mul3A_694 : vector<16xf32> to vector<1x16xf32>
        tpu.vector_store %arg16[%swap3A_695, %swap3A_696], %swap3A_699 {strides = array<i32>} : memref<400x16xf32, #tpu.memory_space<vmem>>, vector<1x16xf32>,
        %mul3A_700 = arith.constant 16 : i32
        %mul3A_701 = arith.muli %scan3A_517, %mul3A_700 : i32
        %add3A_702 = arith.constant 10 : i32
        %add3A_703 = arith.addi %mul3A_701, %add3A_702 : i32
        %broadcast_in_dim3A_704 = arith.constant 10 : i32
        %broadcast_in_dim3A_705 = vector.broadcast %broadcast_in_dim3A_704 : i32 to vector<16x1xi32>
        %gather3A_706 = vector.shape_cast %broadcast_in_dim3A_705 : vector<16x1xi32> to vector<16xi32>
        %gather3A_707 = tpu.dynamic_gather %get3A_522[%gather3A_706] in [0] : vector<16xf32>, vector<16xi32> -> vector<16xf32>
        %get3A_708 = arith.index_cast %add3A_703 : i32 to index
        %get3A_709 = arith.constant 0 : index
        %get3A_710 = tpu.vector_load %arg16[%get3A_708, %get3A_709] {strides = array<i32>} : memref<400x16xf32, #tpu.memory_space<vmem>>, vector<1x16xf32>,
        %get3A_711 = vector.shape_cast %get3A_710 : vector<1x16xf32> to vector<16xf32>
        %mul3A_712 = arith.mulf %get3A_711, %gather3A_707 : vector<16xf32>
        %swap3A_713 = arith.index_cast %add3A_703 : i32 to index
        %swap3A_714 = arith.constant 0 : index
        %swap3A_715 = tpu.vector_load %arg16[%swap3A_713, %swap3A_714] {strides = array<i32>} : memref<400x16xf32, #tpu.memory_space<vmem>>, vector<1x16xf32>,
        %swap3A_716 = vector.shape_cast %swap3A_715 : vector<1x16xf32> to vector<16xf32>
        %swap3A_717 = vector.shape_cast %mul3A_712 : vector<16xf32> to vector<1x16xf32>
        tpu.vector_store %arg16[%swap3A_713, %swap3A_714], %swap3A_717 {strides = array<i32>} : memref<400x16xf32, #tpu.memory_space<vmem>>, vector<1x16xf32>,
        %mul3A_718 = arith.constant 16 : i32
        %mul3A_719 = arith.muli %scan3A_517, %mul3A_718 : i32
        %add3A_720 = arith.constant 11 : i32
        %add3A_721 = arith.addi %mul3A_719, %add3A_720 : i32
        %broadcast_in_dim3A_722 = arith.constant 11 : i32
        %broadcast_in_dim3A_723 = vector.broadcast %broadcast_in_dim3A_722 : i32 to vector<16x1xi32>
        %gather3A_724 = vector.shape_cast %broadcast_in_dim3A_723 : vector<16x1xi32> to vector<16xi32>
        %gather3A_725 = tpu.dynamic_gather %get3A_522[%gather3A_724] in [0] : vector<16xf32>, vector<16xi32> -> vector<16xf32>
        %get3A_726 = arith.index_cast %add3A_721 : i32 to index
        %get3A_727 = arith.constant 0 : index
        %get3A_728 = tpu.vector_load %arg16[%get3A_726, %get3A_727] {strides = array<i32>} : memref<400x16xf32, #tpu.memory_space<vmem>>, vector<1x16xf32>,
        %get3A_729 = vector.shape_cast %get3A_728 : vector<1x16xf32> to vector<16xf32>
        %mul3A_730 = arith.mulf %get3A_729, %gather3A_725 : vector<16xf32>
        %swap3A_731 = arith.index_cast %add3A_721 : i32 to index
        %swap3A_732 = arith.constant 0 : index
        %swap3A_733 = tpu.vector_load %arg16[%swap3A_731, %swap3A_732] {strides = array<i32>} : memref<400x16xf32, #tpu.memory_space<vmem>>, vector<1x16xf32>,
        %swap3A_734 = vector.shape_cast %swap3A_733 : vector<1x16xf32> to vector<16xf32>
        %swap3A_735 = vector.shape_cast %mul3A_730 : vector<16xf32> to vector<1x16xf32>
        tpu.vector_store %arg16[%swap3A_731, %swap3A_732], %swap3A_735 {strides = array<i32>} : memref<400x16xf32, #tpu.memory_space<vmem>>, vector<1x16xf32>,
        %mul3A_736 = arith.constant 16 : i32
        %mul3A_737 = arith.muli %scan3A_517, %mul3A_736 : i32
        %add3A_738 = arith.constant 12 : i32
        %add3A_739 = arith.addi %mul3A_737, %add3A_738 : i32
        %broadcast_in_dim3A_740 = arith.constant 12 : i32
        %broadcast_in_dim3A_741 = vector.broadcast %broadcast_in_dim3A_740 : i32 to vector<16x1xi32>
        %gather3A_742 = vector.shape_cast %broadcast_in_dim3A_741 : vector<16x1xi32> to vector<16xi32>
        %gather3A_743 = tpu.dynamic_gather %get3A_522[%gather3A_742] in [0] : vector<16xf32>, vector<16xi32> -> vector<16xf32>
        %get3A_744 = arith.index_cast %add3A_739 : i32 to index
        %get3A_745 = arith.constant 0 : index
        %get3A_746 = tpu.vector_load %arg16[%get3A_744, %get3A_745] {strides = array<i32>} : memref<400x16xf32, #tpu.memory_space<vmem>>, vector<1x16xf32>,
        %get3A_747 = vector.shape_cast %get3A_746 : vector<1x16xf32> to vector<16xf32>
        %mul3A_748 = arith.mulf %get3A_747, %gather3A_743 : vector<16xf32>
        %swap3A_749 = arith.index_cast %add3A_739 : i32 to index
        %swap3A_750 = arith.constant 0 : index
        %swap3A_751 = tpu.vector_load %arg16[%swap3A_749, %swap3A_750] {strides = array<i32>} : memref<400x16xf32, #tpu.memory_space<vmem>>, vector<1x16xf32>,
        %swap3A_752 = vector.shape_cast %swap3A_751 : vector<1x16xf32> to vector<16xf32>
        %swap3A_753 = vector.shape_cast %mul3A_748 : vector<16xf32> to vector<1x16xf32>
        tpu.vector_store %arg16[%swap3A_749, %swap3A_750], %swap3A_753 {strides = array<i32>} : memref<400x16xf32, #tpu.memory_space<vmem>>, vector<1x16xf32>,
        %mul3A_754 = arith.constant 16 : i32
        %mul3A_755 = arith.muli %scan3A_517, %mul3A_754 : i32
        %add3A_756 = arith.constant 13 : i32
        %add3A_757 = arith.addi %mul3A_755, %add3A_756 : i32
        %broadcast_in_dim3A_758 = arith.constant 13 : i32
        %broadcast_in_dim3A_759 = vector.broadcast %broadcast_in_dim3A_758 : i32 to vector<16x1xi32>
        %gather3A_760 = vector.shape_cast %broadcast_in_dim3A_759 : vector<16x1xi32> to vector<16xi32>
        %gather3A_761 = tpu.dynamic_gather %get3A_522[%gather3A_760] in [0] : vector<16xf32>, vector<16xi32> -> vector<16xf32>
        %get3A_762 = arith.index_cast %add3A_757 : i32 to index
        %get3A_763 = arith.constant 0 : index
        %get3A_764 = tpu.vector_load %arg16[%get3A_762, %get3A_763] {strides = array<i32>} : memref<400x16xf32, #tpu.memory_space<vmem>>, vector<1x16xf32>,
        %get3A_765 = vector.shape_cast %get3A_764 : vector<1x16xf32> to vector<16xf32>
        %mul3A_766 = arith.mulf %get3A_765, %gather3A_761 : vector<16xf32>
        %swap3A_767 = arith.index_cast %add3A_757 : i32 to index
        %swap3A_768 = arith.constant 0 : index
        %swap3A_769 = tpu.vector_load %arg16[%swap3A_767, %swap3A_768] {strides = array<i32>} : memref<400x16xf32, #tpu.memory_space<vmem>>, vector<1x16xf32>,
        %swap3A_770 = vector.shape_cast %swap3A_769 : vector<1x16xf32> to vector<16xf32>
        %swap3A_771 = vector.shape_cast %mul3A_766 : vector<16xf32> to vector<1x16xf32>
        tpu.vector_store %arg16[%swap3A_767, %swap3A_768], %swap3A_771 {strides = array<i32>} : memref<400x16xf32, #tpu.memory_space<vmem>>, vector<1x16xf32>,
        %mul3A_772 = arith.constant 16 : i32
        %mul3A_773 = arith.muli %scan3A_517, %mul3A_772 : i32
        %add3A_774 = arith.constant 14 : i32
        %add3A_775 = arith.addi %mul3A_773, %add3A_774 : i32
        %broadcast_in_dim3A_776 = arith.constant 14 : i32
        %broadcast_in_dim3A_777 = vector.broadcast %broadcast_in_dim3A_776 : i32 to vector<16x1xi32>
        %gather3A_778 = vector.shape_cast %broadcast_in_dim3A_777 : vector<16x1xi32> to vector<16xi32>
        %gather3A_779 = tpu.dynamic_gather %get3A_522[%gather3A_778] in [0] : vector<16xf32>, vector<16xi32> -> vector<16xf32>
        %get3A_780 = arith.index_cast %add3A_775 : i32 to index
        %get3A_781 = arith.constant 0 : index
        %get3A_782 = tpu.vector_load %arg16[%get3A_780, %get3A_781] {strides = array<i32>} : memref<400x16xf32, #tpu.memory_space<vmem>>, vector<1x16xf32>,
        %get3A_783 = vector.shape_cast %get3A_782 : vector<1x16xf32> to vector<16xf32>
        %mul3A_784 = arith.mulf %get3A_783, %gather3A_779 : vector<16xf32>
        %swap3A_785 = arith.index_cast %add3A_775 : i32 to index
        %swap3A_786 = arith.constant 0 : index
        %swap3A_787 = tpu.vector_load %arg16[%swap3A_785, %swap3A_786] {strides = array<i32>} : memref<400x16xf32, #tpu.memory_space<vmem>>, vector<1x16xf32>,
        %swap3A_788 = vector.shape_cast %swap3A_787 : vector<1x16xf32> to vector<16xf32>
        %swap3A_789 = vector.shape_cast %mul3A_784 : vector<16xf32> to vector<1x16xf32>
        tpu.vector_store %arg16[%swap3A_785, %swap3A_786], %swap3A_789 {strides = array<i32>} : memref<400x16xf32, #tpu.memory_space<vmem>>, vector<1x16xf32>,
        %mul3A_790 = arith.constant 16 : i32
        %mul3A_791 = arith.muli %scan3A_517, %mul3A_790 : i32
        %add3A_792 = arith.constant 15 : i32
        %add3A_793 = arith.addi %mul3A_791, %add3A_792 : i32
        %broadcast_in_dim3A_794 = arith.constant 15 : i32
        %broadcast_in_dim3A_795 = vector.broadcast %broadcast_in_dim3A_794 : i32 to vector<16x1xi32>
        %gather3A_796 = vector.shape_cast %broadcast_in_dim3A_795 : vector<16x1xi32> to vector<16xi32>
        %gather3A_797 = tpu.dynamic_gather %get3A_522[%gather3A_796] in [0] : vector<16xf32>, vector<16xi32> -> vector<16xf32>
        %get3A_798 = arith.index_cast %add3A_793 : i32 to index
        %get3A_799 = arith.constant 0 : index
        %get3A_800 = tpu.vector_load %arg16[%get3A_798, %get3A_799] {strides = array<i32>} : memref<400x16xf32, #tpu.memory_space<vmem>>, vector<1x16xf32>,
        %get3A_801 = vector.shape_cast %get3A_800 : vector<1x16xf32> to vector<16xf32>
        %mul3A_802 = arith.mulf %get3A_801, %gather3A_797 : vector<16xf32>
        %swap3A_803 = arith.index_cast %add3A_793 : i32 to index
        %swap3A_804 = arith.constant 0 : index
        %swap3A_805 = tpu.vector_load %arg16[%swap3A_803, %swap3A_804] {strides = array<i32>} : memref<400x16xf32, #tpu.memory_space<vmem>>, vector<1x16xf32>,
        %swap3A_806 = vector.shape_cast %swap3A_805 : vector<1x16xf32> to vector<16xf32>
        %swap3A_807 = vector.shape_cast %mul3A_802 : vector<16xf32> to vector<1x16xf32>
        tpu.vector_store %arg16[%swap3A_803, %swap3A_804], %swap3A_807 {strides = array<i32>} : memref<400x16xf32, #tpu.memory_space<vmem>>, vector<1x16xf32>,
        %scan3A_808 = arith.constant 0 : i32
        scf.yield %scan3A_808 : i32
      }
      %scan3A_398 = arith.constant 25 : i32
      %dma_start3A_399 = arith.constant 1 : i32
      %dma_start3A_400 = arith.constant 0 : i32
      %dma_start3A_401 = tpu.memref_slice %arg8[%dma_start3A_399, %dma_start3A_400] : memref<2x400xi32, #tpu.memory_space<vmem>> -> memref<1x400xi32, #tpu.memory_space<vmem>>
      %dma_start3A_402 = tpu.memref_squeeze %dma_start3A_401 : memref<1x400xi32, #tpu.memory_space<vmem>> -> memref<400xi32, #tpu.memory_space<vmem>>
      %dma_start3A_403 = arith.constant 0 : i32
      %dma_start3A_404 = arith.constant 0 : i32
      %dma_start3A_405 = tpu.memref_slice %arg19[%dma_start3A_403, %dma_start3A_404] : memref<100096x16xf32, #tpu.memory_space<vmem_shared>> -> memref<100096x16xf32, #tpu.memory_space<vmem_shared>>
      tpu.enqueue_indirect_dma source(%arg16 : memref<400x16xf32, #tpu.memory_space<vmem>>) target(%dma_start3A_405 : memref<100096x16xf32, #tpu.memory_space<vmem_shared>>) offsets(%dma_start3A_402 : memref<400xi32, #tpu.memory_space<vmem>>) semaphore(%arg29 : memref<!tpu.dma_semaphore, #tpu.memory_space<semaphore_mem>>) {add = true}
      %mul3A_406 = arith.constant 4 : i32
      %mul3A_407 = arith.muli %mul3A_406, %scan3A_233 : i32
      %add3A_408 = arith.constant 2 : i32
      %add3A_409 = arith.addi %mul3A_407, %add3A_408 : i32
      %dma_wait3A_410 = arith.constant 1 : i32
      %dma_wait3A_411 = arith.constant 0 : i32
      %dma_wait3A_412 = tpu.memref_slice %arg7[%dma_wait3A_410, %dma_wait3A_411] : memref<2x400xi32, #tpu.memory_space<vmem>> -> memref<1x400xi32, #tpu.memory_space<vmem>>
      %dma_wait3A_413 = tpu.memref_squeeze %dma_wait3A_412 : memref<1x400xi32, #tpu.memory_space<vmem>> -> memref<400xi32, #tpu.memory_space<vmem>>
      %dma_wait3A_414 = arith.constant 0 : i32
      %dma_wait3A_415 = arith.constant 0 : i32
      %dma_wait3A_416 = tpu.memref_slice %arg19[%dma_wait3A_414, %dma_wait3A_415] : memref<100096x16xf32, #tpu.memory_space<vmem_shared>> -> memref<100096x16xf32, #tpu.memory_space<vmem_shared>>
      tpu.wait_indirect_dma semaphore(%arg28 : memref<!tpu.dma_semaphore, #tpu.memory_space<semaphore_mem>>) src(%arg15 : memref<400x16xf32, #tpu.memory_space<vmem>>) dst(%dma_wait3A_416 : memref<100096x16xf32, #tpu.memory_space<vmem_shared>>)
      %lt3A = arith.constant 125 : i32
      %lt3A_417 = arith.cmpi slt, %scan3A_233, %lt3A : i32
      %convert_element_type3A_418 = arith.extui %lt3A_417 : i1 to i32
      %cond3A_419 = arith.constant 0 : i32
      %cond3A_420 = arith.cmpi ne, %convert_element_type3A_418, %cond3A_419 : i32
      scf.if %cond3A_420 {
        %add3A_517 = arith.constant 2 : i32
        %add3A_518 = arith.addi %add3A_409, %add3A_517 : i32
        %mul3A_519 = arith.constant 400 : i32
        %mul3A_520 = arith.muli %add3A_518, %mul3A_519 : i32
        %add3A_521 = arith.addi %mul3A_42, %mul3A_520 : i32
        %dma_start3A_522 = arith.constant 0 : i32
        %dma_start3A_523 = arith.constant 0 : i32
        %dma_start3A_524 = tpu.memref_slice %arg7[%dma_start3A_522, %dma_start3A_523] : memref<2x400xi32, #tpu.memory_space<vmem>> -> memref<1x400xi32, #tpu.memory_space<vmem>>
        %dma_start3A_525 = tpu.memref_squeeze %dma_start3A_524 : memref<1x400xi32, #tpu.memory_space<vmem>> -> memref<400xi32, #tpu.memory_space<vmem>>
        %dma_start3A_526 = tpu.memref_slice %arg3[%add3A_521] : memref<6451200xi32, #tpu.memory_space<hbm>> -> memref<400xi32, #tpu.memory_space<hbm>>
        %dma_start3A_527 = arith.constant 0 : i32
        %dma_start3A_528 = tpu.memref_slice %arg7[%dma_start3A_522, %dma_start3A_527] : memref<2x400xi32, #tpu.memory_space<vmem>> -> memref<1x400xi32, #tpu.memory_space<vmem>>
        %dma_start3A_529 = tpu.memref_squeeze %dma_start3A_528 : memref<1x400xi32, #tpu.memory_space<vmem>> -> memref<400xi32, #tpu.memory_space<vmem>>
        %dma_start3A_530 = tpu.memref_slice %arg3[%add3A_521] : memref<6451200xi32, #tpu.memory_space<hbm>> -> memref<400xi32, #tpu.memory_space<hbm>>
        tpu.enqueue_dma source(%dma_start3A_530 : memref<400xi32, #tpu.memory_space<hbm>>) target(%dma_start3A_529 : memref<400xi32, #tpu.memory_space<vmem>>) target_semaphore(%arg20 : memref<!tpu.dma_semaphore, #tpu.memory_space<semaphore_mem>>)
        %dma_start3A_531 = arith.constant 1 : i32
        %dma_start3A_532 = arith.constant 0 : i32
        %dma_start3A_533 = tpu.memref_slice %arg7[%dma_start3A_531, %dma_start3A_532] : memref<2x400xi32, #tpu.memory_space<vmem>> -> memref<1x400xi32, #tpu.memory_space<vmem>>
        %dma_start3A_534 = tpu.memref_squeeze %dma_start3A_533 : memref<1x400xi32, #tpu.memory_space<vmem>> -> memref<400xi32, #tpu.memory_space<vmem>>
        %dma_start3A_535 = tpu.memref_slice %arg4[%add3A_521] : memref<6451200xi32, #tpu.memory_space<hbm>> -> memref<400xi32, #tpu.memory_space<hbm>>
        %dma_start3A_536 = arith.constant 0 : i32
        %dma_start3A_537 = tpu.memref_slice %arg7[%dma_start3A_531, %dma_start3A_536] : memref<2x400xi32, #tpu.memory_space<vmem>> -> memref<1x400xi32, #tpu.memory_space<vmem>>
        %dma_start3A_538 = tpu.memref_squeeze %dma_start3A_537 : memref<1x400xi32, #tpu.memory_space<vmem>> -> memref<400xi32, #tpu.memory_space<vmem>>
        %dma_start3A_539 = tpu.memref_slice %arg4[%add3A_521] : memref<6451200xi32, #tpu.memory_space<hbm>> -> memref<400xi32, #tpu.memory_space<hbm>>
        tpu.enqueue_dma source(%dma_start3A_539 : memref<400xi32, #tpu.memory_space<hbm>>) target(%dma_start3A_538 : memref<400xi32, #tpu.memory_space<vmem>>) target_semaphore(%arg20 : memref<!tpu.dma_semaphore, #tpu.memory_space<semaphore_mem>>)
        %dma_start3A_540 = tpu.memref_slice %arg5[%add3A_521] : memref<6451200xf32, #tpu.memory_space<hbm>> -> memref<400xf32, #tpu.memory_space<hbm>>
        %dma_start3A_541 = tpu.memref_slice %arg5[%add3A_521] : memref<6451200xf32, #tpu.memory_space<hbm>> -> memref<400xf32, #tpu.memory_space<hbm>>
        tpu.enqueue_dma source(%dma_start3A_541 : memref<400xf32, #tpu.memory_space<hbm>>) target(%arg11 : memref<400xf32, #tpu.memory_space<vmem>>) target_semaphore(%arg20 : memref<!tpu.dma_semaphore, #tpu.memory_space<semaphore_mem>>)
      } else {
      }
      %add3A_421 = arith.constant 1 : i32
      %add3A_422 = arith.addi %add3A_409, %add3A_421 : i32
      %mul3A_423 = arith.constant 400 : i32
      %mul3A_424 = arith.muli %add3A_422, %mul3A_423 : i32
      %add3A_425 = arith.addi %mul3A_42, %mul3A_424 : i32
      %dma_wait3A_426 = arith.constant 0 : i32
      %dma_wait3A_427 = arith.constant 0 : i32
      %dma_wait3A_428 = tpu.memref_slice %arg10[%dma_wait3A_426, %dma_wait3A_427] : memref<2x400xi32, #tpu.memory_space<vmem>> -> memref<1x400xi32, #tpu.memory_space<vmem>>
      %dma_wait3A_429 = tpu.memref_squeeze %dma_wait3A_428 : memref<1x400xi32, #tpu.memory_space<vmem>> -> memref<400xi32, #tpu.memory_space<vmem>>
      %dma_wait3A_430 = tpu.memref_slice %arg3[%add3A_425] : memref<6451200xi32, #tpu.memory_space<hbm>> -> memref<400xi32, #tpu.memory_space<hbm>>
      %dma_wait3A_431 = arith.constant 0 : i32
      %dma_wait3A_432 = tpu.memref_slice %arg10[%dma_wait3A_426, %dma_wait3A_431] : memref<2x400xi32, #tpu.memory_space<vmem>> -> memref<1x400xi32, #tpu.memory_space<vmem>>
      %dma_wait3A_433 = tpu.memref_squeeze %dma_wait3A_432 : memref<1x400xi32, #tpu.memory_space<vmem>> -> memref<400xi32, #tpu.memory_space<vmem>>
      %dma_wait3A_434 = tpu.memref_slice %arg3[%add3A_425] : memref<6451200xi32, #tpu.memory_space<hbm>> -> memref<400xi32, #tpu.memory_space<hbm>>
      tpu.wait_dma2 semaphore(%arg23 : memref<!tpu.dma_semaphore, #tpu.memory_space<semaphore_mem>>) src(%dma_wait3A_434 : memref<400xi32, #tpu.memory_space<hbm>>) dst(%dma_wait3A_433 : memref<400xi32, #tpu.memory_space<vmem>>)
      %dma_wait3A_435 = arith.constant 1 : i32
      %dma_wait3A_436 = arith.constant 0 : i32
      %dma_wait3A_437 = tpu.memref_slice %arg10[%dma_wait3A_435, %dma_wait3A_436] : memref<2x400xi32, #tpu.memory_space<vmem>> -> memref<1x400xi32, #tpu.memory_space<vmem>>
      %dma_wait3A_438 = tpu.memref_squeeze %dma_wait3A_437 : memref<1x400xi32, #tpu.memory_space<vmem>> -> memref<400xi32, #tpu.memory_space<vmem>>
      %dma_wait3A_439 = tpu.memref_slice %arg4[%add3A_425] : memref<6451200xi32, #tpu.memory_space<hbm>> -> memref<400xi32, #tpu.memory_space<hbm>>
      %dma_wait3A_440 = arith.constant 0 : i32
      %dma_wait3A_441 = tpu.memref_slice %arg10[%dma_wait3A_435, %dma_wait3A_440] : memref<2x400xi32, #tpu.memory_space<vmem>> -> memref<1x400xi32, #tpu.memory_space<vmem>>
      %dma_wait3A_442 = tpu.memref_squeeze %dma_wait3A_441 : memref<1x400xi32, #tpu.memory_space<vmem>> -> memref<400xi32, #tpu.memory_space<vmem>>
      %dma_wait3A_443 = tpu.memref_slice %arg4[%add3A_425] : memref<6451200xi32, #tpu.memory_space<hbm>> -> memref<400xi32, #tpu.memory_space<hbm>>
      tpu.wait_dma2 semaphore(%arg23 : memref<!tpu.dma_semaphore, #tpu.memory_space<semaphore_mem>>) src(%dma_wait3A_443 : memref<400xi32, #tpu.memory_space<hbm>>) dst(%dma_wait3A_442 : memref<400xi32, #tpu.memory_space<vmem>>)
      %dma_wait3A_444 = tpu.memref_slice %arg5[%add3A_425] : memref<6451200xf32, #tpu.memory_space<hbm>> -> memref<400xf32, #tpu.memory_space<hbm>>
      %dma_wait3A_445 = tpu.memref_slice %arg5[%add3A_425] : memref<6451200xf32, #tpu.memory_space<hbm>> -> memref<400xf32, #tpu.memory_space<hbm>>
      tpu.wait_dma2 semaphore(%arg23 : memref<!tpu.dma_semaphore, #tpu.memory_space<semaphore_mem>>) src(%dma_wait3A_445 : memref<400xf32, #tpu.memory_space<hbm>>) dst(%arg14 : memref<400xf32, #tpu.memory_space<vmem>>)
      %dma_start3A_446 = arith.constant 0 : i32
      %dma_start3A_447 = arith.constant 0 : i32
      %dma_start3A_448 = tpu.memref_slice %arg10[%dma_start3A_446, %dma_start3A_447] : memref<2x400xi32, #tpu.memory_space<vmem>> -> memref<1x400xi32, #tpu.memory_space<vmem>>
      %dma_start3A_449 = tpu.memref_squeeze %dma_start3A_448 : memref<1x400xi32, #tpu.memory_space<vmem>> -> memref<400xi32, #tpu.memory_space<vmem>>
      %dma_start3A_450 = arith.constant 0 : i32
      %dma_start3A_451 = arith.constant 0 : i32
      %dma_start3A_452 = tpu.memref_slice %arg2[%dma_start3A_450, %dma_start3A_451] : memref<100096x16xf32, #tpu.memory_space<hbm>> -> memref<100096x16xf32, #tpu.memory_space<hbm>>
      tpu.enqueue_indirect_dma source(%dma_start3A_452 : memref<100096x16xf32, #tpu.memory_space<hbm>>) target(%arg18 : memref<400x16xf32, #tpu.memory_space<vmem>>) offsets(%dma_start3A_449 : memref<400xi32, #tpu.memory_space<vmem>>) semaphore(%arg27 : memref<!tpu.dma_semaphore, #tpu.memory_space<semaphore_mem>>)
      %dma_wait3A_453 = arith.constant 0 : i32
      %dma_wait3A_454 = arith.constant 0 : i32
      %dma_wait3A_455 = tpu.memref_slice %arg9[%dma_wait3A_453, %dma_wait3A_454] : memref<2x400xi32, #tpu.memory_space<vmem>> -> memref<1x400xi32, #tpu.memory_space<vmem>>
      %dma_wait3A_456 = tpu.memref_squeeze %dma_wait3A_455 : memref<1x400xi32, #tpu.memory_space<vmem>> -> memref<400xi32, #tpu.memory_space<vmem>>
      %dma_wait3A_457 = arith.constant 0 : i32
      %dma_wait3A_458 = arith.constant 0 : i32
      %dma_wait3A_459 = tpu.memref_slice %arg2[%dma_wait3A_457, %dma_wait3A_458] : memref<100096x16xf32, #tpu.memory_space<hbm>> -> memref<100096x16xf32, #tpu.memory_space<hbm>>
      tpu.wait_indirect_dma semaphore(%arg26 : memref<!tpu.dma_semaphore, #tpu.memory_space<semaphore_mem>>) src(%dma_wait3A_459 : memref<100096x16xf32, #tpu.memory_space<hbm>>) dst(%arg17 : memref<400x16xf32, #tpu.memory_space<vmem>>)
      %scan3A_460 = arith.constant 0 : i32
      %scan3A_461 = arith.constant 0 : i32
      %scan3A_462 = arith.constant 25 : i32
      %scan3A_463 = arith.addi %scan3A_461, %scan3A_462 : i32
      %scan3A_464 = arith.constant 1 : i32
      %scan3A_465 = scf.for %scan3A_517 = %scan3A_461 to %scan3A_463 step %scan3A_464 iter_args(%scan3A_518 = %scan3A_460) -> (i32)  : i32 {
        %mul3A_519 = arith.constant 16 : i32
        %mul3A_520 = arith.muli %scan3A_517, %mul3A_519 : i32
        %get3A = arith.index_cast %mul3A_520 : i32 to index
        %get3A_521 = tpu.vector_load %arg13[%get3A] {strides = array<i32>} : memref<400xf32, #tpu.memory_space<vmem>>, vector<16xf32>,
        %get3A_522 = vector.shape_cast %get3A_521 : vector<16xf32> to vector<16xf32>
        %mul3A_523 = arith.constant 16 : i32
        %mul3A_524 = arith.muli %scan3A_517, %mul3A_523 : i32
        %add3A_525 = arith.constant 0 : i32
        %add3A_526 = arith.addi %mul3A_524, %add3A_525 : i32
        %broadcast_in_dim3A = arith.constant 0 : i32
        %broadcast_in_dim3A_527 = vector.broadcast %broadcast_in_dim3A : i32 to vector<16x1xi32>
        %gather3A = vector.shape_cast %broadcast_in_dim3A_527 : vector<16x1xi32> to vector<16xi32>
        %gather3A_528 = tpu.dynamic_gather %get3A_522[%gather3A] in [0] : vector<16xf32>, vector<16xi32> -> vector<16xf32>
        %get3A_529 = arith.index_cast %add3A_526 : i32 to index
        %get3A_530 = arith.constant 0 : index
        %get3A_531 = tpu.vector_load %arg17[%get3A_529, %get3A_530] {strides = array<i32>} : memref<400x16xf32, #tpu.memory_space<vmem>>, vector<1x16xf32>,
        %get3A_532 = vector.shape_cast %get3A_531 : vector<1x16xf32> to vector<16xf32>
        %mul3A_533 = arith.mulf %get3A_532, %gather3A_528 : vector<16xf32>
        %swap3A = arith.index_cast %add3A_526 : i32 to index
        %swap3A_534 = arith.constant 0 : index
        %swap3A_535 = tpu.vector_load %arg17[%swap3A, %swap3A_534] {strides = array<i32>} : memref<400x16xf32, #tpu.memory_space<vmem>>, vector<1x16xf32>,
        %swap3A_536 = vector.shape_cast %swap3A_535 : vector<1x16xf32> to vector<16xf32>
        %swap3A_537 = vector.shape_cast %mul3A_533 : vector<16xf32> to vector<1x16xf32>
        tpu.vector_store %arg17[%swap3A, %swap3A_534], %swap3A_537 {strides = array<i32>} : memref<400x16xf32, #tpu.memory_space<vmem>>, vector<1x16xf32>,
        %mul3A_538 = arith.constant 16 : i32
        %mul3A_539 = arith.muli %scan3A_517, %mul3A_538 : i32
        %add3A_540 = arith.constant 1 : i32
        %add3A_541 = arith.addi %mul3A_539, %add3A_540 : i32
        %broadcast_in_dim3A_542 = arith.constant 1 : i32
        %broadcast_in_dim3A_543 = vector.broadcast %broadcast_in_dim3A_542 : i32 to vector<16x1xi32>
        %gather3A_544 = vector.shape_cast %broadcast_in_dim3A_543 : vector<16x1xi32> to vector<16xi32>
        %gather3A_545 = tpu.dynamic_gather %get3A_522[%gather3A_544] in [0] : vector<16xf32>, vector<16xi32> -> vector<16xf32>
        %get3A_546 = arith.index_cast %add3A_541 : i32 to index
        %get3A_547 = arith.constant 0 : index
        %get3A_548 = tpu.vector_load %arg17[%get3A_546, %get3A_547] {strides = array<i32>} : memref<400x16xf32, #tpu.memory_space<vmem>>, vector<1x16xf32>,
        %get3A_549 = vector.shape_cast %get3A_548 : vector<1x16xf32> to vector<16xf32>
        %mul3A_550 = arith.mulf %get3A_549, %gather3A_545 : vector<16xf32>
        %swap3A_551 = arith.index_cast %add3A_541 : i32 to index
        %swap3A_552 = arith.constant 0 : index
        %swap3A_553 = tpu.vector_load %arg17[%swap3A_551, %swap3A_552] {strides = array<i32>} : memref<400x16xf32, #tpu.memory_space<vmem>>, vector<1x16xf32>,
        %swap3A_554 = vector.shape_cast %swap3A_553 : vector<1x16xf32> to vector<16xf32>
        %swap3A_555 = vector.shape_cast %mul3A_550 : vector<16xf32> to vector<1x16xf32>
        tpu.vector_store %arg17[%swap3A_551, %swap3A_552], %swap3A_555 {strides = array<i32>} : memref<400x16xf32, #tpu.memory_space<vmem>>, vector<1x16xf32>,
        %mul3A_556 = arith.constant 16 : i32
        %mul3A_557 = arith.muli %scan3A_517, %mul3A_556 : i32
        %add3A_558 = arith.constant 2 : i32
        %add3A_559 = arith.addi %mul3A_557, %add3A_558 : i32
        %broadcast_in_dim3A_560 = arith.constant 2 : i32
        %broadcast_in_dim3A_561 = vector.broadcast %broadcast_in_dim3A_560 : i32 to vector<16x1xi32>
        %gather3A_562 = vector.shape_cast %broadcast_in_dim3A_561 : vector<16x1xi32> to vector<16xi32>
        %gather3A_563 = tpu.dynamic_gather %get3A_522[%gather3A_562] in [0] : vector<16xf32>, vector<16xi32> -> vector<16xf32>
        %get3A_564 = arith.index_cast %add3A_559 : i32 to index
        %get3A_565 = arith.constant 0 : index
        %get3A_566 = tpu.vector_load %arg17[%get3A_564, %get3A_565] {strides = array<i32>} : memref<400x16xf32, #tpu.memory_space<vmem>>, vector<1x16xf32>,
        %get3A_567 = vector.shape_cast %get3A_566 : vector<1x16xf32> to vector<16xf32>
        %mul3A_568 = arith.mulf %get3A_567, %gather3A_563 : vector<16xf32>
        %swap3A_569 = arith.index_cast %add3A_559 : i32 to index
        %swap3A_570 = arith.constant 0 : index
        %swap3A_571 = tpu.vector_load %arg17[%swap3A_569, %swap3A_570] {strides = array<i32>} : memref<400x16xf32, #tpu.memory_space<vmem>>, vector<1x16xf32>,
        %swap3A_572 = vector.shape_cast %swap3A_571 : vector<1x16xf32> to vector<16xf32>
        %swap3A_573 = vector.shape_cast %mul3A_568 : vector<16xf32> to vector<1x16xf32>
        tpu.vector_store %arg17[%swap3A_569, %swap3A_570], %swap3A_573 {strides = array<i32>} : memref<400x16xf32, #tpu.memory_space<vmem>>, vector<1x16xf32>,
        %mul3A_574 = arith.constant 16 : i32
        %mul3A_575 = arith.muli %scan3A_517, %mul3A_574 : i32
        %add3A_576 = arith.constant 3 : i32
        %add3A_577 = arith.addi %mul3A_575, %add3A_576 : i32
        %broadcast_in_dim3A_578 = arith.constant 3 : i32
        %broadcast_in_dim3A_579 = vector.broadcast %broadcast_in_dim3A_578 : i32 to vector<16x1xi32>
        %gather3A_580 = vector.shape_cast %broadcast_in_dim3A_579 : vector<16x1xi32> to vector<16xi32>
        %gather3A_581 = tpu.dynamic_gather %get3A_522[%gather3A_580] in [0] : vector<16xf32>, vector<16xi32> -> vector<16xf32>
        %get3A_582 = arith.index_cast %add3A_577 : i32 to index
        %get3A_583 = arith.constant 0 : index
        %get3A_584 = tpu.vector_load %arg17[%get3A_582, %get3A_583] {strides = array<i32>} : memref<400x16xf32, #tpu.memory_space<vmem>>, vector<1x16xf32>,
        %get3A_585 = vector.shape_cast %get3A_584 : vector<1x16xf32> to vector<16xf32>
        %mul3A_586 = arith.mulf %get3A_585, %gather3A_581 : vector<16xf32>
        %swap3A_587 = arith.index_cast %add3A_577 : i32 to index
        %swap3A_588 = arith.constant 0 : index
        %swap3A_589 = tpu.vector_load %arg17[%swap3A_587, %swap3A_588] {strides = array<i32>} : memref<400x16xf32, #tpu.memory_space<vmem>>, vector<1x16xf32>,
        %swap3A_590 = vector.shape_cast %swap3A_589 : vector<1x16xf32> to vector<16xf32>
        %swap3A_591 = vector.shape_cast %mul3A_586 : vector<16xf32> to vector<1x16xf32>
        tpu.vector_store %arg17[%swap3A_587, %swap3A_588], %swap3A_591 {strides = array<i32>} : memref<400x16xf32, #tpu.memory_space<vmem>>, vector<1x16xf32>,
        %mul3A_592 = arith.constant 16 : i32
        %mul3A_593 = arith.muli %scan3A_517, %mul3A_592 : i32
        %add3A_594 = arith.constant 4 : i32
        %add3A_595 = arith.addi %mul3A_593, %add3A_594 : i32
        %broadcast_in_dim3A_596 = arith.constant 4 : i32
        %broadcast_in_dim3A_597 = vector.broadcast %broadcast_in_dim3A_596 : i32 to vector<16x1xi32>
        %gather3A_598 = vector.shape_cast %broadcast_in_dim3A_597 : vector<16x1xi32> to vector<16xi32>
        %gather3A_599 = tpu.dynamic_gather %get3A_522[%gather3A_598] in [0] : vector<16xf32>, vector<16xi32> -> vector<16xf32>
        %get3A_600 = arith.index_cast %add3A_595 : i32 to index
        %get3A_601 = arith.constant 0 : index
        %get3A_602 = tpu.vector_load %arg17[%get3A_600, %get3A_601] {strides = array<i32>} : memref<400x16xf32, #tpu.memory_space<vmem>>, vector<1x16xf32>,
        %get3A_603 = vector.shape_cast %get3A_602 : vector<1x16xf32> to vector<16xf32>
        %mul3A_604 = arith.mulf %get3A_603, %gather3A_599 : vector<16xf32>
        %swap3A_605 = arith.index_cast %add3A_595 : i32 to index
        %swap3A_606 = arith.constant 0 : index
        %swap3A_607 = tpu.vector_load %arg17[%swap3A_605, %swap3A_606] {strides = array<i32>} : memref<400x16xf32, #tpu.memory_space<vmem>>, vector<1x16xf32>,
        %swap3A_608 = vector.shape_cast %swap3A_607 : vector<1x16xf32> to vector<16xf32>
        %swap3A_609 = vector.shape_cast %mul3A_604 : vector<16xf32> to vector<1x16xf32>
        tpu.vector_store %arg17[%swap3A_605, %swap3A_606], %swap3A_609 {strides = array<i32>} : memref<400x16xf32, #tpu.memory_space<vmem>>, vector<1x16xf32>,
        %mul3A_610 = arith.constant 16 : i32
        %mul3A_611 = arith.muli %scan3A_517, %mul3A_610 : i32
        %add3A_612 = arith.constant 5 : i32
        %add3A_613 = arith.addi %mul3A_611, %add3A_612 : i32
        %broadcast_in_dim3A_614 = arith.constant 5 : i32
        %broadcast_in_dim3A_615 = vector.broadcast %broadcast_in_dim3A_614 : i32 to vector<16x1xi32>
        %gather3A_616 = vector.shape_cast %broadcast_in_dim3A_615 : vector<16x1xi32> to vector<16xi32>
        %gather3A_617 = tpu.dynamic_gather %get3A_522[%gather3A_616] in [0] : vector<16xf32>, vector<16xi32> -> vector<16xf32>
        %get3A_618 = arith.index_cast %add3A_613 : i32 to index
        %get3A_619 = arith.constant 0 : index
        %get3A_620 = tpu.vector_load %arg17[%get3A_618, %get3A_619] {strides = array<i32>} : memref<400x16xf32, #tpu.memory_space<vmem>>, vector<1x16xf32>,
        %get3A_621 = vector.shape_cast %get3A_620 : vector<1x16xf32> to vector<16xf32>
        %mul3A_622 = arith.mulf %get3A_621, %gather3A_617 : vector<16xf32>
        %swap3A_623 = arith.index_cast %add3A_613 : i32 to index
        %swap3A_624 = arith.constant 0 : index
        %swap3A_625 = tpu.vector_load %arg17[%swap3A_623, %swap3A_624] {strides = array<i32>} : memref<400x16xf32, #tpu.memory_space<vmem>>, vector<1x16xf32>,
        %swap3A_626 = vector.shape_cast %swap3A_625 : vector<1x16xf32> to vector<16xf32>
        %swap3A_627 = vector.shape_cast %mul3A_622 : vector<16xf32> to vector<1x16xf32>
        tpu.vector_store %arg17[%swap3A_623, %swap3A_624], %swap3A_627 {strides = array<i32>} : memref<400x16xf32, #tpu.memory_space<vmem>>, vector<1x16xf32>,
        %mul3A_628 = arith.constant 16 : i32
        %mul3A_629 = arith.muli %scan3A_517, %mul3A_628 : i32
        %add3A_630 = arith.constant 6 : i32
        %add3A_631 = arith.addi %mul3A_629, %add3A_630 : i32
        %broadcast_in_dim3A_632 = arith.constant 6 : i32
        %broadcast_in_dim3A_633 = vector.broadcast %broadcast_in_dim3A_632 : i32 to vector<16x1xi32>
        %gather3A_634 = vector.shape_cast %broadcast_in_dim3A_633 : vector<16x1xi32> to vector<16xi32>
        %gather3A_635 = tpu.dynamic_gather %get3A_522[%gather3A_634] in [0] : vector<16xf32>, vector<16xi32> -> vector<16xf32>
        %get3A_636 = arith.index_cast %add3A_631 : i32 to index
        %get3A_637 = arith.constant 0 : index
        %get3A_638 = tpu.vector_load %arg17[%get3A_636, %get3A_637] {strides = array<i32>} : memref<400x16xf32, #tpu.memory_space<vmem>>, vector<1x16xf32>,
        %get3A_639 = vector.shape_cast %get3A_638 : vector<1x16xf32> to vector<16xf32>
        %mul3A_640 = arith.mulf %get3A_639, %gather3A_635 : vector<16xf32>
        %swap3A_641 = arith.index_cast %add3A_631 : i32 to index
        %swap3A_642 = arith.constant 0 : index
        %swap3A_643 = tpu.vector_load %arg17[%swap3A_641, %swap3A_642] {strides = array<i32>} : memref<400x16xf32, #tpu.memory_space<vmem>>, vector<1x16xf32>,
        %swap3A_644 = vector.shape_cast %swap3A_643 : vector<1x16xf32> to vector<16xf32>
        %swap3A_645 = vector.shape_cast %mul3A_640 : vector<16xf32> to vector<1x16xf32>
        tpu.vector_store %arg17[%swap3A_641, %swap3A_642], %swap3A_645 {strides = array<i32>} : memref<400x16xf32, #tpu.memory_space<vmem>>, vector<1x16xf32>,
        %mul3A_646 = arith.constant 16 : i32
        %mul3A_647 = arith.muli %scan3A_517, %mul3A_646 : i32
        %add3A_648 = arith.constant 7 : i32
        %add3A_649 = arith.addi %mul3A_647, %add3A_648 : i32
        %broadcast_in_dim3A_650 = arith.constant 7 : i32
        %broadcast_in_dim3A_651 = vector.broadcast %broadcast_in_dim3A_650 : i32 to vector<16x1xi32>
        %gather3A_652 = vector.shape_cast %broadcast_in_dim3A_651 : vector<16x1xi32> to vector<16xi32>
        %gather3A_653 = tpu.dynamic_gather %get3A_522[%gather3A_652] in [0] : vector<16xf32>, vector<16xi32> -> vector<16xf32>
        %get3A_654 = arith.index_cast %add3A_649 : i32 to index
        %get3A_655 = arith.constant 0 : index
        %get3A_656 = tpu.vector_load %arg17[%get3A_654, %get3A_655] {strides = array<i32>} : memref<400x16xf32, #tpu.memory_space<vmem>>, vector<1x16xf32>,
        %get3A_657 = vector.shape_cast %get3A_656 : vector<1x16xf32> to vector<16xf32>
        %mul3A_658 = arith.mulf %get3A_657, %gather3A_653 : vector<16xf32>
        %swap3A_659 = arith.index_cast %add3A_649 : i32 to index
        %swap3A_660 = arith.constant 0 : index
        %swap3A_661 = tpu.vector_load %arg17[%swap3A_659, %swap3A_660] {strides = array<i32>} : memref<400x16xf32, #tpu.memory_space<vmem>>, vector<1x16xf32>,
        %swap3A_662 = vector.shape_cast %swap3A_661 : vector<1x16xf32> to vector<16xf32>
        %swap3A_663 = vector.shape_cast %mul3A_658 : vector<16xf32> to vector<1x16xf32>
        tpu.vector_store %arg17[%swap3A_659, %swap3A_660], %swap3A_663 {strides = array<i32>} : memref<400x16xf32, #tpu.memory_space<vmem>>, vector<1x16xf32>,
        %mul3A_664 = arith.constant 16 : i32
        %mul3A_665 = arith.muli %scan3A_517, %mul3A_664 : i32
        %add3A_666 = arith.constant 8 : i32
        %add3A_667 = arith.addi %mul3A_665, %add3A_666 : i32
        %broadcast_in_dim3A_668 = arith.constant 8 : i32
        %broadcast_in_dim3A_669 = vector.broadcast %broadcast_in_dim3A_668 : i32 to vector<16x1xi32>
        %gather3A_670 = vector.shape_cast %broadcast_in_dim3A_669 : vector<16x1xi32> to vector<16xi32>
        %gather3A_671 = tpu.dynamic_gather %get3A_522[%gather3A_670] in [0] : vector<16xf32>, vector<16xi32> -> vector<16xf32>
        %get3A_672 = arith.index_cast %add3A_667 : i32 to index
        %get3A_673 = arith.constant 0 : index
        %get3A_674 = tpu.vector_load %arg17[%get3A_672, %get3A_673] {strides = array<i32>} : memref<400x16xf32, #tpu.memory_space<vmem>>, vector<1x16xf32>,
        %get3A_675 = vector.shape_cast %get3A_674 : vector<1x16xf32> to vector<16xf32>
        %mul3A_676 = arith.mulf %get3A_675, %gather3A_671 : vector<16xf32>
        %swap3A_677 = arith.index_cast %add3A_667 : i32 to index
        %swap3A_678 = arith.constant 0 : index
        %swap3A_679 = tpu.vector_load %arg17[%swap3A_677, %swap3A_678] {strides = array<i32>} : memref<400x16xf32, #tpu.memory_space<vmem>>, vector<1x16xf32>,
        %swap3A_680 = vector.shape_cast %swap3A_679 : vector<1x16xf32> to vector<16xf32>
        %swap3A_681 = vector.shape_cast %mul3A_676 : vector<16xf32> to vector<1x16xf32>
        tpu.vector_store %arg17[%swap3A_677, %swap3A_678], %swap3A_681 {strides = array<i32>} : memref<400x16xf32, #tpu.memory_space<vmem>>, vector<1x16xf32>,
        %mul3A_682 = arith.constant 16 : i32
        %mul3A_683 = arith.muli %scan3A_517, %mul3A_682 : i32
        %add3A_684 = arith.constant 9 : i32
        %add3A_685 = arith.addi %mul3A_683, %add3A_684 : i32
        %broadcast_in_dim3A_686 = arith.constant 9 : i32
        %broadcast_in_dim3A_687 = vector.broadcast %broadcast_in_dim3A_686 : i32 to vector<16x1xi32>
        %gather3A_688 = vector.shape_cast %broadcast_in_dim3A_687 : vector<16x1xi32> to vector<16xi32>
        %gather3A_689 = tpu.dynamic_gather %get3A_522[%gather3A_688] in [0] : vector<16xf32>, vector<16xi32> -> vector<16xf32>
        %get3A_690 = arith.index_cast %add3A_685 : i32 to index
        %get3A_691 = arith.constant 0 : index
        %get3A_692 = tpu.vector_load %arg17[%get3A_690, %get3A_691] {strides = array<i32>} : memref<400x16xf32, #tpu.memory_space<vmem>>, vector<1x16xf32>,
        %get3A_693 = vector.shape_cast %get3A_692 : vector<1x16xf32> to vector<16xf32>
        %mul3A_694 = arith.mulf %get3A_693, %gather3A_689 : vector<16xf32>
        %swap3A_695 = arith.index_cast %add3A_685 : i32 to index
        %swap3A_696 = arith.constant 0 : index
        %swap3A_697 = tpu.vector_load %arg17[%swap3A_695, %swap3A_696] {strides = array<i32>} : memref<400x16xf32, #tpu.memory_space<vmem>>, vector<1x16xf32>,
        %swap3A_698 = vector.shape_cast %swap3A_697 : vector<1x16xf32> to vector<16xf32>
        %swap3A_699 = vector.shape_cast %mul3A_694 : vector<16xf32> to vector<1x16xf32>
        tpu.vector_store %arg17[%swap3A_695, %swap3A_696], %swap3A_699 {strides = array<i32>} : memref<400x16xf32, #tpu.memory_space<vmem>>, vector<1x16xf32>,
        %mul3A_700 = arith.constant 16 : i32
        %mul3A_701 = arith.muli %scan3A_517, %mul3A_700 : i32
        %add3A_702 = arith.constant 10 : i32
        %add3A_703 = arith.addi %mul3A_701, %add3A_702 : i32
        %broadcast_in_dim3A_704 = arith.constant 10 : i32
        %broadcast_in_dim3A_705 = vector.broadcast %broadcast_in_dim3A_704 : i32 to vector<16x1xi32>
        %gather3A_706 = vector.shape_cast %broadcast_in_dim3A_705 : vector<16x1xi32> to vector<16xi32>
        %gather3A_707 = tpu.dynamic_gather %get3A_522[%gather3A_706] in [0] : vector<16xf32>, vector<16xi32> -> vector<16xf32>
        %get3A_708 = arith.index_cast %add3A_703 : i32 to index
        %get3A_709 = arith.constant 0 : index
        %get3A_710 = tpu.vector_load %arg17[%get3A_708, %get3A_709] {strides = array<i32>} : memref<400x16xf32, #tpu.memory_space<vmem>>, vector<1x16xf32>,
        %get3A_711 = vector.shape_cast %get3A_710 : vector<1x16xf32> to vector<16xf32>
        %mul3A_712 = arith.mulf %get3A_711, %gather3A_707 : vector<16xf32>
        %swap3A_713 = arith.index_cast %add3A_703 : i32 to index
        %swap3A_714 = arith.constant 0 : index
        %swap3A_715 = tpu.vector_load %arg17[%swap3A_713, %swap3A_714] {strides = array<i32>} : memref<400x16xf32, #tpu.memory_space<vmem>>, vector<1x16xf32>,
        %swap3A_716 = vector.shape_cast %swap3A_715 : vector<1x16xf32> to vector<16xf32>
        %swap3A_717 = vector.shape_cast %mul3A_712 : vector<16xf32> to vector<1x16xf32>
        tpu.vector_store %arg17[%swap3A_713, %swap3A_714], %swap3A_717 {strides = array<i32>} : memref<400x16xf32, #tpu.memory_space<vmem>>, vector<1x16xf32>,
        %mul3A_718 = arith.constant 16 : i32
        %mul3A_719 = arith.muli %scan3A_517, %mul3A_718 : i32
        %add3A_720 = arith.constant 11 : i32
        %add3A_721 = arith.addi %mul3A_719, %add3A_720 : i32
        %broadcast_in_dim3A_722 = arith.constant 11 : i32
        %broadcast_in_dim3A_723 = vector.broadcast %broadcast_in_dim3A_722 : i32 to vector<16x1xi32>
        %gather3A_724 = vector.shape_cast %broadcast_in_dim3A_723 : vector<16x1xi32> to vector<16xi32>
        %gather3A_725 = tpu.dynamic_gather %get3A_522[%gather3A_724] in [0] : vector<16xf32>, vector<16xi32> -> vector<16xf32>
        %get3A_726 = arith.index_cast %add3A_721 : i32 to index
        %get3A_727 = arith.constant 0 : index
        %get3A_728 = tpu.vector_load %arg17[%get3A_726, %get3A_727] {strides = array<i32>} : memref<400x16xf32, #tpu.memory_space<vmem>>, vector<1x16xf32>,
        %get3A_729 = vector.shape_cast %get3A_728 : vector<1x16xf32> to vector<16xf32>
        %mul3A_730 = arith.mulf %get3A_729, %gather3A_725 : vector<16xf32>
        %swap3A_731 = arith.index_cast %add3A_721 : i32 to index
        %swap3A_732 = arith.constant 0 : index
        %swap3A_733 = tpu.vector_load %arg17[%swap3A_731, %swap3A_732] {strides = array<i32>} : memref<400x16xf32, #tpu.memory_space<vmem>>, vector<1x16xf32>,
        %swap3A_734 = vector.shape_cast %swap3A_733 : vector<1x16xf32> to vector<16xf32>
        %swap3A_735 = vector.shape_cast %mul3A_730 : vector<16xf32> to vector<1x16xf32>
        tpu.vector_store %arg17[%swap3A_731, %swap3A_732], %swap3A_735 {strides = array<i32>} : memref<400x16xf32, #tpu.memory_space<vmem>>, vector<1x16xf32>,
        %mul3A_736 = arith.constant 16 : i32
        %mul3A_737 = arith.muli %scan3A_517, %mul3A_736 : i32
        %add3A_738 = arith.constant 12 : i32
        %add3A_739 = arith.addi %mul3A_737, %add3A_738 : i32
        %broadcast_in_dim3A_740 = arith.constant 12 : i32
        %broadcast_in_dim3A_741 = vector.broadcast %broadcast_in_dim3A_740 : i32 to vector<16x1xi32>
        %gather3A_742 = vector.shape_cast %broadcast_in_dim3A_741 : vector<16x1xi32> to vector<16xi32>
        %gather3A_743 = tpu.dynamic_gather %get3A_522[%gather3A_742] in [0] : vector<16xf32>, vector<16xi32> -> vector<16xf32>
        %get3A_744 = arith.index_cast %add3A_739 : i32 to index
        %get3A_745 = arith.constant 0 : index
        %get3A_746 = tpu.vector_load %arg17[%get3A_744, %get3A_745] {strides = array<i32>} : memref<400x16xf32, #tpu.memory_space<vmem>>, vector<1x16xf32>,
        %get3A_747 = vector.shape_cast %get3A_746 : vector<1x16xf32> to vector<16xf32>
        %mul3A_748 = arith.mulf %get3A_747, %gather3A_743 : vector<16xf32>
        %swap3A_749 = arith.index_cast %add3A_739 : i32 to index
        %swap3A_750 = arith.constant 0 : index
        %swap3A_751 = tpu.vector_load %arg17[%swap3A_749, %swap3A_750] {strides = array<i32>} : memref<400x16xf32, #tpu.memory_space<vmem>>, vector<1x16xf32>,
        %swap3A_752 = vector.shape_cast %swap3A_751 : vector<1x16xf32> to vector<16xf32>
        %swap3A_753 = vector.shape_cast %mul3A_748 : vector<16xf32> to vector<1x16xf32>
        tpu.vector_store %arg17[%swap3A_749, %swap3A_750], %swap3A_753 {strides = array<i32>} : memref<400x16xf32, #tpu.memory_space<vmem>>, vector<1x16xf32>,
        %mul3A_754 = arith.constant 16 : i32
        %mul3A_755 = arith.muli %scan3A_517, %mul3A_754 : i32
        %add3A_756 = arith.constant 13 : i32
        %add3A_757 = arith.addi %mul3A_755, %add3A_756 : i32
        %broadcast_in_dim3A_758 = arith.constant 13 : i32
        %broadcast_in_dim3A_759 = vector.broadcast %broadcast_in_dim3A_758 : i32 to vector<16x1xi32>
        %gather3A_760 = vector.shape_cast %broadcast_in_dim3A_759 : vector<16x1xi32> to vector<16xi32>
        %gather3A_761 = tpu.dynamic_gather %get3A_522[%gather3A_760] in [0] : vector<16xf32>, vector<16xi32> -> vector<16xf32>
        %get3A_762 = arith.index_cast %add3A_757 : i32 to index
        %get3A_763 = arith.constant 0 : index
        %get3A_764 = tpu.vector_load %arg17[%get3A_762, %get3A_763] {strides = array<i32>} : memref<400x16xf32, #tpu.memory_space<vmem>>, vector<1x16xf32>,
        %get3A_765 = vector.shape_cast %get3A_764 : vector<1x16xf32> to vector<16xf32>
        %mul3A_766 = arith.mulf %get3A_765, %gather3A_761 : vector<16xf32>
        %swap3A_767 = arith.index_cast %add3A_757 : i32 to index
        %swap3A_768 = arith.constant 0 : index
        %swap3A_769 = tpu.vector_load %arg17[%swap3A_767, %swap3A_768] {strides = array<i32>} : memref<400x16xf32, #tpu.memory_space<vmem>>, vector<1x16xf32>,
        %swap3A_770 = vector.shape_cast %swap3A_769 : vector<1x16xf32> to vector<16xf32>
        %swap3A_771 = vector.shape_cast %mul3A_766 : vector<16xf32> to vector<1x16xf32>
        tpu.vector_store %arg17[%swap3A_767, %swap3A_768], %swap3A_771 {strides = array<i32>} : memref<400x16xf32, #tpu.memory_space<vmem>>, vector<1x16xf32>,
        %mul3A_772 = arith.constant 16 : i32
        %mul3A_773 = arith.muli %scan3A_517, %mul3A_772 : i32
        %add3A_774 = arith.constant 14 : i32
        %add3A_775 = arith.addi %mul3A_773, %add3A_774 : i32
        %broadcast_in_dim3A_776 = arith.constant 14 : i32
        %broadcast_in_dim3A_777 = vector.broadcast %broadcast_in_dim3A_776 : i32 to vector<16x1xi32>
        %gather3A_778 = vector.shape_cast %broadcast_in_dim3A_777 : vector<16x1xi32> to vector<16xi32>
        %gather3A_779 = tpu.dynamic_gather %get3A_522[%gather3A_778] in [0] : vector<16xf32>, vector<16xi32> -> vector<16xf32>
        %get3A_780 = arith.index_cast %add3A_775 : i32 to index
        %get3A_781 = arith.constant 0 : index
        %get3A_782 = tpu.vector_load %arg17[%get3A_780, %get3A_781] {strides = array<i32>} : memref<400x16xf32, #tpu.memory_space<vmem>>, vector<1x16xf32>,
        %get3A_783 = vector.shape_cast %get3A_782 : vector<1x16xf32> to vector<16xf32>
        %mul3A_784 = arith.mulf %get3A_783, %gather3A_779 : vector<16xf32>
        %swap3A_785 = arith.index_cast %add3A_775 : i32 to index
        %swap3A_786 = arith.constant 0 : index
        %swap3A_787 = tpu.vector_load %arg17[%swap3A_785, %swap3A_786] {strides = array<i32>} : memref<400x16xf32, #tpu.memory_space<vmem>>, vector<1x16xf32>,
        %swap3A_788 = vector.shape_cast %swap3A_787 : vector<1x16xf32> to vector<16xf32>
        %swap3A_789 = vector.shape_cast %mul3A_784 : vector<16xf32> to vector<1x16xf32>
        tpu.vector_store %arg17[%swap3A_785, %swap3A_786], %swap3A_789 {strides = array<i32>} : memref<400x16xf32, #tpu.memory_space<vmem>>, vector<1x16xf32>,
        %mul3A_790 = arith.constant 16 : i32
        %mul3A_791 = arith.muli %scan3A_517, %mul3A_790 : i32
        %add3A_792 = arith.constant 15 : i32
        %add3A_793 = arith.addi %mul3A_791, %add3A_792 : i32
        %broadcast_in_dim3A_794 = arith.constant 15 : i32
        %broadcast_in_dim3A_795 = vector.broadcast %broadcast_in_dim3A_794 : i32 to vector<16x1xi32>
        %gather3A_796 = vector.shape_cast %broadcast_in_dim3A_795 : vector<16x1xi32> to vector<16xi32>
        %gather3A_797 = tpu.dynamic_gather %get3A_522[%gather3A_796] in [0] : vector<16xf32>, vector<16xi32> -> vector<16xf32>
        %get3A_798 = arith.index_cast %add3A_793 : i32 to index
        %get3A_799 = arith.constant 0 : index
        %get3A_800 = tpu.vector_load %arg17[%get3A_798, %get3A_799] {strides = array<i32>} : memref<400x16xf32, #tpu.memory_space<vmem>>, vector<1x16xf32>,
        %get3A_801 = vector.shape_cast %get3A_800 : vector<1x16xf32> to vector<16xf32>
        %mul3A_802 = arith.mulf %get3A_801, %gather3A_797 : vector<16xf32>
        %swap3A_803 = arith.index_cast %add3A_793 : i32 to index
        %swap3A_804 = arith.constant 0 : index
        %swap3A_805 = tpu.vector_load %arg17[%swap3A_803, %swap3A_804] {strides = array<i32>} : memref<400x16xf32, #tpu.memory_space<vmem>>, vector<1x16xf32>,
        %swap3A_806 = vector.shape_cast %swap3A_805 : vector<1x16xf32> to vector<16xf32>
        %swap3A_807 = vector.shape_cast %mul3A_802 : vector<16xf32> to vector<1x16xf32>
        tpu.vector_store %arg17[%swap3A_803, %swap3A_804], %swap3A_807 {strides = array<i32>} : memref<400x16xf32, #tpu.memory_space<vmem>>, vector<1x16xf32>,
        %scan3A_808 = arith.constant 0 : i32
        scf.yield %scan3A_808 : i32
      }
      %scan3A_466 = arith.constant 25 : i32
      %dma_start3A_467 = arith.constant 1 : i32
      %dma_start3A_468 = arith.constant 0 : i32
      %dma_start3A_469 = tpu.memref_slice %arg9[%dma_start3A_467, %dma_start3A_468] : memref<2x400xi32, #tpu.memory_space<vmem>> -> memref<1x400xi32, #tpu.memory_space<vmem>>
      %dma_start3A_470 = tpu.memref_squeeze %dma_start3A_469 : memref<1x400xi32, #tpu.memory_space<vmem>> -> memref<400xi32, #tpu.memory_space<vmem>>
      %dma_start3A_471 = arith.constant 0 : i32
      %dma_start3A_472 = arith.constant 0 : i32
      %dma_start3A_473 = tpu.memref_slice %arg19[%dma_start3A_471, %dma_start3A_472] : memref<100096x16xf32, #tpu.memory_space<vmem_shared>> -> memref<100096x16xf32, #tpu.memory_space<vmem_shared>>
      tpu.enqueue_indirect_dma source(%arg17 : memref<400x16xf32, #tpu.memory_space<vmem>>) target(%dma_start3A_473 : memref<100096x16xf32, #tpu.memory_space<vmem_shared>>) offsets(%dma_start3A_470 : memref<400xi32, #tpu.memory_space<vmem>>) semaphore(%arg30 : memref<!tpu.dma_semaphore, #tpu.memory_space<semaphore_mem>>) {add = true}
      %mul3A_474 = arith.constant 4 : i32
      %mul3A_475 = arith.muli %mul3A_474, %scan3A_233 : i32
      %add3A_476 = arith.constant 3 : i32
      %add3A_477 = arith.addi %mul3A_475, %add3A_476 : i32
      %dma_wait3A_478 = arith.constant 1 : i32
      %dma_wait3A_479 = arith.constant 0 : i32
      %dma_wait3A_480 = tpu.memref_slice %arg8[%dma_wait3A_478, %dma_wait3A_479] : memref<2x400xi32, #tpu.memory_space<vmem>> -> memref<1x400xi32, #tpu.memory_space<vmem>>
      %dma_wait3A_481 = tpu.memref_squeeze %dma_wait3A_480 : memref<1x400xi32, #tpu.memory_space<vmem>> -> memref<400xi32, #tpu.memory_space<vmem>>
      %dma_wait3A_482 = arith.constant 0 : i32
      %dma_wait3A_483 = arith.constant 0 : i32
      %dma_wait3A_484 = tpu.memref_slice %arg19[%dma_wait3A_482, %dma_wait3A_483] : memref<100096x16xf32, #tpu.memory_space<vmem_shared>> -> memref<100096x16xf32, #tpu.memory_space<vmem_shared>>
      tpu.wait_indirect_dma semaphore(%arg29 : memref<!tpu.dma_semaphore, #tpu.memory_space<semaphore_mem>>) src(%arg16 : memref<400x16xf32, #tpu.memory_space<vmem>>) dst(%dma_wait3A_484 : memref<100096x16xf32, #tpu.memory_space<vmem_shared>>)
      %lt3A_485 = arith.constant 125 : i32
      %lt3A_486 = arith.cmpi slt, %scan3A_233, %lt3A_485 : i32
      %convert_element_type3A_487 = arith.extui %lt3A_486 : i1 to i32
      %cond3A_488 = arith.constant 0 : i32
      %cond3A_489 = arith.cmpi ne, %convert_element_type3A_487, %cond3A_488 : i32
      scf.if %cond3A_489 {
        %add3A_517 = arith.constant 2 : i32
        %add3A_518 = arith.addi %add3A_477, %add3A_517 : i32
        %mul3A_519 = arith.constant 400 : i32
        %mul3A_520 = arith.muli %add3A_518, %mul3A_519 : i32
        %add3A_521 = arith.addi %mul3A_42, %mul3A_520 : i32
        %dma_start3A_522 = arith.constant 0 : i32
        %dma_start3A_523 = arith.constant 0 : i32
        %dma_start3A_524 = tpu.memref_slice %arg8[%dma_start3A_522, %dma_start3A_523] : memref<2x400xi32, #tpu.memory_space<vmem>> -> memref<1x400xi32, #tpu.memory_space<vmem>>
        %dma_start3A_525 = tpu.memref_squeeze %dma_start3A_524 : memref<1x400xi32, #tpu.memory_space<vmem>> -> memref<400xi32, #tpu.memory_space<vmem>>
        %dma_start3A_526 = tpu.memref_slice %arg3[%add3A_521] : memref<6451200xi32, #tpu.memory_space<hbm>> -> memref<400xi32, #tpu.memory_space<hbm>>
        %dma_start3A_527 = arith.constant 0 : i32
        %dma_start3A_528 = tpu.memref_slice %arg8[%dma_start3A_522, %dma_start3A_527] : memref<2x400xi32, #tpu.memory_space<vmem>> -> memref<1x400xi32, #tpu.memory_space<vmem>>
        %dma_start3A_529 = tpu.memref_squeeze %dma_start3A_528 : memref<1x400xi32, #tpu.memory_space<vmem>> -> memref<400xi32, #tpu.memory_space<vmem>>
        %dma_start3A_530 = tpu.memref_slice %arg3[%add3A_521] : memref<6451200xi32, #tpu.memory_space<hbm>> -> memref<400xi32, #tpu.memory_space<hbm>>
        tpu.enqueue_dma source(%dma_start3A_530 : memref<400xi32, #tpu.memory_space<hbm>>) target(%dma_start3A_529 : memref<400xi32, #tpu.memory_space<vmem>>) target_semaphore(%arg21 : memref<!tpu.dma_semaphore, #tpu.memory_space<semaphore_mem>>)
        %dma_start3A_531 = arith.constant 1 : i32
        %dma_start3A_532 = arith.constant 0 : i32
        %dma_start3A_533 = tpu.memref_slice %arg8[%dma_start3A_531, %dma_start3A_532] : memref<2x400xi32, #tpu.memory_space<vmem>> -> memref<1x400xi32, #tpu.memory_space<vmem>>
        %dma_start3A_534 = tpu.memref_squeeze %dma_start3A_533 : memref<1x400xi32, #tpu.memory_space<vmem>> -> memref<400xi32, #tpu.memory_space<vmem>>
        %dma_start3A_535 = tpu.memref_slice %arg4[%add3A_521] : memref<6451200xi32, #tpu.memory_space<hbm>> -> memref<400xi32, #tpu.memory_space<hbm>>
        %dma_start3A_536 = arith.constant 0 : i32
        %dma_start3A_537 = tpu.memref_slice %arg8[%dma_start3A_531, %dma_start3A_536] : memref<2x400xi32, #tpu.memory_space<vmem>> -> memref<1x400xi32, #tpu.memory_space<vmem>>
        %dma_start3A_538 = tpu.memref_squeeze %dma_start3A_537 : memref<1x400xi32, #tpu.memory_space<vmem>> -> memref<400xi32, #tpu.memory_space<vmem>>
        %dma_start3A_539 = tpu.memref_slice %arg4[%add3A_521] : memref<6451200xi32, #tpu.memory_space<hbm>> -> memref<400xi32, #tpu.memory_space<hbm>>
        tpu.enqueue_dma source(%dma_start3A_539 : memref<400xi32, #tpu.memory_space<hbm>>) target(%dma_start3A_538 : memref<400xi32, #tpu.memory_space<vmem>>) target_semaphore(%arg21 : memref<!tpu.dma_semaphore, #tpu.memory_space<semaphore_mem>>)
        %dma_start3A_540 = tpu.memref_slice %arg5[%add3A_521] : memref<6451200xf32, #tpu.memory_space<hbm>> -> memref<400xf32, #tpu.memory_space<hbm>>
        %dma_start3A_541 = tpu.memref_slice %arg5[%add3A_521] : memref<6451200xf32, #tpu.memory_space<hbm>> -> memref<400xf32, #tpu.memory_space<hbm>>
        tpu.enqueue_dma source(%dma_start3A_541 : memref<400xf32, #tpu.memory_space<hbm>>) target(%arg12 : memref<400xf32, #tpu.memory_space<vmem>>) target_semaphore(%arg21 : memref<!tpu.dma_semaphore, #tpu.memory_space<semaphore_mem>>)
      } else {
      }
      %lt3A_490 = arith.constant 125 : i32
      %lt3A_491 = arith.cmpi slt, %scan3A_233, %lt3A_490 : i32
      %convert_element_type3A_492 = arith.extui %lt3A_491 : i1 to i32
      %cond3A_493 = arith.constant 0 : i32
      %cond3A_494 = arith.cmpi ne, %convert_element_type3A_492, %cond3A_493 : i32
      scf.if %cond3A_494 {
        %add3A_517 = arith.constant 1 : i32
        %add3A_518 = arith.addi %add3A_477, %add3A_517 : i32
        %mul3A_519 = arith.constant 400 : i32
        %mul3A_520 = arith.muli %add3A_518, %mul3A_519 : i32
        %add3A_521 = arith.addi %mul3A_42, %mul3A_520 : i32
        %dma_wait3A_522 = arith.constant 0 : i32
        %dma_wait3A_523 = arith.constant 0 : i32
        %dma_wait3A_524 = tpu.memref_slice %arg7[%dma_wait3A_522, %dma_wait3A_523] : memref<2x400xi32, #tpu.memory_space<vmem>> -> memref<1x400xi32, #tpu.memory_space<vmem>>
        %dma_wait3A_525 = tpu.memref_squeeze %dma_wait3A_524 : memref<1x400xi32, #tpu.memory_space<vmem>> -> memref<400xi32, #tpu.memory_space<vmem>>
        %dma_wait3A_526 = tpu.memref_slice %arg3[%add3A_521] : memref<6451200xi32, #tpu.memory_space<hbm>> -> memref<400xi32, #tpu.memory_space<hbm>>
        %dma_wait3A_527 = arith.constant 0 : i32
        %dma_wait3A_528 = tpu.memref_slice %arg7[%dma_wait3A_522, %dma_wait3A_527] : memref<2x400xi32, #tpu.memory_space<vmem>> -> memref<1x400xi32, #tpu.memory_space<vmem>>
        %dma_wait3A_529 = tpu.memref_squeeze %dma_wait3A_528 : memref<1x400xi32, #tpu.memory_space<vmem>> -> memref<400xi32, #tpu.memory_space<vmem>>
        %dma_wait3A_530 = tpu.memref_slice %arg3[%add3A_521] : memref<6451200xi32, #tpu.memory_space<hbm>> -> memref<400xi32, #tpu.memory_space<hbm>>
        tpu.wait_dma2 semaphore(%arg20 : memref<!tpu.dma_semaphore, #tpu.memory_space<semaphore_mem>>) src(%dma_wait3A_530 : memref<400xi32, #tpu.memory_space<hbm>>) dst(%dma_wait3A_529 : memref<400xi32, #tpu.memory_space<vmem>>)
        %dma_wait3A_531 = arith.constant 1 : i32
        %dma_wait3A_532 = arith.constant 0 : i32
        %dma_wait3A_533 = tpu.memref_slice %arg7[%dma_wait3A_531, %dma_wait3A_532] : memref<2x400xi32, #tpu.memory_space<vmem>> -> memref<1x400xi32, #tpu.memory_space<vmem>>
        %dma_wait3A_534 = tpu.memref_squeeze %dma_wait3A_533 : memref<1x400xi32, #tpu.memory_space<vmem>> -> memref<400xi32, #tpu.memory_space<vmem>>
        %dma_wait3A_535 = tpu.memref_slice %arg4[%add3A_521] : memref<6451200xi32, #tpu.memory_space<hbm>> -> memref<400xi32, #tpu.memory_space<hbm>>
        %dma_wait3A_536 = arith.constant 0 : i32
        %dma_wait3A_537 = tpu.memref_slice %arg7[%dma_wait3A_531, %dma_wait3A_536] : memref<2x400xi32, #tpu.memory_space<vmem>> -> memref<1x400xi32, #tpu.memory_space<vmem>>
        %dma_wait3A_538 = tpu.memref_squeeze %dma_wait3A_537 : memref<1x400xi32, #tpu.memory_space<vmem>> -> memref<400xi32, #tpu.memory_space<vmem>>
        %dma_wait3A_539 = tpu.memref_slice %arg4[%add3A_521] : memref<6451200xi32, #tpu.memory_space<hbm>> -> memref<400xi32, #tpu.memory_space<hbm>>
        tpu.wait_dma2 semaphore(%arg20 : memref<!tpu.dma_semaphore, #tpu.memory_space<semaphore_mem>>) src(%dma_wait3A_539 : memref<400xi32, #tpu.memory_space<hbm>>) dst(%dma_wait3A_538 : memref<400xi32, #tpu.memory_space<vmem>>)
        %dma_wait3A_540 = tpu.memref_slice %arg5[%add3A_521] : memref<6451200xf32, #tpu.memory_space<hbm>> -> memref<400xf32, #tpu.memory_space<hbm>>
        %dma_wait3A_541 = tpu.memref_slice %arg5[%add3A_521] : memref<6451200xf32, #tpu.memory_space<hbm>> -> memref<400xf32, #tpu.memory_space<hbm>>
        tpu.wait_dma2 semaphore(%arg20 : memref<!tpu.dma_semaphore, #tpu.memory_space<semaphore_mem>>) src(%dma_wait3A_541 : memref<400xf32, #tpu.memory_space<hbm>>) dst(%arg11 : memref<400xf32, #tpu.memory_space<vmem>>)
        %dma_start3A_542 = arith.constant 0 : i32
        %dma_start3A_543 = arith.constant 0 : i32
        %dma_start3A_544 = tpu.memref_slice %arg7[%dma_start3A_542, %dma_start3A_543] : memref<2x400xi32, #tpu.memory_space<vmem>> -> memref<1x400xi32, #tpu.memory_space<vmem>>
        %dma_start3A_545 = tpu.memref_squeeze %dma_start3A_544 : memref<1x400xi32, #tpu.memory_space<vmem>> -> memref<400xi32, #tpu.memory_space<vmem>>
        %dma_start3A_546 = arith.constant 0 : i32
        %dma_start3A_547 = arith.constant 0 : i32
        %dma_start3A_548 = tpu.memref_slice %arg2[%dma_start3A_546, %dma_start3A_547] : memref<100096x16xf32, #tpu.memory_space<hbm>> -> memref<100096x16xf32, #tpu.memory_space<hbm>>
        tpu.enqueue_indirect_dma source(%dma_start3A_548 : memref<100096x16xf32, #tpu.memory_space<hbm>>) target(%arg15 : memref<400x16xf32, #tpu.memory_space<vmem>>) offsets(%dma_start3A_545 : memref<400xi32, #tpu.memory_space<vmem>>) semaphore(%arg24 : memref<!tpu.dma_semaphore, #tpu.memory_space<semaphore_mem>>)
      } else {
      }
      %dma_wait3A_495 = arith.constant 0 : i32
      %dma_wait3A_496 = arith.constant 0 : i32
      %dma_wait3A_497 = tpu.memref_slice %arg10[%dma_wait3A_495, %dma_wait3A_496] : memref<2x400xi32, #tpu.memory_space<vmem>> -> memref<1x400xi32, #tpu.memory_space<vmem>>
      %dma_wait3A_498 = tpu.memref_squeeze %dma_wait3A_497 : memref<1x400xi32, #tpu.memory_space<vmem>> -> memref<400xi32, #tpu.memory_space<vmem>>
      %dma_wait3A_499 = arith.constant 0 : i32
      %dma_wait3A_500 = arith.constant 0 : i32
      %dma_wait3A_501 = tpu.memref_slice %arg2[%dma_wait3A_499, %dma_wait3A_500] : memref<100096x16xf32, #tpu.memory_space<hbm>> -> memref<100096x16xf32, #tpu.memory_space<hbm>>
      tpu.wait_indirect_dma semaphore(%arg27 : memref<!tpu.dma_semaphore, #tpu.memory_space<semaphore_mem>>) src(%dma_wait3A_501 : memref<100096x16xf32, #tpu.memory_space<hbm>>) dst(%arg18 : memref<400x16xf32, #tpu.memory_space<vmem>>)
      %scan3A_502 = arith.constant 0 : i32
      %scan3A_503 = arith.constant 0 : i32
      %scan3A_504 = arith.constant 25 : i32
      %scan3A_505 = arith.addi %scan3A_503, %scan3A_504 : i32
      %scan3A_506 = arith.constant 1 : i32
      %scan3A_507 = scf.for %scan3A_517 = %scan3A_503 to %scan3A_505 step %scan3A_506 iter_args(%scan3A_518 = %scan3A_502) -> (i32)  : i32 {
        %mul3A_519 = arith.constant 16 : i32
        %mul3A_520 = arith.muli %scan3A_517, %mul3A_519 : i32
        %get3A = arith.index_cast %mul3A_520 : i32 to index
        %get3A_521 = tpu.vector_load %arg14[%get3A] {strides = array<i32>} : memref<400xf32, #tpu.memory_space<vmem>>, vector<16xf32>,
        %get3A_522 = vector.shape_cast %get3A_521 : vector<16xf32> to vector<16xf32>
        %mul3A_523 = arith.constant 16 : i32
        %mul3A_524 = arith.muli %scan3A_517, %mul3A_523 : i32
        %add3A_525 = arith.constant 0 : i32
        %add3A_526 = arith.addi %mul3A_524, %add3A_525 : i32
        %broadcast_in_dim3A = arith.constant 0 : i32
        %broadcast_in_dim3A_527 = vector.broadcast %broadcast_in_dim3A : i32 to vector<16x1xi32>
        %gather3A = vector.shape_cast %broadcast_in_dim3A_527 : vector<16x1xi32> to vector<16xi32>
        %gather3A_528 = tpu.dynamic_gather %get3A_522[%gather3A] in [0] : vector<16xf32>, vector<16xi32> -> vector<16xf32>
        %get3A_529 = arith.index_cast %add3A_526 : i32 to index
        %get3A_530 = arith.constant 0 : index
        %get3A_531 = tpu.vector_load %arg18[%get3A_529, %get3A_530] {strides = array<i32>} : memref<400x16xf32, #tpu.memory_space<vmem>>, vector<1x16xf32>,
        %get3A_532 = vector.shape_cast %get3A_531 : vector<1x16xf32> to vector<16xf32>
        %mul3A_533 = arith.mulf %get3A_532, %gather3A_528 : vector<16xf32>
        %swap3A = arith.index_cast %add3A_526 : i32 to index
        %swap3A_534 = arith.constant 0 : index
        %swap3A_535 = tpu.vector_load %arg18[%swap3A, %swap3A_534] {strides = array<i32>} : memref<400x16xf32, #tpu.memory_space<vmem>>, vector<1x16xf32>,
        %swap3A_536 = vector.shape_cast %swap3A_535 : vector<1x16xf32> to vector<16xf32>
        %swap3A_537 = vector.shape_cast %mul3A_533 : vector<16xf32> to vector<1x16xf32>
        tpu.vector_store %arg18[%swap3A, %swap3A_534], %swap3A_537 {strides = array<i32>} : memref<400x16xf32, #tpu.memory_space<vmem>>, vector<1x16xf32>,
        %mul3A_538 = arith.constant 16 : i32
        %mul3A_539 = arith.muli %scan3A_517, %mul3A_538 : i32
        %add3A_540 = arith.constant 1 : i32
        %add3A_541 = arith.addi %mul3A_539, %add3A_540 : i32
        %broadcast_in_dim3A_542 = arith.constant 1 : i32
        %broadcast_in_dim3A_543 = vector.broadcast %broadcast_in_dim3A_542 : i32 to vector<16x1xi32>
        %gather3A_544 = vector.shape_cast %broadcast_in_dim3A_543 : vector<16x1xi32> to vector<16xi32>
        %gather3A_545 = tpu.dynamic_gather %get3A_522[%gather3A_544] in [0] : vector<16xf32>, vector<16xi32> -> vector<16xf32>
        %get3A_546 = arith.index_cast %add3A_541 : i32 to index
        %get3A_547 = arith.constant 0 : index
        %get3A_548 = tpu.vector_load %arg18[%get3A_546, %get3A_547] {strides = array<i32>} : memref<400x16xf32, #tpu.memory_space<vmem>>, vector<1x16xf32>,
        %get3A_549 = vector.shape_cast %get3A_548 : vector<1x16xf32> to vector<16xf32>
        %mul3A_550 = arith.mulf %get3A_549, %gather3A_545 : vector<16xf32>
        %swap3A_551 = arith.index_cast %add3A_541 : i32 to index
        %swap3A_552 = arith.constant 0 : index
        %swap3A_553 = tpu.vector_load %arg18[%swap3A_551, %swap3A_552] {strides = array<i32>} : memref<400x16xf32, #tpu.memory_space<vmem>>, vector<1x16xf32>,
        %swap3A_554 = vector.shape_cast %swap3A_553 : vector<1x16xf32> to vector<16xf32>
        %swap3A_555 = vector.shape_cast %mul3A_550 : vector<16xf32> to vector<1x16xf32>
        tpu.vector_store %arg18[%swap3A_551, %swap3A_552], %swap3A_555 {strides = array<i32>} : memref<400x16xf32, #tpu.memory_space<vmem>>, vector<1x16xf32>,
        %mul3A_556 = arith.constant 16 : i32
        %mul3A_557 = arith.muli %scan3A_517, %mul3A_556 : i32
        %add3A_558 = arith.constant 2 : i32
        %add3A_559 = arith.addi %mul3A_557, %add3A_558 : i32
        %broadcast_in_dim3A_560 = arith.constant 2 : i32
        %broadcast_in_dim3A_561 = vector.broadcast %broadcast_in_dim3A_560 : i32 to vector<16x1xi32>
        %gather3A_562 = vector.shape_cast %broadcast_in_dim3A_561 : vector<16x1xi32> to vector<16xi32>
        %gather3A_563 = tpu.dynamic_gather %get3A_522[%gather3A_562] in [0] : vector<16xf32>, vector<16xi32> -> vector<16xf32>
        %get3A_564 = arith.index_cast %add3A_559 : i32 to index
        %get3A_565 = arith.constant 0 : index
        %get3A_566 = tpu.vector_load %arg18[%get3A_564, %get3A_565] {strides = array<i32>} : memref<400x16xf32, #tpu.memory_space<vmem>>, vector<1x16xf32>,
        %get3A_567 = vector.shape_cast %get3A_566 : vector<1x16xf32> to vector<16xf32>
        %mul3A_568 = arith.mulf %get3A_567, %gather3A_563 : vector<16xf32>
        %swap3A_569 = arith.index_cast %add3A_559 : i32 to index
        %swap3A_570 = arith.constant 0 : index
        %swap3A_571 = tpu.vector_load %arg18[%swap3A_569, %swap3A_570] {strides = array<i32>} : memref<400x16xf32, #tpu.memory_space<vmem>>, vector<1x16xf32>,
        %swap3A_572 = vector.shape_cast %swap3A_571 : vector<1x16xf32> to vector<16xf32>
        %swap3A_573 = vector.shape_cast %mul3A_568 : vector<16xf32> to vector<1x16xf32>
        tpu.vector_store %arg18[%swap3A_569, %swap3A_570], %swap3A_573 {strides = array<i32>} : memref<400x16xf32, #tpu.memory_space<vmem>>, vector<1x16xf32>,
        %mul3A_574 = arith.constant 16 : i32
        %mul3A_575 = arith.muli %scan3A_517, %mul3A_574 : i32
        %add3A_576 = arith.constant 3 : i32
        %add3A_577 = arith.addi %mul3A_575, %add3A_576 : i32
        %broadcast_in_dim3A_578 = arith.constant 3 : i32
        %broadcast_in_dim3A_579 = vector.broadcast %broadcast_in_dim3A_578 : i32 to vector<16x1xi32>
        %gather3A_580 = vector.shape_cast %broadcast_in_dim3A_579 : vector<16x1xi32> to vector<16xi32>
        %gather3A_581 = tpu.dynamic_gather %get3A_522[%gather3A_580] in [0] : vector<16xf32>, vector<16xi32> -> vector<16xf32>
        %get3A_582 = arith.index_cast %add3A_577 : i32 to index
        %get3A_583 = arith.constant 0 : index
        %get3A_584 = tpu.vector_load %arg18[%get3A_582, %get3A_583] {strides = array<i32>} : memref<400x16xf32, #tpu.memory_space<vmem>>, vector<1x16xf32>,
        %get3A_585 = vector.shape_cast %get3A_584 : vector<1x16xf32> to vector<16xf32>
        %mul3A_586 = arith.mulf %get3A_585, %gather3A_581 : vector<16xf32>
        %swap3A_587 = arith.index_cast %add3A_577 : i32 to index
        %swap3A_588 = arith.constant 0 : index
        %swap3A_589 = tpu.vector_load %arg18[%swap3A_587, %swap3A_588] {strides = array<i32>} : memref<400x16xf32, #tpu.memory_space<vmem>>, vector<1x16xf32>,
        %swap3A_590 = vector.shape_cast %swap3A_589 : vector<1x16xf32> to vector<16xf32>
        %swap3A_591 = vector.shape_cast %mul3A_586 : vector<16xf32> to vector<1x16xf32>
        tpu.vector_store %arg18[%swap3A_587, %swap3A_588], %swap3A_591 {strides = array<i32>} : memref<400x16xf32, #tpu.memory_space<vmem>>, vector<1x16xf32>,
        %mul3A_592 = arith.constant 16 : i32
        %mul3A_593 = arith.muli %scan3A_517, %mul3A_592 : i32
        %add3A_594 = arith.constant 4 : i32
        %add3A_595 = arith.addi %mul3A_593, %add3A_594 : i32
        %broadcast_in_dim3A_596 = arith.constant 4 : i32
        %broadcast_in_dim3A_597 = vector.broadcast %broadcast_in_dim3A_596 : i32 to vector<16x1xi32>
        %gather3A_598 = vector.shape_cast %broadcast_in_dim3A_597 : vector<16x1xi32> to vector<16xi32>
        %gather3A_599 = tpu.dynamic_gather %get3A_522[%gather3A_598] in [0] : vector<16xf32>, vector<16xi32> -> vector<16xf32>
        %get3A_600 = arith.index_cast %add3A_595 : i32 to index
        %get3A_601 = arith.constant 0 : index
        %get3A_602 = tpu.vector_load %arg18[%get3A_600, %get3A_601] {strides = array<i32>} : memref<400x16xf32, #tpu.memory_space<vmem>>, vector<1x16xf32>,
        %get3A_603 = vector.shape_cast %get3A_602 : vector<1x16xf32> to vector<16xf32>
        %mul3A_604 = arith.mulf %get3A_603, %gather3A_599 : vector<16xf32>
        %swap3A_605 = arith.index_cast %add3A_595 : i32 to index
        %swap3A_606 = arith.constant 0 : index
        %swap3A_607 = tpu.vector_load %arg18[%swap3A_605, %swap3A_606] {strides = array<i32>} : memref<400x16xf32, #tpu.memory_space<vmem>>, vector<1x16xf32>,
        %swap3A_608 = vector.shape_cast %swap3A_607 : vector<1x16xf32> to vector<16xf32>
        %swap3A_609 = vector.shape_cast %mul3A_604 : vector<16xf32> to vector<1x16xf32>
        tpu.vector_store %arg18[%swap3A_605, %swap3A_606], %swap3A_609 {strides = array<i32>} : memref<400x16xf32, #tpu.memory_space<vmem>>, vector<1x16xf32>,
        %mul3A_610 = arith.constant 16 : i32
        %mul3A_611 = arith.muli %scan3A_517, %mul3A_610 : i32
        %add3A_612 = arith.constant 5 : i32
        %add3A_613 = arith.addi %mul3A_611, %add3A_612 : i32
        %broadcast_in_dim3A_614 = arith.constant 5 : i32
        %broadcast_in_dim3A_615 = vector.broadcast %broadcast_in_dim3A_614 : i32 to vector<16x1xi32>
        %gather3A_616 = vector.shape_cast %broadcast_in_dim3A_615 : vector<16x1xi32> to vector<16xi32>
        %gather3A_617 = tpu.dynamic_gather %get3A_522[%gather3A_616] in [0] : vector<16xf32>, vector<16xi32> -> vector<16xf32>
        %get3A_618 = arith.index_cast %add3A_613 : i32 to index
        %get3A_619 = arith.constant 0 : index
        %get3A_620 = tpu.vector_load %arg18[%get3A_618, %get3A_619] {strides = array<i32>} : memref<400x16xf32, #tpu.memory_space<vmem>>, vector<1x16xf32>,
        %get3A_621 = vector.shape_cast %get3A_620 : vector<1x16xf32> to vector<16xf32>
        %mul3A_622 = arith.mulf %get3A_621, %gather3A_617 : vector<16xf32>
        %swap3A_623 = arith.index_cast %add3A_613 : i32 to index
        %swap3A_624 = arith.constant 0 : index
        %swap3A_625 = tpu.vector_load %arg18[%swap3A_623, %swap3A_624] {strides = array<i32>} : memref<400x16xf32, #tpu.memory_space<vmem>>, vector<1x16xf32>,
        %swap3A_626 = vector.shape_cast %swap3A_625 : vector<1x16xf32> to vector<16xf32>
        %swap3A_627 = vector.shape_cast %mul3A_622 : vector<16xf32> to vector<1x16xf32>
        tpu.vector_store %arg18[%swap3A_623, %swap3A_624], %swap3A_627 {strides = array<i32>} : memref<400x16xf32, #tpu.memory_space<vmem>>, vector<1x16xf32>,
        %mul3A_628 = arith.constant 16 : i32
        %mul3A_629 = arith.muli %scan3A_517, %mul3A_628 : i32
        %add3A_630 = arith.constant 6 : i32
        %add3A_631 = arith.addi %mul3A_629, %add3A_630 : i32
        %broadcast_in_dim3A_632 = arith.constant 6 : i32
        %broadcast_in_dim3A_633 = vector.broadcast %broadcast_in_dim3A_632 : i32 to vector<16x1xi32>
        %gather3A_634 = vector.shape_cast %broadcast_in_dim3A_633 : vector<16x1xi32> to vector<16xi32>
        %gather3A_635 = tpu.dynamic_gather %get3A_522[%gather3A_634] in [0] : vector<16xf32>, vector<16xi32> -> vector<16xf32>
        %get3A_636 = arith.index_cast %add3A_631 : i32 to index
        %get3A_637 = arith.constant 0 : index
        %get3A_638 = tpu.vector_load %arg18[%get3A_636, %get3A_637] {strides = array<i32>} : memref<400x16xf32, #tpu.memory_space<vmem>>, vector<1x16xf32>,
        %get3A_639 = vector.shape_cast %get3A_638 : vector<1x16xf32> to vector<16xf32>
        %mul3A_640 = arith.mulf %get3A_639, %gather3A_635 : vector<16xf32>
        %swap3A_641 = arith.index_cast %add3A_631 : i32 to index
        %swap3A_642 = arith.constant 0 : index
        %swap3A_643 = tpu.vector_load %arg18[%swap3A_641, %swap3A_642] {strides = array<i32>} : memref<400x16xf32, #tpu.memory_space<vmem>>, vector<1x16xf32>,
        %swap3A_644 = vector.shape_cast %swap3A_643 : vector<1x16xf32> to vector<16xf32>
        %swap3A_645 = vector.shape_cast %mul3A_640 : vector<16xf32> to vector<1x16xf32>
        tpu.vector_store %arg18[%swap3A_641, %swap3A_642], %swap3A_645 {strides = array<i32>} : memref<400x16xf32, #tpu.memory_space<vmem>>, vector<1x16xf32>,
        %mul3A_646 = arith.constant 16 : i32
        %mul3A_647 = arith.muli %scan3A_517, %mul3A_646 : i32
        %add3A_648 = arith.constant 7 : i32
        %add3A_649 = arith.addi %mul3A_647, %add3A_648 : i32
        %broadcast_in_dim3A_650 = arith.constant 7 : i32
        %broadcast_in_dim3A_651 = vector.broadcast %broadcast_in_dim3A_650 : i32 to vector<16x1xi32>
        %gather3A_652 = vector.shape_cast %broadcast_in_dim3A_651 : vector<16x1xi32> to vector<16xi32>
        %gather3A_653 = tpu.dynamic_gather %get3A_522[%gather3A_652] in [0] : vector<16xf32>, vector<16xi32> -> vector<16xf32>
        %get3A_654 = arith.index_cast %add3A_649 : i32 to index
        %get3A_655 = arith.constant 0 : index
        %get3A_656 = tpu.vector_load %arg18[%get3A_654, %get3A_655] {strides = array<i32>} : memref<400x16xf32, #tpu.memory_space<vmem>>, vector<1x16xf32>,
        %get3A_657 = vector.shape_cast %get3A_656 : vector<1x16xf32> to vector<16xf32>
        %mul3A_658 = arith.mulf %get3A_657, %gather3A_653 : vector<16xf32>
        %swap3A_659 = arith.index_cast %add3A_649 : i32 to index
        %swap3A_660 = arith.constant 0 : index
        %swap3A_661 = tpu.vector_load %arg18[%swap3A_659, %swap3A_660] {strides = array<i32>} : memref<400x16xf32, #tpu.memory_space<vmem>>, vector<1x16xf32>,
        %swap3A_662 = vector.shape_cast %swap3A_661 : vector<1x16xf32> to vector<16xf32>
        %swap3A_663 = vector.shape_cast %mul3A_658 : vector<16xf32> to vector<1x16xf32>
        tpu.vector_store %arg18[%swap3A_659, %swap3A_660], %swap3A_663 {strides = array<i32>} : memref<400x16xf32, #tpu.memory_space<vmem>>, vector<1x16xf32>,
        %mul3A_664 = arith.constant 16 : i32
        %mul3A_665 = arith.muli %scan3A_517, %mul3A_664 : i32
        %add3A_666 = arith.constant 8 : i32
        %add3A_667 = arith.addi %mul3A_665, %add3A_666 : i32
        %broadcast_in_dim3A_668 = arith.constant 8 : i32
        %broadcast_in_dim3A_669 = vector.broadcast %broadcast_in_dim3A_668 : i32 to vector<16x1xi32>
        %gather3A_670 = vector.shape_cast %broadcast_in_dim3A_669 : vector<16x1xi32> to vector<16xi32>
        %gather3A_671 = tpu.dynamic_gather %get3A_522[%gather3A_670] in [0] : vector<16xf32>, vector<16xi32> -> vector<16xf32>
        %get3A_672 = arith.index_cast %add3A_667 : i32 to index
        %get3A_673 = arith.constant 0 : index
        %get3A_674 = tpu.vector_load %arg18[%get3A_672, %get3A_673] {strides = array<i32>} : memref<400x16xf32, #tpu.memory_space<vmem>>, vector<1x16xf32>,
        %get3A_675 = vector.shape_cast %get3A_674 : vector<1x16xf32> to vector<16xf32>
        %mul3A_676 = arith.mulf %get3A_675, %gather3A_671 : vector<16xf32>
        %swap3A_677 = arith.index_cast %add3A_667 : i32 to index
        %swap3A_678 = arith.constant 0 : index
        %swap3A_679 = tpu.vector_load %arg18[%swap3A_677, %swap3A_678] {strides = array<i32>} : memref<400x16xf32, #tpu.memory_space<vmem>>, vector<1x16xf32>,
        %swap3A_680 = vector.shape_cast %swap3A_679 : vector<1x16xf32> to vector<16xf32>
        %swap3A_681 = vector.shape_cast %mul3A_676 : vector<16xf32> to vector<1x16xf32>
        tpu.vector_store %arg18[%swap3A_677, %swap3A_678], %swap3A_681 {strides = array<i32>} : memref<400x16xf32, #tpu.memory_space<vmem>>, vector<1x16xf32>,
        %mul3A_682 = arith.constant 16 : i32
        %mul3A_683 = arith.muli %scan3A_517, %mul3A_682 : i32
        %add3A_684 = arith.constant 9 : i32
        %add3A_685 = arith.addi %mul3A_683, %add3A_684 : i32
        %broadcast_in_dim3A_686 = arith.constant 9 : i32
        %broadcast_in_dim3A_687 = vector.broadcast %broadcast_in_dim3A_686 : i32 to vector<16x1xi32>
        %gather3A_688 = vector.shape_cast %broadcast_in_dim3A_687 : vector<16x1xi32> to vector<16xi32>
        %gather3A_689 = tpu.dynamic_gather %get3A_522[%gather3A_688] in [0] : vector<16xf32>, vector<16xi32> -> vector<16xf32>
        %get3A_690 = arith.index_cast %add3A_685 : i32 to index
        %get3A_691 = arith.constant 0 : index
        %get3A_692 = tpu.vector_load %arg18[%get3A_690, %get3A_691] {strides = array<i32>} : memref<400x16xf32, #tpu.memory_space<vmem>>, vector<1x16xf32>,
        %get3A_693 = vector.shape_cast %get3A_692 : vector<1x16xf32> to vector<16xf32>
        %mul3A_694 = arith.mulf %get3A_693, %gather3A_689 : vector<16xf32>
        %swap3A_695 = arith.index_cast %add3A_685 : i32 to index
        %swap3A_696 = arith.constant 0 : index
        %swap3A_697 = tpu.vector_load %arg18[%swap3A_695, %swap3A_696] {strides = array<i32>} : memref<400x16xf32, #tpu.memory_space<vmem>>, vector<1x16xf32>,
        %swap3A_698 = vector.shape_cast %swap3A_697 : vector<1x16xf32> to vector<16xf32>
        %swap3A_699 = vector.shape_cast %mul3A_694 : vector<16xf32> to vector<1x16xf32>
        tpu.vector_store %arg18[%swap3A_695, %swap3A_696], %swap3A_699 {strides = array<i32>} : memref<400x16xf32, #tpu.memory_space<vmem>>, vector<1x16xf32>,
        %mul3A_700 = arith.constant 16 : i32
        %mul3A_701 = arith.muli %scan3A_517, %mul3A_700 : i32
        %add3A_702 = arith.constant 10 : i32
        %add3A_703 = arith.addi %mul3A_701, %add3A_702 : i32
        %broadcast_in_dim3A_704 = arith.constant 10 : i32
        %broadcast_in_dim3A_705 = vector.broadcast %broadcast_in_dim3A_704 : i32 to vector<16x1xi32>
        %gather3A_706 = vector.shape_cast %broadcast_in_dim3A_705 : vector<16x1xi32> to vector<16xi32>
        %gather3A_707 = tpu.dynamic_gather %get3A_522[%gather3A_706] in [0] : vector<16xf32>, vector<16xi32> -> vector<16xf32>
        %get3A_708 = arith.index_cast %add3A_703 : i32 to index
        %get3A_709 = arith.constant 0 : index
        %get3A_710 = tpu.vector_load %arg18[%get3A_708, %get3A_709] {strides = array<i32>} : memref<400x16xf32, #tpu.memory_space<vmem>>, vector<1x16xf32>,
        %get3A_711 = vector.shape_cast %get3A_710 : vector<1x16xf32> to vector<16xf32>
        %mul3A_712 = arith.mulf %get3A_711, %gather3A_707 : vector<16xf32>
        %swap3A_713 = arith.index_cast %add3A_703 : i32 to index
        %swap3A_714 = arith.constant 0 : index
        %swap3A_715 = tpu.vector_load %arg18[%swap3A_713, %swap3A_714] {strides = array<i32>} : memref<400x16xf32, #tpu.memory_space<vmem>>, vector<1x16xf32>,
        %swap3A_716 = vector.shape_cast %swap3A_715 : vector<1x16xf32> to vector<16xf32>
        %swap3A_717 = vector.shape_cast %mul3A_712 : vector<16xf32> to vector<1x16xf32>
        tpu.vector_store %arg18[%swap3A_713, %swap3A_714], %swap3A_717 {strides = array<i32>} : memref<400x16xf32, #tpu.memory_space<vmem>>, vector<1x16xf32>,
        %mul3A_718 = arith.constant 16 : i32
        %mul3A_719 = arith.muli %scan3A_517, %mul3A_718 : i32
        %add3A_720 = arith.constant 11 : i32
        %add3A_721 = arith.addi %mul3A_719, %add3A_720 : i32
        %broadcast_in_dim3A_722 = arith.constant 11 : i32
        %broadcast_in_dim3A_723 = vector.broadcast %broadcast_in_dim3A_722 : i32 to vector<16x1xi32>
        %gather3A_724 = vector.shape_cast %broadcast_in_dim3A_723 : vector<16x1xi32> to vector<16xi32>
        %gather3A_725 = tpu.dynamic_gather %get3A_522[%gather3A_724] in [0] : vector<16xf32>, vector<16xi32> -> vector<16xf32>
        %get3A_726 = arith.index_cast %add3A_721 : i32 to index
        %get3A_727 = arith.constant 0 : index
        %get3A_728 = tpu.vector_load %arg18[%get3A_726, %get3A_727] {strides = array<i32>} : memref<400x16xf32, #tpu.memory_space<vmem>>, vector<1x16xf32>,
        %get3A_729 = vector.shape_cast %get3A_728 : vector<1x16xf32> to vector<16xf32>
        %mul3A_730 = arith.mulf %get3A_729, %gather3A_725 : vector<16xf32>
        %swap3A_731 = arith.index_cast %add3A_721 : i32 to index
        %swap3A_732 = arith.constant 0 : index
        %swap3A_733 = tpu.vector_load %arg18[%swap3A_731, %swap3A_732] {strides = array<i32>} : memref<400x16xf32, #tpu.memory_space<vmem>>, vector<1x16xf32>,
        %swap3A_734 = vector.shape_cast %swap3A_733 : vector<1x16xf32> to vector<16xf32>
        %swap3A_735 = vector.shape_cast %mul3A_730 : vector<16xf32> to vector<1x16xf32>
        tpu.vector_store %arg18[%swap3A_731, %swap3A_732], %swap3A_735 {strides = array<i32>} : memref<400x16xf32, #tpu.memory_space<vmem>>, vector<1x16xf32>,
        %mul3A_736 = arith.constant 16 : i32
        %mul3A_737 = arith.muli %scan3A_517, %mul3A_736 : i32
        %add3A_738 = arith.constant 12 : i32
        %add3A_739 = arith.addi %mul3A_737, %add3A_738 : i32
        %broadcast_in_dim3A_740 = arith.constant 12 : i32
        %broadcast_in_dim3A_741 = vector.broadcast %broadcast_in_dim3A_740 : i32 to vector<16x1xi32>
        %gather3A_742 = vector.shape_cast %broadcast_in_dim3A_741 : vector<16x1xi32> to vector<16xi32>
        %gather3A_743 = tpu.dynamic_gather %get3A_522[%gather3A_742] in [0] : vector<16xf32>, vector<16xi32> -> vector<16xf32>
        %get3A_744 = arith.index_cast %add3A_739 : i32 to index
        %get3A_745 = arith.constant 0 : index
        %get3A_746 = tpu.vector_load %arg18[%get3A_744, %get3A_745] {strides = array<i32>} : memref<400x16xf32, #tpu.memory_space<vmem>>, vector<1x16xf32>,
        %get3A_747 = vector.shape_cast %get3A_746 : vector<1x16xf32> to vector<16xf32>
        %mul3A_748 = arith.mulf %get3A_747, %gather3A_743 : vector<16xf32>
        %swap3A_749 = arith.index_cast %add3A_739 : i32 to index
        %swap3A_750 = arith.constant 0 : index
        %swap3A_751 = tpu.vector_load %arg18[%swap3A_749, %swap3A_750] {strides = array<i32>} : memref<400x16xf32, #tpu.memory_space<vmem>>, vector<1x16xf32>,
        %swap3A_752 = vector.shape_cast %swap3A_751 : vector<1x16xf32> to vector<16xf32>
        %swap3A_753 = vector.shape_cast %mul3A_748 : vector<16xf32> to vector<1x16xf32>
        tpu.vector_store %arg18[%swap3A_749, %swap3A_750], %swap3A_753 {strides = array<i32>} : memref<400x16xf32, #tpu.memory_space<vmem>>, vector<1x16xf32>,
        %mul3A_754 = arith.constant 16 : i32
        %mul3A_755 = arith.muli %scan3A_517, %mul3A_754 : i32
        %add3A_756 = arith.constant 13 : i32
        %add3A_757 = arith.addi %mul3A_755, %add3A_756 : i32
        %broadcast_in_dim3A_758 = arith.constant 13 : i32
        %broadcast_in_dim3A_759 = vector.broadcast %broadcast_in_dim3A_758 : i32 to vector<16x1xi32>
        %gather3A_760 = vector.shape_cast %broadcast_in_dim3A_759 : vector<16x1xi32> to vector<16xi32>
        %gather3A_761 = tpu.dynamic_gather %get3A_522[%gather3A_760] in [0] : vector<16xf32>, vector<16xi32> -> vector<16xf32>
        %get3A_762 = arith.index_cast %add3A_757 : i32 to index
        %get3A_763 = arith.constant 0 : index
        %get3A_764 = tpu.vector_load %arg18[%get3A_762, %get3A_763] {strides = array<i32>} : memref<400x16xf32, #tpu.memory_space<vmem>>, vector<1x16xf32>,
        %get3A_765 = vector.shape_cast %get3A_764 : vector<1x16xf32> to vector<16xf32>
        %mul3A_766 = arith.mulf %get3A_765, %gather3A_761 : vector<16xf32>
        %swap3A_767 = arith.index_cast %add3A_757 : i32 to index
        %swap3A_768 = arith.constant 0 : index
        %swap3A_769 = tpu.vector_load %arg18[%swap3A_767, %swap3A_768] {strides = array<i32>} : memref<400x16xf32, #tpu.memory_space<vmem>>, vector<1x16xf32>,
        %swap3A_770 = vector.shape_cast %swap3A_769 : vector<1x16xf32> to vector<16xf32>
        %swap3A_771 = vector.shape_cast %mul3A_766 : vector<16xf32> to vector<1x16xf32>
        tpu.vector_store %arg18[%swap3A_767, %swap3A_768], %swap3A_771 {strides = array<i32>} : memref<400x16xf32, #tpu.memory_space<vmem>>, vector<1x16xf32>,
        %mul3A_772 = arith.constant 16 : i32
        %mul3A_773 = arith.muli %scan3A_517, %mul3A_772 : i32
        %add3A_774 = arith.constant 14 : i32
        %add3A_775 = arith.addi %mul3A_773, %add3A_774 : i32
        %broadcast_in_dim3A_776 = arith.constant 14 : i32
        %broadcast_in_dim3A_777 = vector.broadcast %broadcast_in_dim3A_776 : i32 to vector<16x1xi32>
        %gather3A_778 = vector.shape_cast %broadcast_in_dim3A_777 : vector<16x1xi32> to vector<16xi32>
        %gather3A_779 = tpu.dynamic_gather %get3A_522[%gather3A_778] in [0] : vector<16xf32>, vector<16xi32> -> vector<16xf32>
        %get3A_780 = arith.index_cast %add3A_775 : i32 to index
        %get3A_781 = arith.constant 0 : index
        %get3A_782 = tpu.vector_load %arg18[%get3A_780, %get3A_781] {strides = array<i32>} : memref<400x16xf32, #tpu.memory_space<vmem>>, vector<1x16xf32>,
        %get3A_783 = vector.shape_cast %get3A_782 : vector<1x16xf32> to vector<16xf32>
        %mul3A_784 = arith.mulf %get3A_783, %gather3A_779 : vector<16xf32>
        %swap3A_785 = arith.index_cast %add3A_775 : i32 to index
        %swap3A_786 = arith.constant 0 : index
        %swap3A_787 = tpu.vector_load %arg18[%swap3A_785, %swap3A_786] {strides = array<i32>} : memref<400x16xf32, #tpu.memory_space<vmem>>, vector<1x16xf32>,
        %swap3A_788 = vector.shape_cast %swap3A_787 : vector<1x16xf32> to vector<16xf32>
        %swap3A_789 = vector.shape_cast %mul3A_784 : vector<16xf32> to vector<1x16xf32>
        tpu.vector_store %arg18[%swap3A_785, %swap3A_786], %swap3A_789 {strides = array<i32>} : memref<400x16xf32, #tpu.memory_space<vmem>>, vector<1x16xf32>,
        %mul3A_790 = arith.constant 16 : i32
        %mul3A_791 = arith.muli %scan3A_517, %mul3A_790 : i32
        %add3A_792 = arith.constant 15 : i32
        %add3A_793 = arith.addi %mul3A_791, %add3A_792 : i32
        %broadcast_in_dim3A_794 = arith.constant 15 : i32
        %broadcast_in_dim3A_795 = vector.broadcast %broadcast_in_dim3A_794 : i32 to vector<16x1xi32>
        %gather3A_796 = vector.shape_cast %broadcast_in_dim3A_795 : vector<16x1xi32> to vector<16xi32>
        %gather3A_797 = tpu.dynamic_gather %get3A_522[%gather3A_796] in [0] : vector<16xf32>, vector<16xi32> -> vector<16xf32>
        %get3A_798 = arith.index_cast %add3A_793 : i32 to index
        %get3A_799 = arith.constant 0 : index
        %get3A_800 = tpu.vector_load %arg18[%get3A_798, %get3A_799] {strides = array<i32>} : memref<400x16xf32, #tpu.memory_space<vmem>>, vector<1x16xf32>,
        %get3A_801 = vector.shape_cast %get3A_800 : vector<1x16xf32> to vector<16xf32>
        %mul3A_802 = arith.mulf %get3A_801, %gather3A_797 : vector<16xf32>
        %swap3A_803 = arith.index_cast %add3A_793 : i32 to index
        %swap3A_804 = arith.constant 0 : index
        %swap3A_805 = tpu.vector_load %arg18[%swap3A_803, %swap3A_804] {strides = array<i32>} : memref<400x16xf32, #tpu.memory_space<vmem>>, vector<1x16xf32>,
        %swap3A_806 = vector.shape_cast %swap3A_805 : vector<1x16xf32> to vector<16xf32>
        %swap3A_807 = vector.shape_cast %mul3A_802 : vector<16xf32> to vector<1x16xf32>
        tpu.vector_store %arg18[%swap3A_803, %swap3A_804], %swap3A_807 {strides = array<i32>} : memref<400x16xf32, #tpu.memory_space<vmem>>, vector<1x16xf32>,
        %scan3A_808 = arith.constant 0 : i32
        scf.yield %scan3A_808 : i32
      }
      %scan3A_508 = arith.constant 25 : i32
      %dma_start3A_509 = arith.constant 1 : i32
      %dma_start3A_510 = arith.constant 0 : i32
      %dma_start3A_511 = tpu.memref_slice %arg10[%dma_start3A_509, %dma_start3A_510] : memref<2x400xi32, #tpu.memory_space<vmem>> -> memref<1x400xi32, #tpu.memory_space<vmem>>
      %dma_start3A_512 = tpu.memref_squeeze %dma_start3A_511 : memref<1x400xi32, #tpu.memory_space<vmem>> -> memref<400xi32, #tpu.memory_space<vmem>>
      %dma_start3A_513 = arith.constant 0 : i32
      %dma_start3A_514 = arith.constant 0 : i32
      %dma_start3A_515 = tpu.memref_slice %arg19[%dma_start3A_513, %dma_start3A_514] : memref<100096x16xf32, #tpu.memory_space<vmem_shared>> -> memref<100096x16xf32, #tpu.memory_space<vmem_shared>>
      tpu.enqueue_indirect_dma source(%arg18 : memref<400x16xf32, #tpu.memory_space<vmem>>) target(%dma_start3A_515 : memref<100096x16xf32, #tpu.memory_space<vmem_shared>>) offsets(%dma_start3A_512 : memref<400xi32, #tpu.memory_space<vmem>>) semaphore(%arg31 : memref<!tpu.dma_semaphore, #tpu.memory_space<semaphore_mem>>) {add = true}
      %scan3A_516 = arith.constant 0 : i32
      scf.yield %scan3A_516 : i32
    }
    %scan3A_214 = arith.constant 126 : i32
    %dma_wait3A_215 = arith.constant 1 : i32
    %dma_wait3A_216 = arith.constant 0 : i32
    %dma_wait3A_217 = tpu.memref_slice %arg9[%dma_wait3A_215, %dma_wait3A_216] : memref<2x400xi32, #tpu.memory_space<vmem>> -> memref<1x400xi32, #tpu.memory_space<vmem>>
    %dma_wait3A_218 = tpu.memref_squeeze %dma_wait3A_217 : memref<1x400xi32, #tpu.memory_space<vmem>> -> memref<400xi32, #tpu.memory_space<vmem>>
    %dma_wait3A_219 = arith.constant 0 : i32
    %dma_wait3A_220 = arith.constant 0 : i32
    %dma_wait3A_221 = tpu.memref_slice %arg19[%dma_wait3A_219, %dma_wait3A_220] : memref<100096x16xf32, #tpu.memory_space<vmem_shared>> -> memref<100096x16xf32, #tpu.memory_space<vmem_shared>>
    tpu.wait_indirect_dma semaphore(%arg30 : memref<!tpu.dma_semaphore, #tpu.memory_space<semaphore_mem>>) src(%arg17 : memref<400x16xf32, #tpu.memory_space<vmem>>) dst(%dma_wait3A_221 : memref<100096x16xf32, #tpu.memory_space<vmem_shared>>)
    %dma_wait3A_222 = arith.constant 1 : i32
    %dma_wait3A_223 = arith.constant 0 : i32
    %dma_wait3A_224 = tpu.memref_slice %arg10[%dma_wait3A_222, %dma_wait3A_223] : memref<2x400xi32, #tpu.memory_space<vmem>> -> memref<1x400xi32, #tpu.memory_space<vmem>>
    %dma_wait3A_225 = tpu.memref_squeeze %dma_wait3A_224 : memref<1x400xi32, #tpu.memory_space<vmem>> -> memref<400xi32, #tpu.memory_space<vmem>>
    %dma_wait3A_226 = arith.constant 0 : i32
    %dma_wait3A_227 = arith.constant 0 : i32
    %dma_wait3A_228 = tpu.memref_slice %arg19[%dma_wait3A_226, %dma_wait3A_227] : memref<100096x16xf32, #tpu.memory_space<vmem_shared>> -> memref<100096x16xf32, #tpu.memory_space<vmem_shared>>
    tpu.wait_indirect_dma semaphore(%arg31 : memref<!tpu.dma_semaphore, #tpu.memory_space<semaphore_mem>>) src(%arg18 : memref<400x16xf32, #tpu.memory_space<vmem>>) dst(%dma_wait3A_228 : memref<100096x16xf32, #tpu.memory_space<vmem_shared>>)
    %barrier3A_229 = arith.constant 0 : index
    tpu.barrier barrier_id(%barrier3A_229)
    %mul3A_230 = arith.constant 100096 : i32
    %mul3A_231 = arith.muli %arg0, %mul3A_230 : i32
    %add3A_232 = arith.addi %mul3A_231, %mul3A_6 : i32
    "tpu.region"() ({
      %run_scoped3A = tpu.sem_alloc : memref<!tpu.dma_semaphore, #tpu.memory_space<semaphore_mem>>
      %dma_start3A_233 = arith.constant 0 : i32
      %dma_start3A_234 = tpu.memref_slice %arg6[%add3A_232, %dma_start3A_233] : memref<200192x16xf32, #tpu.memory_space<hbm>> -> memref<6256x16xf32, #tpu.memory_space<hbm>>
      %dma_start3A_235 = arith.constant 0 : i32
      %dma_start3A_236 = tpu.memref_slice %arg19[%mul3A_6, %dma_start3A_235] : memref<100096x16xf32, #tpu.memory_space<vmem_shared>> -> memref<6256x16xf32, #tpu.memory_space<vmem_shared>>
      tpu.enqueue_dma source(%dma_start3A_236 : memref<6256x16xf32, #tpu.memory_space<vmem_shared>>) target(%dma_start3A_234 : memref<6256x16xf32, #tpu.memory_space<hbm>>) target_semaphore(%run_scoped3A : memref<!tpu.dma_semaphore, #tpu.memory_space<semaphore_mem>>)
      %dma_wait3A_237 = arith.constant 0 : i32
      %dma_wait3A_238 = tpu.memref_slice %arg6[%add3A_232, %dma_wait3A_237] : memref<200192x16xf32, #tpu.memory_space<hbm>> -> memref<6256x16xf32, #tpu.memory_space<hbm>>
      %dma_wait3A_239 = arith.constant 0 : i32
      %dma_wait3A_240 = tpu.memref_slice %arg19[%mul3A_6, %dma_wait3A_239] : memref<100096x16xf32, #tpu.memory_space<vmem_shared>> -> memref<6256x16xf32, #tpu.memory_space<vmem_shared>>
      tpu.wait_dma2 semaphore(%run_scoped3A : memref<!tpu.dma_semaphore, #tpu.memory_space<semaphore_mem>>) src(%dma_wait3A_240 : memref<6256x16xf32, #tpu.memory_space<vmem_shared>>) dst(%dma_wait3A_238 : memref<6256x16xf32, #tpu.memory_space<hbm>>)
      tpu.yield
    }) : () -> ()
    return
  }
}

module attributes {stable_mosaic.version = 14 : i64} {
  func.func @_recip(%arg0: i32, %arg1: memref<5040x128xf32, #tpu.memory_space<vmem>>, %arg2: memref<5040x128xf32, #tpu.memory_space<vmem>>) attributes {dimension_semantics = [#tpu.dimension_semantics<arbitrary>], iteration_bounds = array<i64: 10>, scalar_prefetch = 0 : i64, scratch_operands = 0 : i64, tpu.core_type = #tpu.core_type<tc>, window_params = [{transform_indices = @transform_0, window_bounds = array<i64: 5040, 128>}, {transform_indices = @transform_1, window_bounds = array<i64: 5040, 128>}]} {
    %get3A = arith.constant 0 : index
    %get3A_0 = arith.constant 0 : index
    %get3A_1 = vector.load %arg1[%get3A, %get3A_0] : memref<5040x128xf32, #tpu.memory_space<vmem>>, vector<5040x128xf32>
    %div3A = arith.constant 1.000000e+00 : f32
    %div3A_2 = vector.broadcast %div3A : f32 to vector<5040x128xf32>
    %div3A_3 = arith.divf %div3A_2, %get3A_1 : vector<5040x128xf32>
    %swap3A = arith.constant 0 : index
    %swap3A_4 = arith.constant 0 : index
    %swap3A_5 = vector.load %arg2[%swap3A, %swap3A_4] : memref<5040x128xf32, #tpu.memory_space<vmem>>, vector<5040x128xf32>
    tpu.vector_store %arg2[%swap3A, %swap3A_4], %div3A_3 {strides = array<i32>} : memref<5040x128xf32, #tpu.memory_space<vmem>>, vector<5040x128xf32>,
    return
  }
  func.func @transform_0(%arg0: i32) -> (i32, i32) {
    %c0_i32 = arith.constant 0 : i32
    %c0_i32_0 = arith.constant 0 : i32
    return %arg0, %c0_i32 : i32, i32
  }
  func.func @transform_1(%arg0: i32) -> (i32, i32) {
    %c0_i32 = arith.constant 0 : i32
    %c0_i32_0 = arith.constant 0 : i32
    return %arg0, %c0_i32 : i32, i32
  }
}

module attributes {stable_mosaic.version = 14 : i64} {
  func.func @_combine(%arg0: i32, %arg1: memref<1000x16xf32, #tpu.memory_space<vmem>>, %arg2: memref<1000x16xf32, #tpu.memory_space<vmem>>, %arg3: memref<1000x8xf32, #tpu.memory_space<vmem>>) attributes {dimension_semantics = [#tpu.dimension_semantics<arbitrary>], iteration_bounds = array<i64: 100>, scalar_prefetch = 0 : i64, scratch_operands = 0 : i64, tpu.core_type = #tpu.core_type<tc>, window_params = [{transform_indices = @transform_0, window_bounds = array<i64: 1000, 16>}, {transform_indices = @transform_1, window_bounds = array<i64: 1000, 16>}, {transform_indices = @transform_2, window_bounds = array<i64: 1000, 8>}]} {
    %get3A = arith.constant 0 : index
    %get3A_0 = arith.constant 0 : index
    %get3A_1 = vector.load %arg1[%get3A, %get3A_0] : memref<1000x16xf32, #tpu.memory_space<vmem>>, vector<1000x8xf32>
    %get3A_2 = arith.constant 0 : index
    %get3A_3 = arith.constant 0 : index
    %get3A_4 = vector.load %arg2[%get3A_2, %get3A_3] : memref<1000x16xf32, #tpu.memory_space<vmem>>, vector<1000x8xf32>
    %add3A = arith.addf %get3A_1, %get3A_4 : vector<1000x8xf32>
    %mul3A = arith.constant 5.000000e-01 : f32
    %mul3A_5 = vector.broadcast %mul3A : f32 to vector<1000x8xf32>
    %mul3A_6 = arith.mulf %add3A, %mul3A_5 : vector<1000x8xf32>
    %swap3A = arith.constant 0 : index
    %swap3A_7 = arith.constant 0 : index
    %swap3A_8 = vector.load %arg3[%swap3A, %swap3A_7] : memref<1000x8xf32, #tpu.memory_space<vmem>>, vector<1000x8xf32>
    tpu.vector_store %arg3[%swap3A, %swap3A_7], %mul3A_6 {strides = array<i32>} : memref<1000x8xf32, #tpu.memory_space<vmem>>, vector<1000x8xf32>,
    return
  }
  func.func @transform_0(%arg0: i32) -> (i32, i32) {
    %c0_i32 = arith.constant 0 : i32
    %c0_i32_0 = arith.constant 0 : i32
    return %arg0, %c0_i32 : i32, i32
  }
  func.func @transform_1(%arg0: i32) -> (i32, i32) {
    %c0_i32 = arith.constant 0 : i32
    %c0_i32_0 = arith.constant 0 : i32
    return %arg0, %c0_i32 : i32, i32
  }
  func.func @transform_2(%arg0: i32) -> (i32, i32) {
    %c0_i32 = arith.constant 0 : i32
    %c0_i32_0 = arith.constant 0 : i32
    return %arg0, %c0_i32 : i32, i32
  }
}

</mosaic_0001>

<sc_bundles>
// kernel: _impl.5.cloned.1.call-start
scs
__scs_entry_jumppad:
0x0: {  	(pc) =	sbr.rel $0x88, $3  }
0x1: {  	(tag) =	ssettag $0x0;
	lr =	simm.s32 $0x1  }
0x2: {  	[smem:$0x3F9E] =	sst lr;
	_ =	strace $0xD0000000  }
0x3: {  	_ = 	snop  }
0x4: {  	_ = 	snop  }
0x5: {  	_ = 	snop  }
0x6: {  	_ = 	snop  }
0x7: {  	_ = 	snop  }
__scs_overlays_trampoline_lowered:
0x8: {  	[smem:$0x3FAD] =	sst s0  }
0x9: {  	[smem:$0x3FAE] =	sst s1  }
0xa: {  	[smem:$0x3FAF] =	sst s2  }
0xb: {  	[smem:$0x3FB0] =	sst s3  }
0xc: {  	[smem:$0x3FB1] =	sst s4  }
0xd: {  	[smem:$0x3FB2] =	sst s5  }
0xe: {  	[smem:$0x3FB3] =	sst s6  }
0xf: {  	[smem:$0x3FB4] =	sst s7  }
0x10: {  	[smem:$0x3FB5] =	sst s8  }
0x11: {  	[smem:$0x3FB6] =	sst s9;
	s0 =	simm.s32 @!p0 $0x0  }
0x12: {  	s1 =	sld [smem:$0x3F9C];
	s0 =	simm.s32 @p0 $0x1  }
0x13: {  	[smem:$0x3FB7] =	sst s0;
	s0 =	simm.s32 @!p1 $0x0  }
0x14: {  	s2 =	sld [smem:$0x3F9B];
	s0 =	simm.s32 @p1 $0x1  }
0x15: {  	[smem:$0x3FB8] =	sst s0;
	s0 =	simm.s32 @!p2 $0x0  }
0x16: {  	s3 =	sld [smem:$0x3FDB];
	s0 =	simm.s32 @p2 $0x1  }
0x17: {  	s4 =	simm.s32 $0x1BF5;
	[smem:$0x3FBA] =	sst s0  }
0x18: {  	s0 =	sld [smem:$0x3F9D];
	_ =	swait.ge [sflag:s4], $0x0  }
0x19: {  	s7 =	sld [smem:$0x3F9E]  }
0x1a: {  	s8 =	sadd.s32 $0xFFFFE003, lr  }
0x1b: {  	s9 =	sadd.s32 $0xFFFFFEF7, lr;
	s5 =	simm.s32 $0xFFFFFFFF;
	p2 =	slt.u32 s8, $0xFFFFF086  }
0x1c: {  	p1 =	slt.u32 s9, $0xF7A;
	s5 =	simm.s32 @!p2 $0x0  }
0x1d: {  	s5 =	simm.s32 @p1 $0x1;
	p0 =	seq.s32 s7, s2  }
0x1e: {  	s7 =	smul.u32 @!p0 $0xF7A, s2;
	p2 =	seq.s32 @!p0 s5, $0x0  }
0x1f: {  	s9 =	smul.u32 $0xF7A, s1;
	s8 =	simm.s32 @!p0 $0x1BF5;
	p2 =	por !p2, p0  }
0x20: {  	[sflag:s8] =	ssyncset.s32 @!p0 $0xFFFFF086;
	s6 =	sadd.s32 @!p0 s3, s7;
	s7 =	simm.s32 @!p0 $0x108  }
0x21: {  	s3 =	sadd.s32 s3, s9;
	s6 =	sadd.s32 @!p0 $0x88, s6;
	s7 =	simm.s32 @p2 $0x1082  }
0x22: {  	[simem:s7], [sflag:s8] =	dma.local @!p0 [hbm:s6], $0xF7A  }
0x23: {  	s9 =	sor.u32 $0xD0000000, s2;
	s6 =	simm.s32 $0x108;
	_ =	swait.ge @!p0 [sflag:s8], $0x0  }
0x24: {  	s3 =	sadd.s32 $0x88, s3;
	s6 =	simm.s32 @!p1 $0x1082;
	[sflag:s4] =	ssyncset.s32 $0xFFFFF086  }
0x25: {  	[simem:s6], [sflag:s4] =	dma.local [hbm:s3], $0xF7A  }
0x26: {  	[smem:$0x3F9E] =	sst s1;
	(tag) =	ssettag s2;
	_ =	strace s9  }
0x27: {  	s1 =	sld [smem:$0x3FAE]  }
0x28: {  	s2 =	sld [smem:$0x3FAF]  }
0x29: {  	s4 =	sld [smem:$0x3FB1]  }
0x2a: {  	p0 =	seq.s32 s5, $0x0;
	s5 =	sld [smem:$0x3FB2]  }
0x2b: {  	s6 =	sld [smem:$0x3FB3]  }
0x2c: {  	s7 =	sld [smem:$0x3FB4]  }
0x2d: {  	s3 =	simm.s32 $0x108;
	s8 =	sld [smem:$0x3FB5]  }
0x2e: {  	s3 =	simm.s32 @!p0 $0x1082;
	s9 =	sld [smem:$0x3FB6]  }
0x2f: {  	lr =	sadd.s32 s0, s3;
	s0 =	sld [smem:$0x3FAD]  }
0x30: {  	s3 =	sld [smem:$0x3FB0]  }
0x31: {  	[smem:$0x3FB9] =	sst s10  }
0x32: {  	s10 =	sld [smem:$0x3FB7];
	_ =	sdelay $0x3  }
0x33: {  	p0 =	seq.s32 s10, $0x1;
	s10 =	sld [smem:$0x3FB9];
	_ =	sdelay $0x3  }
0x34: {  	[smem:$0x3FB9] =	sst s10  }
0x35: {  	s10 =	sld [smem:$0x3FB8];
	_ =	sdelay $0x3  }
0x36: {  	p1 =	seq.s32 s10, $0x1;
	s10 =	sld [smem:$0x3FB9];
	_ =	sdelay $0x3  }
0x37: {  	[smem:$0x3FB9] =	sst s10  }
0x38: {  	s10 =	sld [smem:$0x3FBA]  }
0x39: {  	_ = 	snop;
	(pc) =	sbr.ind lr, $3  }
0x3a: {  	_ = 	snop  }
0x3b: {  	_ = 	snop  }
0x3c: {  	p2 =	seq.s32 s10, $0x1;
	s10 =	sld [smem:$0x3FB9]  }
0x3d: {  	_ =	shalt  }
0x3e: {  	_ =	shalt  }
0x3f: {  	_ =	shalt  }
0x40: {  	_ =	shalt  }
0x41: {  	_ =	shalt  }
0x42: {  	_ =	shalt  }
0x43: {  	_ =	shalt  }
0x44: {  	_ =	shalt  }
0x45: {  	_ =	shalt  }
0x46: {  	_ =	shalt  }
0x47: {  	_ =	shalt  }
0x48: {  	_ =	shalt  }
0x49: {  	_ =	shalt  }
0x4a: {  	_ =	shalt  }
0x4b: {  	_ =	shalt  }
0x4c: {  	_ =	shalt  }
0x4d: {  	_ =	shalt  }
0x4e: {  	_ =	shalt  }
0x4f: {  	_ =	shalt  }
0x50: {  	_ =	shalt  }
0x51: {  	_ =	shalt  }
0x52: {  	_ =	shalt  }
0x53: {  	_ =	shalt  }
0x54: {  	_ =	shalt  }
0x55: {  	_ =	shalt  }
0x56: {  	_ =	shalt  }
0x57: {  	_ =	shalt  }
0x58: {  	_ =	shalt  }
0x59: {  	_ =	shalt  }
0x5a: {  	_ =	shalt  }
0x5b: {  	_ =	shalt  }
0x5c: {  	_ =	shalt  }
0x5d: {  	_ =	shalt  }
0x5e: {  	_ =	shalt  }
0x5f: {  	_ =	shalt  }
0x60: {  	_ =	shalt  }
0x61: {  	_ =	shalt  }
0x62: {  	_ =	shalt  }
0x63: {  	_ =	shalt  }
0x64: {  	_ =	shalt  }
0x65: {  	_ =	shalt  }
0x66: {  	_ =	shalt  }
0x67: {  	_ =	shalt  }
0x68: {  	_ =	shalt  }
0x69: {  	_ =	shalt  }
0x6a: {  	_ =	shalt  }
0x6b: {  	_ =	shalt  }
0x6c: {  	_ =	shalt  }
0x6d: {  	_ =	shalt  }
0x6e: {  	_ =	shalt  }
0x6f: {  	_ =	shalt  }
0x70: {  	_ =	shalt  }
0x71: {  	_ =	shalt  }
0x72: {  	_ =	shalt  }
0x73: {  	_ =	shalt  }
0x74: {  	_ =	shalt  }
0x75: {  	_ =	shalt  }
0x76: {  	_ =	shalt  }
0x77: {  	_ =	shalt  }
0x78: {  	_ =	shalt  }
0x79: {  	_ =	shalt  }
0x7a: {  	_ =	shalt  }
0x7b: {  	_ =	shalt  }
0x7c: {  	_ =	shalt  }
0x7d: {  	_ =	shalt  }
0x7e: {  	_ =	shalt  }
0x7f: {  	_ =	shalt  }
0x80: {  	_ =	shalt  }
0x81: {  	_ =	shalt  }
0x82: {  	_ =	shalt  }
0x83: {  	_ =	shalt  }
0x84: {  	_ =	shalt  }
0x85: {  	_ =	shalt  }
0x86: {  	_ =	shalt  }
0x87: {  	_ =	shalt  }
.Lfunc_end0:
.L_simem_size_0:
called_computation_lowered:
.L_overlay_start_0:
0x88: {  	s2 =	sld [smem:$0x3FD9]  }
0x89: {  	s3 =	sld [smem:$0x3FFE];
	_ =	sdelay $0x1  }
0x8a: {  	s1 =	srdreg.scid  }
0x8b: {  	s0 =	sand.u32 $0x1, s1  }
0x8c: {  	s16 =	sshll.u32 s0, $0xA;
	s2 =	sadd.s32 s3, s2  }
0x8d: {  	s2 =	sadd.s32 s2, s16  }
0x8e: {  	[smem:$0x3FC5] =	sst s2  }
0x8f: {  	_ = 	snop  }
0x90: {  	(tm) =	ssettm $0x1  }
0x91: {  	s17 =	sld [smem:$0x3FFB];
	_ =	sdelay $0x3  }
0x92: {  	_ =	strace s17  }
0x93: {  	s2 =	sld [smem:$0x3FFC];
	_ =	sdelay $0x3  }
0x94: {  	_ =	strace s2  }
0x95: {  	s2 =	sld [smem:$0x3FFD];
	_ =	sdelay $0x3  }
0x96: {  	_ =	strace s2  }
0x97: {  	_ =	strace $0x8FFFFFFF  }
0x98: {  	s18 =	sld [smem:$0x3FDB];
	_ =	sdelay $0x1  }
0x99: {  	s19 =	simm.s32 $_scs_section_size  }
0x9a: {  	s4 =	simm.s32 $_size__tile_overlayer_lowered;
	s5 =	simm.s32 $_tile_overlayer_lowered  }
0x9b: {  	s22 =	simm.s32 $0x1BFF;
	s21 =	sshll.u32 s5, $0x1;
	s2 =	sadd.s32 s19, s18  }
0x9c: {  	s6 =	simm.s32 $0x0;
	s20 =	sshll.u32 s4, $0x1;
	s4 =	sadd.s32 s21, s2  }
0x9d: {  	[timem:s6], [sflag:s22] =	dma.local [hbm:s4], s20  }
0x9e: {  	_ =	swait.ge [sflag:s22], s20  }
0x9f: {  	s3 =	ssub.s32 $0x0, s20;
	[sflag:s22] =	ssyncset.done $0x0  }
0xa0: {  	[sflag:s22] =	ssyncadd.s32 s3;
	_ =	sdelay $0x1  }
0xa1: {  	s23 =	simm.s32 $0x1B8B  }
0xa2: {  	_ =	swait.ge [sflag:s23], $0x1  }
0xa3: {  	[sflag:s23] =	ssyncset.done $0x0  }
0xa4: {  	s25 =	simm.s32 $0x1B8E;
	s24 =	sld [smem:$0x3FFE];
	[sflag:s23] =	ssyncadd.s32 $0xFFFFFFFF  }
0xa5: {  	s26 =	simm.s32 $execute0_lowered;
	[smem:$0x3FD2] =	sst s25  }
0xa6: {  	s4 =	sshll.u32 s26, $0x1;
	_ =	strace $0x80000046;
	[dreg:$0x1] =	wrdreg $0xFFFFFFFF  }
0xa7: {  	s28 =	simm.s32 $_size_execute0_lowered;
	s2 =	sadd.s32 s2, s4;
	[dreg:$0x0] =	wrdreg $0x0  }
0xa8: {  	s4 =	sshll.u32 s28, $0x1;
	[dreg:$0x2] =	wrdreg s2  }
0xa9: {  	[dreg:$0x3] =	wrdreg s4  }
0xaa: {  	[dreg:$0x4] =	wrdreg $0xC0  }
0xab: {  	_ =	task [dreg:s6], $0x5FFFF  }
0xac: {  	[dreg:$0x1] =	wrdreg $0xFFFFFFFF  }
0xad: {  	[dreg:$0x0] =	wrdreg $0x60  }
0xae: {  	[dreg:$0x2] =	wrdreg s24  }
0xaf: {  	[dreg:$0x3] =	wrdreg $0x76C00  }
0xb0: {  	[dreg:$0x4] =	wrdreg $0x9  }
0xb1: {  	_ =	task.clear_ibuf [dreg:s6], $0x5FFFF;
	_ =	strace $0x90000046  }
0xb2: {  	s29 =	simm.s32 $0x9;
	_ =	strace $0x80000048  }
0xb3: {  	_ =	swait.ge [sflag:s29], $0x1  }
0xb4: {  	[sflag:s29] =	ssyncadd.s32 $0xFFFFFFFF  }
0xb5: {  	_ =	strace $0x90000048  }
0xb6: {  	_ =	sfence  }
0xb7: {  	s30 =	sld [smem:$0x0];
	_ =	sdelay $0x2  }
0xb8: {  	s31 =	sshll.u32 s1, $0xD;
	s1 =	sshrl.u32 s1, $0x2  }
0xb9: {  	s3 =	sand.u32 $0x4000, s31;
	s1 =	sadd.s32 s1, s30  }
0xba: {  	s0 =	sor.u32 s3, s0;
	s1 =	sshll.u32 s1, $0x11  }
0xbb: {  	s0 =	sor.u32 s1, s0  }
0xbc: {  	s0 =	sadd.s32 $0x8F2B, s0  }
0xbd: {  	[sflag:s0] =	ssyncadd.remote.s32 $0x1  }
0xbe: {  	_ =	sfence.sel $0xFFFF  }
0xbf: {  	[dreg:$0x0] =	wrdreg $0xFFFFFFFF;
	(pc) =	sbr.abs _section_cstart, $3  }
0xc0: {  	[dreg:$0x1] =	wrdreg $0xFFFFFFFF  }
0xc1: {  	_ =	task.clear_ibuf [dreg:s6], $0x2FFFF;
	_ =	strace $0x9FFFFFFF  }
0xc2: {  	(tm) =	ssettm $0x7FFFFFFF  }
0xc3: {  	_ =	shalt  }
tec
execute0_lowered:
.L_overlay_start_1:
0x0: {  	(tag) =	ssettag $0x1  }
0x1: {  	s0 =	rddreg [dreg:$0x0]  }
0x2: {  	s1 =	rddreg [dreg:$0x1];
	s10 =	stileid.u32  }
0x3: {  	s2 =	simm.s32 $0x0;
	s19 =	srdreg.scid;
	s3 =	smul.u32 $0x30E0, s10  }
0x4: {  	[smem:$0x7FF] =	sst s2;
	s2 =	sand.u32 $0x1, s19;
	s9 =	smul.u32 $0x61C00, s10  }
0x5: {  	s29 =	simm.s32 $0x640;
	s30 =	simm.s32 $0x7D0;
	s8 =	smul.u32 $0x30E00, s2  }
0x6: {  	s4 =	sadd.s32 $0x312A00, s0;
	s20 =	sshll.u32 s2, $0x4;
	s9 =	sshrl.u32 s9, $0x2  }
0x7: {  	s3 =	sadd.s32 s3, s8;
	s8 =	sor.u32 s10, s20;
	s20 =	sadd.s32 s9, s1  }
0x8: {  	_ =	strace $0x80000047;
	s22 =	sadd.s32 $0x1900, s20;
	[dreg:$0x3] =	wrdreg s20  }
0x9: {  	s5 =	sadd.s32 $0xA00, s0;
	s23 =	sadd.s32 $0x3200, s20;
	[dreg:$0x4] =	wrdreg s22  }
0xa: {  	s2 =	ssub.s32 $0x2, s2;
	s24 =	sadd.s32 $0x4B00, s20;
	[dreg:$0x5] =	wrdreg s23  }
0xb: {  	s21 =	sshrl.u32 s2, $0x1;
	s9 =	sadd.s32 $0x6400, s20;
	[dreg:$0x6] =	wrdreg s24  }
0xc: {  	s2 =	ssub.s32 s2, s21;
	s26 =	sadd.s32 $0x7D00, s20;
	[dreg:$0x7] =	wrdreg s9  }
0xd: {  	s6 =	sadd.s32 $0x24DC00, s0;
	s15 =	smax.u32 s2, $0x1;
	[dreg:$0x8] =	wrdreg s26  }
0xe: {  	s7 =	sadd.s32 $0xC5800, s0;
	s16 =	sadd.s32 $0x9600, s20;
	[dreg:$0x12] =	wrdreg s15  }
0xf: {  	s8 =	smul.u32 $0x31380, s8;
	s17 =	sadd.s32 $0xAF00, s20;
	[dreg:$0x13] =	wrdreg s16  }
0x10: {  	s0 =	sadd.s32 s3, s0;
	s18 =	sadd.s32 $0xC800, s20;
	[dreg:$0x14] =	wrdreg s17  }
0x11: {  	s19 =	sadd.s32 $0xE100, s20;
	s21 =	sadd.s32 $0xFA00, s20;
	[dreg:$0x15] =	wrdreg s18  }
0x12: {  	s2 =	simm.s32 $0x2BC0;
	s0 =	sadd.s32 $0x31800, s0;
	[dreg:$0x16] =	wrdreg s19  }
0x13: {  	[dreg:$0x17] =	wrdreg s21;
	s24 =	sadd.s32 $0x11300, s20;
	s26 =	sadd.s32 $0x14500, s20  }
0x14: {  	s21 =	simm.s32 $0xD;
	s9 =	simm.s32 $0x5;
	s15 =	simm.s32 $0x3  }
0x15: {  	s16 =	simm.s32 $0x44C0;
	s17 =	simm.s32 $0x6;
	[dreg:$0x11] =	wrdreg s0  }
0x16: {  	s18 =	simm.s32 $0x9;
	s19 =	simm.s32 $0x4;
	[dreg:$0x18] =	wrdreg s24  }
0x17: {  	s25 =	sshrl.u32 s8, $0x3;
	s13 =	sadd.s32 $0x320, s8;
	[dreg:$0x1a] =	wrdreg s26  }
0x18: {  	s14 =	sadd.s32 $0x4B0, s8;
	s22 =	sadd.s32 $0x640, s8;
	[dreg:$0xf] =	wrdreg s13  }
0x19: {  	s23 =	sadd.s32 $0x7D0, s8;
	s28 =	sadd.s32 s4, s25;
	[dreg:$0x10] =	wrdreg s14  }
0x1a: {  	s24 =	simm.s32 $0x190;
	s31 =	sadd.s32 s6, s25;
	[dreg:$0x9] =	wrdreg s28  }
0x1b: {  	s0 =	simm.s32 $0x2;
	s10 =	sadd.s32 s7, s25;
	[dreg:$0xa] =	wrdreg s31  }
0x1c: {  	s3 =	sadd.s32 $0x32, s25;
	s25 =	sadd.s32 $0x12C00, s20;
	[dreg:$0xb] =	wrdreg s10  }
0x1d: {  	v0 =	vimm.f32 $0.0e+00;
	v1 =	vimm.s32 $0x0;
	s8 =	simm.s32 $0x5DC0;
	s11 =	sadd.s32 s4, s3;
	[dreg:$0x19] =	wrdreg s25  }
0x1e: {  	v2 =	vimm.s32 $0x1;
	v3 =	vimm.s32 $0x2;
	v4 =	vimm.s32 $0x3;
	s13 =	simm.s32 $0x8;
	s12 =	sadd.s32 s6, s3;
	[dreg:$0xc] =	wrdreg s11  }
0x1f: {  	v5 =	vimm.s32 $0x4;
	v6 =	vimm.s32 $0x5;
	v7 =	vimm.s32 $0x6;
	s14 =	simm.s32 $0x0;
	s3 =	sadd.s32 s7, s3;
	[dreg:$0xd] =	wrdreg s12  }
0x20: {  	v8 =	vimm.s32 $0x7;
	v9 =	vimm.s32 $0x8;
	v10 =	vimm.s32 $0x9;
	s28 =	sadd.s32 $0x15E00, s20;
	s31 =	sadd.s32 $0x17700, s20;
	[dreg:$0xe] =	wrdreg s3  }
0x21: {  	v11 =	vimm.s32 $0xA;
	v12 =	vimm.s32 $0xB;
	v13 =	vimm.s32 $0xC;
	s10 =	simm.s32 $0x960;
	s25 =	simm.s32 $0x7;
	[dreg:$0x1b] =	wrdreg s28  }
0x22: {  	v14 =	vimm.s32 $0xD;
	v15 =	vimm.s32 $0xE;
	v16 =	vimm.s32 $0xF;
	[dreg:$0x1c] =	wrdreg s31;
	s11 =	simm.s32 $0xAF0;
	s3 =	simm.s32 $0xA  }
.LBB2_1:
0x23: {  	[dreg:$0x1d] =	wrdreg s14;
	s12 =	simm.s32 $0x40;
	s14 =	simm.s32 $0x0  }
.LBB2_2:
0x24: {  	p0 =	sne.s32 s12, $0x63C0;
	[tilespmem:s14+$0x12C0] =	vst v0;
	s14 =	smov.u32 s12;
	s12 =	sadd.s32 $0x40, s12  }
.Ltmp0:
0x25: {  	(pc) =	sbr.rel @p0 .LBB2_2-.Ltmp0, $2  }
0x26: {  	_ =	sdelay $0x2  }
0x27: {  	s14 =	sshra.s32 s14, $0x2  }
0x28: {  	[tilespmem:s14+$0x12C0] =	vst v0;
	s14 =	simm.s32 $0x12C0  }
0x29: {  	[spmem:s20] =	stream.linear.scatter [tilespmem:s14], [sflag:$0xD], $0x1900, $0x38;
	[tilespmem:$0x1FDC0] =	vst v63  }
0x2a: {  	_ =	swait.ge [sflag:s21], $0x1900  }
0x2b: {  	[sflag:s21] =	ssyncset.done $0x0  }
0x2c: {  	s12 =	rddreg [dreg:$0x4];
	[sflag:s21] =	ssyncadd.s32 $0xFFFFE700  }
0x2d: {  	[spmem:s12] =	stream.linear.scatter [tilespmem:s14], [sflag:$0xD], $0x1900, $0x38;
	[tilespmem:$0x1FDC0] =	vst v63  }
0x2e: {  	_ =	swait.ge [sflag:s21], $0x1900  }
0x2f: {  	[sflag:s21] =	ssyncset.done $0x0  }
0x30: {  	s26 =	rddreg [dreg:$0x5];
	[sflag:s21] =	ssyncadd.s32 $0xFFFFE700  }
0x31: {  	[spmem:s26] =	stream.linear.scatter [tilespmem:s14], [sflag:$0xD], $0x1900, $0x38;
	[tilespmem:$0x1FDC0] =	vst v63  }
0x32: {  	_ =	swait.ge [sflag:s21], $0x1900  }
0x33: {  	[sflag:s21] =	ssyncset.done $0x0  }
0x34: {  	s28 =	rddreg [dreg:$0x6];
	[sflag:s21] =	ssyncadd.s32 $0xFFFFE700  }
0x35: {  	[spmem:s28] =	stream.linear.scatter [tilespmem:s14], [sflag:$0xD], $0x1900, $0x38;
	[tilespmem:$0x1FDC0] =	vst v63  }
0x36: {  	_ =	swait.ge [sflag:s21], $0x1900  }
0x37: {  	[sflag:s21] =	ssyncset.done $0x0  }
0x38: {  	s20 =	rddreg [dreg:$0x7];
	[sflag:s21] =	ssyncadd.s32 $0xFFFFE700  }
0x39: {  	[spmem:s20] =	stream.linear.scatter [tilespmem:s14], [sflag:$0xD], $0x1900, $0x38;
	[tilespmem:$0x1FDC0] =	vst v63  }
0x3a: {  	_ =	swait.ge [sflag:s21], $0x1900  }
0x3b: {  	[sflag:s21] =	ssyncset.done $0x0  }
0x3c: {  	s26 =	rddreg [dreg:$0x8];
	[sflag:s21] =	ssyncadd.s32 $0xFFFFE700  }
0x3d: {  	[spmem:s26] =	stream.linear.scatter [tilespmem:s14], [sflag:$0xD], $0x1900, $0x38;
	[tilespmem:$0x1FDC0] =	vst v63  }
0x3e: {  	_ =	swait.ge [sflag:s21], $0x1900  }
0x3f: {  	[sflag:s21] =	ssyncset.done $0x0  }
0x40: {  	s28 =	rddreg [dreg:$0x13];
	[sflag:s21] =	ssyncadd.s32 $0xFFFFE700  }
0x41: {  	[spmem:s28] =	stream.linear.scatter [tilespmem:s14], [sflag:$0xD], $0x1900, $0x38;
	[tilespmem:$0x1FDC0] =	vst v63  }
0x42: {  	_ =	swait.ge [sflag:s21], $0x1900  }
0x43: {  	[sflag:s21] =	ssyncset.done $0x0  }
0x44: {  	s20 =	rddreg [dreg:$0x14];
	[sflag:s21] =	ssyncadd.s32 $0xFFFFE700  }
0x45: {  	[spmem:s20] =	stream.linear.scatter [tilespmem:s14], [sflag:$0xD], $0x1900, $0x38;
	[tilespmem:$0x1FDC0] =	vst v63  }
0x46: {  	_ =	swait.ge [sflag:s21], $0x1900  }
0x47: {  	[sflag:s21] =	ssyncset.done $0x0  }
0x48: {  	s26 =	rddreg [dreg:$0x15];
	[sflag:s21] =	ssyncadd.s32 $0xFFFFE700  }
0x49: {  	[spmem:s26] =	stream.linear.scatter [tilespmem:s14], [sflag:$0xD], $0x1900, $0x38;
	[tilespmem:$0x1FDC0] =	vst v63  }
0x4a: {  	_ =	swait.ge [sflag:s21], $0x1900  }
0x4b: {  	[sflag:s21] =	ssyncset.done $0x0  }
0x4c: {  	s28 =	rddreg [dreg:$0x16];
	[sflag:s21] =	ssyncadd.s32 $0xFFFFE700  }
0x4d: {  	[spmem:s28] =	stream.linear.scatter [tilespmem:s14], [sflag:$0xD], $0x1900, $0x38;
	[tilespmem:$0x1FDC0] =	vst v63  }
0x4e: {  	_ =	swait.ge [sflag:s21], $0x1900  }
0x4f: {  	[sflag:s21] =	ssyncset.done $0x0  }
0x50: {  	s20 =	rddreg [dreg:$0x17];
	[sflag:s21] =	ssyncadd.s32 $0xFFFFE700  }
0x51: {  	[spmem:s20] =	stream.linear.scatter [tilespmem:s14], [sflag:$0xD], $0x1900, $0x38;
	[tilespmem:$0x1FDC0] =	vst v63  }
0x52: {  	_ =	swait.ge [sflag:s21], $0x1900  }
0x53: {  	[sflag:s21] =	ssyncset.done $0x0  }
0x54: {  	s26 =	rddreg [dreg:$0x18];
	[sflag:s21] =	ssyncadd.s32 $0xFFFFE700  }
0x55: {  	[spmem:s26] =	stream.linear.scatter [tilespmem:s14], [sflag:$0xD], $0x1900, $0x38;
	[tilespmem:$0x1FDC0] =	vst v63  }
0x56: {  	_ =	swait.ge [sflag:s21], $0x1900  }
0x57: {  	[sflag:s21] =	ssyncset.done $0x0  }
0x58: {  	s28 =	rddreg [dreg:$0x19];
	[sflag:s21] =	ssyncadd.s32 $0xFFFFE700  }
0x59: {  	[spmem:s28] =	stream.linear.scatter [tilespmem:s14], [sflag:$0xD], $0x1900, $0x38;
	[tilespmem:$0x1FDC0] =	vst v63  }
0x5a: {  	_ =	swait.ge [sflag:s21], $0x1900  }
0x5b: {  	[sflag:s21] =	ssyncset.done $0x0  }
0x5c: {  	s20 =	rddreg [dreg:$0x1a];
	[sflag:s21] =	ssyncadd.s32 $0xFFFFE700  }
0x5d: {  	[spmem:s20] =	stream.linear.scatter [tilespmem:s14], [sflag:$0xD], $0x1900, $0x38;
	[tilespmem:$0x1FDC0] =	vst v63  }
0x5e: {  	_ =	swait.ge [sflag:s21], $0x1900  }
0x5f: {  	[sflag:s21] =	ssyncset.done $0x0  }
0x60: {  	s26 =	rddreg [dreg:$0x1b];
	[sflag:s21] =	ssyncadd.s32 $0xFFFFE700  }
0x61: {  	[spmem:s26] =	stream.linear.scatter [tilespmem:s14], [sflag:$0xD], $0x1900, $0x38;
	[tilespmem:$0x1FDC0] =	vst v63  }
0x62: {  	_ =	swait.ge [sflag:s21], $0x1900  }
0x63: {  	[sflag:s21] =	ssyncset.done $0x0  }
0x64: {  	s28 =	rddreg [dreg:$0x1c];
	[sflag:s21] =	ssyncadd.s32 $0xFFFFE700  }
0x65: {  	[spmem:s28] =	stream.linear.scatter [tilespmem:s14], [sflag:$0xD], $0x1000, $0x38;
	[tilespmem:$0x1FDC0] =	vst v63  }
0x66: {  	_ =	swait.ge [sflag:s21], $0x1000  }
0x67: {  	[sflag:s21] =	ssyncset.done $0x0  }
0x68: {  	[sflag:s21] =	ssyncadd.s32 $0xFFFFF000  }
0x69: {  	[bflag:$0x0] =	sbarrier.arrive $0xFFFF  }
0x6a: {  	s31 =	simm.s32 $0x0;
	s20 =	rddreg [dreg:$0x9]  }
0x6b: {  	[tilespmem:s31], [sflag:$0x1] =	stream.linear.gather [hbm4b:s20+s31], $0x190, $0x38;
	[tilespmem:$0x1FDC0] =	vst v63  }
0x6c: {  	s21 =	rddreg [dreg:$0xa]  }
0x6d: {  	[tilespmem:s24], [sflag:$0x1] =	stream.linear.gather [hbm4b:s21+s31], $0x190, $0x38;
	[tilespmem:$0x1FDC0] =	vst v63  }
0x6e: {  	s28 =	simm.s32 $0xC80;
	s26 =	rddreg [dreg:$0xb];
	s21 =	simm.s32 $0x1  }
0x6f: {  	[tilespmem:s28], [sflag:$0x1] =	stream.linear.gather [hbm4b:s26+s31], $0x190, $0x38;
	[tilespmem:$0x1FDC0] =	vst v63  }
0x70: {  	_ =	swait.ge [sflag:s21], $0x190  }
0x71: {  	[sflag:s21] =	ssyncset.done $0x0  }
0x72: {  	[sflag:s21] =	ssyncadd.s32 $0xFFFFFE70  }
0x73: {  	_ =	swait.ge [sflag:s21], $0x190  }
0x74: {  	[sflag:s21] =	ssyncset.done $0x0  }
0x75: {  	[sflag:s21] =	ssyncadd.s32 $0xFFFFFE70  }
0x76: {  	_ =	swait.ge [sflag:s21], $0x190  }
0x77: {  	[sflag:s21] =	ssyncset.done $0x0  }
0x78: {  	[sflag:s21] =	ssyncadd.s32 $0xFFFFFE70  }
0x79: {  	[tilespmem:s14], [sflag:$0x5] =	stream.indirect.gather [hbm4b:s5+s24], $0x10, s24, s24, $0xb8;
	[tilespmem:$0x1FDC0] =	vst v63  }
0x7a: {  	s28 =	simm.s32 $0x320;
	s26 =	rddreg [dreg:$0xc]  }
0x7b: {  	[tilespmem:s28], [sflag:$0x2] =	stream.linear.gather [hbm4b:s26+s31], $0x190, $0x38;
	[tilespmem:$0x1FDC0] =	vst v63  }
0x7c: {  	s20 =	rddreg [dreg:$0xd];
	s21 =	simm.s32 $0x4B0  }
0x7d: {  	[tilespmem:s21], [sflag:$0x2] =	stream.linear.gather [hbm4b:s20+s31], $0x190, $0x38;
	[tilespmem:$0x1FDC0] =	vst v63  }
0x7e: {  	s14 =	simm.s32 $0x0;
	s26 =	rddreg [dreg:$0xe];
	s28 =	simm.s32 $0xE10  }
0x7f: {  	[tilespmem:s28], [sflag:$0x2] =	stream.linear.gather [hbm4b:s26+s31], $0x190, $0x38;
	[tilespmem:$0x1FDC0] =	vst v63  }
.LBB2_4:
0x80: {  	p0 =	seq.s32 s14, $0x0  }
0x81: {  	s12 =	simm.s32 @!p0 $0xB  }
0x82: {  	s26 =	smul.u32 $0x640, s14;
	_ =	swait.ge @!p0 [sflag:s12], $0x1900  }
0x83: {  	s20 =	rddreg [dreg:$0xf]  }
0x84: {  	s20 =	sadd.s32 s26, s20  }
0x85: {  	[sflag:s12] =	ssyncset.done @!p0 $0x0;
	s20 =	sshrl.u32 s20, $0x3  }
0x86: {  	[sflag:s12] =	ssyncadd.s32 @!p0 $0xFFFFE700;
	s21 =	sadd.s32 s4, s20  }
0x87: {  	[tilespmem:s29], [sflag:$0x3] =	stream.linear.gather [hbm4b:s21+s31], $0x190, $0x38;
	[tilespmem:$0x1FDC0] =	vst v63  }
0x88: {  	s21 =	sadd.s32 s6, s20  }
0x89: {  	[tilespmem:s30], [sflag:$0x3] =	stream.linear.gather [hbm4b:s21+s31], $0x190, $0x38;
	[tilespmem:$0x1FDC0] =	vst v63  }
0x8a: {  	s20 =	sadd.s32 s7, s20;
	s21 =	simm.s32 $0xFA0  }
0x8b: {  	[tilespmem:s21], [sflag:$0x3] =	stream.linear.gather [hbm4b:s20+s31], $0x190, $0x38;
	[tilespmem:$0x1FDC0] =	vst v63  }
0x8c: {  	_ =	swait.ge [sflag:s0], $0x190  }
0x8d: {  	[sflag:s0] =	ssyncset.done $0x0  }
0x8e: {  	[sflag:s0] =	ssyncadd.s32 $0xFFFFFE70  }
0x8f: {  	_ =	swait.ge [sflag:s0], $0x190  }
0x90: {  	[sflag:s0] =	ssyncset.done $0x0  }
0x91: {  	[sflag:s0] =	ssyncadd.s32 $0xFFFFFE70  }
0x92: {  	_ =	swait.ge [sflag:s0], $0x190  }
0x93: {  	[sflag:s0] =	ssyncset.done $0x0  }
0x94: {  	s21 =	simm.s32 $0x4B0;
	[sflag:s0] =	ssyncadd.s32 $0xFFFFFE70  }
0x95: {  	[tilespmem:s2], [sflag:$0x6] =	stream.indirect.gather [hbm4b:s5+s24], $0x10, s21, s24, $0xb8;
	[tilespmem:$0x1FDC0] =	vst v63  }
0x96: {  	_ =	swait.ge [sflag:s9], $0x1900  }
0x97: {  	[sflag:s9] =	ssyncset.done $0x0  }
0x98: {  	s28 =	simm.s32 $0x1340;
	[sflag:s9] =	ssyncadd.s32 $0xFFFFE700  }
0x99: {  	s12 =	simm.s32 $0x1340;
	s20 =	simm.s32 $0x40;
	s21 =	simm.s32 $0x0;
	v17 =	vld [tilespmem:s28+$0xFFFFFFB0]  }
.LBB2_5:
0x9a: {  	p1 =	sne.s32 s20, $0x600;
	v18 =	vld [tilespmem:s21+$0xC80]  }
0x9b: {  	v19 =	vld [tilespmem:s28+$0xFFFFFF90]  }
0x9c: {  	v20 =	vld [tilespmem:s28+$0xFFFFFF80]  }
0x9d: {  	v21 =	vld [tilespmem:s28+$0xFFFFFFA0]  }
0x9e: {  	v22 =	vld [tilespmem:s28+$0xFFFFFFF0]  }
0x9f: {  	v23 =	vperm.xlane v18, v1;
	v24 =	vperm.xlane v18, v2;
	v25 =	vld [tilespmem:s28+$0xFFFFFFD0]  }
0xa0: {  	v26 =	vperm.xlane v18, v3;
	v27 =	vperm.xlane v18, v4;
	v28 =	vld [tilespmem:s28+$0xFFFFFFC0]  }
0xa1: {  	v20 =	vmul.f32 v20, v23;
	v19 =	vmul.f32 v19, v24;
	v23 =	vld [tilespmem:s28+$0xFFFFFFE0]  }
0xa2: {  	v17 =	vmul.f32 v17, v27;
	v21 =	vmul.f32 v21, v26;
	v24 =	vld [tilespmem:s28+$0x30]  }
0xa3: {  	v26 =	vperm.xlane v18, v6;
	[tilespmem:s28+$0xFFFFFF80] =	vst v20;
	v20 =	vperm.xlane v18, v5;
	v27 =	vld [tilespmem:s28+$0x10]  }
0xa4: {  	v29 =	vperm.xlane v18, v8;
	[tilespmem:s28+$0xFFFFFF90] =	vst v19;
	v19 =	vperm.xlane v18, v7;
	v30 =	vld [tilespmem:s28+$0x0]  }
0xa5: {  	[tilespmem:s28+$0xFFFFFFA0] =	vst v21;
	v20 =	vmul.f32 v28, v20;
	v21 =	vmul.f32 v25, v26;
	v25 =	vld [tilespmem:s28+$0x20]  }
0xa6: {  	[tilespmem:s28+$0xFFFFFFB0] =	vst v17;
	v17 =	vmul.f32 v23, v19;
	v19 =	vmul.f32 v22, v29;
	v22 =	vld [tilespmem:s28+$0x70]  }
0xa7: {  	v23 =	vperm.xlane v18, v10;
	[tilespmem:s28+$0xFFFFFFC0] =	vst v20;
	v20 =	vperm.xlane v18, v9;
	v26 =	vld [tilespmem:s28+$0x50]  }
0xa8: {  	v28 =	vperm.xlane v18, v12;
	[tilespmem:s28+$0xFFFFFFD0] =	vst v21;
	v21 =	vperm.xlane v18, v11;
	v29 =	vld [tilespmem:s28+$0x40]  }
0xa9: {  	[tilespmem:s28+$0xFFFFFFE0] =	vst v17;
	v17 =	vmul.f32 v30, v20;
	v20 =	vmul.f32 v27, v23;
	v23 =	vld [tilespmem:s28+$0x60]  }
0xaa: {  	[tilespmem:s28+$0xFFFFFFF0] =	vst v19;
	v19 =	vmul.f32 v25, v21;
	v21 =	vmul.f32 v24, v28  }
0xab: {  	v24 =	vperm.xlane v18, v14;
	[tilespmem:s28+$0x0] =	vst v17;
	v17 =	vperm.xlane v18, v13  }
0xac: {  	[tilespmem:s28+$0x10] =	vst v20;
	v20 =	vperm.xlane v18, v15;
	v18 =	vperm.xlane v18, v16  }
0xad: {  	[tilespmem:s28+$0x20] =	vst v19;
	v17 =	vmul.f32 v29, v17;
	v19 =	vmul.f32 v26, v24  }
.Ltmp1:
0xae: {  	[tilespmem:s28+$0x30] =	vst v21;
	v20 =	vmul.f32 v23, v20;
	v18 =	vmul.f32 v22, v18;
	(pc) =	sbr.rel @p1 .LBB2_5-.Ltmp1, $4  }
0xaf: {  	[tilespmem:s28+$0x40] =	vst v17  }
0xb0: {  	[tilespmem:s28+$0x50] =	vst v19  }
0xb1: {  	s28 =	sadd.s32 $0x100, s28;
	[tilespmem:s12+$0x60] =	vst v20  }
0xb2: {  	s21 =	sshra.s32 s20, $0x2;
	s20 =	sadd.s32 $0x40, s20;
	v17 =	vld [tilespmem:s28+$0xFFFFFFB0];
	[tilespmem:s12+$0x70] =	vst v18;
	s12 =	smov.u32 s28  }
0xb3: {  	v18 =	vld [tilespmem:s21+$0xC80];
	_ =	sdelay $0x1  }
0xb4: {  	v19 =	vld [tilespmem:s28+$0xFFFFFF80]  }
0xb5: {  	v20 =	vld [tilespmem:s28+$0xFFFFFF90]  }
0xb6: {  	v21 =	vld [tilespmem:s28+$0xFFFFFFA0]  }
0xb7: {  	v22 =	vperm.xlane v18, v1  }
0xb8: {  	v25 =	vld [tilespmem:s28+$0xFFFFFFD0];
	v23 =	vperm.xlane v18, v2  }
0xb9: {  	v24 =	vld [tilespmem:s28+$0xFFFFFFC0];
	v26 =	vperm.xlane v18, v3;
	v19 =	vmul.f32 v19, v22  }
0xba: {  	v48 =	vld [tilespmem:s28+$0xFFFFFFE0];
	v47 =	vperm.xlane v18, v4;
	v20 =	vmul.f32 v20, v23  }
0xbb: {  	v51 =	vld [tilespmem:s28+$0x10];
	v49 =	vperm.xlane v18, v6;
	v21 =	vmul.f32 v21, v26;
	[tilespmem:s28+$0xFFFFFF80] =	vst v19  }
0xbc: {  	v27 =	vld [tilespmem:s28+$0xFFFFFFF0];
	v17 =	vmul.f32 v17, v47;
	v19 =	vperm.xlane v18, v5;
	[tilespmem:s28+$0xFFFFFF90] =	vst v20  }
0xbd: {  	v50 =	vld [tilespmem:s28+$0x0];
	v28 =	vperm.xlane v18, v7;
	v22 =	vmul.f32 v25, v49;
	[tilespmem:s28+$0xFFFFFFA0] =	vst v21  }
0xbe: {  	v56 =	vld [tilespmem:s28+$0x50];
	v54 =	vperm.xlane v18, v10;
	[tilespmem:s28+$0xFFFFFFB0] =	vst v17;
	v19 =	vmul.f32 v24, v19  }
0xbf: {  	v53 =	vld [tilespmem:s28+$0x20];
	v52 =	vperm.xlane v18, v8;
	v23 =	vmul.f32 v48, v28;
	[tilespmem:s28+$0xFFFFFFD0] =	vst v22  }
0xc0: {  	v59 =	vmul.f32 v51, v54;
	v17 =	vld [tilespmem:s28+$0x30];
	[tilespmem:s28+$0xFFFFFFC0] =	vst v19;
	v19 =	vperm.xlane v18, v9  }
0xc1: {  	v55 =	vld [tilespmem:s28+$0x40];
	v62 =	vperm.xlane v18, v14;
	v21 =	vmul.f32 v27, v52;
	[tilespmem:s28+$0xFFFFFFE0] =	vst v23  }
0xc2: {  	v60 =	vld [tilespmem:s28+$0x60];
	v57 =	vperm.xlane v18, v11;
	[tilespmem:s28+$0x10] =	vst v59;
	v19 =	vmul.f32 v50, v19  }
0xc3: {  	v61 =	vld [tilespmem:s28+$0x70];
	v58 =	vperm.xlane v18, v12;
	v20 =	vmul.f32 v56, v62;
	[tilespmem:s28+$0xFFFFFFF0] =	vst v21  }
0xc4: {  	v24 =	vmul.f32 v53, v57;
	[tilespmem:s28+$0x0] =	vst v19;
	v19 =	vperm.xlane v18, v13  }
0xc5: {  	v63 =	vperm.xlane v18, v15;
	[tilespmem:s28+$0x50] =	vst v20;
	v17 =	vmul.f32 v17, v58  }
0xc6: {  	[tilespmem:s28+$0x20] =	vst v24;
	v18 =	vperm.xlane v18, v16;
	v19 =	vmul.f32 v55, v19  }
0xc7: {  	[tilespmem:s28+$0x30] =	vst v17;
	v17 =	vmul.f32 v60, v63  }
0xc8: {  	v18 =	vmul.f32 v61, v18;
	[tilespmem:s28+$0x40] =	vst v19  }
0xc9: {  	[tilespmem:s12+$0x60] =	vst v17  }
0xca: {  	s21 =	simm.s32 $0x0;
	s20 =	simm.s32 $0x12C0;
	[tilespmem:s12+$0x70] =	vst v18;
	s12 =	simm.s32 @!p0 $0xC  }
0xcb: {  	[spmem:s1] =	stream.indirect.scatter.add.f32 [tilespmem:s20], [sflag:$0x9], $0x10, s21, s24, $0xb8;
	[tilespmem:$0x1FDC0] =	vst v63  }
0xcc: {  	_ =	swait.ge @!p0 [sflag:s12], $0x1900  }
0xcd: {  	s21 =	rddreg [dreg:$0x10]  }
0xce: {  	s20 =	sadd.s32 s26, s21  }
0xcf: {  	[sflag:s12] =	ssyncset.done @!p0 $0x0;
	s20 =	sshrl.u32 s20, $0x3  }
0xd0: {  	[sflag:s12] =	ssyncadd.s32 @!p0 $0xFFFFE700;
	s21 =	simm.s32 $0x0;
	s12 =	sadd.s32 s4, s20  }
0xd1: {  	[tilespmem:s10], [sflag:$0x4] =	stream.linear.gather [hbm4b:s12+s21], $0x190, $0x38;
	[tilespmem:$0x1FDC0] =	vst v63  }
0xd2: {  	s12 =	sadd.s32 s6, s20  }
0xd3: {  	[tilespmem:s11], [sflag:$0x4] =	stream.linear.gather [hbm4b:s12+s21], $0x190, $0x38;
	[tilespmem:$0x1FDC0] =	vst v63  }
0xd4: {  	s12 =	sadd.s32 s7, s20;
	s20 =	simm.s32 $0x1130  }
0xd5: {  	[tilespmem:s20], [sflag:$0x4] =	stream.linear.gather [hbm4b:s12+s21], $0x190, $0x38;
	[tilespmem:$0x1FDC0] =	vst v63  }
0xd6: {  	_ =	swait.ge [sflag:s15], $0x190  }
0xd7: {  	[sflag:s15] =	ssyncset.done $0x0  }
0xd8: {  	[sflag:s15] =	ssyncadd.s32 $0xFFFFFE70  }
0xd9: {  	_ =	swait.ge [sflag:s15], $0x190  }
0xda: {  	[sflag:s15] =	ssyncset.done $0x0  }
0xdb: {  	[sflag:s15] =	ssyncadd.s32 $0xFFFFFE70  }
0xdc: {  	_ =	swait.ge [sflag:s15], $0x190  }
0xdd: {  	[sflag:s15] =	ssyncset.done $0x0  }
0xde: {  	[sflag:s15] =	ssyncadd.s32 $0xFFFFFE70  }
0xdf: {  	[tilespmem:s16], [sflag:$0x7] =	stream.indirect.gather [hbm4b:s5+s24], $0x10, s30, s24, $0xb8;
	[tilespmem:$0x1FDC0] =	vst v63  }
0xe0: {  	_ =	swait.ge [sflag:s17], $0x1900  }
0xe1: {  	[sflag:s17] =	ssyncset.done $0x0  }
0xe2: {  	s28 =	simm.s32 $0x2C40;
	[sflag:s17] =	ssyncadd.s32 $0xFFFFE700  }
0xe3: {  	s21 =	simm.s32 $0x0;
	s20 =	simm.s32 $0x40;
	s12 =	simm.s32 $0x2C40;
	v17 =	vld [tilespmem:s28+$0xFFFFFFB0]  }
.LBB2_7:
0xe4: {  	p0 =	sne.s32 s20, $0x600;
	v18 =	vld [tilespmem:s21+$0xE10]  }
0xe5: {  	v19 =	vld [tilespmem:s28+$0xFFFFFF90]  }
0xe6: {  	v20 =	vld [tilespmem:s28+$0xFFFFFF80]  }
0xe7: {  	v21 =	vld [tilespmem:s28+$0xFFFFFFA0]  }
0xe8: {  	v22 =	vld [tilespmem:s28+$0xFFFFFFF0]  }
0xe9: {  	v23 =	vperm.xlane v18, v1;
	v24 =	vperm.xlane v18, v2;
	v25 =	vld [tilespmem:s28+$0xFFFFFFD0]  }
0xea: {  	v26 =	vperm.xlane v18, v3;
	v27 =	vperm.xlane v18, v4;
	v28 =	vld [tilespmem:s28+$0xFFFFFFC0]  }
0xeb: {  	v20 =	vmul.f32 v20, v23;
	v19 =	vmul.f32 v19, v24;
	v23 =	vld [tilespmem:s28+$0xFFFFFFE0]  }
0xec: {  	v17 =	vmul.f32 v17, v27;
	v21 =	vmul.f32 v21, v26;
	v24 =	vld [tilespmem:s28+$0x30]  }
0xed: {  	v26 =	vperm.xlane v18, v6;
	[tilespmem:s28+$0xFFFFFF80] =	vst v20;
	v20 =	vperm.xlane v18, v5;
	v27 =	vld [tilespmem:s28+$0x10]  }
0xee: {  	v29 =	vperm.xlane v18, v8;
	[tilespmem:s28+$0xFFFFFF90] =	vst v19;
	v19 =	vperm.xlane v18, v7;
	v30 =	vld [tilespmem:s28+$0x0]  }
0xef: {  	[tilespmem:s28+$0xFFFFFFA0] =	vst v21;
	v20 =	vmul.f32 v28, v20;
	v21 =	vmul.f32 v25, v26;
	v25 =	vld [tilespmem:s28+$0x20]  }
0xf0: {  	[tilespmem:s28+$0xFFFFFFB0] =	vst v17;
	v17 =	vmul.f32 v23, v19;
	v19 =	vmul.f32 v22, v29;
	v22 =	vld [tilespmem:s28+$0x70]  }
0xf1: {  	v23 =	vperm.xlane v18, v10;
	[tilespmem:s28+$0xFFFFFFC0] =	vst v20;
	v20 =	vperm.xlane v18, v9;
	v26 =	vld [tilespmem:s28+$0x50]  }
0xf2: {  	v28 =	vperm.xlane v18, v12;
	[tilespmem:s28+$0xFFFFFFD0] =	vst v21;
	v21 =	vperm.xlane v18, v11;
	v29 =	vld [tilespmem:s28+$0x40]  }
0xf3: {  	[tilespmem:s28+$0xFFFFFFE0] =	vst v17;
	v17 =	vmul.f32 v30, v20;
	v20 =	vmul.f32 v27, v23;
	v23 =	vld [tilespmem:s28+$0x60]  }
0xf4: {  	[tilespmem:s28+$0xFFFFFFF0] =	vst v19;
	v19 =	vmul.f32 v25, v21;
	v21 =	vmul.f32 v24, v28  }
0xf5: {  	v24 =	vperm.xlane v18, v14;
	[tilespmem:s28+$0x0] =	vst v17;
	v17 =	vperm.xlane v18, v13  }
0xf6: {  	[tilespmem:s28+$0x10] =	vst v20;
	v20 =	vperm.xlane v18, v15;
	v18 =	vperm.xlane v18, v16  }
0xf7: {  	[tilespmem:s28+$0x20] =	vst v19;
	v17 =	vmul.f32 v29, v17;
	v19 =	vmul.f32 v26, v24  }
.Ltmp2:
0xf8: {  	[tilespmem:s28+$0x30] =	vst v21;
	v20 =	vmul.f32 v23, v20;
	v18 =	vmul.f32 v22, v18;
	(pc) =	sbr.rel @p0 .LBB2_7-.Ltmp2, $4  }
0xf9: {  	[tilespmem:s28+$0x40] =	vst v17  }
0xfa: {  	[tilespmem:s28+$0x50] =	vst v19  }
0xfb: {  	s28 =	sadd.s32 $0x100, s28;
	[tilespmem:s12+$0x60] =	vst v20  }
0xfc: {  	s21 =	sshra.s32 s20, $0x2;
	s20 =	sadd.s32 $0x40, s20;
	v17 =	vld [tilespmem:s28+$0xFFFFFFB0];
	[tilespmem:s12+$0x70] =	vst v18;
	s12 =	smov.u32 s28  }
0xfd: {  	v18 =	vld [tilespmem:s21+$0xE10];
	_ =	sdelay $0x1  }
0xfe: {  	v19 =	vld [tilespmem:s28+$0xFFFFFF80]  }
0xff: {  	v20 =	vld [tilespmem:s28+$0xFFFFFF90]  }
0x100: {  	v21 =	vld [tilespmem:s28+$0xFFFFFFA0]  }
0x101: {  	v22 =	vperm.xlane v18, v1  }
0x102: {  	v25 =	vld [tilespmem:s28+$0xFFFFFFD0];
	v23 =	vperm.xlane v18, v2  }
0x103: {  	v24 =	vld [tilespmem:s28+$0xFFFFFFC0];
	v26 =	vperm.xlane v18, v3;
	v19 =	vmul.f32 v19, v22  }
0x104: {  	v48 =	vld [tilespmem:s28+$0xFFFFFFE0];
	v47 =	vperm.xlane v18, v4;
	v20 =	vmul.f32 v20, v23  }
0x105: {  	v51 =	vld [tilespmem:s28+$0x10];
	v49 =	vperm.xlane v18, v6;
	v21 =	vmul.f32 v21, v26;
	[tilespmem:s28+$0xFFFFFF80] =	vst v19  }
0x106: {  	v27 =	vld [tilespmem:s28+$0xFFFFFFF0];
	v17 =	vmul.f32 v17, v47;
	v19 =	vperm.xlane v18, v5;
	[tilespmem:s28+$0xFFFFFF90] =	vst v20  }
0x107: {  	v50 =	vld [tilespmem:s28+$0x0];
	v28 =	vperm.xlane v18, v7;
	v22 =	vmul.f32 v25, v49;
	[tilespmem:s28+$0xFFFFFFA0] =	vst v21  }
0x108: {  	v56 =	vld [tilespmem:s28+$0x50];
	v54 =	vperm.xlane v18, v10;
	[tilespmem:s28+$0xFFFFFFB0] =	vst v17;
	v19 =	vmul.f32 v24, v19  }
0x109: {  	v53 =	vld [tilespmem:s28+$0x20];
	v52 =	vperm.xlane v18, v8;
	v23 =	vmul.f32 v48, v28;
	[tilespmem:s28+$0xFFFFFFD0] =	vst v22  }
0x10a: {  	v59 =	vmul.f32 v51, v54;
	v17 =	vld [tilespmem:s28+$0x30];
	[tilespmem:s28+$0xFFFFFFC0] =	vst v19;
	v19 =	vperm.xlane v18, v9  }
0x10b: {  	v55 =	vld [tilespmem:s28+$0x40];
	v62 =	vperm.xlane v18, v14;
	v21 =	vmul.f32 v27, v52;
	[tilespmem:s28+$0xFFFFFFE0] =	vst v23  }
0x10c: {  	v60 =	vld [tilespmem:s28+$0x60];
	v57 =	vperm.xlane v18, v11;
	[tilespmem:s28+$0x10] =	vst v59;
	v19 =	vmul.f32 v50, v19  }
0x10d: {  	v61 =	vld [tilespmem:s28+$0x70];
	v58 =	vperm.xlane v18, v12;
	v20 =	vmul.f32 v56, v62;
	[tilespmem:s28+$0xFFFFFFF0] =	vst v21  }
0x10e: {  	v24 =	vmul.f32 v53, v57;
	[tilespmem:s28+$0x0] =	vst v19;
	v19 =	vperm.xlane v18, v13  }
0x10f: {  	v63 =	vperm.xlane v18, v15;
	[tilespmem:s28+$0x50] =	vst v20;
	v17 =	vmul.f32 v17, v58  }
0x110: {  	[tilespmem:s28+$0x20] =	vst v24;
	v18 =	vperm.xlane v18, v16;
	v19 =	vmul.f32 v55, v19  }
0x111: {  	[tilespmem:s28+$0x30] =	vst v17;
	v17 =	vmul.f32 v60, v63  }
0x112: {  	v18 =	vmul.f32 v61, v18;
	[tilespmem:s28+$0x40] =	vst v19  }
0x113: {  	[tilespmem:s12+$0x60] =	vst v17  }
0x114: {  	s21 =	simm.s32 $0x320;
	p0 =	seq.s32 s14, $0x7D;
	[tilespmem:s12+$0x70] =	vst v18  }
0x115: {  	[spmem:s1] =	stream.indirect.scatter.add.f32 [tilespmem:s2], [sflag:$0xA], $0x10, s21, s24, $0xb8;
	[tilespmem:$0x1FDC0] =	vst v63  }
0x116: {  	s12 =	sadd.s32 @!p0 s26, s22;
	_ =	swait.ge [sflag:s18], $0x1900  }
0x117: {  	s12 =	sshrl.u32 @!p0 s12, $0x3;
	[sflag:s18] =	ssyncset.done $0x0  }
0x118: {  	s21 =	simm.s32 @!p0 $0x0;
	s20 =	sadd.s32 @!p0 s4, s12;
	[sflag:s18] =	ssyncadd.s32 $0xFFFFE700  }
0x119: {  	[tilespmem:s21], [sflag:$0x1] =	stream.linear.gather @!p0 [hbm4b:s20+s21], $0x190, $0x38;
	[tilespmem:$0x1FDC0] =	vst v63  }
0x11a: {  	s28 =	simm.s32 @!p0 $0x190;
	s20 =	sadd.s32 @!p0 s6, s12  }
0x11b: {  	[tilespmem:s28], [sflag:$0x1] =	stream.linear.gather @!p0 [hbm4b:s20+s21], $0x190, $0x38;
	[tilespmem:$0x1FDC0] =	vst v63  }
0x11c: {  	s12 =	sadd.s32 @!p0 s7, s12;
	s20 =	simm.s32 @!p0 $0xC80  }
0x11d: {  	[tilespmem:s20], [sflag:$0x1] =	stream.linear.gather @!p0 [hbm4b:s12+s21], $0x190, $0x38;
	[tilespmem:$0x1FDC0] =	vst v63  }
0x11e: {  	_ =	swait.ge [sflag:s19], $0x190  }
0x11f: {  	[sflag:s19] =	ssyncset.done $0x0  }
0x120: {  	[sflag:s19] =	ssyncadd.s32 $0xFFFFFE70  }
0x121: {  	_ =	swait.ge [sflag:s19], $0x190  }
0x122: {  	[sflag:s19] =	ssyncset.done $0x0  }
0x123: {  	[sflag:s19] =	ssyncadd.s32 $0xFFFFFE70  }
0x124: {  	_ =	swait.ge [sflag:s19], $0x190  }
0x125: {  	[sflag:s19] =	ssyncset.done $0x0  }
0x126: {  	[sflag:s19] =	ssyncadd.s32 $0xFFFFFE70  }
0x127: {  	[tilespmem:s8], [sflag:$0x8] =	stream.indirect.gather [hbm4b:s5+s24], $0x10, s11, s24, $0xb8;
	[tilespmem:$0x1FDC0] =	vst v63  }
0x128: {  	_ =	swait.ge [sflag:s25], $0x1900  }
0x129: {  	[sflag:s25] =	ssyncset.done $0x0  }
0x12a: {  	s28 =	simm.s32 $0x4540;
	[sflag:s25] =	ssyncadd.s32 $0xFFFFE700  }
0x12b: {  	s21 =	simm.s32 $0x0;
	s20 =	simm.s32 $0x40;
	s12 =	simm.s32 $0x4540;
	v17 =	vld [tilespmem:s28+$0xFFFFFFB0]  }
.LBB2_9:
0x12c: {  	p1 =	sne.s32 s20, $0x600;
	v18 =	vld [tilespmem:s21+$0xFA0]  }
0x12d: {  	v19 =	vld [tilespmem:s28+$0xFFFFFF90]  }
0x12e: {  	v20 =	vld [tilespmem:s28+$0xFFFFFF80]  }
0x12f: {  	v21 =	vld [tilespmem:s28+$0xFFFFFFA0]  }
0x130: {  	v22 =	vld [tilespmem:s28+$0xFFFFFFF0]  }
0x131: {  	v23 =	vperm.xlane v18, v1;
	v24 =	vperm.xlane v18, v2;
	v25 =	vld [tilespmem:s28+$0xFFFFFFD0]  }
0x132: {  	v26 =	vperm.xlane v18, v3;
	v27 =	vperm.xlane v18, v4;
	v28 =	vld [tilespmem:s28+$0xFFFFFFC0]  }
0x133: {  	v20 =	vmul.f32 v20, v23;
	v19 =	vmul.f32 v19, v24;
	v23 =	vld [tilespmem:s28+$0xFFFFFFE0]  }
0x134: {  	v17 =	vmul.f32 v17, v27;
	v21 =	vmul.f32 v21, v26;
	v24 =	vld [tilespmem:s28+$0x30]  }
0x135: {  	v26 =	vperm.xlane v18, v6;
	[tilespmem:s28+$0xFFFFFF80] =	vst v20;
	v20 =	vperm.xlane v18, v5;
	v27 =	vld [tilespmem:s28+$0x10]  }
0x136: {  	v29 =	vperm.xlane v18, v8;
	[tilespmem:s28+$0xFFFFFF90] =	vst v19;
	v19 =	vperm.xlane v18, v7;
	v30 =	vld [tilespmem:s28+$0x0]  }
0x137: {  	[tilespmem:s28+$0xFFFFFFA0] =	vst v21;
	v20 =	vmul.f32 v28, v20;
	v21 =	vmul.f32 v25, v26;
	v25 =	vld [tilespmem:s28+$0x20]  }
0x138: {  	[tilespmem:s28+$0xFFFFFFB0] =	vst v17;
	v17 =	vmul.f32 v23, v19;
	v19 =	vmul.f32 v22, v29;
	v22 =	vld [tilespmem:s28+$0x70]  }
0x139: {  	v23 =	vperm.xlane v18, v10;
	[tilespmem:s28+$0xFFFFFFC0] =	vst v20;
	v20 =	vperm.xlane v18, v9;
	v26 =	vld [tilespmem:s28+$0x50]  }
0x13a: {  	v28 =	vperm.xlane v18, v12;
	[tilespmem:s28+$0xFFFFFFD0] =	vst v21;
	v21 =	vperm.xlane v18, v11;
	v29 =	vld [tilespmem:s28+$0x40]  }
0x13b: {  	[tilespmem:s28+$0xFFFFFFE0] =	vst v17;
	v17 =	vmul.f32 v30, v20;
	v20 =	vmul.f32 v27, v23;
	v23 =	vld [tilespmem:s28+$0x60]  }
0x13c: {  	[tilespmem:s28+$0xFFFFFFF0] =	vst v19;
	v19 =	vmul.f32 v25, v21;
	v21 =	vmul.f32 v24, v28  }
0x13d: {  	v24 =	vperm.xlane v18, v14;
	[tilespmem:s28+$0x0] =	vst v17;
	v17 =	vperm.xlane v18, v13  }
0x13e: {  	[tilespmem:s28+$0x10] =	vst v20;
	v20 =	vperm.xlane v18, v15;
	v18 =	vperm.xlane v18, v16  }
0x13f: {  	[tilespmem:s28+$0x20] =	vst v19;
	v17 =	vmul.f32 v29, v17;
	v19 =	vmul.f32 v26, v24  }
.Ltmp3:
0x140: {  	[tilespmem:s28+$0x30] =	vst v21;
	v20 =	vmul.f32 v23, v20;
	v18 =	vmul.f32 v22, v18;
	(pc) =	sbr.rel @p1 .LBB2_9-.Ltmp3, $4  }
0x141: {  	[tilespmem:s28+$0x40] =	vst v17  }
0x142: {  	[tilespmem:s28+$0x50] =	vst v19  }
0x143: {  	s28 =	sadd.s32 $0x100, s28;
	[tilespmem:s12+$0x60] =	vst v20  }
0x144: {  	s21 =	sshra.s32 s20, $0x2;
	s20 =	sadd.s32 $0x40, s20;
	v17 =	vld [tilespmem:s28+$0xFFFFFFB0];
	[tilespmem:s12+$0x70] =	vst v18;
	s12 =	smov.u32 s28  }
0x145: {  	v18 =	vld [tilespmem:s21+$0xFA0];
	_ =	sdelay $0x1  }
0x146: {  	v19 =	vld [tilespmem:s28+$0xFFFFFF80]  }
0x147: {  	v20 =	vld [tilespmem:s28+$0xFFFFFF90]  }
0x148: {  	v21 =	vld [tilespmem:s28+$0xFFFFFFA0]  }
0x149: {  	v22 =	vperm.xlane v18, v1  }
0x14a: {  	v25 =	vld [tilespmem:s28+$0xFFFFFFD0];
	v23 =	vperm.xlane v18, v2  }
0x14b: {  	v24 =	vld [tilespmem:s28+$0xFFFFFFC0];
	v26 =	vperm.xlane v18, v3;
	v19 =	vmul.f32 v19, v22  }
0x14c: {  	v48 =	vld [tilespmem:s28+$0xFFFFFFE0];
	v47 =	vperm.xlane v18, v4;
	v20 =	vmul.f32 v20, v23  }
0x14d: {  	v51 =	vld [tilespmem:s28+$0x10];
	v49 =	vperm.xlane v18, v6;
	v21 =	vmul.f32 v21, v26;
	[tilespmem:s28+$0xFFFFFF80] =	vst v19  }
0x14e: {  	v27 =	vld [tilespmem:s28+$0xFFFFFFF0];
	v17 =	vmul.f32 v17, v47;
	v19 =	vperm.xlane v18, v5;
	[tilespmem:s28+$0xFFFFFF90] =	vst v20  }
0x14f: {  	v50 =	vld [tilespmem:s28+$0x0];
	v28 =	vperm.xlane v18, v7;
	v22 =	vmul.f32 v25, v49;
	[tilespmem:s28+$0xFFFFFFA0] =	vst v21  }
0x150: {  	v56 =	vld [tilespmem:s28+$0x50];
	v54 =	vperm.xlane v18, v10;
	[tilespmem:s28+$0xFFFFFFB0] =	vst v17;
	v19 =	vmul.f32 v24, v19  }
0x151: {  	v53 =	vld [tilespmem:s28+$0x20];
	v52 =	vperm.xlane v18, v8;
	v23 =	vmul.f32 v48, v28;
	[tilespmem:s28+$0xFFFFFFD0] =	vst v22  }
0x152: {  	v59 =	vmul.f32 v51, v54;
	v17 =	vld [tilespmem:s28+$0x30];
	[tilespmem:s28+$0xFFFFFFC0] =	vst v19;
	v19 =	vperm.xlane v18, v9  }
0x153: {  	v55 =	vld [tilespmem:s28+$0x40];
	v62 =	vperm.xlane v18, v14;
	v21 =	vmul.f32 v27, v52;
	[tilespmem:s28+$0xFFFFFFE0] =	vst v23  }
0x154: {  	v60 =	vld [tilespmem:s28+$0x60];
	v57 =	vperm.xlane v18, v11;
	[tilespmem:s28+$0x10] =	vst v59;
	v19 =	vmul.f32 v50, v19  }
0x155: {  	v61 =	vld [tilespmem:s28+$0x70];
	v58 =	vperm.xlane v18, v12;
	v20 =	vmul.f32 v56, v62;
	[tilespmem:s28+$0xFFFFFFF0] =	vst v21  }
0x156: {  	v24 =	vmul.f32 v53, v57;
	[tilespmem:s28+$0x0] =	vst v19;
	v19 =	vperm.xlane v18, v13  }
0x157: {  	v63 =	vperm.xlane v18, v15;
	[tilespmem:s28+$0x50] =	vst v20;
	v17 =	vmul.f32 v17, v58  }
0x158: {  	[tilespmem:s28+$0x20] =	vst v24;
	v18 =	vperm.xlane v18, v16;
	v19 =	vmul.f32 v55, v19  }
0x159: {  	[tilespmem:s28+$0x30] =	vst v17;
	v17 =	vmul.f32 v60, v63  }
0x15a: {  	v18 =	vmul.f32 v61, v18;
	[tilespmem:s28+$0x40] =	vst v19  }
0x15b: {  	[tilespmem:s12+$0x60] =	vst v17  }
0x15c: {  	[tilespmem:s12+$0x70] =	vst v18  }
0x15d: {  	[spmem:s1] =	stream.indirect.scatter.add.f32 [tilespmem:s16], [sflag:$0xB], $0x10, s29, s24, $0xb8;
	[tilespmem:$0x1FDC0] =	vst v63  }
0x15e: {  	s12 =	sadd.s32 @!p0 s26, s23;
	_ =	swait.ge [sflag:s3], $0x1900  }
0x15f: {  	s21 =	simm.s32 @!p0 $0x0;
	s12 =	sshrl.u32 @!p0 s12, $0x3;
	[sflag:s3] =	ssyncset.done $0x0  }
0x160: {  	s26 =	simm.s32 @!p0 $0x320;
	s20 =	sadd.s32 @!p0 s4, s12;
	[sflag:s3] =	ssyncadd.s32 $0xFFFFE700  }
0x161: {  	[tilespmem:s26], [sflag:$0x2] =	stream.linear.gather @!p0 [hbm4b:s20+s21], $0x190, $0x38;
	[tilespmem:$0x1FDC0] =	vst v63  }
0x162: {  	s20 =	sadd.s32 @!p0 s6, s12;
	s26 =	simm.s32 @!p0 $0x4B0  }
0x163: {  	[tilespmem:s26], [sflag:$0x2] =	stream.linear.gather @!p0 [hbm4b:s20+s21], $0x190, $0x38;
	[tilespmem:$0x1FDC0] =	vst v63  }
0x164: {  	s12 =	sadd.s32 @!p0 s7, s12;
	s20 =	simm.s32 @!p0 $0xE10  }
0x165: {  	[tilespmem:s20], [sflag:$0x2] =	stream.linear.gather @!p0 [hbm4b:s12+s21], $0x190, $0x38;
	[tilespmem:$0x1FDC0] =	vst v63  }
0x166: {  	s12 =	simm.s32 @!p0 $0x1  }
0x167: {  	_ =	swait.ge @!p0 [sflag:s12], $0x190  }
0x168: {  	[sflag:s12] =	ssyncset.done @!p0 $0x0  }
0x169: {  	[sflag:s12] =	ssyncadd.s32 @!p0 $0xFFFFFE70  }
0x16a: {  	_ =	swait.ge @!p0 [sflag:s12], $0x190  }
0x16b: {  	[sflag:s12] =	ssyncset.done @!p0 $0x0  }
0x16c: {  	[sflag:s12] =	ssyncadd.s32 @!p0 $0xFFFFFE70  }
0x16d: {  	_ =	swait.ge @!p0 [sflag:s12], $0x190  }
0x16e: {  	[sflag:s12] =	ssyncset.done @!p0 $0x0  }
0x16f: {  	s20 =	simm.s32 @!p0 $0x12C0;
	[sflag:s12] =	ssyncadd.s32 @!p0 $0xFFFFFE70;
	s12 =	simm.s32 @!p0 $0x190  }
0x170: {  	[tilespmem:s20], [sflag:$0x5] =	stream.indirect.gather @!p0 [hbm4b:s5+s12], $0x10, s12, s12, $0xb8;
	[tilespmem:$0x1FDC0] =	vst v63  }
0x171: {  	_ =	swait.ge [sflag:s13], $0x1900  }
0x172: {  	[sflag:s13] =	ssyncset.done $0x0  }
0x173: {  	s26 =	simm.s32 $0x5E40;
	[sflag:s13] =	ssyncadd.s32 $0xFFFFE700  }
0x174: {  	s21 =	simm.s32 $0x0;
	s20 =	simm.s32 $0x40;
	s12 =	simm.s32 $0x5E40;
	v17 =	vld [tilespmem:s26+$0xFFFFFFB0]  }
.LBB2_11:
0x175: {  	p0 =	sne.s32 s20, $0x600;
	v18 =	vld [tilespmem:s21+$0x1130]  }
0x176: {  	v19 =	vld [tilespmem:s26+$0xFFFFFF90]  }
0x177: {  	v20 =	vld [tilespmem:s26+$0xFFFFFF80]  }
0x178: {  	v21 =	vld [tilespmem:s26+$0xFFFFFFA0]  }
0x179: {  	v22 =	vld [tilespmem:s26+$0xFFFFFFF0]  }
0x17a: {  	v23 =	vperm.xlane v18, v1;
	v24 =	vperm.xlane v18, v2;
	v25 =	vld [tilespmem:s26+$0xFFFFFFD0]  }
0x17b: {  	v26 =	vperm.xlane v18, v3;
	v27 =	vperm.xlane v18, v4;
	v28 =	vld [tilespmem:s26+$0xFFFFFFC0]  }
0x17c: {  	v20 =	vmul.f32 v20, v23;
	v19 =	vmul.f32 v19, v24;
	v23 =	vld [tilespmem:s26+$0xFFFFFFE0]  }
0x17d: {  	v17 =	vmul.f32 v17, v27;
	v21 =	vmul.f32 v21, v26;
	v24 =	vld [tilespmem:s26+$0x30]  }
0x17e: {  	v26 =	vperm.xlane v18, v6;
	[tilespmem:s26+$0xFFFFFF80] =	vst v20;
	v20 =	vperm.xlane v18, v5;
	v27 =	vld [tilespmem:s26+$0x10]  }
0x17f: {  	v29 =	vperm.xlane v18, v8;
	[tilespmem:s26+$0xFFFFFF90] =	vst v19;
	v19 =	vperm.xlane v18, v7;
	v30 =	vld [tilespmem:s26+$0x0]  }
0x180: {  	[tilespmem:s26+$0xFFFFFFA0] =	vst v21;
	v20 =	vmul.f32 v28, v20;
	v21 =	vmul.f32 v25, v26;
	v25 =	vld [tilespmem:s26+$0x20]  }
0x181: {  	[tilespmem:s26+$0xFFFFFFB0] =	vst v17;
	v17 =	vmul.f32 v23, v19;
	v19 =	vmul.f32 v22, v29;
	v22 =	vld [tilespmem:s26+$0x70]  }
0x182: {  	v23 =	vperm.xlane v18, v10;
	[tilespmem:s26+$0xFFFFFFC0] =	vst v20;
	v20 =	vperm.xlane v18, v9;
	v26 =	vld [tilespmem:s26+$0x50]  }
0x183: {  	v28 =	vperm.xlane v18, v12;
	[tilespmem:s26+$0xFFFFFFD0] =	vst v21;
	v21 =	vperm.xlane v18, v11;
	v29 =	vld [tilespmem:s26+$0x40]  }
0x184: {  	[tilespmem:s26+$0xFFFFFFE0] =	vst v17;
	v17 =	vmul.f32 v30, v20;
	v20 =	vmul.f32 v27, v23;
	v23 =	vld [tilespmem:s26+$0x60]  }
0x185: {  	[tilespmem:s26+$0xFFFFFFF0] =	vst v19;
	v19 =	vmul.f32 v25, v21;
	v21 =	vmul.f32 v24, v28  }
0x186: {  	v24 =	vperm.xlane v18, v14;
	[tilespmem:s26+$0x0] =	vst v17;
	v17 =	vperm.xlane v18, v13  }
0x187: {  	[tilespmem:s26+$0x10] =	vst v20;
	v20 =	vperm.xlane v18, v15;
	v18 =	vperm.xlane v18, v16  }
0x188: {  	[tilespmem:s26+$0x20] =	vst v19;
	v17 =	vmul.f32 v29, v17;
	v19 =	vmul.f32 v26, v24  }
.Ltmp4:
0x189: {  	[tilespmem:s26+$0x30] =	vst v21;
	v20 =	vmul.f32 v23, v20;
	v18 =	vmul.f32 v22, v18;
	(pc) =	sbr.rel @p0 .LBB2_11-.Ltmp4, $4  }
0x18a: {  	[tilespmem:s26+$0x40] =	vst v17  }
0x18b: {  	[tilespmem:s26+$0x50] =	vst v19  }
0x18c: {  	s26 =	sadd.s32 $0x100, s26;
	[tilespmem:s12+$0x60] =	vst v20  }
0x18d: {  	s21 =	sshra.s32 s20, $0x2;
	s20 =	sadd.s32 $0x40, s20;
	v17 =	vld [tilespmem:s26+$0xFFFFFFB0];
	[tilespmem:s12+$0x70] =	vst v18;
	s12 =	smov.u32 s26  }
0x18e: {  	v18 =	vld [tilespmem:s21+$0x1130];
	_ =	sdelay $0x1  }
0x18f: {  	v19 =	vld [tilespmem:s26+$0xFFFFFF80]  }
0x190: {  	v20 =	vld [tilespmem:s26+$0xFFFFFF90]  }
0x191: {  	v21 =	vld [tilespmem:s26+$0xFFFFFFA0]  }
0x192: {  	v22 =	vperm.xlane v18, v1  }
0x193: {  	v25 =	vld [tilespmem:s26+$0xFFFFFFD0];
	v23 =	vperm.xlane v18, v2  }
0x194: {  	v24 =	vld [tilespmem:s26+$0xFFFFFFC0];
	v26 =	vperm.xlane v18, v3;
	v19 =	vmul.f32 v19, v22  }
0x195: {  	v48 =	vld [tilespmem:s26+$0xFFFFFFE0];
	v47 =	vperm.xlane v18, v4;
	v20 =	vmul.f32 v20, v23  }
0x196: {  	v51 =	vld [tilespmem:s26+$0x10];
	v49 =	vperm.xlane v18, v6;
	v21 =	vmul.f32 v21, v26;
	[tilespmem:s26+$0xFFFFFF80] =	vst v19  }
0x197: {  	v27 =	vld [tilespmem:s26+$0xFFFFFFF0];
	v17 =	vmul.f32 v17, v47;
	v19 =	vperm.xlane v18, v5;
	[tilespmem:s26+$0xFFFFFF90] =	vst v20  }
0x198: {  	v50 =	vld [tilespmem:s26+$0x0];
	v28 =	vperm.xlane v18, v7;
	v22 =	vmul.f32 v25, v49;
	[tilespmem:s26+$0xFFFFFFA0] =	vst v21  }
0x199: {  	v56 =	vld [tilespmem:s26+$0x50];
	v54 =	vperm.xlane v18, v10;
	[tilespmem:s26+$0xFFFFFFB0] =	vst v17;
	v19 =	vmul.f32 v24, v19  }
0x19a: {  	v53 =	vld [tilespmem:s26+$0x20];
	v52 =	vperm.xlane v18, v8;
	v23 =	vmul.f32 v48, v28;
	[tilespmem:s26+$0xFFFFFFD0] =	vst v22  }
0x19b: {  	v59 =	vmul.f32 v51, v54;
	v17 =	vld [tilespmem:s26+$0x30];
	[tilespmem:s26+$0xFFFFFFC0] =	vst v19;
	v19 =	vperm.xlane v18, v9  }
0x19c: {  	v55 =	vld [tilespmem:s26+$0x40];
	v62 =	vperm.xlane v18, v14;
	v21 =	vmul.f32 v27, v52;
	[tilespmem:s26+$0xFFFFFFE0] =	vst v23  }
0x19d: {  	v60 =	vld [tilespmem:s26+$0x60];
	v57 =	vperm.xlane v18, v11;
	[tilespmem:s26+$0x10] =	vst v59;
	v19 =	vmul.f32 v50, v19  }
0x19e: {  	v61 =	vld [tilespmem:s26+$0x70];
	v58 =	vperm.xlane v18, v12;
	v20 =	vmul.f32 v56, v62;
	[tilespmem:s26+$0xFFFFFFF0] =	vst v21  }
0x19f: {  	v24 =	vmul.f32 v53, v57;
	[tilespmem:s26+$0x0] =	vst v19;
	v19 =	vperm.xlane v18, v13  }
0x1a0: {  	s14 =	sadd.s32 $0x1, s14;
	v63 =	vperm.xlane v18, v15;
	[tilespmem:s26+$0x50] =	vst v20;
	v17 =	vmul.f32 v17, v58  }
0x1a1: {  	p0 =	sne.s32 s14, $0x7E;
	[tilespmem:s26+$0x20] =	vst v24;
	v18 =	vperm.xlane v18, v16;
	v19 =	vmul.f32 v55, v19  }
.Ltmp5:
0x1a2: {  	[tilespmem:s26+$0x30] =	vst v17;
	v17 =	vmul.f32 v60, v63;
	(pc) =	sbr.rel @p0 .LBB2_4-.Ltmp5, $4  }
0x1a3: {  	v18 =	vmul.f32 v61, v18;
	[tilespmem:s26+$0x40] =	vst v19  }
0x1a4: {  	[tilespmem:s12+$0x60] =	vst v17  }
0x1a5: {  	[tilespmem:s12+$0x70] =	vst v18  }
0x1a6: {  	[spmem:s1] =	stream.indirect.scatter.add.f32 [tilespmem:s8], [sflag:$0xC], $0x10, s10, s24, $0xb8;
	[tilespmem:$0x1FDC0] =	vst v63  }
0x1a7: {  	s12 =	simm.s32 $0xB  }
0x1a8: {  	_ =	swait.ge [sflag:s12], $0x1900  }
0x1a9: {  	[sflag:s12] =	ssyncset.done $0x0  }
0x1aa: {  	s20 =	simm.s32 $0xC;
	[sflag:s12] =	ssyncadd.s32 $0xFFFFE700  }
0x1ab: {  	_ =	swait.ge [sflag:s20], $0x1900  }
0x1ac: {  	[sflag:s20] =	ssyncset.done $0x0  }
0x1ad: {  	s31 =	simm.s32 $0x0;
	s21 =	rddreg [dreg:$0x9];
	[sflag:s20] =	ssyncadd.s32 $0xFFFFE700  }
0x1ae: {  	[tilespmem:s31], [sflag:$0x1] =	stream.linear.gather [hbm4b:s21+s31], $0x190, $0x38;
	[tilespmem:$0x1FDC0] =	vst v63  }
0x1af: {  	s26 =	rddreg [dreg:$0xa]  }
0x1b0: {  	[tilespmem:s24], [sflag:$0x1] =	stream.linear.gather [hbm4b:s26+s31], $0x190, $0x38;
	[tilespmem:$0x1FDC0] =	vst v63  }
0x1b1: {  	s14 =	simm.s32 $0xC80;
	s28 =	rddreg [dreg:$0xb];
	s20 =	simm.s32 $0x1  }
0x1b2: {  	[tilespmem:s14], [sflag:$0x1] =	stream.linear.gather [hbm4b:s28+s31], $0x190, $0x38;
	[tilespmem:$0x1FDC0] =	vst v63  }
0x1b3: {  	_ =	swait.ge [sflag:s20], $0x190  }
0x1b4: {  	[sflag:s20] =	ssyncset.done $0x0  }
0x1b5: {  	[sflag:s20] =	ssyncadd.s32 $0xFFFFFE70  }
0x1b6: {  	_ =	swait.ge [sflag:s20], $0x190  }
0x1b7: {  	[sflag:s20] =	ssyncset.done $0x0  }
0x1b8: {  	[sflag:s20] =	ssyncadd.s32 $0xFFFFFE70  }
0x1b9: {  	_ =	swait.ge [sflag:s20], $0x190  }
0x1ba: {  	[sflag:s20] =	ssyncset.done $0x0  }
0x1bb: {  	s21 =	simm.s32 $0x12C0;
	[sflag:s20] =	ssyncadd.s32 $0xFFFFFE70  }
0x1bc: {  	[tilespmem:s21], [sflag:$0x5] =	stream.indirect.gather [hbm4b:s5+s24], $0x10, s31, s24, $0xb8;
	[tilespmem:$0x1FDC0] =	vst v63  }
0x1bd: {  	s28 =	simm.s32 $0x320;
	s26 =	rddreg [dreg:$0xc]  }
0x1be: {  	[tilespmem:s28], [sflag:$0x2] =	stream.linear.gather [hbm4b:s26+s31], $0x190, $0x38;
	[tilespmem:$0x1FDC0] =	vst v63  }
0x1bf: {  	s20 =	rddreg [dreg:$0xd];
	s21 =	simm.s32 $0x4B0  }
0x1c0: {  	[tilespmem:s21], [sflag:$0x2] =	stream.linear.gather [hbm4b:s20+s31], $0x190, $0x38;
	[tilespmem:$0x1FDC0] =	vst v63  }
0x1c1: {  	s14 =	simm.s32 $0x0;
	s26 =	rddreg [dreg:$0xe];
	s28 =	simm.s32 $0xE10  }
0x1c2: {  	[tilespmem:s28], [sflag:$0x2] =	stream.linear.gather [hbm4b:s26+s31], $0x190, $0x38;
	[tilespmem:$0x1FDC0] =	vst v63  }
.LBB2_14:
0x1c3: {  	p0 =	seq.s32 s14, $0x0  }
0x1c4: {  	s12 =	simm.s32 @!p0 $0xB  }
0x1c5: {  	s26 =	smul.u32 $0x640, s14;
	_ =	swait.ge @!p0 [sflag:s12], $0x1900  }
0x1c6: {  	s20 =	rddreg [dreg:$0xf]  }
0x1c7: {  	s20 =	sadd.s32 s26, s20  }
0x1c8: {  	[sflag:s12] =	ssyncset.done @!p0 $0x0;
	s20 =	sshrl.u32 s20, $0x3  }
0x1c9: {  	[sflag:s12] =	ssyncadd.s32 @!p0 $0xFFFFE700;
	s21 =	sadd.s32 s4, s20  }
0x1ca: {  	[tilespmem:s29], [sflag:$0x3] =	stream.linear.gather [hbm4b:s21+s31], $0x190, $0x38;
	[tilespmem:$0x1FDC0] =	vst v63  }
0x1cb: {  	s21 =	sadd.s32 s6, s20  }
0x1cc: {  	[tilespmem:s30], [sflag:$0x3] =	stream.linear.gather [hbm4b:s21+s31], $0x190, $0x38;
	[tilespmem:$0x1FDC0] =	vst v63  }
0x1cd: {  	s20 =	sadd.s32 s7, s20;
	s21 =	simm.s32 $0xFA0  }
0x1ce: {  	[tilespmem:s21], [sflag:$0x3] =	stream.linear.gather [hbm4b:s20+s31], $0x190, $0x38;
	[tilespmem:$0x1FDC0] =	vst v63  }
0x1cf: {  	_ =	swait.ge [sflag:s0], $0x190  }
0x1d0: {  	[sflag:s0] =	ssyncset.done $0x0  }
0x1d1: {  	[sflag:s0] =	ssyncadd.s32 $0xFFFFFE70  }
0x1d2: {  	_ =	swait.ge [sflag:s0], $0x190  }
0x1d3: {  	[sflag:s0] =	ssyncset.done $0x0  }
0x1d4: {  	[sflag:s0] =	ssyncadd.s32 $0xFFFFFE70  }
0x1d5: {  	_ =	swait.ge [sflag:s0], $0x190  }
0x1d6: {  	[sflag:s0] =	ssyncset.done $0x0  }
0x1d7: {  	s21 =	simm.s32 $0x320;
	[sflag:s0] =	ssyncadd.s32 $0xFFFFFE70  }
0x1d8: {  	[tilespmem:s2], [sflag:$0x6] =	stream.indirect.gather [hbm4b:s5+s24], $0x10, s21, s24, $0xb8;
	[tilespmem:$0x1FDC0] =	vst v63  }
0x1d9: {  	_ =	swait.ge [sflag:s9], $0x1900  }
0x1da: {  	[sflag:s9] =	ssyncset.done $0x0  }
0x1db: {  	s28 =	simm.s32 $0x1340;
	[sflag:s9] =	ssyncadd.s32 $0xFFFFE700  }
0x1dc: {  	s12 =	simm.s32 $0x1340;
	s20 =	simm.s32 $0x40;
	s21 =	simm.s32 $0x0;
	v17 =	vld [tilespmem:s28+$0xFFFFFFB0]  }
.LBB2_15:
0x1dd: {  	p1 =	sne.s32 s20, $0x600;
	v18 =	vld [tilespmem:s21+$0xC80]  }
0x1de: {  	v19 =	vld [tilespmem:s28+$0xFFFFFF90]  }
0x1df: {  	v20 =	vld [tilespmem:s28+$0xFFFFFF80]  }
0x1e0: {  	v21 =	vld [tilespmem:s28+$0xFFFFFFA0]  }
0x1e1: {  	v22 =	vld [tilespmem:s28+$0xFFFFFFF0]  }
0x1e2: {  	v23 =	vperm.xlane v18, v1;
	v24 =	vperm.xlane v18, v2;
	v25 =	vld [tilespmem:s28+$0xFFFFFFD0]  }
0x1e3: {  	v26 =	vperm.xlane v18, v3;
	v27 =	vperm.xlane v18, v4;
	v28 =	vld [tilespmem:s28+$0xFFFFFFC0]  }
0x1e4: {  	v20 =	vmul.f32 v20, v23;
	v19 =	vmul.f32 v19, v24;
	v23 =	vld [tilespmem:s28+$0xFFFFFFE0]  }
0x1e5: {  	v17 =	vmul.f32 v17, v27;
	v21 =	vmul.f32 v21, v26;
	v24 =	vld [tilespmem:s28+$0x30]  }
0x1e6: {  	v26 =	vperm.xlane v18, v6;
	[tilespmem:s28+$0xFFFFFF80] =	vst v20;
	v20 =	vperm.xlane v18, v5;
	v27 =	vld [tilespmem:s28+$0x10]  }
0x1e7: {  	v29 =	vperm.xlane v18, v8;
	[tilespmem:s28+$0xFFFFFF90] =	vst v19;
	v19 =	vperm.xlane v18, v7;
	v30 =	vld [tilespmem:s28+$0x0]  }
0x1e8: {  	[tilespmem:s28+$0xFFFFFFA0] =	vst v21;
	v20 =	vmul.f32 v28, v20;
	v21 =	vmul.f32 v25, v26;
	v25 =	vld [tilespmem:s28+$0x20]  }
0x1e9: {  	[tilespmem:s28+$0xFFFFFFB0] =	vst v17;
	v17 =	vmul.f32 v23, v19;
	v19 =	vmul.f32 v22, v29;
	v22 =	vld [tilespmem:s28+$0x70]  }
0x1ea: {  	v23 =	vperm.xlane v18, v10;
	[tilespmem:s28+$0xFFFFFFC0] =	vst v20;
	v20 =	vperm.xlane v18, v9;
	v26 =	vld [tilespmem:s28+$0x50]  }
0x1eb: {  	v28 =	vperm.xlane v18, v12;
	[tilespmem:s28+$0xFFFFFFD0] =	vst v21;
	v21 =	vperm.xlane v18, v11;
	v29 =	vld [tilespmem:s28+$0x40]  }
0x1ec: {  	[tilespmem:s28+$0xFFFFFFE0] =	vst v17;
	v17 =	vmul.f32 v30, v20;
	v20 =	vmul.f32 v27, v23;
	v23 =	vld [tilespmem:s28+$0x60]  }
0x1ed: {  	[tilespmem:s28+$0xFFFFFFF0] =	vst v19;
	v19 =	vmul.f32 v25, v21;
	v21 =	vmul.f32 v24, v28  }
0x1ee: {  	v24 =	vperm.xlane v18, v14;
	[tilespmem:s28+$0x0] =	vst v17;
	v17 =	vperm.xlane v18, v13  }
0x1ef: {  	[tilespmem:s28+$0x10] =	vst v20;
	v20 =	vperm.xlane v18, v15;
	v18 =	vperm.xlane v18, v16  }
0x1f0: {  	[tilespmem:s28+$0x20] =	vst v19;
	v17 =	vmul.f32 v29, v17;
	v19 =	vmul.f32 v26, v24  }
.Ltmp6:
0x1f1: {  	[tilespmem:s28+$0x30] =	vst v21;
	v20 =	vmul.f32 v23, v20;
	v18 =	vmul.f32 v22, v18;
	(pc) =	sbr.rel @p1 .LBB2_15-.Ltmp6, $4  }
0x1f2: {  	[tilespmem:s28+$0x40] =	vst v17  }
0x1f3: {  	[tilespmem:s28+$0x50] =	vst v19  }
0x1f4: {  	s28 =	sadd.s32 $0x100, s28;
	[tilespmem:s12+$0x60] =	vst v20  }
0x1f5: {  	s21 =	sshra.s32 s20, $0x2;
	s20 =	sadd.s32 $0x40, s20;
	v17 =	vld [tilespmem:s28+$0xFFFFFFB0];
	[tilespmem:s12+$0x70] =	vst v18;
	s12 =	smov.u32 s28  }
0x1f6: {  	v18 =	vld [tilespmem:s21+$0xC80];
	_ =	sdelay $0x1  }
0x1f7: {  	v19 =	vld [tilespmem:s28+$0xFFFFFF80]  }
0x1f8: {  	v20 =	vld [tilespmem:s28+$0xFFFFFF90]  }
0x1f9: {  	v21 =	vld [tilespmem:s28+$0xFFFFFFA0]  }
0x1fa: {  	v22 =	vperm.xlane v18, v1  }
0x1fb: {  	v25 =	vld [tilespmem:s28+$0xFFFFFFD0];
	v23 =	vperm.xlane v18, v2  }
0x1fc: {  	v24 =	vld [tilespmem:s28+$0xFFFFFFC0];
	v26 =	vperm.xlane v18, v3;
	v19 =	vmul.f32 v19, v22  }
0x1fd: {  	v48 =	vld [tilespmem:s28+$0xFFFFFFE0];
	v47 =	vperm.xlane v18, v4;
	v20 =	vmul.f32 v20, v23  }
0x1fe: {  	v51 =	vld [tilespmem:s28+$0x10];
	v49 =	vperm.xlane v18, v6;
	v21 =	vmul.f32 v21, v26;
	[tilespmem:s28+$0xFFFFFF80] =	vst v19  }
0x1ff: {  	v27 =	vld [tilespmem:s28+$0xFFFFFFF0];
	v17 =	vmul.f32 v17, v47;
	v19 =	vperm.xlane v18, v5;
	[tilespmem:s28+$0xFFFFFF90] =	vst v20  }
0x200: {  	v50 =	vld [tilespmem:s28+$0x0];
	v28 =	vperm.xlane v18, v7;
	v22 =	vmul.f32 v25, v49;
	[tilespmem:s28+$0xFFFFFFA0] =	vst v21  }
0x201: {  	v56 =	vld [tilespmem:s28+$0x50];
	v54 =	vperm.xlane v18, v10;
	[tilespmem:s28+$0xFFFFFFB0] =	vst v17;
	v19 =	vmul.f32 v24, v19  }
0x202: {  	v53 =	vld [tilespmem:s28+$0x20];
	v52 =	vperm.xlane v18, v8;
	v23 =	vmul.f32 v48, v28;
	[tilespmem:s28+$0xFFFFFFD0] =	vst v22  }
0x203: {  	v59 =	vmul.f32 v51, v54;
	v17 =	vld [tilespmem:s28+$0x30];
	[tilespmem:s28+$0xFFFFFFC0] =	vst v19;
	v19 =	vperm.xlane v18, v9  }
0x204: {  	v55 =	vld [tilespmem:s28+$0x40];
	v62 =	vperm.xlane v18, v14;
	v21 =	vmul.f32 v27, v52;
	[tilespmem:s28+$0xFFFFFFE0] =	vst v23  }
0x205: {  	v60 =	vld [tilespmem:s28+$0x60];
	v57 =	vperm.xlane v18, v11;
	[tilespmem:s28+$0x10] =	vst v59;
	v19 =	vmul.f32 v50, v19  }
0x206: {  	v61 =	vld [tilespmem:s28+$0x70];
	v58 =	vperm.xlane v18, v12;
	v20 =	vmul.f32 v56, v62;
	[tilespmem:s28+$0xFFFFFFF0] =	vst v21  }
0x207: {  	v24 =	vmul.f32 v53, v57;
	[tilespmem:s28+$0x0] =	vst v19;
	v19 =	vperm.xlane v18, v13  }
0x208: {  	v63 =	vperm.xlane v18, v15;
	[tilespmem:s28+$0x50] =	vst v20;
	v17 =	vmul.f32 v17, v58  }
0x209: {  	[tilespmem:s28+$0x20] =	vst v24;
	v18 =	vperm.xlane v18, v16;
	v19 =	vmul.f32 v55, v19  }
0x20a: {  	[tilespmem:s28+$0x30] =	vst v17;
	v17 =	vmul.f32 v60, v63  }
0x20b: {  	v18 =	vmul.f32 v61, v18;
	[tilespmem:s28+$0x40] =	vst v19  }
0x20c: {  	[tilespmem:s12+$0x60] =	vst v17  }
0x20d: {  	s21 =	simm.s32 $0x12C0;
	[tilespmem:s12+$0x70] =	vst v18;
	s12 =	simm.s32 @!p0 $0xC  }
0x20e: {  	[spmem:s1] =	stream.indirect.scatter.add.f32 [tilespmem:s21], [sflag:$0x9], $0x10, s24, s24, $0xb8;
	[tilespmem:$0x1FDC0] =	vst v63  }
0x20f: {  	_ =	swait.ge @!p0 [sflag:s12], $0x1900  }
0x210: {  	s20 =	rddreg [dreg:$0x10]  }
0x211: {  	s20 =	sadd.s32 s26, s20  }
0x212: {  	[sflag:s12] =	ssyncset.done @!p0 $0x0;
	s20 =	sshrl.u32 s20, $0x3  }
0x213: {  	s21 =	simm.s32 $0x0;
	[sflag:s12] =	ssyncadd.s32 @!p0 $0xFFFFE700;
	s12 =	sadd.s32 s4, s20  }
0x214: {  	[tilespmem:s10], [sflag:$0x4] =	stream.linear.gather [hbm4b:s12+s21], $0x190, $0x38;
	[tilespmem:$0x1FDC0] =	vst v63  }
0x215: {  	s12 =	sadd.s32 s6, s20  }
0x216: {  	[tilespmem:s11], [sflag:$0x4] =	stream.linear.gather [hbm4b:s12+s21], $0x190, $0x38;
	[tilespmem:$0x1FDC0] =	vst v63  }
0x217: {  	s12 =	sadd.s32 s7, s20;
	s20 =	simm.s32 $0x1130  }
0x218: {  	[tilespmem:s20], [sflag:$0x4] =	stream.linear.gather [hbm4b:s12+s21], $0x190, $0x38;
	[tilespmem:$0x1FDC0] =	vst v63  }
0x219: {  	_ =	swait.ge [sflag:s15], $0x190  }
0x21a: {  	[sflag:s15] =	ssyncset.done $0x0  }
0x21b: {  	[sflag:s15] =	ssyncadd.s32 $0xFFFFFE70  }
0x21c: {  	_ =	swait.ge [sflag:s15], $0x190  }
0x21d: {  	[sflag:s15] =	ssyncset.done $0x0  }
0x21e: {  	[sflag:s15] =	ssyncadd.s32 $0xFFFFFE70  }
0x21f: {  	_ =	swait.ge [sflag:s15], $0x190  }
0x220: {  	[sflag:s15] =	ssyncset.done $0x0  }
0x221: {  	[sflag:s15] =	ssyncadd.s32 $0xFFFFFE70  }
0x222: {  	[tilespmem:s16], [sflag:$0x7] =	stream.indirect.gather [hbm4b:s5+s24], $0x10, s29, s24, $0xb8;
	[tilespmem:$0x1FDC0] =	vst v63  }
0x223: {  	_ =	swait.ge [sflag:s17], $0x1900  }
0x224: {  	[sflag:s17] =	ssyncset.done $0x0  }
0x225: {  	s28 =	simm.s32 $0x2C40;
	[sflag:s17] =	ssyncadd.s32 $0xFFFFE700  }
0x226: {  	s21 =	simm.s32 $0x0;
	s20 =	simm.s32 $0x40;
	s12 =	simm.s32 $0x2C40;
	v17 =	vld [tilespmem:s28+$0xFFFFFFB0]  }
.LBB2_17:
0x227: {  	p0 =	sne.s32 s20, $0x600;
	v18 =	vld [tilespmem:s21+$0xE10]  }
0x228: {  	v19 =	vld [tilespmem:s28+$0xFFFFFF90]  }
0x229: {  	v20 =	vld [tilespmem:s28+$0xFFFFFF80]  }
0x22a: {  	v21 =	vld [tilespmem:s28+$0xFFFFFFA0]  }
0x22b: {  	v22 =	vld [tilespmem:s28+$0xFFFFFFF0]  }
0x22c: {  	v23 =	vperm.xlane v18, v1;
	v24 =	vperm.xlane v18, v2;
	v25 =	vld [tilespmem:s28+$0xFFFFFFD0]  }
0x22d: {  	v26 =	vperm.xlane v18, v3;
	v27 =	vperm.xlane v18, v4;
	v28 =	vld [tilespmem:s28+$0xFFFFFFC0]  }
0x22e: {  	v20 =	vmul.f32 v20, v23;
	v19 =	vmul.f32 v19, v24;
	v23 =	vld [tilespmem:s28+$0xFFFFFFE0]  }
0x22f: {  	v17 =	vmul.f32 v17, v27;
	v21 =	vmul.f32 v21, v26;
	v24 =	vld [tilespmem:s28+$0x30]  }
0x230: {  	v26 =	vperm.xlane v18, v6;
	[tilespmem:s28+$0xFFFFFF80] =	vst v20;
	v20 =	vperm.xlane v18, v5;
	v27 =	vld [tilespmem:s28+$0x10]  }
0x231: {  	v29 =	vperm.xlane v18, v8;
	[tilespmem:s28+$0xFFFFFF90] =	vst v19;
	v19 =	vperm.xlane v18, v7;
	v30 =	vld [tilespmem:s28+$0x0]  }
0x232: {  	[tilespmem:s28+$0xFFFFFFA0] =	vst v21;
	v20 =	vmul.f32 v28, v20;
	v21 =	vmul.f32 v25, v26;
	v25 =	vld [tilespmem:s28+$0x20]  }
0x233: {  	[tilespmem:s28+$0xFFFFFFB0] =	vst v17;
	v17 =	vmul.f32 v23, v19;
	v19 =	vmul.f32 v22, v29;
	v22 =	vld [tilespmem:s28+$0x70]  }
0x234: {  	v23 =	vperm.xlane v18, v10;
	[tilespmem:s28+$0xFFFFFFC0] =	vst v20;
	v20 =	vperm.xlane v18, v9;
	v26 =	vld [tilespmem:s28+$0x50]  }
0x235: {  	v28 =	vperm.xlane v18, v12;
	[tilespmem:s28+$0xFFFFFFD0] =	vst v21;
	v21 =	vperm.xlane v18, v11;
	v29 =	vld [tilespmem:s28+$0x40]  }
0x236: {  	[tilespmem:s28+$0xFFFFFFE0] =	vst v17;
	v17 =	vmul.f32 v30, v20;
	v20 =	vmul.f32 v27, v23;
	v23 =	vld [tilespmem:s28+$0x60]  }
0x237: {  	[tilespmem:s28+$0xFFFFFFF0] =	vst v19;
	v19 =	vmul.f32 v25, v21;
	v21 =	vmul.f32 v24, v28  }
0x238: {  	v24 =	vperm.xlane v18, v14;
	[tilespmem:s28+$0x0] =	vst v17;
	v17 =	vperm.xlane v18, v13  }
0x239: {  	[tilespmem:s28+$0x10] =	vst v20;
	v20 =	vperm.xlane v18, v15;
	v18 =	vperm.xlane v18, v16  }
0x23a: {  	[tilespmem:s28+$0x20] =	vst v19;
	v17 =	vmul.f32 v29, v17;
	v19 =	vmul.f32 v26, v24  }
.Ltmp7:
0x23b: {  	[tilespmem:s28+$0x30] =	vst v21;
	v20 =	vmul.f32 v23, v20;
	v18 =	vmul.f32 v22, v18;
	(pc) =	sbr.rel @p0 .LBB2_17-.Ltmp7, $4  }
0x23c: {  	[tilespmem:s28+$0x40] =	vst v17  }
0x23d: {  	[tilespmem:s28+$0x50] =	vst v19  }
0x23e: {  	s28 =	sadd.s32 $0x100, s28;
	[tilespmem:s12+$0x60] =	vst v20  }
0x23f: {  	s21 =	sshra.s32 s20, $0x2;
	s20 =	sadd.s32 $0x40, s20;
	v17 =	vld [tilespmem:s28+$0xFFFFFFB0];
	[tilespmem:s12+$0x70] =	vst v18;
	s12 =	smov.u32 s28  }
0x240: {  	v18 =	vld [tilespmem:s21+$0xE10];
	_ =	sdelay $0x1  }
0x241: {  	v19 =	vld [tilespmem:s28+$0xFFFFFF80]  }
0x242: {  	v20 =	vld [tilespmem:s28+$0xFFFFFF90]  }
0x243: {  	v21 =	vld [tilespmem:s28+$0xFFFFFFA0]  }
0x244: {  	v22 =	vperm.xlane v18, v1  }
0x245: {  	v25 =	vld [tilespmem:s28+$0xFFFFFFD0];
	v23 =	vperm.xlane v18, v2  }
0x246: {  	v24 =	vld [tilespmem:s28+$0xFFFFFFC0];
	v26 =	vperm.xlane v18, v3;
	v19 =	vmul.f32 v19, v22  }
0x247: {  	v48 =	vld [tilespmem:s28+$0xFFFFFFE0];
	v47 =	vperm.xlane v18, v4;
	v20 =	vmul.f32 v20, v23  }
0x248: {  	v51 =	vld [tilespmem:s28+$0x10];
	v49 =	vperm.xlane v18, v6;
	v21 =	vmul.f32 v21, v26;
	[tilespmem:s28+$0xFFFFFF80] =	vst v19  }
0x249: {  	v27 =	vld [tilespmem:s28+$0xFFFFFFF0];
	v17 =	vmul.f32 v17, v47;
	v19 =	vperm.xlane v18, v5;
	[tilespmem:s28+$0xFFFFFF90] =	vst v20  }
0x24a: {  	v50 =	vld [tilespmem:s28+$0x0];
	v28 =	vperm.xlane v18, v7;
	v22 =	vmul.f32 v25, v49;
	[tilespmem:s28+$0xFFFFFFA0] =	vst v21  }
0x24b: {  	v56 =	vld [tilespmem:s28+$0x50];
	v54 =	vperm.xlane v18, v10;
	[tilespmem:s28+$0xFFFFFFB0] =	vst v17;
	v19 =	vmul.f32 v24, v19  }
0x24c: {  	v53 =	vld [tilespmem:s28+$0x20];
	v52 =	vperm.xlane v18, v8;
	v23 =	vmul.f32 v48, v28;
	[tilespmem:s28+$0xFFFFFFD0] =	vst v22  }
0x24d: {  	v59 =	vmul.f32 v51, v54;
	v17 =	vld [tilespmem:s28+$0x30];
	[tilespmem:s28+$0xFFFFFFC0] =	vst v19;
	v19 =	vperm.xlane v18, v9  }
0x24e: {  	v55 =	vld [tilespmem:s28+$0x40];
	v62 =	vperm.xlane v18, v14;
	v21 =	vmul.f32 v27, v52;
	[tilespmem:s28+$0xFFFFFFE0] =	vst v23  }
0x24f: {  	v60 =	vld [tilespmem:s28+$0x60];
	v57 =	vperm.xlane v18, v11;
	[tilespmem:s28+$0x10] =	vst v59;
	v19 =	vmul.f32 v50, v19  }
0x250: {  	v61 =	vld [tilespmem:s28+$0x70];
	v58 =	vperm.xlane v18, v12;
	v20 =	vmul.f32 v56, v62;
	[tilespmem:s28+$0xFFFFFFF0] =	vst v21  }
0x251: {  	v24 =	vmul.f32 v53, v57;
	[tilespmem:s28+$0x0] =	vst v19;
	v19 =	vperm.xlane v18, v13  }
0x252: {  	v63 =	vperm.xlane v18, v15;
	[tilespmem:s28+$0x50] =	vst v20;
	v17 =	vmul.f32 v17, v58  }
0x253: {  	[tilespmem:s28+$0x20] =	vst v24;
	v18 =	vperm.xlane v18, v16;
	v19 =	vmul.f32 v55, v19  }
0x254: {  	[tilespmem:s28+$0x30] =	vst v17;
	v17 =	vmul.f32 v60, v63  }
0x255: {  	v18 =	vmul.f32 v61, v18;
	[tilespmem:s28+$0x40] =	vst v19  }
0x256: {  	[tilespmem:s12+$0x60] =	vst v17  }
0x257: {  	s21 =	simm.s32 $0x4B0;
	p0 =	seq.s32 s14, $0x7D;
	[tilespmem:s12+$0x70] =	vst v18  }
0x258: {  	[spmem:s1] =	stream.indirect.scatter.add.f32 [tilespmem:s2], [sflag:$0xA], $0x10, s21, s24, $0xb8;
	[tilespmem:$0x1FDC0] =	vst v63  }
0x259: {  	s12 =	sadd.s32 @!p0 s26, s22;
	_ =	swait.ge [sflag:s18], $0x1900  }
0x25a: {  	s12 =	sshrl.u32 @!p0 s12, $0x3;
	[sflag:s18] =	ssyncset.done $0x0  }
0x25b: {  	s21 =	simm.s32 @!p0 $0x0;
	s20 =	sadd.s32 @!p0 s4, s12;
	[sflag:s18] =	ssyncadd.s32 $0xFFFFE700  }
0x25c: {  	[tilespmem:s21], [sflag:$0x1] =	stream.linear.gather @!p0 [hbm4b:s20+s21], $0x190, $0x38;
	[tilespmem:$0x1FDC0] =	vst v63  }
0x25d: {  	s28 =	simm.s32 @!p0 $0x190;
	s20 =	sadd.s32 @!p0 s6, s12  }
0x25e: {  	[tilespmem:s28], [sflag:$0x1] =	stream.linear.gather @!p0 [hbm4b:s20+s21], $0x190, $0x38;
	[tilespmem:$0x1FDC0] =	vst v63  }
0x25f: {  	s12 =	sadd.s32 @!p0 s7, s12;
	s20 =	simm.s32 @!p0 $0xC80  }
0x260: {  	[tilespmem:s20], [sflag:$0x1] =	stream.linear.gather @!p0 [hbm4b:s12+s21], $0x190, $0x38;
	[tilespmem:$0x1FDC0] =	vst v63  }
0x261: {  	_ =	swait.ge [sflag:s19], $0x190  }
0x262: {  	[sflag:s19] =	ssyncset.done $0x0  }
0x263: {  	[sflag:s19] =	ssyncadd.s32 $0xFFFFFE70  }
0x264: {  	_ =	swait.ge [sflag:s19], $0x190  }
0x265: {  	[sflag:s19] =	ssyncset.done $0x0  }
0x266: {  	[sflag:s19] =	ssyncadd.s32 $0xFFFFFE70  }
0x267: {  	_ =	swait.ge [sflag:s19], $0x190  }
0x268: {  	[sflag:s19] =	ssyncset.done $0x0  }
0x269: {  	[sflag:s19] =	ssyncadd.s32 $0xFFFFFE70  }
0x26a: {  	[tilespmem:s8], [sflag:$0x8] =	stream.indirect.gather [hbm4b:s5+s24], $0x10, s10, s24, $0xb8;
	[tilespmem:$0x1FDC0] =	vst v63  }
0x26b: {  	_ =	swait.ge [sflag:s25], $0x1900  }
0x26c: {  	[sflag:s25] =	ssyncset.done $0x0  }
0x26d: {  	s28 =	simm.s32 $0x4540;
	[sflag:s25] =	ssyncadd.s32 $0xFFFFE700  }
0x26e: {  	s21 =	simm.s32 $0x0;
	s20 =	simm.s32 $0x40;
	s12 =	simm.s32 $0x4540;
	v17 =	vld [tilespmem:s28+$0xFFFFFFB0]  }
.LBB2_19:
0x26f: {  	p1 =	sne.s32 s20, $0x600;
	v18 =	vld [tilespmem:s21+$0xFA0]  }
0x270: {  	v19 =	vld [tilespmem:s28+$0xFFFFFF90]  }
0x271: {  	v20 =	vld [tilespmem:s28+$0xFFFFFF80]  }
0x272: {  	v21 =	vld [tilespmem:s28+$0xFFFFFFA0]  }
0x273: {  	v22 =	vld [tilespmem:s28+$0xFFFFFFF0]  }
0x274: {  	v23 =	vperm.xlane v18, v1;
	v24 =	vperm.xlane v18, v2;
	v25 =	vld [tilespmem:s28+$0xFFFFFFD0]  }
0x275: {  	v26 =	vperm.xlane v18, v3;
	v27 =	vperm.xlane v18, v4;
	v28 =	vld [tilespmem:s28+$0xFFFFFFC0]  }
0x276: {  	v20 =	vmul.f32 v20, v23;
	v19 =	vmul.f32 v19, v24;
	v23 =	vld [tilespmem:s28+$0xFFFFFFE0]  }
0x277: {  	v17 =	vmul.f32 v17, v27;
	v21 =	vmul.f32 v21, v26;
	v24 =	vld [tilespmem:s28+$0x30]  }
0x278: {  	v26 =	vperm.xlane v18, v6;
	[tilespmem:s28+$0xFFFFFF80] =	vst v20;
	v20 =	vperm.xlane v18, v5;
	v27 =	vld [tilespmem:s28+$0x10]  }
0x279: {  	v29 =	vperm.xlane v18, v8;
	[tilespmem:s28+$0xFFFFFF90] =	vst v19;
	v19 =	vperm.xlane v18, v7;
	v30 =	vld [tilespmem:s28+$0x0]  }
0x27a: {  	[tilespmem:s28+$0xFFFFFFA0] =	vst v21;
	v20 =	vmul.f32 v28, v20;
	v21 =	vmul.f32 v25, v26;
	v25 =	vld [tilespmem:s28+$0x20]  }
0x27b: {  	[tilespmem:s28+$0xFFFFFFB0] =	vst v17;
	v17 =	vmul.f32 v23, v19;
	v19 =	vmul.f32 v22, v29;
	v22 =	vld [tilespmem:s28+$0x70]  }
0x27c: {  	v23 =	vperm.xlane v18, v10;
	[tilespmem:s28+$0xFFFFFFC0] =	vst v20;
	v20 =	vperm.xlane v18, v9;
	v26 =	vld [tilespmem:s28+$0x50]  }
0x27d: {  	v28 =	vperm.xlane v18, v12;
	[tilespmem:s28+$0xFFFFFFD0] =	vst v21;
	v21 =	vperm.xlane v18, v11;
	v29 =	vld [tilespmem:s28+$0x40]  }
0x27e: {  	[tilespmem:s28+$0xFFFFFFE0] =	vst v17;
	v17 =	vmul.f32 v30, v20;
	v20 =	vmul.f32 v27, v23;
	v23 =	vld [tilespmem:s28+$0x60]  }
0x27f: {  	[tilespmem:s28+$0xFFFFFFF0] =	vst v19;
	v19 =	vmul.f32 v25, v21;
	v21 =	vmul.f32 v24, v28  }
0x280: {  	v24 =	vperm.xlane v18, v14;
	[tilespmem:s28+$0x0] =	vst v17;
	v17 =	vperm.xlane v18, v13  }
0x281: {  	[tilespmem:s28+$0x10] =	vst v20;
	v20 =	vperm.xlane v18, v15;
	v18 =	vperm.xlane v18, v16  }
0x282: {  	[tilespmem:s28+$0x20] =	vst v19;
	v17 =	vmul.f32 v29, v17;
	v19 =	vmul.f32 v26, v24  }
.Ltmp8:
0x283: {  	[tilespmem:s28+$0x30] =	vst v21;
	v20 =	vmul.f32 v23, v20;
	v18 =	vmul.f32 v22, v18;
	(pc) =	sbr.rel @p1 .LBB2_19-.Ltmp8, $4  }
0x284: {  	[tilespmem:s28+$0x40] =	vst v17  }
0x285: {  	[tilespmem:s28+$0x50] =	vst v19  }
0x286: {  	s28 =	sadd.s32 $0x100, s28;
	[tilespmem:s12+$0x60] =	vst v20  }
0x287: {  	s21 =	sshra.s32 s20, $0x2;
	s20 =	sadd.s32 $0x40, s20;
	v17 =	vld [tilespmem:s28+$0xFFFFFFB0];
	[tilespmem:s12+$0x70] =	vst v18;
	s12 =	smov.u32 s28  }
0x288: {  	v18 =	vld [tilespmem:s21+$0xFA0];
	_ =	sdelay $0x1  }
0x289: {  	v19 =	vld [tilespmem:s28+$0xFFFFFF80]  }
0x28a: {  	v20 =	vld [tilespmem:s28+$0xFFFFFF90]  }
0x28b: {  	v21 =	vld [tilespmem:s28+$0xFFFFFFA0]  }
0x28c: {  	v22 =	vperm.xlane v18, v1  }
0x28d: {  	v25 =	vld [tilespmem:s28+$0xFFFFFFD0];
	v23 =	vperm.xlane v18, v2  }
0x28e: {  	v24 =	vld [tilespmem:s28+$0xFFFFFFC0];
	v26 =	vperm.xlane v18, v3;
	v19 =	vmul.f32 v19, v22  }
0x28f: {  	v48 =	vld [tilespmem:s28+$0xFFFFFFE0];
	v47 =	vperm.xlane v18, v4;
	v20 =	vmul.f32 v20, v23  }
0x290: {  	v51 =	vld [tilespmem:s28+$0x10];
	v49 =	vperm.xlane v18, v6;
	v21 =	vmul.f32 v21, v26;
	[tilespmem:s28+$0xFFFFFF80] =	vst v19  }
0x291: {  	v27 =	vld [tilespmem:s28+$0xFFFFFFF0];
	v17 =	vmul.f32 v17, v47;
	v19 =	vperm.xlane v18, v5;
	[tilespmem:s28+$0xFFFFFF90] =	vst v20  }
0x292: {  	v50 =	vld [tilespmem:s28+$0x0];
	v28 =	vperm.xlane v18, v7;
	v22 =	vmul.f32 v25, v49;
	[tilespmem:s28+$0xFFFFFFA0] =	vst v21  }
0x293: {  	v56 =	vld [tilespmem:s28+$0x50];
	v54 =	vperm.xlane v18, v10;
	[tilespmem:s28+$0xFFFFFFB0] =	vst v17;
	v19 =	vmul.f32 v24, v19  }
0x294: {  	v53 =	vld [tilespmem:s28+$0x20];
	v52 =	vperm.xlane v18, v8;
	v23 =	vmul.f32 v48, v28;
	[tilespmem:s28+$0xFFFFFFD0] =	vst v22  }
0x295: {  	v59 =	vmul.f32 v51, v54;
	v17 =	vld [tilespmem:s28+$0x30];
	[tilespmem:s28+$0xFFFFFFC0] =	vst v19;
	v19 =	vperm.xlane v18, v9  }
0x296: {  	v55 =	vld [tilespmem:s28+$0x40];
	v62 =	vperm.xlane v18, v14;
	v21 =	vmul.f32 v27, v52;
	[tilespmem:s28+$0xFFFFFFE0] =	vst v23  }
0x297: {  	v60 =	vld [tilespmem:s28+$0x60];
	v57 =	vperm.xlane v18, v11;
	[tilespmem:s28+$0x10] =	vst v59;
	v19 =	vmul.f32 v50, v19  }
0x298: {  	v61 =	vld [tilespmem:s28+$0x70];
	v58 =	vperm.xlane v18, v12;
	v20 =	vmul.f32 v56, v62;
	[tilespmem:s28+$0xFFFFFFF0] =	vst v21  }
0x299: {  	v24 =	vmul.f32 v53, v57;
	[tilespmem:s28+$0x0] =	vst v19;
	v19 =	vperm.xlane v18, v13  }
0x29a: {  	v63 =	vperm.xlane v18, v15;
	[tilespmem:s28+$0x50] =	vst v20;
	v17 =	vmul.f32 v17, v58  }
0x29b: {  	[tilespmem:s28+$0x20] =	vst v24;
	v18 =	vperm.xlane v18, v16;
	v19 =	vmul.f32 v55, v19  }
0x29c: {  	[tilespmem:s28+$0x30] =	vst v17;
	v17 =	vmul.f32 v60, v63  }
0x29d: {  	v18 =	vmul.f32 v61, v18;
	[tilespmem:s28+$0x40] =	vst v19  }
0x29e: {  	[tilespmem:s12+$0x60] =	vst v17  }
0x29f: {  	[tilespmem:s12+$0x70] =	vst v18  }
0x2a0: {  	[spmem:s1] =	stream.indirect.scatter.add.f32 [tilespmem:s16], [sflag:$0xB], $0x10, s30, s24, $0xb8;
	[tilespmem:$0x1FDC0] =	vst v63  }
0x2a1: {  	s12 =	sadd.s32 @!p0 s26, s23;
	_ =	swait.ge [sflag:s3], $0x1900  }
0x2a2: {  	s21 =	simm.s32 @!p0 $0x0;
	s12 =	sshrl.u32 @!p0 s12, $0x3;
	[sflag:s3] =	ssyncset.done $0x0  }
0x2a3: {  	s26 =	simm.s32 @!p0 $0x320;
	s20 =	sadd.s32 @!p0 s4, s12;
	[sflag:s3] =	ssyncadd.s32 $0xFFFFE700  }
0x2a4: {  	[tilespmem:s26], [sflag:$0x2] =	stream.linear.gather @!p0 [hbm4b:s20+s21], $0x190, $0x38;
	[tilespmem:$0x1FDC0] =	vst v63  }
0x2a5: {  	s20 =	sadd.s32 @!p0 s6, s12;
	s26 =	simm.s32 @!p0 $0x4B0  }
0x2a6: {  	[tilespmem:s26], [sflag:$0x2] =	stream.linear.gather @!p0 [hbm4b:s20+s21], $0x190, $0x38;
	[tilespmem:$0x1FDC0] =	vst v63  }
0x2a7: {  	s12 =	sadd.s32 @!p0 s7, s12;
	s20 =	simm.s32 @!p0 $0xE10  }
0x2a8: {  	[tilespmem:s20], [sflag:$0x2] =	stream.linear.gather @!p0 [hbm4b:s12+s21], $0x190, $0x38;
	[tilespmem:$0x1FDC0] =	vst v63  }
0x2a9: {  	s12 =	simm.s32 @!p0 $0x1  }
0x2aa: {  	_ =	swait.ge @!p0 [sflag:s12], $0x190  }
0x2ab: {  	[sflag:s12] =	ssyncset.done @!p0 $0x0  }
0x2ac: {  	[sflag:s12] =	ssyncadd.s32 @!p0 $0xFFFFFE70  }
0x2ad: {  	_ =	swait.ge @!p0 [sflag:s12], $0x190  }
0x2ae: {  	[sflag:s12] =	ssyncset.done @!p0 $0x0  }
0x2af: {  	[sflag:s12] =	ssyncadd.s32 @!p0 $0xFFFFFE70  }
0x2b0: {  	_ =	swait.ge @!p0 [sflag:s12], $0x190  }
0x2b1: {  	[sflag:s12] =	ssyncset.done @!p0 $0x0  }
0x2b2: {  	s20 =	simm.s32 @!p0 $0x12C0;
	[sflag:s12] =	ssyncadd.s32 @!p0 $0xFFFFFE70;
	s12 =	simm.s32 @!p0 $0x190  }
0x2b3: {  	[tilespmem:s20], [sflag:$0x5] =	stream.indirect.gather @!p0 [hbm4b:s5+s12], $0x10, s21, s12, $0xb8;
	[tilespmem:$0x1FDC0] =	vst v63  }
0x2b4: {  	_ =	swait.ge [sflag:s13], $0x1900  }
0x2b5: {  	[sflag:s13] =	ssyncset.done $0x0  }
0x2b6: {  	s26 =	simm.s32 $0x5E40;
	[sflag:s13] =	ssyncadd.s32 $0xFFFFE700  }
0x2b7: {  	s21 =	simm.s32 $0x0;
	s20 =	simm.s32 $0x40;
	s12 =	simm.s32 $0x5E40;
	v17 =	vld [tilespmem:s26+$0xFFFFFFB0]  }
.LBB2_21:
0x2b8: {  	p0 =	sne.s32 s20, $0x600;
	v18 =	vld [tilespmem:s21+$0x1130]  }
0x2b9: {  	v19 =	vld [tilespmem:s26+$0xFFFFFF90]  }
0x2ba: {  	v20 =	vld [tilespmem:s26+$0xFFFFFF80]  }
0x2bb: {  	v21 =	vld [tilespmem:s26+$0xFFFFFFA0]  }
0x2bc: {  	v22 =	vld [tilespmem:s26+$0xFFFFFFF0]  }
0x2bd: {  	v23 =	vperm.xlane v18, v1;
	v24 =	vperm.xlane v18, v2;
	v25 =	vld [tilespmem:s26+$0xFFFFFFD0]  }
0x2be: {  	v26 =	vperm.xlane v18, v3;
	v27 =	vperm.xlane v18, v4;
	v28 =	vld [tilespmem:s26+$0xFFFFFFC0]  }
0x2bf: {  	v20 =	vmul.f32 v20, v23;
	v19 =	vmul.f32 v19, v24;
	v23 =	vld [tilespmem:s26+$0xFFFFFFE0]  }
0x2c0: {  	v17 =	vmul.f32 v17, v27;
	v21 =	vmul.f32 v21, v26;
	v24 =	vld [tilespmem:s26+$0x30]  }
0x2c1: {  	v26 =	vperm.xlane v18, v6;
	[tilespmem:s26+$0xFFFFFF80] =	vst v20;
	v20 =	vperm.xlane v18, v5;
	v27 =	vld [tilespmem:s26+$0x10]  }
0x2c2: {  	v29 =	vperm.xlane v18, v8;
	[tilespmem:s26+$0xFFFFFF90] =	vst v19;
	v19 =	vperm.xlane v18, v7;
	v30 =	vld [tilespmem:s26+$0x0]  }
0x2c3: {  	[tilespmem:s26+$0xFFFFFFA0] =	vst v21;
	v20 =	vmul.f32 v28, v20;
	v21 =	vmul.f32 v25, v26;
	v25 =	vld [tilespmem:s26+$0x20]  }
0x2c4: {  	[tilespmem:s26+$0xFFFFFFB0] =	vst v17;
	v17 =	vmul.f32 v23, v19;
	v19 =	vmul.f32 v22, v29;
	v22 =	vld [tilespmem:s26+$0x70]  }
0x2c5: {  	v23 =	vperm.xlane v18, v10;
	[tilespmem:s26+$0xFFFFFFC0] =	vst v20;
	v20 =	vperm.xlane v18, v9;
	v26 =	vld [tilespmem:s26+$0x50]  }
0x2c6: {  	v28 =	vperm.xlane v18, v12;
	[tilespmem:s26+$0xFFFFFFD0] =	vst v21;
	v21 =	vperm.xlane v18, v11;
	v29 =	vld [tilespmem:s26+$0x40]  }
0x2c7: {  	[tilespmem:s26+$0xFFFFFFE0] =	vst v17;
	v17 =	vmul.f32 v30, v20;
	v20 =	vmul.f32 v27, v23;
	v23 =	vld [tilespmem:s26+$0x60]  }
0x2c8: {  	[tilespmem:s26+$0xFFFFFFF0] =	vst v19;
	v19 =	vmul.f32 v25, v21;
	v21 =	vmul.f32 v24, v28  }
0x2c9: {  	v24 =	vperm.xlane v18, v14;
	[tilespmem:s26+$0x0] =	vst v17;
	v17 =	vperm.xlane v18, v13  }
0x2ca: {  	[tilespmem:s26+$0x10] =	vst v20;
	v20 =	vperm.xlane v18, v15;
	v18 =	vperm.xlane v18, v16  }
0x2cb: {  	[tilespmem:s26+$0x20] =	vst v19;
	v17 =	vmul.f32 v29, v17;
	v19 =	vmul.f32 v26, v24  }
.Ltmp9:
0x2cc: {  	[tilespmem:s26+$0x30] =	vst v21;
	v20 =	vmul.f32 v23, v20;
	v18 =	vmul.f32 v22, v18;
	(pc) =	sbr.rel @p0 .LBB2_21-.Ltmp9, $4  }
0x2cd: {  	[tilespmem:s26+$0x40] =	vst v17  }
0x2ce: {  	[tilespmem:s26+$0x50] =	vst v19  }
0x2cf: {  	s26 =	sadd.s32 $0x100, s26;
	[tilespmem:s12+$0x60] =	vst v20  }
0x2d0: {  	s21 =	sshra.s32 s20, $0x2;
	s20 =	sadd.s32 $0x40, s20;
	v17 =	vld [tilespmem:s26+$0xFFFFFFB0];
	[tilespmem:s12+$0x70] =	vst v18;
	s12 =	smov.u32 s26  }
0x2d1: {  	v18 =	vld [tilespmem:s21+$0x1130];
	_ =	sdelay $0x1  }
0x2d2: {  	v19 =	vld [tilespmem:s26+$0xFFFFFF80]  }
0x2d3: {  	v20 =	vld [tilespmem:s26+$0xFFFFFF90]  }
0x2d4: {  	v21 =	vld [tilespmem:s26+$0xFFFFFFA0]  }
0x2d5: {  	v22 =	vperm.xlane v18, v1  }
0x2d6: {  	v25 =	vld [tilespmem:s26+$0xFFFFFFD0];
	v23 =	vperm.xlane v18, v2  }
0x2d7: {  	v24 =	vld [tilespmem:s26+$0xFFFFFFC0];
	v26 =	vperm.xlane v18, v3;
	v19 =	vmul.f32 v19, v22  }
0x2d8: {  	v48 =	vld [tilespmem:s26+$0xFFFFFFE0];
	v47 =	vperm.xlane v18, v4;
	v20 =	vmul.f32 v20, v23  }
0x2d9: {  	v51 =	vld [tilespmem:s26+$0x10];
	v49 =	vperm.xlane v18, v6;
	v21 =	vmul.f32 v21, v26;
	[tilespmem:s26+$0xFFFFFF80] =	vst v19  }
0x2da: {  	v27 =	vld [tilespmem:s26+$0xFFFFFFF0];
	v17 =	vmul.f32 v17, v47;
	v19 =	vperm.xlane v18, v5;
	[tilespmem:s26+$0xFFFFFF90] =	vst v20  }
0x2db: {  	v50 =	vld [tilespmem:s26+$0x0];
	v28 =	vperm.xlane v18, v7;
	v22 =	vmul.f32 v25, v49;
	[tilespmem:s26+$0xFFFFFFA0] =	vst v21  }
0x2dc: {  	v56 =	vld [tilespmem:s26+$0x50];
	v54 =	vperm.xlane v18, v10;
	[tilespmem:s26+$0xFFFFFFB0] =	vst v17;
	v19 =	vmul.f32 v24, v19  }
0x2dd: {  	v53 =	vld [tilespmem:s26+$0x20];
	v52 =	vperm.xlane v18, v8;
	v23 =	vmul.f32 v48, v28;
	[tilespmem:s26+$0xFFFFFFD0] =	vst v22  }
0x2de: {  	v59 =	vmul.f32 v51, v54;
	v17 =	vld [tilespmem:s26+$0x30];
	[tilespmem:s26+$0xFFFFFFC0] =	vst v19;
	v19 =	vperm.xlane v18, v9  }
0x2df: {  	v55 =	vld [tilespmem:s26+$0x40];
	v62 =	vperm.xlane v18, v14;
	v21 =	vmul.f32 v27, v52;
	[tilespmem:s26+$0xFFFFFFE0] =	vst v23  }
0x2e0: {  	v60 =	vld [tilespmem:s26+$0x60];
	v57 =	vperm.xlane v18, v11;
	[tilespmem:s26+$0x10] =	vst v59;
	v19 =	vmul.f32 v50, v19  }
0x2e1: {  	v61 =	vld [tilespmem:s26+$0x70];
	v58 =	vperm.xlane v18, v12;
	v20 =	vmul.f32 v56, v62;
	[tilespmem:s26+$0xFFFFFFF0] =	vst v21  }
0x2e2: {  	v24 =	vmul.f32 v53, v57;
	[tilespmem:s26+$0x0] =	vst v19;
	v19 =	vperm.xlane v18, v13  }
0x2e3: {  	s14 =	sadd.s32 $0x1, s14;
	v63 =	vperm.xlane v18, v15;
	[tilespmem:s26+$0x50] =	vst v20;
	v17 =	vmul.f32 v17, v58  }
0x2e4: {  	p0 =	sne.s32 s14, $0x7E;
	[tilespmem:s26+$0x20] =	vst v24;
	v18 =	vperm.xlane v18, v16;
	v19 =	vmul.f32 v55, v19  }
.Ltmp10:
0x2e5: {  	[tilespmem:s26+$0x30] =	vst v17;
	v17 =	vmul.f32 v60, v63;
	(pc) =	sbr.rel @p0 .LBB2_14-.Ltmp10, $4  }
0x2e6: {  	v18 =	vmul.f32 v61, v18;
	[tilespmem:s26+$0x40] =	vst v19  }
0x2e7: {  	[tilespmem:s12+$0x60] =	vst v17  }
0x2e8: {  	[tilespmem:s12+$0x70] =	vst v18  }
0x2e9: {  	[spmem:s1] =	stream.indirect.scatter.add.f32 [tilespmem:s8], [sflag:$0xC], $0x10, s11, s24, $0xb8;
	[tilespmem:$0x1FDC0] =	vst v63  }
0x2ea: {  	s12 =	simm.s32 $0xB  }
0x2eb: {  	_ =	swait.ge [sflag:s12], $0x1900  }
0x2ec: {  	[sflag:s12] =	ssyncset.done $0x0  }
0x2ed: {  	s21 =	simm.s32 $0xC;
	[sflag:s12] =	ssyncadd.s32 $0xFFFFE700  }
0x2ee: {  	_ =	swait.ge [sflag:s21], $0x1900  }
0x2ef: {  	[sflag:s21] =	ssyncset.done $0x0  }
0x2f0: {  	[sflag:s21] =	ssyncadd.s32 $0xFFFFE700  }
0x2f1: {  	s26 =	stileid.u32;
	[bflag:$0x0] =	sbarrier.arrive $0xFFFF  }
0x2f2: {  	s12 =	sshll.u32 s26, $0x6;
	s20 =	rddreg [dreg:$0x3]  }
0x2f3: {  	s12 =	sor.u32 $0x1C0D, s12;
	s21 =	rddreg [dreg:$0x11];
	s14 =	sshrl.u32 s20, $0x3  }
0x2f4: {  	[hbm:s21], [sflag:s12] =	dma.local [spmem:s14], $0x30E0  }
0x2f5: {  	s21 =	simm.s32 $0xD  }
0x2f6: {  	_ =	swait.ge [sflag:s21], $0x30E0  }
0x2f7: {  	s28 =	rddreg [dreg:$0x1d]  }
0x2f8: {  	s31 =	rddreg [dreg:$0x12];
	s14 =	sadd.s32 $0x1, s28  }
0x2f9: {  	p0 =	sne.s32 s14, s31  }
.Ltmp11:
0x2fa: {  	_ = 	snop;
	(pc) =	sbr.rel @p0 .LBB2_1-.Ltmp11, $3  }
0x2fb: {  	_ =	sdelay $0x1  }
0x2fc: {  	[sflag:s21] =	ssyncset.done $0x0  }
0x2fd: {  	[sflag:s21] =	ssyncadd.s32 $0xFFFFCF20  }
0x2fe: {  	_ =	sfence.sel $0x180000  }
0x2ff: {  	[bflag:$0x0] =	sbarrier.arrive $0xFFFF  }
0x300: {  	_ =	strace $0x90000047  }
0x301: {  	s0 =	stileid.u32;
	[bflag:$0x2] =	sbarrier.arrive $0xFFFF  }
0x302: {  	p0 =	sne.s32 s0, $0x0;
	s0 =	rddreg [dreg:$0x2]  }
0x303: {  	s0 =	sadd.s32 @!p0 $0x100000, s0  }
0x304: {  	[sflag:s0] =	ssyncadd.tile.s32 @!p0 $0x1;
	_ =	shalt  }
.Lfunc_end2:
_tile_overlayer_lowered:
.L_overlay_start_2:
0x305: {  	(tag) =	ssettag $0x2  }
0x306: {  	s0 =	rddreg [dreg:$0x0];
	s2 =	stileid.u32  }
0x307: {  	s1 =	rddreg [dreg:$0x1];
	p0 =	sne.s32 s2, $0x0  }
0x308: {  	s3 =	rddreg [dreg:$0x2];
	[bflag:$0x3] =	sbarrier.arrive $0xFFFF;
	s2 =	simm.s32 @!p0 $0x1C0D  }
0x309: {  	[timem:s3], [sflag:s2] =	dma.local @!p0 [hbm:s0], s1  }
0x30a: {  	s0 =	simm.s32 @!p0 $0xD  }
0x30b: {  	_ =	swait.ge @!p0 [sflag:s0], s1  }
0x30c: {  	s1 =	ssub.s32 @!p0 $0x0, s1;
	[sflag:s0] =	ssyncset.done @!p0 $0x0  }
0x30d: {  	[sflag:s0] =	ssyncadd.s32 @!p0 s1  }
0x30e: {  	[bflag:$0x3] =	sbarrier.arrive $0xFFFF  }
0x30f: {  	_ =	shalt  }

</sc_bundles>
